<compile_context>
chip_gen: v7x
topology: tpu7x:2x2x1
jax: 0.10.2.dev20260603
libtpu: 0.0.44.dev20260713+nightly
codegen_flags: <defaults>
</compile_context>

<pallas_src>
import jax
import jax.numpy as jnp
import numpy as np
from jax.experimental import pallas as pl
from jax.experimental.pallas import tpu as pltpu
from jax.experimental.pallas import tpu_sc as plsc

S = 2048
H = 512
NH = 8
DH = 64
E = 8
FF = 4 * H
L = 6
V = 32000

RB = 256
TB = 256
NBLK = S // TB + E
PADDED = NBLK * TB
QB = 512
VB = 1280

F32 = jnp.float32

_VMESH = plsc.VectorSubcoreMesh(core_axis_name="core",
                                subcore_axis_name="subcore")

_SC_CORES = 2
_SC_SUBCORES = 16
_WIN = 128


def _sc_gather(data, idx):
    n = idx.shape[0]
    width = data.shape[1]
    nwin = n // _WIN
    nsub = _SC_CORES * _SC_SUBCORES
    idx2 = idx.reshape(1, n)

    @pl.kernel(out_type=jax.ShapeDtypeStruct((n, width), data.dtype),
               mesh=_VMESH,
               scratch_types=[pltpu.VMEM((1, _WIN), jnp.int32),
                              pltpu.VMEM((_WIN, width), data.dtype),
                              pltpu.SemaphoreType.DMA])
    def k(x_hbm, i_hbm, o_hbm, ibuf, vbuf, sem):
        core = jax.lax.axis_index("core")
        sub = jax.lax.axis_index("subcore")
        wid = core * _SC_SUBCORES + sub

        @pl.loop(0, (nwin + nsub - 1) // nsub)
        def _(r):
            w = wid + r * nsub

            @pl.when(w < nwin)
            def _():
                pltpu.async_copy(i_hbm.at[:, pl.ds(w * _WIN, _WIN)],
                                 ibuf, sem).wait()
                pltpu.async_copy(x_hbm.at[ibuf.at[0]], vbuf, sem).wait()
                pltpu.async_copy(vbuf, o_hbm.at[pl.ds(w * _WIN, _WIN), :],
                                 sem).wait()

    return k(data, idx2)


def _sc_scatter(values, idx, out_rows):
    n, width = values.shape
    nwin = n // _WIN
    nsub = _SC_CORES * _SC_SUBCORES
    idx2 = idx.reshape(1, n)

    @pl.kernel(out_type=jax.ShapeDtypeStruct((out_rows, width),
                                             values.dtype),
               mesh=_VMESH,
               scratch_types=[pltpu.VMEM((1, _WIN), jnp.int32),
                              pltpu.VMEM((_WIN, width), values.dtype),
                              pltpu.SemaphoreType.DMA])
    def k(x_hbm, i_hbm, o_hbm, ibuf, vbuf, sem):
        core = jax.lax.axis_index("core")
        sub = jax.lax.axis_index("subcore")
        wid = core * _SC_SUBCORES + sub

        @pl.loop(0, (nwin + nsub - 1) // nsub)
        def _(r):
            w = wid + r * nsub

            @pl.when(w < nwin)
            def _():
                pltpu.async_copy(i_hbm.at[:, pl.ds(w * _WIN, _WIN)],
                                 ibuf, sem).wait()
                pltpu.async_copy(x_hbm.at[pl.ds(w * _WIN, _WIN), :],
                                 vbuf, sem).wait()
                pltpu.async_copy(vbuf, o_hbm.at[ibuf.at[0]], sem).wait()

    return k(values, idx2)


def _ln(x, g, b, eps=1e-5):
    m = jnp.mean(x, axis=-1, keepdims=True)
    v = jnp.mean((x - m) ** 2, axis=-1, keepdims=True)
    return (x - m) / jnp.sqrt(v + eps) * g + b


def _dot(a, b):
    return jax.lax.dot_general(a, b, (((1,), (1,)), ((), ())),
                               preferred_element_type=F32)



def _mm_body(x_ref, w_ref, b_ref, o_ref):
    o_ref[...] = _dot(x_ref[...], w_ref[...]) + b_ref[...]


def _mm(x, w, b):
    n = w.shape[0]
    return pl.pallas_call(
        _mm_body,
        grid=(S // RB,),
        in_specs=[
            pl.BlockSpec((RB, H), lambda i: (i, 0)),
            pl.BlockSpec((n, H), lambda i: (0, 0)),
            pl.BlockSpec((1, n), lambda i: (0, 0)),
        ],
        out_specs=pl.BlockSpec((RB, n), lambda i: (i, 0)),
        out_shape=jax.ShapeDtypeStruct((S, n), F32),
    )(x, w, b.reshape(1, n))


def _mm_nb_body(x_ref, w_ref, o_ref):
    o_ref[...] = _dot(x_ref[...], w_ref[...])


def _mm_nobias(x, w):
    n = w.shape[0]
    return pl.pallas_call(
        _mm_nb_body,
        grid=(S // RB,),
        in_specs=[
            pl.BlockSpec((RB, H), lambda i: (i, 0)),
            pl.BlockSpec((n, H), lambda i: (0, 0)),
        ],
        out_specs=pl.BlockSpec((RB, n), lambda i: (i, 0)),
        out_shape=jax.ShapeDtypeStruct((S, n), F32),
    )(x, w)



def _k2_body(q_ref, k_ref, o_ref):
    o_ref[0] = jax.lax.dot_general(
        q_ref[0], k_ref[0], (((1,), (1,)), ((), ())),
        preferred_element_type=F32) / np.float32(8.0)


def _attn_scores(qh, kh):
    return pl.pallas_call(
        _k2_body,
        grid=(NH, S // QB),
        in_specs=[
            pl.BlockSpec((1, QB, DH), lambda h, i: (h, i, 0)),
            pl.BlockSpec((1, S, DH), lambda h, i: (h, 0, 0)),
        ],
        out_specs=pl.BlockSpec((1, QB, S), lambda h, i: (h, i, 0)),
        out_shape=jax.ShapeDtypeStruct((NH, S, S), F32),
    )(qh, kh)



def _topk_oh(s):
    mx = jnp.max(s, axis=1, keepdims=True)
    iota_e = jax.lax.broadcasted_iota(jnp.int32, s.shape, 1)
    top1 = jnp.min(jnp.where(s == mx, iota_e, E), axis=1)
    oh = (iota_e == top1[:, None]).astype(F32)
    return mx, top1, oh


def _k4a_body(sc_ref, gate_out, rank_out, top1_out, cnt_out, ssum_out,
              acc_ref, sacc_ref):
    c = pl.program_id(0)

    @pl.when(c == 0)
    def _():
        acc_ref[...] = jnp.zeros_like(acc_ref)
        sacc_ref[...] = jnp.zeros_like(sacc_ref)

    s = sc_ref[...]
    mx, top1, oh = _topk_oh(s)
    gate_out[...] = mx / (mx + 1e-8)
    top1_out[...] = top1[:, None]
    ii = jax.lax.broadcasted_iota(jnp.int32, (RB, RB), 0)
    jj = jax.lax.broadcasted_iota(jnp.int32, (RB, RB), 1)
    stril = (jj < ii).astype(F32)
    ex = jax.lax.dot_general(stril, oh, (((1,), (0,)), ((), ())),
                             preferred_element_type=F32) + acc_ref[...]
    rank_out[...] = jnp.sum(ex * oh, axis=1)[:, None]
    acc_ref[...] += jnp.sum(oh, axis=0, keepdims=True)
    sacc_ref[...] += jnp.sum(s, axis=0, keepdims=True)
    cnt_out[...] = acc_ref[...]
    ssum_out[...] = sacc_ref[...]


def _k4b_body(cnt_ref, ssum_ref, top1_ref, rank_ref,
              gdest_out, blk_out, lb_out):
    counts = cnt_ref[...]
    pc = jnp.ceil(counts / TB) * TB
    ie0 = jax.lax.broadcasted_iota(jnp.int32, (E, E), 0)
    ie1 = jax.lax.broadcasted_iota(jnp.int32, (E, E), 1)
    tril_incl = (ie1 <= ie0).astype(F32)
    poff_incl = jnp.sum(tril_incl * pc, axis=1)
    poff = poff_incl - pc[0]
    top1 = top1_ref[...][:, 0]
    iota_e = jax.lax.broadcasted_iota(jnp.int32, (S, E), 1)
    oh = (iota_e == top1[:, None]).astype(F32)
    dest = jnp.sum(oh * poff[None, :], axis=1) + rank_ref[...][:, 0]
    gdest_out[...] = dest.astype(jnp.int32)[:, None]
    lb = E * jnp.sum((ssum_ref[...] / S) * (counts / S))
    lb_out[...] = lb.reshape(1, 1)
    bstart = (jax.lax.broadcasted_iota(jnp.int32, (NBLK, E), 0) * TB
              ).astype(F32)
    blk_e = jnp.sum((bstart >= poff_incl[None, :]).astype(jnp.int32), axis=1)
    blk_out[...] = jnp.minimum(blk_e, E - 1)[:, None]


def _route(scores):
    gate, rank, top1, cnt, ssum = pl.pallas_call(
        _k4a_body,
        grid=(S // RB,),
        in_specs=[pl.BlockSpec((RB, E), lambda c: (c, 0))],
        out_specs=[
            pl.BlockSpec((RB, 1), lambda c: (c, 0)),
            pl.BlockSpec((RB, 1), lambda c: (c, 0)),
            pl.BlockSpec((RB, 1), lambda c: (c, 0)),
            pl.BlockSpec((1, E), lambda c: (0, 0)),
            pl.BlockSpec((1, E), lambda c: (0, 0)),
        ],
        out_shape=[
            jax.ShapeDtypeStruct((S, 1), F32),
            jax.ShapeDtypeStruct((S, 1), F32),
            jax.ShapeDtypeStruct((S, 1), jnp.int32),
            jax.ShapeDtypeStruct((1, E), F32),
            jax.ShapeDtypeStruct((1, E), F32),
        ],
        scratch_shapes=[pltpu.VMEM((1, E), F32), pltpu.VMEM((1, E), F32)],
    )(scores)
    dest, blk_e, lb = pl.pallas_call(
        _k4b_body,
        in_specs=[
            pl.BlockSpec((1, E), lambda: (0, 0)),
            pl.BlockSpec((1, E), lambda: (0, 0)),
            pl.BlockSpec((S, 1), lambda: (0, 0)),
            pl.BlockSpec((S, 1), lambda: (0, 0)),
        ],
        out_specs=[
            pl.BlockSpec((S, 1), lambda: (0, 0)),
            pl.BlockSpec((NBLK, 1), lambda: (0, 0)),
            pl.BlockSpec((1, 1), lambda: (0, 0)),
        ],
        out_shape=[
            jax.ShapeDtypeStruct((S, 1), jnp.int32),
            jax.ShapeDtypeStruct((NBLK, 1), jnp.int32),
            jax.ShapeDtypeStruct((1, 1), F32),
        ],
    )(cnt, ssum, top1, rank)
    return gate, dest, blk_e, lb



def _k5_body(be_ref, xs_ref, w1_ref, b1_ref, w2_ref, b2_ref, y_out):
    h = jnp.maximum(_dot(xs_ref[...], w1_ref[0]) + b1_ref[0], 0.0)
    y_out[...] = _dot(h, w2_ref[0]) + b2_ref[0]


def _moe_ffn(blk_e, xs, w1, b1, w2, b2):
    grid_spec = pltpu.PrefetchScalarGridSpec(
        num_scalar_prefetch=1,
        grid=(NBLK,),
        in_specs=[
            pl.BlockSpec((TB, H), lambda b, be: (b, 0)),
            pl.BlockSpec((1, FF, H), lambda b, be: (be[b], 0, 0)),
            pl.BlockSpec((1, 1, FF), lambda b, be: (be[b], 0, 0)),
            pl.BlockSpec((1, H, FF), lambda b, be: (be[b], 0, 0)),
            pl.BlockSpec((1, 1, H), lambda b, be: (be[b], 0, 0)),
        ],
        out_specs=pl.BlockSpec((TB, H), lambda b, be: (b, 0)),
    )
    return pl.pallas_call(
        _k5_body,
        grid_spec=grid_spec,
        out_shape=jax.ShapeDtypeStruct((PADDED, H), F32),
    )(blk_e, xs, w1, b1.reshape(E, 1, FF), w2, b2.reshape(E, 1, H))



def _k7_body(x_ref, w_ref, o_ref):
    o_ref[...] = jax.lax.dot_general(
        x_ref[...], w_ref[...], (((1,), (1,)), ((), ())),
        preferred_element_type=F32)


def _lm_head(xbf, w_bf16):
    return pl.pallas_call(
        _k7_body,
        grid=(V // VB, S // RB),
        in_specs=[
            pl.BlockSpec((RB, H), lambda j, i: (i, 0)),
            pl.BlockSpec((VB, H), lambda j, i: (j, 0)),
        ],
        out_specs=pl.BlockSpec((RB, VB), lambda j, i: (i, j)),
        out_shape=jax.ShapeDtypeStruct((S, V), F32),
    )(xbf, w_bf16)



def kernel(input_ids, embed, pos_embed, in_proj_w, in_proj_b, out_proj_w,
           out_proj_b, ln1_g, ln1_b, gate_w, w1, b1, w2, b2, ln2_g, ln2_b,
           ln_f_g, ln_f_b, lm_head_w):
    ids = input_ids.reshape(S).astype(jnp.int32)
    emb = _sc_gather(embed, ids)
    x = emb + pos_embed
    lbs = []
    for l in range(L):
        qkv = _mm(x, in_proj_w[l], in_proj_b[l])
        q, k, v = jnp.split(qkv, 3, axis=-1)
        qh = q.reshape(S, NH, DH).transpose(1, 0, 2)
        kh = k.reshape(S, NH, DH).transpose(1, 0, 2)
        vh = v.reshape(1, S, NH, DH).transpose(0, 2, 1, 3)
        s = _attn_scores(qh, kh).reshape(1, NH, S, S)
        att = jax.nn.softmax(s, axis=-1)
        a = (att @ vh).transpose(0, 2, 1, 3).reshape(S, H)
        o = _mm_nobias(a, out_proj_w[l])
        xf = _ln(x + (o + out_proj_b[l]), ln1_g[l], ln1_b[l])
        glog = _mm_nobias(xf, gate_w[l])
        scores = jax.nn.softmax(glog, axis=-1)
        gate, dest, blk_e, lb = _route(scores)
        lbs.append(lb[0, 0])
        d = dest[:, 0]
        xs = _sc_scatter(xf, d, PADDED)
        y = _moe_ffn(blk_e[:, 0], xs, w1[l], b1[l], w2[l], b2[l])
        ym = _sc_gather(y, d)
        m = jax.lax.optimization_barrier(gate * ym)
        x = _ln(xf + m, ln2_g[l], ln2_b[l])
    x = _ln(x, ln_f_g, ln_f_b)
    logits = _lm_head(x.astype(jnp.bfloat16), lm_head_w.astype(jnp.bfloat16))
    lb_mean = jnp.stack(lbs).mean()
    return logits.reshape(1, S, V), lb_mean

# --- scband reference (transcript-rebuilt; emitter-appended) ---
"""Pipeline reference for scband-small-switch-transformer-45844480917647 (READ-ONLY COPY).

The authoritative reference and input builder live on the scoring server;
editing this copy changes nothing except your own understanding.
"""

import jax, jax.numpy as jnp
import numpy as np

B, S = 1, 2048
VOCAB = 32000
H = 512
L = 6
NH = 8
E = 8
FF = 4 * H
DH = H // NH


def setup_inputs(seed: int = 0) -> dict:
    key = jax.random.key(seed)
    ks = jax.random.split(key, 16)
    s = 0.02
    inp = {}
    inp["input_ids"] = jax.random.randint(ks[0], (B, S), 0, VOCAB)
    inp["embed"] = jax.random.normal(ks[1], (VOCAB, H), dtype=jnp.float32) * s
    inp["pos_embed"] = jax.random.normal(ks[2], (S, H), dtype=jnp.float32) * s
    inp["in_proj_w"] = jax.random.normal(ks[3], (L, 3 * H, H), dtype=jnp.float32) * s
    inp["in_proj_b"] = jnp.zeros((L, 3 * H), dtype=jnp.float32)
    inp["out_proj_w"] = jax.random.normal(ks[4], (L, H, H), dtype=jnp.float32) * s
    inp["out_proj_b"] = jnp.zeros((L, H), dtype=jnp.float32)
    inp["ln1_g"] = jnp.ones((L, H), dtype=jnp.float32)
    inp["ln1_b"] = jnp.zeros((L, H), dtype=jnp.float32)
    inp["gate_w"] = jax.random.normal(ks[5], (L, E, H), dtype=jnp.float32) * s
    inp["w1"] = jax.random.normal(ks[6], (L, E, FF, H), dtype=jnp.float32) * s
    inp["b1"] = jnp.zeros((L, E, FF), dtype=jnp.float32)
    inp["w2"] = jax.random.normal(ks[7], (L, E, H, FF), dtype=jnp.float32) * s
    inp["b2"] = jnp.zeros((L, E, H), dtype=jnp.float32)
    inp["ln2_g"] = jnp.ones((L, H), dtype=jnp.float32)
    inp["ln2_b"] = jnp.zeros((L, H), dtype=jnp.float32)
    inp["ln_f_g"] = jnp.ones((H,), dtype=jnp.float32)
    inp["ln_f_b"] = jnp.zeros((H,), dtype=jnp.float32)
    inp["lm_head_w"] = jax.random.normal(ks[8], (VOCAB, H), dtype=jnp.float32) * s
    return inp


def _ln(x, g, b, eps=1e-5):
    m = jnp.mean(x, axis=-1, keepdims=True)
    v = jnp.mean((x - m) ** 2, axis=-1, keepdims=True)
    return (x - m) / jnp.sqrt(v + eps) * g + b


def _mha(x, wqkv, bqkv, wo, bo):
    qkv = x @ wqkv.T + bqkv
    q, k, v = jnp.split(qkv, 3, axis=-1)
    q = q.reshape(B, S, NH, DH).transpose(0, 2, 1, 3)
    k = k.reshape(B, S, NH, DH).transpose(0, 2, 1, 3)
    v = v.reshape(B, S, NH, DH).transpose(0, 2, 1, 3)
    att = jax.nn.softmax((q @ k.transpose(0, 1, 3, 2)) / np.sqrt(DH).astype(np.float32), axis=-1)
    o = (att @ v).transpose(0, 2, 1, 3).reshape(B, S, H)
    return o @ wo.T + bo


def _moe(xf, gw, w1, b1, w2, b2):
    # top_k = 1 routing: topk(scores, 1) == (max, argmax)
    scores = jax.nn.softmax(xf @ gw.T, axis=-1)
    top1 = jnp.argmax(scores, axis=-1)
    tops = jnp.max(scores, axis=-1)
    gate = tops / (tops + 1e-8)
    oh = jax.nn.one_hot(top1, E, dtype=xf.dtype)  # constant routing mask
    out = jnp.zeros_like(xf)
    for e in range(E):
        h = jax.nn.relu(xf @ w1[e].T + b1[e])
        oe = h @ w2[e].T + b2[e]
        out = out + (oh[:, e] * gate)[:, None] * oe
    lb = E * jnp.sum(scores.mean(axis=0) * oh.mean(axis=0))
    return out, lb


def _forward(input_ids, embed, pos_embed, in_proj_w, in_proj_b, out_proj_w, out_proj_b, ln1_g, ln1_b, gate_w, w1, b1, w2, b2, ln2_g, ln2_b, ln_f_g, ln_f_b, lm_head_w):
    x = embed[input_ids] + pos_embed[jnp.arange(S)][None, :, :]
    lbs = []
    for l in range(L):
        a = _mha(x, in_proj_w[l], in_proj_b[l], out_proj_w[l], out_proj_b[l])
        x = _ln(x + a, ln1_g[l], ln1_b[l])
        m, lb = _moe(x.reshape(-1, H), gate_w[l], w1[l], b1[l], w2[l], b2[l])
        x = _ln(x + m.reshape(B, S, H), ln2_g[l], ln2_b[l])
        lbs.append(lb)
    x = _ln(x, ln_f_g, ln_f_b)
    logits = x @ lm_head_w.T
    return logits, jnp.stack(lbs).mean()


def reference(input_ids, embed, pos_embed, in_proj_w, in_proj_b, out_proj_w, out_proj_b, ln1_g, ln1_b, gate_w, w1, b1, w2, b2, ln2_g, ln2_b, ln_f_g, ln_f_b, lm_head_w):
    return _forward(input_ids, embed, pos_embed, in_proj_w, in_proj_b, out_proj_w, out_proj_b, ln1_g, ln1_b, gate_w, w1, b1, w2, b2, ln2_g, ln2_b, ln_f_g, ln_f_b, lm_head_w)

if __name__ == "__main__":
    import jax
    _d = setup_inputs()
    print(jax.jit(kernel)(*tuple(_d.values())))

</pallas_src>

<mosaic_0001>
#map = affine_map<(d0, d1) -> (0, 0)>
module attributes {stable_mosaic.version = 14 : i64} {
  func.func @k(%arg0: i32, %arg1: i32, %arg2: memref<2048x512xf32, #tpu.memory_space<hbm>>, %arg3: memref<1x2048xi32, #tpu.memory_space<hbm>>, %arg4: memref<4096x512xf32, #tpu.memory_space<hbm>>, %arg5: memref<1x128xi32, #tpu.memory_space<vmem>>, %arg6: memref<128x512xf32, #tpu.memory_space<vmem>>, %arg7: memref<!tpu.dma_semaphore, #tpu.memory_space<semaphore_mem>>) attributes {dimension_semantics = [#tpu.dimension_semantics<core_parallel>, #tpu.dimension_semantics<subcore_parallel>], iteration_bounds = array<i64: 2, 16>, scalar_prefetch = 0 : i64, scratch_operands = 3 : i64, tpu.core_type = #tpu.core_type<sc_vector_subcore>, window_params = [{transform_indices = #map}, {transform_indices = #map}, {transform_indices = #map}]} {
    %mul3A = arith.constant 16 : i32
    %mul3A_0 = arith.muli %arg0, %mul3A : i32
    %add3A = arith.addi %mul3A_0, %arg1 : i32
    %scan3A = arith.constant 0 : i32
    %mul3A_1 = arith.constant 1 : i32
    %mul3A_2 = arith.muli %scan3A, %mul3A_1 : i32
    %add3A_3 = arith.constant 0 : i32
    %add3A_4 = arith.addi %add3A_3, %mul3A_2 : i32
    %mul3A_5 = arith.constant 32 : i32
    %mul3A_6 = arith.muli %add3A_4, %mul3A_5 : i32
    %add3A_7 = arith.addi %add3A, %mul3A_6 : i32
    %lt3A = arith.constant 16 : i32
    %lt3A_8 = arith.cmpi slt, %add3A_7, %lt3A : i32
    %convert_element_type3A = arith.extui %lt3A_8 : i1 to i32
    %cond3A = arith.constant 0 : i32
    %cond3A_9 = arith.cmpi ne, %convert_element_type3A, %cond3A : i32
    scf.if %cond3A_9 {
      %mul3A_11 = arith.constant 128 : i32
      %mul3A_12 = arith.muli %add3A_7, %mul3A_11 : i32
      %dma_start3A = arith.constant 0 : i32
      %dma_start3A_13 = tpu.memref_slice %arg3[%dma_start3A, %mul3A_12] : memref<1x2048xi32, #tpu.memory_space<hbm>> -> memref<1x128xi32, #tpu.memory_space<hbm>>
      %dma_start3A_14 = arith.constant 0 : i32
      %dma_start3A_15 = tpu.memref_slice %arg3[%dma_start3A_14, %mul3A_12] : memref<1x2048xi32, #tpu.memory_space<hbm>> -> memref<1x128xi32, #tpu.memory_space<hbm>>
      tpu.enqueue_dma source(%dma_start3A_15 : memref<1x128xi32, #tpu.memory_space<hbm>>) target(%arg5 : memref<1x128xi32, #tpu.memory_space<vmem>>) target_semaphore(%arg7 : memref<!tpu.dma_semaphore, #tpu.memory_space<semaphore_mem>>)
      %dma_wait3A = arith.constant 0 : i32
      %dma_wait3A_16 = tpu.memref_slice %arg3[%dma_wait3A, %mul3A_12] : memref<1x2048xi32, #tpu.memory_space<hbm>> -> memref<1x128xi32, #tpu.memory_space<hbm>>
      %dma_wait3A_17 = arith.constant 0 : i32
      %dma_wait3A_18 = tpu.memref_slice %arg3[%dma_wait3A_17, %mul3A_12] : memref<1x2048xi32, #tpu.memory_space<hbm>> -> memref<1x128xi32, #tpu.memory_space<hbm>>
      tpu.wait_dma2 semaphore(%arg7 : memref<!tpu.dma_semaphore, #tpu.memory_space<semaphore_mem>>) src(%dma_wait3A_18 : memref<1x128xi32, #tpu.memory_space<hbm>>) dst(%arg5 : memref<1x128xi32, #tpu.memory_space<vmem>>)
      %mul3A_19 = arith.constant 128 : i32
      %mul3A_20 = arith.muli %add3A_7, %mul3A_19 : i32
      %dma_start3A_21 = arith.constant 0 : i32
      %dma_start3A_22 = tpu.memref_slice %arg2[%mul3A_20, %dma_start3A_21] : memref<2048x512xf32, #tpu.memory_space<hbm>> -> memref<128x512xf32, #tpu.memory_space<hbm>>
      %dma_start3A_23 = arith.constant 0 : i32
      %dma_start3A_24 = tpu.memref_slice %arg2[%mul3A_20, %dma_start3A_23] : memref<2048x512xf32, #tpu.memory_space<hbm>> -> memref<128x512xf32, #tpu.memory_space<hbm>>
      tpu.enqueue_dma source(%dma_start3A_24 : memref<128x512xf32, #tpu.memory_space<hbm>>) target(%arg6 : memref<128x512xf32, #tpu.memory_space<vmem>>) target_semaphore(%arg7 : memref<!tpu.dma_semaphore, #tpu.memory_space<semaphore_mem>>)
      %dma_wait3A_25 = arith.constant 0 : i32
      %dma_wait3A_26 = tpu.memref_slice %arg2[%mul3A_20, %dma_wait3A_25] : memref<2048x512xf32, #tpu.memory_space<hbm>> -> memref<128x512xf32, #tpu.memory_space<hbm>>
      %dma_wait3A_27 = arith.constant 0 : i32
      %dma_wait3A_28 = tpu.memref_slice %arg2[%mul3A_20, %dma_wait3A_27] : memref<2048x512xf32, #tpu.memory_space<hbm>> -> memref<128x512xf32, #tpu.memory_space<hbm>>
      tpu.wait_dma2 semaphore(%arg7 : memref<!tpu.dma_semaphore, #tpu.memory_space<semaphore_mem>>) src(%dma_wait3A_28 : memref<128x512xf32, #tpu.memory_space<hbm>>) dst(%arg6 : memref<128x512xf32, #tpu.memory_space<vmem>>)
      %dma_start3A_29 = arith.constant 0 : i32
      %dma_start3A_30 = arith.constant 0 : i32
      %dma_start3A_31 = tpu.memref_slice %arg5[%dma_start3A_29, %dma_start3A_30] : memref<1x128xi32, #tpu.memory_space<vmem>> -> memref<1x128xi32, #tpu.memory_space<vmem>>
      %dma_start3A_32 = tpu.memref_squeeze %dma_start3A_31 : memref<1x128xi32, #tpu.memory_space<vmem>> -> memref<128xi32, #tpu.memory_space<vmem>>
      %dma_start3A_33 = arith.constant 0 : i32
      %dma_start3A_34 = arith.constant 0 : i32
      %dma_start3A_35 = tpu.memref_slice %arg4[%dma_start3A_33, %dma_start3A_34] : memref<4096x512xf32, #tpu.memory_space<hbm>> -> memref<4096x512xf32, #tpu.memory_space<hbm>>
      tpu.enqueue_indirect_dma source(%arg6 : memref<128x512xf32, #tpu.memory_space<vmem>>) target(%dma_start3A_35 : memref<4096x512xf32, #tpu.memory_space<hbm>>) offsets(%dma_start3A_32 : memref<128xi32, #tpu.memory_space<vmem>>) semaphore(%arg7 : memref<!tpu.dma_semaphore, #tpu.memory_space<semaphore_mem>>)
      %dma_wait3A_36 = arith.constant 0 : i32
      %dma_wait3A_37 = arith.constant 0 : i32
      %dma_wait3A_38 = tpu.memref_slice %arg5[%dma_wait3A_36, %dma_wait3A_37] : memref<1x128xi32, #tpu.memory_space<vmem>> -> memref<1x128xi32, #tpu.memory_space<vmem>>
      %dma_wait3A_39 = tpu.memref_squeeze %dma_wait3A_38 : memref<1x128xi32, #tpu.memory_space<vmem>> -> memref<128xi32, #tpu.memory_space<vmem>>
      %dma_wait3A_40 = arith.constant 0 : i32
      %dma_wait3A_41 = arith.constant 0 : i32
      %dma_wait3A_42 = tpu.memref_slice %arg4[%dma_wait3A_40, %dma_wait3A_41] : memref<4096x512xf32, #tpu.memory_space<hbm>> -> memref<4096x512xf32, #tpu.memory_space<hbm>>
      tpu.wait_indirect_dma semaphore(%arg7 : memref<!tpu.dma_semaphore, #tpu.memory_space<semaphore_mem>>) src(%arg6 : memref<128x512xf32, #tpu.memory_space<vmem>>) dst(%dma_wait3A_42 : memref<4096x512xf32, #tpu.memory_space<hbm>>)
    } else {
    }
    %scan3A_10 = arith.constant 1 : i32
    return
  }
}

#map = affine_map<(d0, d1) -> (0, 0)>
module attributes {stable_mosaic.version = 14 : i64} {
  func.func @k(%arg0: i32, %arg1: i32, %arg2: memref<32000x512xf32, #tpu.memory_space<hbm>>, %arg3: memref<1x2048xi32, #tpu.memory_space<hbm>>, %arg4: memref<2048x512xf32, #tpu.memory_space<hbm>>, %arg5: memref<1x128xi32, #tpu.memory_space<vmem>>, %arg6: memref<128x512xf32, #tpu.memory_space<vmem>>, %arg7: memref<!tpu.dma_semaphore, #tpu.memory_space<semaphore_mem>>) attributes {dimension_semantics = [#tpu.dimension_semantics<core_parallel>, #tpu.dimension_semantics<subcore_parallel>], iteration_bounds = array<i64: 2, 16>, scalar_prefetch = 0 : i64, scratch_operands = 3 : i64, tpu.core_type = #tpu.core_type<sc_vector_subcore>, window_params = [{transform_indices = #map}, {transform_indices = #map}, {transform_indices = #map}]} {
    %mul3A = arith.constant 16 : i32
    %mul3A_0 = arith.muli %arg0, %mul3A : i32
    %add3A = arith.addi %mul3A_0, %arg1 : i32
    %scan3A = arith.constant 0 : i32
    %mul3A_1 = arith.constant 1 : i32
    %mul3A_2 = arith.muli %scan3A, %mul3A_1 : i32
    %add3A_3 = arith.constant 0 : i32
    %add3A_4 = arith.addi %add3A_3, %mul3A_2 : i32
    %mul3A_5 = arith.constant 32 : i32
    %mul3A_6 = arith.muli %add3A_4, %mul3A_5 : i32
    %add3A_7 = arith.addi %add3A, %mul3A_6 : i32
    %lt3A = arith.constant 16 : i32
    %lt3A_8 = arith.cmpi slt, %add3A_7, %lt3A : i32
    %convert_element_type3A = arith.extui %lt3A_8 : i1 to i32
    %cond3A = arith.constant 0 : i32
    %cond3A_9 = arith.cmpi ne, %convert_element_type3A, %cond3A : i32
    scf.if %cond3A_9 {
      %mul3A_11 = arith.constant 128 : i32
      %mul3A_12 = arith.muli %add3A_7, %mul3A_11 : i32
      %dma_start3A = arith.constant 0 : i32
      %dma_start3A_13 = tpu.memref_slice %arg3[%dma_start3A, %mul3A_12] : memref<1x2048xi32, #tpu.memory_space<hbm>> -> memref<1x128xi32, #tpu.memory_space<hbm>>
      %dma_start3A_14 = arith.constant 0 : i32
      %dma_start3A_15 = tpu.memref_slice %arg3[%dma_start3A_14, %mul3A_12] : memref<1x2048xi32, #tpu.memory_space<hbm>> -> memref<1x128xi32, #tpu.memory_space<hbm>>
      tpu.enqueue_dma source(%dma_start3A_15 : memref<1x128xi32, #tpu.memory_space<hbm>>) target(%arg5 : memref<1x128xi32, #tpu.memory_space<vmem>>) target_semaphore(%arg7 : memref<!tpu.dma_semaphore, #tpu.memory_space<semaphore_mem>>)
      %dma_wait3A = arith.constant 0 : i32
      %dma_wait3A_16 = tpu.memref_slice %arg3[%dma_wait3A, %mul3A_12] : memref<1x2048xi32, #tpu.memory_space<hbm>> -> memref<1x128xi32, #tpu.memory_space<hbm>>
      %dma_wait3A_17 = arith.constant 0 : i32
      %dma_wait3A_18 = tpu.memref_slice %arg3[%dma_wait3A_17, %mul3A_12] : memref<1x2048xi32, #tpu.memory_space<hbm>> -> memref<1x128xi32, #tpu.memory_space<hbm>>
      tpu.wait_dma2 semaphore(%arg7 : memref<!tpu.dma_semaphore, #tpu.memory_space<semaphore_mem>>) src(%dma_wait3A_18 : memref<1x128xi32, #tpu.memory_space<hbm>>) dst(%arg5 : memref<1x128xi32, #tpu.memory_space<vmem>>)
      %dma_start3A_19 = arith.constant 0 : i32
      %dma_start3A_20 = arith.constant 0 : i32
      %dma_start3A_21 = tpu.memref_slice %arg5[%dma_start3A_19, %dma_start3A_20] : memref<1x128xi32, #tpu.memory_space<vmem>> -> memref<1x128xi32, #tpu.memory_space<vmem>>
      %dma_start3A_22 = tpu.memref_squeeze %dma_start3A_21 : memref<1x128xi32, #tpu.memory_space<vmem>> -> memref<128xi32, #tpu.memory_space<vmem>>
      %dma_start3A_23 = arith.constant 0 : i32
      %dma_start3A_24 = arith.constant 0 : i32
      %dma_start3A_25 = tpu.memref_slice %arg2[%dma_start3A_23, %dma_start3A_24] : memref<32000x512xf32, #tpu.memory_space<hbm>> -> memref<32000x512xf32, #tpu.memory_space<hbm>>
      tpu.enqueue_indirect_dma source(%dma_start3A_25 : memref<32000x512xf32, #tpu.memory_space<hbm>>) target(%arg6 : memref<128x512xf32, #tpu.memory_space<vmem>>) offsets(%dma_start3A_22 : memref<128xi32, #tpu.memory_space<vmem>>) semaphore(%arg7 : memref<!tpu.dma_semaphore, #tpu.memory_space<semaphore_mem>>)
      %dma_wait3A_26 = arith.constant 0 : i32
      %dma_wait3A_27 = arith.constant 0 : i32
      %dma_wait3A_28 = tpu.memref_slice %arg5[%dma_wait3A_26, %dma_wait3A_27] : memref<1x128xi32, #tpu.memory_space<vmem>> -> memref<1x128xi32, #tpu.memory_space<vmem>>
      %dma_wait3A_29 = tpu.memref_squeeze %dma_wait3A_28 : memref<1x128xi32, #tpu.memory_space<vmem>> -> memref<128xi32, #tpu.memory_space<vmem>>
      %dma_wait3A_30 = arith.constant 0 : i32
      %dma_wait3A_31 = arith.constant 0 : i32
      %dma_wait3A_32 = tpu.memref_slice %arg2[%dma_wait3A_30, %dma_wait3A_31] : memref<32000x512xf32, #tpu.memory_space<hbm>> -> memref<32000x512xf32, #tpu.memory_space<hbm>>
      tpu.wait_indirect_dma semaphore(%arg7 : memref<!tpu.dma_semaphore, #tpu.memory_space<semaphore_mem>>) src(%dma_wait3A_32 : memref<32000x512xf32, #tpu.memory_space<hbm>>) dst(%arg6 : memref<128x512xf32, #tpu.memory_space<vmem>>)
      %mul3A_33 = arith.constant 128 : i32
      %mul3A_34 = arith.muli %add3A_7, %mul3A_33 : i32
      %dma_start3A_35 = arith.constant 0 : i32
      %dma_start3A_36 = tpu.memref_slice %arg4[%mul3A_34, %dma_start3A_35] : memref<2048x512xf32, #tpu.memory_space<hbm>> -> memref<128x512xf32, #tpu.memory_space<hbm>>
      %dma_start3A_37 = arith.constant 0 : i32
      %dma_start3A_38 = tpu.memref_slice %arg4[%mul3A_34, %dma_start3A_37] : memref<2048x512xf32, #tpu.memory_space<hbm>> -> memref<128x512xf32, #tpu.memory_space<hbm>>
      tpu.enqueue_dma source(%arg6 : memref<128x512xf32, #tpu.memory_space<vmem>>) target(%dma_start3A_38 : memref<128x512xf32, #tpu.memory_space<hbm>>) target_semaphore(%arg7 : memref<!tpu.dma_semaphore, #tpu.memory_space<semaphore_mem>>)
      %dma_wait3A_39 = arith.constant 0 : i32
      %dma_wait3A_40 = tpu.memref_slice %arg4[%mul3A_34, %dma_wait3A_39] : memref<2048x512xf32, #tpu.memory_space<hbm>> -> memref<128x512xf32, #tpu.memory_space<hbm>>
      %dma_wait3A_41 = arith.constant 0 : i32
      %dma_wait3A_42 = tpu.memref_slice %arg4[%mul3A_34, %dma_wait3A_41] : memref<2048x512xf32, #tpu.memory_space<hbm>> -> memref<128x512xf32, #tpu.memory_space<hbm>>
      tpu.wait_dma2 semaphore(%arg7 : memref<!tpu.dma_semaphore, #tpu.memory_space<semaphore_mem>>) src(%arg6 : memref<128x512xf32, #tpu.memory_space<vmem>>) dst(%dma_wait3A_42 : memref<128x512xf32, #tpu.memory_space<hbm>>)
    } else {
    }
    %scan3A_10 = arith.constant 1 : i32
    return
  }
}

#map = affine_map<(d0, d1) -> (0, 0)>
module attributes {stable_mosaic.version = 14 : i64} {
  func.func @k(%arg0: i32, %arg1: i32, %arg2: memref<2048x512xf32, #tpu.memory_space<hbm>>, %arg3: memref<1x2048xi32, #tpu.memory_space<hbm>>, %arg4: memref<4096x512xf32, #tpu.memory_space<hbm>>, %arg5: memref<1x128xi32, #tpu.memory_space<vmem>>, %arg6: memref<128x512xf32, #tpu.memory_space<vmem>>, %arg7: memref<!tpu.dma_semaphore, #tpu.memory_space<semaphore_mem>>) attributes {dimension_semantics = [#tpu.dimension_semantics<core_parallel>, #tpu.dimension_semantics<subcore_parallel>], iteration_bounds = array<i64: 2, 16>, scalar_prefetch = 0 : i64, scratch_operands = 3 : i64, tpu.core_type = #tpu.core_type<sc_vector_subcore>, window_params = [{transform_indices = #map}, {transform_indices = #map}, {transform_indices = #map}]} {
    %mul3A = arith.constant 16 : i32
    %mul3A_0 = arith.muli %arg0, %mul3A : i32
    %add3A = arith.addi %mul3A_0, %arg1 : i32
    %scan3A = arith.constant 0 : i32
    %mul3A_1 = arith.constant 1 : i32
    %mul3A_2 = arith.muli %scan3A, %mul3A_1 : i32
    %add3A_3 = arith.constant 0 : i32
    %add3A_4 = arith.addi %add3A_3, %mul3A_2 : i32
    %mul3A_5 = arith.constant 32 : i32
    %mul3A_6 = arith.muli %add3A_4, %mul3A_5 : i32
    %add3A_7 = arith.addi %add3A, %mul3A_6 : i32
    %lt3A = arith.constant 16 : i32
    %lt3A_8 = arith.cmpi slt, %add3A_7, %lt3A : i32
    %convert_element_type3A = arith.extui %lt3A_8 : i1 to i32
    %cond3A = arith.constant 0 : i32
    %cond3A_9 = arith.cmpi ne, %convert_element_type3A, %cond3A : i32
    scf.if %cond3A_9 {
      %mul3A_11 = arith.constant 128 : i32
      %mul3A_12 = arith.muli %add3A_7, %mul3A_11 : i32
      %dma_start3A = arith.constant 0 : i32
      %dma_start3A_13 = tpu.memref_slice %arg3[%dma_start3A, %mul3A_12] : memref<1x2048xi32, #tpu.memory_space<hbm>> -> memref<1x128xi32, #tpu.memory_space<hbm>>
      %dma_start3A_14 = arith.constant 0 : i32
      %dma_start3A_15 = tpu.memref_slice %arg3[%dma_start3A_14, %mul3A_12] : memref<1x2048xi32, #tpu.memory_space<hbm>> -> memref<1x128xi32, #tpu.memory_space<hbm>>
      tpu.enqueue_dma source(%dma_start3A_15 : memref<1x128xi32, #tpu.memory_space<hbm>>) target(%arg5 : memref<1x128xi32, #tpu.memory_space<vmem>>) target_semaphore(%arg7 : memref<!tpu.dma_semaphore, #tpu.memory_space<semaphore_mem>>)
      %dma_wait3A = arith.constant 0 : i32
      %dma_wait3A_16 = tpu.memref_slice %arg3[%dma_wait3A, %mul3A_12] : memref<1x2048xi32, #tpu.memory_space<hbm>> -> memref<1x128xi32, #tpu.memory_space<hbm>>
      %dma_wait3A_17 = arith.constant 0 : i32
      %dma_wait3A_18 = tpu.memref_slice %arg3[%dma_wait3A_17, %mul3A_12] : memref<1x2048xi32, #tpu.memory_space<hbm>> -> memref<1x128xi32, #tpu.memory_space<hbm>>
      tpu.wait_dma2 semaphore(%arg7 : memref<!tpu.dma_semaphore, #tpu.memory_space<semaphore_mem>>) src(%dma_wait3A_18 : memref<1x128xi32, #tpu.memory_space<hbm>>) dst(%arg5 : memref<1x128xi32, #tpu.memory_space<vmem>>)
      %mul3A_19 = arith.constant 128 : i32
      %mul3A_20 = arith.muli %add3A_7, %mul3A_19 : i32
      %dma_start3A_21 = arith.constant 0 : i32
      %dma_start3A_22 = tpu.memref_slice %arg2[%mul3A_20, %dma_start3A_21] : memref<2048x512xf32, #tpu.memory_space<hbm>> -> memref<128x512xf32, #tpu.memory_space<hbm>>
      %dma_start3A_23 = arith.constant 0 : i32
      %dma_start3A_24 = tpu.memref_slice %arg2[%mul3A_20, %dma_start3A_23] : memref<2048x512xf32, #tpu.memory_space<hbm>> -> memref<128x512xf32, #tpu.memory_space<hbm>>
      tpu.enqueue_dma source(%dma_start3A_24 : memref<128x512xf32, #tpu.memory_space<hbm>>) target(%arg6 : memref<128x512xf32, #tpu.memory_space<vmem>>) target_semaphore(%arg7 : memref<!tpu.dma_semaphore, #tpu.memory_space<semaphore_mem>>)
      %dma_wait3A_25 = arith.constant 0 : i32
      %dma_wait3A_26 = tpu.memref_slice %arg2[%mul3A_20, %dma_wait3A_25] : memref<2048x512xf32, #tpu.memory_space<hbm>> -> memref<128x512xf32, #tpu.memory_space<hbm>>
      %dma_wait3A_27 = arith.constant 0 : i32
      %dma_wait3A_28 = tpu.memref_slice %arg2[%mul3A_20, %dma_wait3A_27] : memref<2048x512xf32, #tpu.memory_space<hbm>> -> memref<128x512xf32, #tpu.memory_space<hbm>>
      tpu.wait_dma2 semaphore(%arg7 : memref<!tpu.dma_semaphore, #tpu.memory_space<semaphore_mem>>) src(%dma_wait3A_28 : memref<128x512xf32, #tpu.memory_space<hbm>>) dst(%arg6 : memref<128x512xf32, #tpu.memory_space<vmem>>)
      %dma_start3A_29 = arith.constant 0 : i32
      %dma_start3A_30 = arith.constant 0 : i32
      %dma_start3A_31 = tpu.memref_slice %arg5[%dma_start3A_29, %dma_start3A_30] : memref<1x128xi32, #tpu.memory_space<vmem>> -> memref<1x128xi32, #tpu.memory_space<vmem>>
      %dma_start3A_32 = tpu.memref_squeeze %dma_start3A_31 : memref<1x128xi32, #tpu.memory_space<vmem>> -> memref<128xi32, #tpu.memory_space<vmem>>
      %dma_start3A_33 = arith.constant 0 : i32
      %dma_start3A_34 = arith.constant 0 : i32
      %dma_start3A_35 = tpu.memref_slice %arg4[%dma_start3A_33, %dma_start3A_34] : memref<4096x512xf32, #tpu.memory_space<hbm>> -> memref<4096x512xf32, #tpu.memory_space<hbm>>
      tpu.enqueue_indirect_dma source(%arg6 : memref<128x512xf32, #tpu.memory_space<vmem>>) target(%dma_start3A_35 : memref<4096x512xf32, #tpu.memory_space<hbm>>) offsets(%dma_start3A_32 : memref<128xi32, #tpu.memory_space<vmem>>) semaphore(%arg7 : memref<!tpu.dma_semaphore, #tpu.memory_space<semaphore_mem>>)
      %dma_wait3A_36 = arith.constant 0 : i32
      %dma_wait3A_37 = arith.constant 0 : i32
      %dma_wait3A_38 = tpu.memref_slice %arg5[%dma_wait3A_36, %dma_wait3A_37] : memref<1x128xi32, #tpu.memory_space<vmem>> -> memref<1x128xi32, #tpu.memory_space<vmem>>
      %dma_wait3A_39 = tpu.memref_squeeze %dma_wait3A_38 : memref<1x128xi32, #tpu.memory_space<vmem>> -> memref<128xi32, #tpu.memory_space<vmem>>
      %dma_wait3A_40 = arith.constant 0 : i32
      %dma_wait3A_41 = arith.constant 0 : i32
      %dma_wait3A_42 = tpu.memref_slice %arg4[%dma_wait3A_40, %dma_wait3A_41] : memref<4096x512xf32, #tpu.memory_space<hbm>> -> memref<4096x512xf32, #tpu.memory_space<hbm>>
      tpu.wait_indirect_dma semaphore(%arg7 : memref<!tpu.dma_semaphore, #tpu.memory_space<semaphore_mem>>) src(%arg6 : memref<128x512xf32, #tpu.memory_space<vmem>>) dst(%dma_wait3A_42 : memref<4096x512xf32, #tpu.memory_space<hbm>>)
    } else {
    }
    %scan3A_10 = arith.constant 1 : i32
    return
  }
}

#map = affine_map<(d0, d1) -> (0, 0)>
module attributes {stable_mosaic.version = 14 : i64} {
  func.func @k(%arg0: i32, %arg1: i32, %arg2: memref<4096x512xf32, #tpu.memory_space<hbm>>, %arg3: memref<1x2048xi32, #tpu.memory_space<hbm>>, %arg4: memref<2048x512xf32, #tpu.memory_space<hbm>>, %arg5: memref<1x128xi32, #tpu.memory_space<vmem>>, %arg6: memref<128x512xf32, #tpu.memory_space<vmem>>, %arg7: memref<!tpu.dma_semaphore, #tpu.memory_space<semaphore_mem>>) attributes {dimension_semantics = [#tpu.dimension_semantics<core_parallel>, #tpu.dimension_semantics<subcore_parallel>], iteration_bounds = array<i64: 2, 16>, scalar_prefetch = 0 : i64, scratch_operands = 3 : i64, tpu.core_type = #tpu.core_type<sc_vector_subcore>, window_params = [{transform_indices = #map}, {transform_indices = #map}, {transform_indices = #map}]} {
    %mul3A = arith.constant 16 : i32
    %mul3A_0 = arith.muli %arg0, %mul3A : i32
    %add3A = arith.addi %mul3A_0, %arg1 : i32
    %scan3A = arith.constant 0 : i32
    %mul3A_1 = arith.constant 1 : i32
    %mul3A_2 = arith.muli %scan3A, %mul3A_1 : i32
    %add3A_3 = arith.constant 0 : i32
    %add3A_4 = arith.addi %add3A_3, %mul3A_2 : i32
    %mul3A_5 = arith.constant 32 : i32
    %mul3A_6 = arith.muli %add3A_4, %mul3A_5 : i32
    %add3A_7 = arith.addi %add3A, %mul3A_6 : i32
    %lt3A = arith.constant 16 : i32
    %lt3A_8 = arith.cmpi slt, %add3A_7, %lt3A : i32
    %convert_element_type3A = arith.extui %lt3A_8 : i1 to i32
    %cond3A = arith.constant 0 : i32
    %cond3A_9 = arith.cmpi ne, %convert_element_type3A, %cond3A : i32
    scf.if %cond3A_9 {
      %mul3A_11 = arith.constant 128 : i32
      %mul3A_12 = arith.muli %add3A_7, %mul3A_11 : i32
      %dma_start3A = arith.constant 0 : i32
      %dma_start3A_13 = tpu.memref_slice %arg3[%dma_start3A, %mul3A_12] : memref<1x2048xi32, #tpu.memory_space<hbm>> -> memref<1x128xi32, #tpu.memory_space<hbm>>
      %dma_start3A_14 = arith.constant 0 : i32
      %dma_start3A_15 = tpu.memref_slice %arg3[%dma_start3A_14, %mul3A_12] : memref<1x2048xi32, #tpu.memory_space<hbm>> -> memref<1x128xi32, #tpu.memory_space<hbm>>
      tpu.enqueue_dma source(%dma_start3A_15 : memref<1x128xi32, #tpu.memory_space<hbm>>) target(%arg5 : memref<1x128xi32, #tpu.memory_space<vmem>>) target_semaphore(%arg7 : memref<!tpu.dma_semaphore, #tpu.memory_space<semaphore_mem>>)
      %dma_wait3A = arith.constant 0 : i32
      %dma_wait3A_16 = tpu.memref_slice %arg3[%dma_wait3A, %mul3A_12] : memref<1x2048xi32, #tpu.memory_space<hbm>> -> memref<1x128xi32, #tpu.memory_space<hbm>>
      %dma_wait3A_17 = arith.constant 0 : i32
      %dma_wait3A_18 = tpu.memref_slice %arg3[%dma_wait3A_17, %mul3A_12] : memref<1x2048xi32, #tpu.memory_space<hbm>> -> memref<1x128xi32, #tpu.memory_space<hbm>>
      tpu.wait_dma2 semaphore(%arg7 : memref<!tpu.dma_semaphore, #tpu.memory_space<semaphore_mem>>) src(%dma_wait3A_18 : memref<1x128xi32, #tpu.memory_space<hbm>>) dst(%arg5 : memref<1x128xi32, #tpu.memory_space<vmem>>)
      %dma_start3A_19 = arith.constant 0 : i32
      %dma_start3A_20 = arith.constant 0 : i32
      %dma_start3A_21 = tpu.memref_slice %arg5[%dma_start3A_19, %dma_start3A_20] : memref<1x128xi32, #tpu.memory_space<vmem>> -> memref<1x128xi32, #tpu.memory_space<vmem>>
      %dma_start3A_22 = tpu.memref_squeeze %dma_start3A_21 : memref<1x128xi32, #tpu.memory_space<vmem>> -> memref<128xi32, #tpu.memory_space<vmem>>
      %dma_start3A_23 = arith.constant 0 : i32
      %dma_start3A_24 = arith.constant 0 : i32
      %dma_start3A_25 = tpu.memref_slice %arg2[%dma_start3A_23, %dma_start3A_24] : memref<4096x512xf32, #tpu.memory_space<hbm>> -> memref<4096x512xf32, #tpu.memory_space<hbm>>
      tpu.enqueue_indirect_dma source(%dma_start3A_25 : memref<4096x512xf32, #tpu.memory_space<hbm>>) target(%arg6 : memref<128x512xf32, #tpu.memory_space<vmem>>) offsets(%dma_start3A_22 : memref<128xi32, #tpu.memory_space<vmem>>) semaphore(%arg7 : memref<!tpu.dma_semaphore, #tpu.memory_space<semaphore_mem>>)
      %dma_wait3A_26 = arith.constant 0 : i32
      %dma_wait3A_27 = arith.constant 0 : i32
      %dma_wait3A_28 = tpu.memref_slice %arg5[%dma_wait3A_26, %dma_wait3A_27] : memref<1x128xi32, #tpu.memory_space<vmem>> -> memref<1x128xi32, #tpu.memory_space<vmem>>
      %dma_wait3A_29 = tpu.memref_squeeze %dma_wait3A_28 : memref<1x128xi32, #tpu.memory_space<vmem>> -> memref<128xi32, #tpu.memory_space<vmem>>
      %dma_wait3A_30 = arith.constant 0 : i32
      %dma_wait3A_31 = arith.constant 0 : i32
      %dma_wait3A_32 = tpu.memref_slice %arg2[%dma_wait3A_30, %dma_wait3A_31] : memref<4096x512xf32, #tpu.memory_space<hbm>> -> memref<4096x512xf32, #tpu.memory_space<hbm>>
      tpu.wait_indirect_dma semaphore(%arg7 : memref<!tpu.dma_semaphore, #tpu.memory_space<semaphore_mem>>) src(%dma_wait3A_32 : memref<4096x512xf32, #tpu.memory_space<hbm>>) dst(%arg6 : memref<128x512xf32, #tpu.memory_space<vmem>>)
      %mul3A_33 = arith.constant 128 : i32
      %mul3A_34 = arith.muli %add3A_7, %mul3A_33 : i32
      %dma_start3A_35 = arith.constant 0 : i32
      %dma_start3A_36 = tpu.memref_slice %arg4[%mul3A_34, %dma_start3A_35] : memref<2048x512xf32, #tpu.memory_space<hbm>> -> memref<128x512xf32, #tpu.memory_space<hbm>>
      %dma_start3A_37 = arith.constant 0 : i32
      %dma_start3A_38 = tpu.memref_slice %arg4[%mul3A_34, %dma_start3A_37] : memref<2048x512xf32, #tpu.memory_space<hbm>> -> memref<128x512xf32, #tpu.memory_space<hbm>>
      tpu.enqueue_dma source(%arg6 : memref<128x512xf32, #tpu.memory_space<vmem>>) target(%dma_start3A_38 : memref<128x512xf32, #tpu.memory_space<hbm>>) target_semaphore(%arg7 : memref<!tpu.dma_semaphore, #tpu.memory_space<semaphore_mem>>)
      %dma_wait3A_39 = arith.constant 0 : i32
      %dma_wait3A_40 = tpu.memref_slice %arg4[%mul3A_34, %dma_wait3A_39] : memref<2048x512xf32, #tpu.memory_space<hbm>> -> memref<128x512xf32, #tpu.memory_space<hbm>>
      %dma_wait3A_41 = arith.constant 0 : i32
      %dma_wait3A_42 = tpu.memref_slice %arg4[%mul3A_34, %dma_wait3A_41] : memref<2048x512xf32, #tpu.memory_space<hbm>> -> memref<128x512xf32, #tpu.memory_space<hbm>>
      tpu.wait_dma2 semaphore(%arg7 : memref<!tpu.dma_semaphore, #tpu.memory_space<semaphore_mem>>) src(%arg6 : memref<128x512xf32, #tpu.memory_space<vmem>>) dst(%dma_wait3A_42 : memref<128x512xf32, #tpu.memory_space<hbm>>)
    } else {
    }
    %scan3A_10 = arith.constant 1 : i32
    return
  }
}

#map = affine_map<(d0, d1) -> (0, 0)>
module attributes {stable_mosaic.version = 14 : i64} {
  func.func @k(%arg0: i32, %arg1: i32, %arg2: memref<4096x512xf32, #tpu.memory_space<hbm>>, %arg3: memref<1x2048xi32, #tpu.memory_space<hbm>>, %arg4: memref<2048x512xf32, #tpu.memory_space<hbm>>, %arg5: memref<1x128xi32, #tpu.memory_space<vmem>>, %arg6: memref<128x512xf32, #tpu.memory_space<vmem>>, %arg7: memref<!tpu.dma_semaphore, #tpu.memory_space<semaphore_mem>>) attributes {dimension_semantics = [#tpu.dimension_semantics<core_parallel>, #tpu.dimension_semantics<subcore_parallel>], iteration_bounds = array<i64: 2, 16>, scalar_prefetch = 0 : i64, scratch_operands = 3 : i64, tpu.core_type = #tpu.core_type<sc_vector_subcore>, window_params = [{transform_indices = #map}, {transform_indices = #map}, {transform_indices = #map}]} {
    %mul3A = arith.constant 16 : i32
    %mul3A_0 = arith.muli %arg0, %mul3A : i32
    %add3A = arith.addi %mul3A_0, %arg1 : i32
    %scan3A = arith.constant 0 : i32
    %mul3A_1 = arith.constant 1 : i32
    %mul3A_2 = arith.muli %scan3A, %mul3A_1 : i32
    %add3A_3 = arith.constant 0 : i32
    %add3A_4 = arith.addi %add3A_3, %mul3A_2 : i32
    %mul3A_5 = arith.constant 32 : i32
    %mul3A_6 = arith.muli %add3A_4, %mul3A_5 : i32
    %add3A_7 = arith.addi %add3A, %mul3A_6 : i32
    %lt3A = arith.constant 16 : i32
    %lt3A_8 = arith.cmpi slt, %add3A_7, %lt3A : i32
    %convert_element_type3A = arith.extui %lt3A_8 : i1 to i32
    %cond3A = arith.constant 0 : i32
    %cond3A_9 = arith.cmpi ne, %convert_element_type3A, %cond3A : i32
    scf.if %cond3A_9 {
      %mul3A_11 = arith.constant 128 : i32
      %mul3A_12 = arith.muli %add3A_7, %mul3A_11 : i32
      %dma_start3A = arith.constant 0 : i32
      %dma_start3A_13 = tpu.memref_slice %arg3[%dma_start3A, %mul3A_12] : memref<1x2048xi32, #tpu.memory_space<hbm>> -> memref<1x128xi32, #tpu.memory_space<hbm>>
      %dma_start3A_14 = arith.constant 0 : i32
      %dma_start3A_15 = tpu.memref_slice %arg3[%dma_start3A_14, %mul3A_12] : memref<1x2048xi32, #tpu.memory_space<hbm>> -> memref<1x128xi32, #tpu.memory_space<hbm>>
      tpu.enqueue_dma source(%dma_start3A_15 : memref<1x128xi32, #tpu.memory_space<hbm>>) target(%arg5 : memref<1x128xi32, #tpu.memory_space<vmem>>) target_semaphore(%arg7 : memref<!tpu.dma_semaphore, #tpu.memory_space<semaphore_mem>>)
      %dma_wait3A = arith.constant 0 : i32
      %dma_wait3A_16 = tpu.memref_slice %arg3[%dma_wait3A, %mul3A_12] : memref<1x2048xi32, #tpu.memory_space<hbm>> -> memref<1x128xi32, #tpu.memory_space<hbm>>
      %dma_wait3A_17 = arith.constant 0 : i32
      %dma_wait3A_18 = tpu.memref_slice %arg3[%dma_wait3A_17, %mul3A_12] : memref<1x2048xi32, #tpu.memory_space<hbm>> -> memref<1x128xi32, #tpu.memory_space<hbm>>
      tpu.wait_dma2 semaphore(%arg7 : memref<!tpu.dma_semaphore, #tpu.memory_space<semaphore_mem>>) src(%dma_wait3A_18 : memref<1x128xi32, #tpu.memory_space<hbm>>) dst(%arg5 : memref<1x128xi32, #tpu.memory_space<vmem>>)
      %dma_start3A_19 = arith.constant 0 : i32
      %dma_start3A_20 = arith.constant 0 : i32
      %dma_start3A_21 = tpu.memref_slice %arg5[%dma_start3A_19, %dma_start3A_20] : memref<1x128xi32, #tpu.memory_space<vmem>> -> memref<1x128xi32, #tpu.memory_space<vmem>>
      %dma_start3A_22 = tpu.memref_squeeze %dma_start3A_21 : memref<1x128xi32, #tpu.memory_space<vmem>> -> memref<128xi32, #tpu.memory_space<vmem>>
      %dma_start3A_23 = arith.constant 0 : i32
      %dma_start3A_24 = arith.constant 0 : i32
      %dma_start3A_25 = tpu.memref_slice %arg2[%dma_start3A_23, %dma_start3A_24] : memref<4096x512xf32, #tpu.memory_space<hbm>> -> memref<4096x512xf32, #tpu.memory_space<hbm>>
      tpu.enqueue_indirect_dma source(%dma_start3A_25 : memref<4096x512xf32, #tpu.memory_space<hbm>>) target(%arg6 : memref<128x512xf32, #tpu.memory_space<vmem>>) offsets(%dma_start3A_22 : memref<128xi32, #tpu.memory_space<vmem>>) semaphore(%arg7 : memref<!tpu.dma_semaphore, #tpu.memory_space<semaphore_mem>>)
      %dma_wait3A_26 = arith.constant 0 : i32
      %dma_wait3A_27 = arith.constant 0 : i32
      %dma_wait3A_28 = tpu.memref_slice %arg5[%dma_wait3A_26, %dma_wait3A_27] : memref<1x128xi32, #tpu.memory_space<vmem>> -> memref<1x128xi32, #tpu.memory_space<vmem>>
      %dma_wait3A_29 = tpu.memref_squeeze %dma_wait3A_28 : memref<1x128xi32, #tpu.memory_space<vmem>> -> memref<128xi32, #tpu.memory_space<vmem>>
      %dma_wait3A_30 = arith.constant 0 : i32
      %dma_wait3A_31 = arith.constant 0 : i32
      %dma_wait3A_32 = tpu.memref_slice %arg2[%dma_wait3A_30, %dma_wait3A_31] : memref<4096x512xf32, #tpu.memory_space<hbm>> -> memref<4096x512xf32, #tpu.memory_space<hbm>>
      tpu.wait_indirect_dma semaphore(%arg7 : memref<!tpu.dma_semaphore, #tpu.memory_space<semaphore_mem>>) src(%dma_wait3A_32 : memref<4096x512xf32, #tpu.memory_space<hbm>>) dst(%arg6 : memref<128x512xf32, #tpu.memory_space<vmem>>)
      %mul3A_33 = arith.constant 128 : i32
      %mul3A_34 = arith.muli %add3A_7, %mul3A_33 : i32
      %dma_start3A_35 = arith.constant 0 : i32
      %dma_start3A_36 = tpu.memref_slice %arg4[%mul3A_34, %dma_start3A_35] : memref<2048x512xf32, #tpu.memory_space<hbm>> -> memref<128x512xf32, #tpu.memory_space<hbm>>
      %dma_start3A_37 = arith.constant 0 : i32
      %dma_start3A_38 = tpu.memref_slice %arg4[%mul3A_34, %dma_start3A_37] : memref<2048x512xf32, #tpu.memory_space<hbm>> -> memref<128x512xf32, #tpu.memory_space<hbm>>
      tpu.enqueue_dma source(%arg6 : memref<128x512xf32, #tpu.memory_space<vmem>>) target(%dma_start3A_38 : memref<128x512xf32, #tpu.memory_space<hbm>>) target_semaphore(%arg7 : memref<!tpu.dma_semaphore, #tpu.memory_space<semaphore_mem>>)
      %dma_wait3A_39 = arith.constant 0 : i32
      %dma_wait3A_40 = tpu.memref_slice %arg4[%mul3A_34, %dma_wait3A_39] : memref<2048x512xf32, #tpu.memory_space<hbm>> -> memref<128x512xf32, #tpu.memory_space<hbm>>
      %dma_wait3A_41 = arith.constant 0 : i32
      %dma_wait3A_42 = tpu.memref_slice %arg4[%mul3A_34, %dma_wait3A_41] : memref<2048x512xf32, #tpu.memory_space<hbm>> -> memref<128x512xf32, #tpu.memory_space<hbm>>
      tpu.wait_dma2 semaphore(%arg7 : memref<!tpu.dma_semaphore, #tpu.memory_space<semaphore_mem>>) src(%arg6 : memref<128x512xf32, #tpu.memory_space<vmem>>) dst(%dma_wait3A_42 : memref<128x512xf32, #tpu.memory_space<hbm>>)
    } else {
    }
    %scan3A_10 = arith.constant 1 : i32
    return
  }
}

#map = affine_map<(d0, d1) -> (0, 0)>
module attributes {stable_mosaic.version = 14 : i64} {
  func.func @k(%arg0: i32, %arg1: i32, %arg2: memref<2048x512xf32, #tpu.memory_space<hbm>>, %arg3: memref<1x2048xi32, #tpu.memory_space<hbm>>, %arg4: memref<4096x512xf32, #tpu.memory_space<hbm>>, %arg5: memref<1x128xi32, #tpu.memory_space<vmem>>, %arg6: memref<128x512xf32, #tpu.memory_space<vmem>>, %arg7: memref<!tpu.dma_semaphore, #tpu.memory_space<semaphore_mem>>) attributes {dimension_semantics = [#tpu.dimension_semantics<core_parallel>, #tpu.dimension_semantics<subcore_parallel>], iteration_bounds = array<i64: 2, 16>, scalar_prefetch = 0 : i64, scratch_operands = 3 : i64, tpu.core_type = #tpu.core_type<sc_vector_subcore>, window_params = [{transform_indices = #map}, {transform_indices = #map}, {transform_indices = #map}]} {
    %mul3A = arith.constant 16 : i32
    %mul3A_0 = arith.muli %arg0, %mul3A : i32
    %add3A = arith.addi %mul3A_0, %arg1 : i32
    %scan3A = arith.constant 0 : i32
    %mul3A_1 = arith.constant 1 : i32
    %mul3A_2 = arith.muli %scan3A, %mul3A_1 : i32
    %add3A_3 = arith.constant 0 : i32
    %add3A_4 = arith.addi %add3A_3, %mul3A_2 : i32
    %mul3A_5 = arith.constant 32 : i32
    %mul3A_6 = arith.muli %add3A_4, %mul3A_5 : i32
    %add3A_7 = arith.addi %add3A, %mul3A_6 : i32
    %lt3A = arith.constant 16 : i32
    %lt3A_8 = arith.cmpi slt, %add3A_7, %lt3A : i32
    %convert_element_type3A = arith.extui %lt3A_8 : i1 to i32
    %cond3A = arith.constant 0 : i32
    %cond3A_9 = arith.cmpi ne, %convert_element_type3A, %cond3A : i32
    scf.if %cond3A_9 {
      %mul3A_11 = arith.constant 128 : i32
      %mul3A_12 = arith.muli %add3A_7, %mul3A_11 : i32
      %dma_start3A = arith.constant 0 : i32
      %dma_start3A_13 = tpu.memref_slice %arg3[%dma_start3A, %mul3A_12] : memref<1x2048xi32, #tpu.memory_space<hbm>> -> memref<1x128xi32, #tpu.memory_space<hbm>>
      %dma_start3A_14 = arith.constant 0 : i32
      %dma_start3A_15 = tpu.memref_slice %arg3[%dma_start3A_14, %mul3A_12] : memref<1x2048xi32, #tpu.memory_space<hbm>> -> memref<1x128xi32, #tpu.memory_space<hbm>>
      tpu.enqueue_dma source(%dma_start3A_15 : memref<1x128xi32, #tpu.memory_space<hbm>>) target(%arg5 : memref<1x128xi32, #tpu.memory_space<vmem>>) target_semaphore(%arg7 : memref<!tpu.dma_semaphore, #tpu.memory_space<semaphore_mem>>)
      %dma_wait3A = arith.constant 0 : i32
      %dma_wait3A_16 = tpu.memref_slice %arg3[%dma_wait3A, %mul3A_12] : memref<1x2048xi32, #tpu.memory_space<hbm>> -> memref<1x128xi32, #tpu.memory_space<hbm>>
      %dma_wait3A_17 = arith.constant 0 : i32
      %dma_wait3A_18 = tpu.memref_slice %arg3[%dma_wait3A_17, %mul3A_12] : memref<1x2048xi32, #tpu.memory_space<hbm>> -> memref<1x128xi32, #tpu.memory_space<hbm>>
      tpu.wait_dma2 semaphore(%arg7 : memref<!tpu.dma_semaphore, #tpu.memory_space<semaphore_mem>>) src(%dma_wait3A_18 : memref<1x128xi32, #tpu.memory_space<hbm>>) dst(%arg5 : memref<1x128xi32, #tpu.memory_space<vmem>>)
      %mul3A_19 = arith.constant 128 : i32
      %mul3A_20 = arith.muli %add3A_7, %mul3A_19 : i32
      %dma_start3A_21 = arith.constant 0 : i32
      %dma_start3A_22 = tpu.memref_slice %arg2[%mul3A_20, %dma_start3A_21] : memref<2048x512xf32, #tpu.memory_space<hbm>> -> memref<128x512xf32, #tpu.memory_space<hbm>>
      %dma_start3A_23 = arith.constant 0 : i32
      %dma_start3A_24 = tpu.memref_slice %arg2[%mul3A_20, %dma_start3A_23] : memref<2048x512xf32, #tpu.memory_space<hbm>> -> memref<128x512xf32, #tpu.memory_space<hbm>>
      tpu.enqueue_dma source(%dma_start3A_24 : memref<128x512xf32, #tpu.memory_space<hbm>>) target(%arg6 : memref<128x512xf32, #tpu.memory_space<vmem>>) target_semaphore(%arg7 : memref<!tpu.dma_semaphore, #tpu.memory_space<semaphore_mem>>)
      %dma_wait3A_25 = arith.constant 0 : i32
      %dma_wait3A_26 = tpu.memref_slice %arg2[%mul3A_20, %dma_wait3A_25] : memref<2048x512xf32, #tpu.memory_space<hbm>> -> memref<128x512xf32, #tpu.memory_space<hbm>>
      %dma_wait3A_27 = arith.constant 0 : i32
      %dma_wait3A_28 = tpu.memref_slice %arg2[%mul3A_20, %dma_wait3A_27] : memref<2048x512xf32, #tpu.memory_space<hbm>> -> memref<128x512xf32, #tpu.memory_space<hbm>>
      tpu.wait_dma2 semaphore(%arg7 : memref<!tpu.dma_semaphore, #tpu.memory_space<semaphore_mem>>) src(%dma_wait3A_28 : memref<128x512xf32, #tpu.memory_space<hbm>>) dst(%arg6 : memref<128x512xf32, #tpu.memory_space<vmem>>)
      %dma_start3A_29 = arith.constant 0 : i32
      %dma_start3A_30 = arith.constant 0 : i32
      %dma_start3A_31 = tpu.memref_slice %arg5[%dma_start3A_29, %dma_start3A_30] : memref<1x128xi32, #tpu.memory_space<vmem>> -> memref<1x128xi32, #tpu.memory_space<vmem>>
      %dma_start3A_32 = tpu.memref_squeeze %dma_start3A_31 : memref<1x128xi32, #tpu.memory_space<vmem>> -> memref<128xi32, #tpu.memory_space<vmem>>
      %dma_start3A_33 = arith.constant 0 : i32
      %dma_start3A_34 = arith.constant 0 : i32
      %dma_start3A_35 = tpu.memref_slice %arg4[%dma_start3A_33, %dma_start3A_34] : memref<4096x512xf32, #tpu.memory_space<hbm>> -> memref<4096x512xf32, #tpu.memory_space<hbm>>
      tpu.enqueue_indirect_dma source(%arg6 : memref<128x512xf32, #tpu.memory_space<vmem>>) target(%dma_start3A_35 : memref<4096x512xf32, #tpu.memory_space<hbm>>) offsets(%dma_start3A_32 : memref<128xi32, #tpu.memory_space<vmem>>) semaphore(%arg7 : memref<!tpu.dma_semaphore, #tpu.memory_space<semaphore_mem>>)
      %dma_wait3A_36 = arith.constant 0 : i32
      %dma_wait3A_37 = arith.constant 0 : i32
      %dma_wait3A_38 = tpu.memref_slice %arg5[%dma_wait3A_36, %dma_wait3A_37] : memref<1x128xi32, #tpu.memory_space<vmem>> -> memref<1x128xi32, #tpu.memory_space<vmem>>
      %dma_wait3A_39 = tpu.memref_squeeze %dma_wait3A_38 : memref<1x128xi32, #tpu.memory_space<vmem>> -> memref<128xi32, #tpu.memory_space<vmem>>
      %dma_wait3A_40 = arith.constant 0 : i32
      %dma_wait3A_41 = arith.constant 0 : i32
      %dma_wait3A_42 = tpu.memref_slice %arg4[%dma_wait3A_40, %dma_wait3A_41] : memref<4096x512xf32, #tpu.memory_space<hbm>> -> memref<4096x512xf32, #tpu.memory_space<hbm>>
      tpu.wait_indirect_dma semaphore(%arg7 : memref<!tpu.dma_semaphore, #tpu.memory_space<semaphore_mem>>) src(%arg6 : memref<128x512xf32, #tpu.memory_space<vmem>>) dst(%dma_wait3A_42 : memref<4096x512xf32, #tpu.memory_space<hbm>>)
    } else {
    }
    %scan3A_10 = arith.constant 1 : i32
    return
  }
}

#map = affine_map<(d0, d1) -> (0, 0)>
module attributes {stable_mosaic.version = 14 : i64} {
  func.func @k(%arg0: i32, %arg1: i32, %arg2: memref<4096x512xf32, #tpu.memory_space<hbm>>, %arg3: memref<1x2048xi32, #tpu.memory_space<hbm>>, %arg4: memref<2048x512xf32, #tpu.memory_space<hbm>>, %arg5: memref<1x128xi32, #tpu.memory_space<vmem>>, %arg6: memref<128x512xf32, #tpu.memory_space<vmem>>, %arg7: memref<!tpu.dma_semaphore, #tpu.memory_space<semaphore_mem>>) attributes {dimension_semantics = [#tpu.dimension_semantics<core_parallel>, #tpu.dimension_semantics<subcore_parallel>], iteration_bounds = array<i64: 2, 16>, scalar_prefetch = 0 : i64, scratch_operands = 3 : i64, tpu.core_type = #tpu.core_type<sc_vector_subcore>, window_params = [{transform_indices = #map}, {transform_indices = #map}, {transform_indices = #map}]} {
    %mul3A = arith.constant 16 : i32
    %mul3A_0 = arith.muli %arg0, %mul3A : i32
    %add3A = arith.addi %mul3A_0, %arg1 : i32
    %scan3A = arith.constant 0 : i32
    %mul3A_1 = arith.constant 1 : i32
    %mul3A_2 = arith.muli %scan3A, %mul3A_1 : i32
    %add3A_3 = arith.constant 0 : i32
    %add3A_4 = arith.addi %add3A_3, %mul3A_2 : i32
    %mul3A_5 = arith.constant 32 : i32
    %mul3A_6 = arith.muli %add3A_4, %mul3A_5 : i32
    %add3A_7 = arith.addi %add3A, %mul3A_6 : i32
    %lt3A = arith.constant 16 : i32
    %lt3A_8 = arith.cmpi slt, %add3A_7, %lt3A : i32
    %convert_element_type3A = arith.extui %lt3A_8 : i1 to i32
    %cond3A = arith.constant 0 : i32
    %cond3A_9 = arith.cmpi ne, %convert_element_type3A, %cond3A : i32
    scf.if %cond3A_9 {
      %mul3A_11 = arith.constant 128 : i32
      %mul3A_12 = arith.muli %add3A_7, %mul3A_11 : i32
      %dma_start3A = arith.constant 0 : i32
      %dma_start3A_13 = tpu.memref_slice %arg3[%dma_start3A, %mul3A_12] : memref<1x2048xi32, #tpu.memory_space<hbm>> -> memref<1x128xi32, #tpu.memory_space<hbm>>
      %dma_start3A_14 = arith.constant 0 : i32
      %dma_start3A_15 = tpu.memref_slice %arg3[%dma_start3A_14, %mul3A_12] : memref<1x2048xi32, #tpu.memory_space<hbm>> -> memref<1x128xi32, #tpu.memory_space<hbm>>
      tpu.enqueue_dma source(%dma_start3A_15 : memref<1x128xi32, #tpu.memory_space<hbm>>) target(%arg5 : memref<1x128xi32, #tpu.memory_space<vmem>>) target_semaphore(%arg7 : memref<!tpu.dma_semaphore, #tpu.memory_space<semaphore_mem>>)
      %dma_wait3A = arith.constant 0 : i32
      %dma_wait3A_16 = tpu.memref_slice %arg3[%dma_wait3A, %mul3A_12] : memref<1x2048xi32, #tpu.memory_space<hbm>> -> memref<1x128xi32, #tpu.memory_space<hbm>>
      %dma_wait3A_17 = arith.constant 0 : i32
      %dma_wait3A_18 = tpu.memref_slice %arg3[%dma_wait3A_17, %mul3A_12] : memref<1x2048xi32, #tpu.memory_space<hbm>> -> memref<1x128xi32, #tpu.memory_space<hbm>>
      tpu.wait_dma2 semaphore(%arg7 : memref<!tpu.dma_semaphore, #tpu.memory_space<semaphore_mem>>) src(%dma_wait3A_18 : memref<1x128xi32, #tpu.memory_space<hbm>>) dst(%arg5 : memref<1x128xi32, #tpu.memory_space<vmem>>)
      %dma_start3A_19 = arith.constant 0 : i32
      %dma_start3A_20 = arith.constant 0 : i32
      %dma_start3A_21 = tpu.memref_slice %arg5[%dma_start3A_19, %dma_start3A_20] : memref<1x128xi32, #tpu.memory_space<vmem>> -> memref<1x128xi32, #tpu.memory_space<vmem>>
      %dma_start3A_22 = tpu.memref_squeeze %dma_start3A_21 : memref<1x128xi32, #tpu.memory_space<vmem>> -> memref<128xi32, #tpu.memory_space<vmem>>
      %dma_start3A_23 = arith.constant 0 : i32
      %dma_start3A_24 = arith.constant 0 : i32
      %dma_start3A_25 = tpu.memref_slice %arg2[%dma_start3A_23, %dma_start3A_24] : memref<4096x512xf32, #tpu.memory_space<hbm>> -> memref<4096x512xf32, #tpu.memory_space<hbm>>
      tpu.enqueue_indirect_dma source(%dma_start3A_25 : memref<4096x512xf32, #tpu.memory_space<hbm>>) target(%arg6 : memref<128x512xf32, #tpu.memory_space<vmem>>) offsets(%dma_start3A_22 : memref<128xi32, #tpu.memory_space<vmem>>) semaphore(%arg7 : memref<!tpu.dma_semaphore, #tpu.memory_space<semaphore_mem>>)
      %dma_wait3A_26 = arith.constant 0 : i32
      %dma_wait3A_27 = arith.constant 0 : i32
      %dma_wait3A_28 = tpu.memref_slice %arg5[%dma_wait3A_26, %dma_wait3A_27] : memref<1x128xi32, #tpu.memory_space<vmem>> -> memref<1x128xi32, #tpu.memory_space<vmem>>
      %dma_wait3A_29 = tpu.memref_squeeze %dma_wait3A_28 : memref<1x128xi32, #tpu.memory_space<vmem>> -> memref<128xi32, #tpu.memory_space<vmem>>
      %dma_wait3A_30 = arith.constant 0 : i32
      %dma_wait3A_31 = arith.constant 0 : i32
      %dma_wait3A_32 = tpu.memref_slice %arg2[%dma_wait3A_30, %dma_wait3A_31] : memref<4096x512xf32, #tpu.memory_space<hbm>> -> memref<4096x512xf32, #tpu.memory_space<hbm>>
      tpu.wait_indirect_dma semaphore(%arg7 : memref<!tpu.dma_semaphore, #tpu.memory_space<semaphore_mem>>) src(%dma_wait3A_32 : memref<4096x512xf32, #tpu.memory_space<hbm>>) dst(%arg6 : memref<128x512xf32, #tpu.memory_space<vmem>>)
      %mul3A_33 = arith.constant 128 : i32
      %mul3A_34 = arith.muli %add3A_7, %mul3A_33 : i32
      %dma_start3A_35 = arith.constant 0 : i32
      %dma_start3A_36 = tpu.memref_slice %arg4[%mul3A_34, %dma_start3A_35] : memref<2048x512xf32, #tpu.memory_space<hbm>> -> memref<128x512xf32, #tpu.memory_space<hbm>>
      %dma_start3A_37 = arith.constant 0 : i32
      %dma_start3A_38 = tpu.memref_slice %arg4[%mul3A_34, %dma_start3A_37] : memref<2048x512xf32, #tpu.memory_space<hbm>> -> memref<128x512xf32, #tpu.memory_space<hbm>>
      tpu.enqueue_dma source(%arg6 : memref<128x512xf32, #tpu.memory_space<vmem>>) target(%dma_start3A_38 : memref<128x512xf32, #tpu.memory_space<hbm>>) target_semaphore(%arg7 : memref<!tpu.dma_semaphore, #tpu.memory_space<semaphore_mem>>)
      %dma_wait3A_39 = arith.constant 0 : i32
      %dma_wait3A_40 = tpu.memref_slice %arg4[%mul3A_34, %dma_wait3A_39] : memref<2048x512xf32, #tpu.memory_space<hbm>> -> memref<128x512xf32, #tpu.memory_space<hbm>>
      %dma_wait3A_41 = arith.constant 0 : i32
      %dma_wait3A_42 = tpu.memref_slice %arg4[%mul3A_34, %dma_wait3A_41] : memref<2048x512xf32, #tpu.memory_space<hbm>> -> memref<128x512xf32, #tpu.memory_space<hbm>>
      tpu.wait_dma2 semaphore(%arg7 : memref<!tpu.dma_semaphore, #tpu.memory_space<semaphore_mem>>) src(%arg6 : memref<128x512xf32, #tpu.memory_space<vmem>>) dst(%dma_wait3A_42 : memref<128x512xf32, #tpu.memory_space<hbm>>)
    } else {
    }
    %scan3A_10 = arith.constant 1 : i32
    return
  }
}

#map = affine_map<(d0, d1) -> (0, 0)>
module attributes {stable_mosaic.version = 14 : i64} {
  func.func @k(%arg0: i32, %arg1: i32, %arg2: memref<2048x512xf32, #tpu.memory_space<hbm>>, %arg3: memref<1x2048xi32, #tpu.memory_space<hbm>>, %arg4: memref<4096x512xf32, #tpu.memory_space<hbm>>, %arg5: memref<1x128xi32, #tpu.memory_space<vmem>>, %arg6: memref<128x512xf32, #tpu.memory_space<vmem>>, %arg7: memref<!tpu.dma_semaphore, #tpu.memory_space<semaphore_mem>>) attributes {dimension_semantics = [#tpu.dimension_semantics<core_parallel>, #tpu.dimension_semantics<subcore_parallel>], iteration_bounds = array<i64: 2, 16>, scalar_prefetch = 0 : i64, scratch_operands = 3 : i64, tpu.core_type = #tpu.core_type<sc_vector_subcore>, window_params = [{transform_indices = #map}, {transform_indices = #map}, {transform_indices = #map}]} {
    %mul3A = arith.constant 16 : i32
    %mul3A_0 = arith.muli %arg0, %mul3A : i32
    %add3A = arith.addi %mul3A_0, %arg1 : i32
    %scan3A = arith.constant 0 : i32
    %mul3A_1 = arith.constant 1 : i32
    %mul3A_2 = arith.muli %scan3A, %mul3A_1 : i32
    %add3A_3 = arith.constant 0 : i32
    %add3A_4 = arith.addi %add3A_3, %mul3A_2 : i32
    %mul3A_5 = arith.constant 32 : i32
    %mul3A_6 = arith.muli %add3A_4, %mul3A_5 : i32
    %add3A_7 = arith.addi %add3A, %mul3A_6 : i32
    %lt3A = arith.constant 16 : i32
    %lt3A_8 = arith.cmpi slt, %add3A_7, %lt3A : i32
    %convert_element_type3A = arith.extui %lt3A_8 : i1 to i32
    %cond3A = arith.constant 0 : i32
    %cond3A_9 = arith.cmpi ne, %convert_element_type3A, %cond3A : i32
    scf.if %cond3A_9 {
      %mul3A_11 = arith.constant 128 : i32
      %mul3A_12 = arith.muli %add3A_7, %mul3A_11 : i32
      %dma_start3A = arith.constant 0 : i32
      %dma_start3A_13 = tpu.memref_slice %arg3[%dma_start3A, %mul3A_12] : memref<1x2048xi32, #tpu.memory_space<hbm>> -> memref<1x128xi32, #tpu.memory_space<hbm>>
      %dma_start3A_14 = arith.constant 0 : i32
      %dma_start3A_15 = tpu.memref_slice %arg3[%dma_start3A_14, %mul3A_12] : memref<1x2048xi32, #tpu.memory_space<hbm>> -> memref<1x128xi32, #tpu.memory_space<hbm>>
      tpu.enqueue_dma source(%dma_start3A_15 : memref<1x128xi32, #tpu.memory_space<hbm>>) target(%arg5 : memref<1x128xi32, #tpu.memory_space<vmem>>) target_semaphore(%arg7 : memref<!tpu.dma_semaphore, #tpu.memory_space<semaphore_mem>>)
      %dma_wait3A = arith.constant 0 : i32
      %dma_wait3A_16 = tpu.memref_slice %arg3[%dma_wait3A, %mul3A_12] : memref<1x2048xi32, #tpu.memory_space<hbm>> -> memref<1x128xi32, #tpu.memory_space<hbm>>
      %dma_wait3A_17 = arith.constant 0 : i32
      %dma_wait3A_18 = tpu.memref_slice %arg3[%dma_wait3A_17, %mul3A_12] : memref<1x2048xi32, #tpu.memory_space<hbm>> -> memref<1x128xi32, #tpu.memory_space<hbm>>
      tpu.wait_dma2 semaphore(%arg7 : memref<!tpu.dma_semaphore, #tpu.memory_space<semaphore_mem>>) src(%dma_wait3A_18 : memref<1x128xi32, #tpu.memory_space<hbm>>) dst(%arg5 : memref<1x128xi32, #tpu.memory_space<vmem>>)
      %mul3A_19 = arith.constant 128 : i32
      %mul3A_20 = arith.muli %add3A_7, %mul3A_19 : i32
      %dma_start3A_21 = arith.constant 0 : i32
      %dma_start3A_22 = tpu.memref_slice %arg2[%mul3A_20, %dma_start3A_21] : memref<2048x512xf32, #tpu.memory_space<hbm>> -> memref<128x512xf32, #tpu.memory_space<hbm>>
      %dma_start3A_23 = arith.constant 0 : i32
      %dma_start3A_24 = tpu.memref_slice %arg2[%mul3A_20, %dma_start3A_23] : memref<2048x512xf32, #tpu.memory_space<hbm>> -> memref<128x512xf32, #tpu.memory_space<hbm>>
      tpu.enqueue_dma source(%dma_start3A_24 : memref<128x512xf32, #tpu.memory_space<hbm>>) target(%arg6 : memref<128x512xf32, #tpu.memory_space<vmem>>) target_semaphore(%arg7 : memref<!tpu.dma_semaphore, #tpu.memory_space<semaphore_mem>>)
      %dma_wait3A_25 = arith.constant 0 : i32
      %dma_wait3A_26 = tpu.memref_slice %arg2[%mul3A_20, %dma_wait3A_25] : memref<2048x512xf32, #tpu.memory_space<hbm>> -> memref<128x512xf32, #tpu.memory_space<hbm>>
      %dma_wait3A_27 = arith.constant 0 : i32
      %dma_wait3A_28 = tpu.memref_slice %arg2[%mul3A_20, %dma_wait3A_27] : memref<2048x512xf32, #tpu.memory_space<hbm>> -> memref<128x512xf32, #tpu.memory_space<hbm>>
      tpu.wait_dma2 semaphore(%arg7 : memref<!tpu.dma_semaphore, #tpu.memory_space<semaphore_mem>>) src(%dma_wait3A_28 : memref<128x512xf32, #tpu.memory_space<hbm>>) dst(%arg6 : memref<128x512xf32, #tpu.memory_space<vmem>>)
      %dma_start3A_29 = arith.constant 0 : i32
      %dma_start3A_30 = arith.constant 0 : i32
      %dma_start3A_31 = tpu.memref_slice %arg5[%dma_start3A_29, %dma_start3A_30] : memref<1x128xi32, #tpu.memory_space<vmem>> -> memref<1x128xi32, #tpu.memory_space<vmem>>
      %dma_start3A_32 = tpu.memref_squeeze %dma_start3A_31 : memref<1x128xi32, #tpu.memory_space<vmem>> -> memref<128xi32, #tpu.memory_space<vmem>>
      %dma_start3A_33 = arith.constant 0 : i32
      %dma_start3A_34 = arith.constant 0 : i32
      %dma_start3A_35 = tpu.memref_slice %arg4[%dma_start3A_33, %dma_start3A_34] : memref<4096x512xf32, #tpu.memory_space<hbm>> -> memref<4096x512xf32, #tpu.memory_space<hbm>>
      tpu.enqueue_indirect_dma source(%arg6 : memref<128x512xf32, #tpu.memory_space<vmem>>) target(%dma_start3A_35 : memref<4096x512xf32, #tpu.memory_space<hbm>>) offsets(%dma_start3A_32 : memref<128xi32, #tpu.memory_space<vmem>>) semaphore(%arg7 : memref<!tpu.dma_semaphore, #tpu.memory_space<semaphore_mem>>)
      %dma_wait3A_36 = arith.constant 0 : i32
      %dma_wait3A_37 = arith.constant 0 : i32
      %dma_wait3A_38 = tpu.memref_slice %arg5[%dma_wait3A_36, %dma_wait3A_37] : memref<1x128xi32, #tpu.memory_space<vmem>> -> memref<1x128xi32, #tpu.memory_space<vmem>>
      %dma_wait3A_39 = tpu.memref_squeeze %dma_wait3A_38 : memref<1x128xi32, #tpu.memory_space<vmem>> -> memref<128xi32, #tpu.memory_space<vmem>>
      %dma_wait3A_40 = arith.constant 0 : i32
      %dma_wait3A_41 = arith.constant 0 : i32
      %dma_wait3A_42 = tpu.memref_slice %arg4[%dma_wait3A_40, %dma_wait3A_41] : memref<4096x512xf32, #tpu.memory_space<hbm>> -> memref<4096x512xf32, #tpu.memory_space<hbm>>
      tpu.wait_indirect_dma semaphore(%arg7 : memref<!tpu.dma_semaphore, #tpu.memory_space<semaphore_mem>>) src(%arg6 : memref<128x512xf32, #tpu.memory_space<vmem>>) dst(%dma_wait3A_42 : memref<4096x512xf32, #tpu.memory_space<hbm>>)
    } else {
    }
    %scan3A_10 = arith.constant 1 : i32
    return
  }
}

#map = affine_map<(d0, d1) -> (0, 0)>
module attributes {stable_mosaic.version = 14 : i64} {
  func.func @k(%arg0: i32, %arg1: i32, %arg2: memref<4096x512xf32, #tpu.memory_space<hbm>>, %arg3: memref<1x2048xi32, #tpu.memory_space<hbm>>, %arg4: memref<2048x512xf32, #tpu.memory_space<hbm>>, %arg5: memref<1x128xi32, #tpu.memory_space<vmem>>, %arg6: memref<128x512xf32, #tpu.memory_space<vmem>>, %arg7: memref<!tpu.dma_semaphore, #tpu.memory_space<semaphore_mem>>) attributes {dimension_semantics = [#tpu.dimension_semantics<core_parallel>, #tpu.dimension_semantics<subcore_parallel>], iteration_bounds = array<i64: 2, 16>, scalar_prefetch = 0 : i64, scratch_operands = 3 : i64, tpu.core_type = #tpu.core_type<sc_vector_subcore>, window_params = [{transform_indices = #map}, {transform_indices = #map}, {transform_indices = #map}]} {
    %mul3A = arith.constant 16 : i32
    %mul3A_0 = arith.muli %arg0, %mul3A : i32
    %add3A = arith.addi %mul3A_0, %arg1 : i32
    %scan3A = arith.constant 0 : i32
    %mul3A_1 = arith.constant 1 : i32
    %mul3A_2 = arith.muli %scan3A, %mul3A_1 : i32
    %add3A_3 = arith.constant 0 : i32
    %add3A_4 = arith.addi %add3A_3, %mul3A_2 : i32
    %mul3A_5 = arith.constant 32 : i32
    %mul3A_6 = arith.muli %add3A_4, %mul3A_5 : i32
    %add3A_7 = arith.addi %add3A, %mul3A_6 : i32
    %lt3A = arith.constant 16 : i32
    %lt3A_8 = arith.cmpi slt, %add3A_7, %lt3A : i32
    %convert_element_type3A = arith.extui %lt3A_8 : i1 to i32
    %cond3A = arith.constant 0 : i32
    %cond3A_9 = arith.cmpi ne, %convert_element_type3A, %cond3A : i32
    scf.if %cond3A_9 {
      %mul3A_11 = arith.constant 128 : i32
      %mul3A_12 = arith.muli %add3A_7, %mul3A_11 : i32
      %dma_start3A = arith.constant 0 : i32
      %dma_start3A_13 = tpu.memref_slice %arg3[%dma_start3A, %mul3A_12] : memref<1x2048xi32, #tpu.memory_space<hbm>> -> memref<1x128xi32, #tpu.memory_space<hbm>>
      %dma_start3A_14 = arith.constant 0 : i32
      %dma_start3A_15 = tpu.memref_slice %arg3[%dma_start3A_14, %mul3A_12] : memref<1x2048xi32, #tpu.memory_space<hbm>> -> memref<1x128xi32, #tpu.memory_space<hbm>>
      tpu.enqueue_dma source(%dma_start3A_15 : memref<1x128xi32, #tpu.memory_space<hbm>>) target(%arg5 : memref<1x128xi32, #tpu.memory_space<vmem>>) target_semaphore(%arg7 : memref<!tpu.dma_semaphore, #tpu.memory_space<semaphore_mem>>)
      %dma_wait3A = arith.constant 0 : i32
      %dma_wait3A_16 = tpu.memref_slice %arg3[%dma_wait3A, %mul3A_12] : memref<1x2048xi32, #tpu.memory_space<hbm>> -> memref<1x128xi32, #tpu.memory_space<hbm>>
      %dma_wait3A_17 = arith.constant 0 : i32
      %dma_wait3A_18 = tpu.memref_slice %arg3[%dma_wait3A_17, %mul3A_12] : memref<1x2048xi32, #tpu.memory_space<hbm>> -> memref<1x128xi32, #tpu.memory_space<hbm>>
      tpu.wait_dma2 semaphore(%arg7 : memref<!tpu.dma_semaphore, #tpu.memory_space<semaphore_mem>>) src(%dma_wait3A_18 : memref<1x128xi32, #tpu.memory_space<hbm>>) dst(%arg5 : memref<1x128xi32, #tpu.memory_space<vmem>>)
      %dma_start3A_19 = arith.constant 0 : i32
      %dma_start3A_20 = arith.constant 0 : i32
      %dma_start3A_21 = tpu.memref_slice %arg5[%dma_start3A_19, %dma_start3A_20] : memref<1x128xi32, #tpu.memory_space<vmem>> -> memref<1x128xi32, #tpu.memory_space<vmem>>
      %dma_start3A_22 = tpu.memref_squeeze %dma_start3A_21 : memref<1x128xi32, #tpu.memory_space<vmem>> -> memref<128xi32, #tpu.memory_space<vmem>>
      %dma_start3A_23 = arith.constant 0 : i32
      %dma_start3A_24 = arith.constant 0 : i32
      %dma_start3A_25 = tpu.memref_slice %arg2[%dma_start3A_23, %dma_start3A_24] : memref<4096x512xf32, #tpu.memory_space<hbm>> -> memref<4096x512xf32, #tpu.memory_space<hbm>>
      tpu.enqueue_indirect_dma source(%dma_start3A_25 : memref<4096x512xf32, #tpu.memory_space<hbm>>) target(%arg6 : memref<128x512xf32, #tpu.memory_space<vmem>>) offsets(%dma_start3A_22 : memref<128xi32, #tpu.memory_space<vmem>>) semaphore(%arg7 : memref<!tpu.dma_semaphore, #tpu.memory_space<semaphore_mem>>)
      %dma_wait3A_26 = arith.constant 0 : i32
      %dma_wait3A_27 = arith.constant 0 : i32
      %dma_wait3A_28 = tpu.memref_slice %arg5[%dma_wait3A_26, %dma_wait3A_27] : memref<1x128xi32, #tpu.memory_space<vmem>> -> memref<1x128xi32, #tpu.memory_space<vmem>>
      %dma_wait3A_29 = tpu.memref_squeeze %dma_wait3A_28 : memref<1x128xi32, #tpu.memory_space<vmem>> -> memref<128xi32, #tpu.memory_space<vmem>>
      %dma_wait3A_30 = arith.constant 0 : i32
      %dma_wait3A_31 = arith.constant 0 : i32
      %dma_wait3A_32 = tpu.memref_slice %arg2[%dma_wait3A_30, %dma_wait3A_31] : memref<4096x512xf32, #tpu.memory_space<hbm>> -> memref<4096x512xf32, #tpu.memory_space<hbm>>
      tpu.wait_indirect_dma semaphore(%arg7 : memref<!tpu.dma_semaphore, #tpu.memory_space<semaphore_mem>>) src(%dma_wait3A_32 : memref<4096x512xf32, #tpu.memory_space<hbm>>) dst(%arg6 : memref<128x512xf32, #tpu.memory_space<vmem>>)
      %mul3A_33 = arith.constant 128 : i32
      %mul3A_34 = arith.muli %add3A_7, %mul3A_33 : i32
      %dma_start3A_35 = arith.constant 0 : i32
      %dma_start3A_36 = tpu.memref_slice %arg4[%mul3A_34, %dma_start3A_35] : memref<2048x512xf32, #tpu.memory_space<hbm>> -> memref<128x512xf32, #tpu.memory_space<hbm>>
      %dma_start3A_37 = arith.constant 0 : i32
      %dma_start3A_38 = tpu.memref_slice %arg4[%mul3A_34, %dma_start3A_37] : memref<2048x512xf32, #tpu.memory_space<hbm>> -> memref<128x512xf32, #tpu.memory_space<hbm>>
      tpu.enqueue_dma source(%arg6 : memref<128x512xf32, #tpu.memory_space<vmem>>) target(%dma_start3A_38 : memref<128x512xf32, #tpu.memory_space<hbm>>) target_semaphore(%arg7 : memref<!tpu.dma_semaphore, #tpu.memory_space<semaphore_mem>>)
      %dma_wait3A_39 = arith.constant 0 : i32
      %dma_wait3A_40 = tpu.memref_slice %arg4[%mul3A_34, %dma_wait3A_39] : memref<2048x512xf32, #tpu.memory_space<hbm>> -> memref<128x512xf32, #tpu.memory_space<hbm>>
      %dma_wait3A_41 = arith.constant 0 : i32
      %dma_wait3A_42 = tpu.memref_slice %arg4[%mul3A_34, %dma_wait3A_41] : memref<2048x512xf32, #tpu.memory_space<hbm>> -> memref<128x512xf32, #tpu.memory_space<hbm>>
      tpu.wait_dma2 semaphore(%arg7 : memref<!tpu.dma_semaphore, #tpu.memory_space<semaphore_mem>>) src(%arg6 : memref<128x512xf32, #tpu.memory_space<vmem>>) dst(%dma_wait3A_42 : memref<128x512xf32, #tpu.memory_space<hbm>>)
    } else {
    }
    %scan3A_10 = arith.constant 1 : i32
    return
  }
}

#map = affine_map<(d0, d1) -> (0, 0)>
module attributes {stable_mosaic.version = 14 : i64} {
  func.func @k(%arg0: i32, %arg1: i32, %arg2: memref<2048x512xf32, #tpu.memory_space<hbm>>, %arg3: memref<1x2048xi32, #tpu.memory_space<hbm>>, %arg4: memref<4096x512xf32, #tpu.memory_space<hbm>>, %arg5: memref<1x128xi32, #tpu.memory_space<vmem>>, %arg6: memref<128x512xf32, #tpu.memory_space<vmem>>, %arg7: memref<!tpu.dma_semaphore, #tpu.memory_space<semaphore_mem>>) attributes {dimension_semantics = [#tpu.dimension_semantics<core_parallel>, #tpu.dimension_semantics<subcore_parallel>], iteration_bounds = array<i64: 2, 16>, scalar_prefetch = 0 : i64, scratch_operands = 3 : i64, tpu.core_type = #tpu.core_type<sc_vector_subcore>, window_params = [{transform_indices = #map}, {transform_indices = #map}, {transform_indices = #map}]} {
    %mul3A = arith.constant 16 : i32
    %mul3A_0 = arith.muli %arg0, %mul3A : i32
    %add3A = arith.addi %mul3A_0, %arg1 : i32
    %scan3A = arith.constant 0 : i32
    %mul3A_1 = arith.constant 1 : i32
    %mul3A_2 = arith.muli %scan3A, %mul3A_1 : i32
    %add3A_3 = arith.constant 0 : i32
    %add3A_4 = arith.addi %add3A_3, %mul3A_2 : i32
    %mul3A_5 = arith.constant 32 : i32
    %mul3A_6 = arith.muli %add3A_4, %mul3A_5 : i32
    %add3A_7 = arith.addi %add3A, %mul3A_6 : i32
    %lt3A = arith.constant 16 : i32
    %lt3A_8 = arith.cmpi slt, %add3A_7, %lt3A : i32
    %convert_element_type3A = arith.extui %lt3A_8 : i1 to i32
    %cond3A = arith.constant 0 : i32
    %cond3A_9 = arith.cmpi ne, %convert_element_type3A, %cond3A : i32
    scf.if %cond3A_9 {
      %mul3A_11 = arith.constant 128 : i32
      %mul3A_12 = arith.muli %add3A_7, %mul3A_11 : i32
      %dma_start3A = arith.constant 0 : i32
      %dma_start3A_13 = tpu.memref_slice %arg3[%dma_start3A, %mul3A_12] : memref<1x2048xi32, #tpu.memory_space<hbm>> -> memref<1x128xi32, #tpu.memory_space<hbm>>
      %dma_start3A_14 = arith.constant 0 : i32
      %dma_start3A_15 = tpu.memref_slice %arg3[%dma_start3A_14, %mul3A_12] : memref<1x2048xi32, #tpu.memory_space<hbm>> -> memref<1x128xi32, #tpu.memory_space<hbm>>
      tpu.enqueue_dma source(%dma_start3A_15 : memref<1x128xi32, #tpu.memory_space<hbm>>) target(%arg5 : memref<1x128xi32, #tpu.memory_space<vmem>>) target_semaphore(%arg7 : memref<!tpu.dma_semaphore, #tpu.memory_space<semaphore_mem>>)
      %dma_wait3A = arith.constant 0 : i32
      %dma_wait3A_16 = tpu.memref_slice %arg3[%dma_wait3A, %mul3A_12] : memref<1x2048xi32, #tpu.memory_space<hbm>> -> memref<1x128xi32, #tpu.memory_space<hbm>>
      %dma_wait3A_17 = arith.constant 0 : i32
      %dma_wait3A_18 = tpu.memref_slice %arg3[%dma_wait3A_17, %mul3A_12] : memref<1x2048xi32, #tpu.memory_space<hbm>> -> memref<1x128xi32, #tpu.memory_space<hbm>>
      tpu.wait_dma2 semaphore(%arg7 : memref<!tpu.dma_semaphore, #tpu.memory_space<semaphore_mem>>) src(%dma_wait3A_18 : memref<1x128xi32, #tpu.memory_space<hbm>>) dst(%arg5 : memref<1x128xi32, #tpu.memory_space<vmem>>)
      %mul3A_19 = arith.constant 128 : i32
      %mul3A_20 = arith.muli %add3A_7, %mul3A_19 : i32
      %dma_start3A_21 = arith.constant 0 : i32
      %dma_start3A_22 = tpu.memref_slice %arg2[%mul3A_20, %dma_start3A_21] : memref<2048x512xf32, #tpu.memory_space<hbm>> -> memref<128x512xf32, #tpu.memory_space<hbm>>
      %dma_start3A_23 = arith.constant 0 : i32
      %dma_start3A_24 = tpu.memref_slice %arg2[%mul3A_20, %dma_start3A_23] : memref<2048x512xf32, #tpu.memory_space<hbm>> -> memref<128x512xf32, #tpu.memory_space<hbm>>
      tpu.enqueue_dma source(%dma_start3A_24 : memref<128x512xf32, #tpu.memory_space<hbm>>) target(%arg6 : memref<128x512xf32, #tpu.memory_space<vmem>>) target_semaphore(%arg7 : memref<!tpu.dma_semaphore, #tpu.memory_space<semaphore_mem>>)
      %dma_wait3A_25 = arith.constant 0 : i32
      %dma_wait3A_26 = tpu.memref_slice %arg2[%mul3A_20, %dma_wait3A_25] : memref<2048x512xf32, #tpu.memory_space<hbm>> -> memref<128x512xf32, #tpu.memory_space<hbm>>
      %dma_wait3A_27 = arith.constant 0 : i32
      %dma_wait3A_28 = tpu.memref_slice %arg2[%mul3A_20, %dma_wait3A_27] : memref<2048x512xf32, #tpu.memory_space<hbm>> -> memref<128x512xf32, #tpu.memory_space<hbm>>
      tpu.wait_dma2 semaphore(%arg7 : memref<!tpu.dma_semaphore, #tpu.memory_space<semaphore_mem>>) src(%dma_wait3A_28 : memref<128x512xf32, #tpu.memory_space<hbm>>) dst(%arg6 : memref<128x512xf32, #tpu.memory_space<vmem>>)
      %dma_start3A_29 = arith.constant 0 : i32
      %dma_start3A_30 = arith.constant 0 : i32
      %dma_start3A_31 = tpu.memref_slice %arg5[%dma_start3A_29, %dma_start3A_30] : memref<1x128xi32, #tpu.memory_space<vmem>> -> memref<1x128xi32, #tpu.memory_space<vmem>>
      %dma_start3A_32 = tpu.memref_squeeze %dma_start3A_31 : memref<1x128xi32, #tpu.memory_space<vmem>> -> memref<128xi32, #tpu.memory_space<vmem>>
      %dma_start3A_33 = arith.constant 0 : i32
      %dma_start3A_34 = arith.constant 0 : i32
      %dma_start3A_35 = tpu.memref_slice %arg4[%dma_start3A_33, %dma_start3A_34] : memref<4096x512xf32, #tpu.memory_space<hbm>> -> memref<4096x512xf32, #tpu.memory_space<hbm>>
      tpu.enqueue_indirect_dma source(%arg6 : memref<128x512xf32, #tpu.memory_space<vmem>>) target(%dma_start3A_35 : memref<4096x512xf32, #tpu.memory_space<hbm>>) offsets(%dma_start3A_32 : memref<128xi32, #tpu.memory_space<vmem>>) semaphore(%arg7 : memref<!tpu.dma_semaphore, #tpu.memory_space<semaphore_mem>>)
      %dma_wait3A_36 = arith.constant 0 : i32
      %dma_wait3A_37 = arith.constant 0 : i32
      %dma_wait3A_38 = tpu.memref_slice %arg5[%dma_wait3A_36, %dma_wait3A_37] : memref<1x128xi32, #tpu.memory_space<vmem>> -> memref<1x128xi32, #tpu.memory_space<vmem>>
      %dma_wait3A_39 = tpu.memref_squeeze %dma_wait3A_38 : memref<1x128xi32, #tpu.memory_space<vmem>> -> memref<128xi32, #tpu.memory_space<vmem>>
      %dma_wait3A_40 = arith.constant 0 : i32
      %dma_wait3A_41 = arith.constant 0 : i32
      %dma_wait3A_42 = tpu.memref_slice %arg4[%dma_wait3A_40, %dma_wait3A_41] : memref<4096x512xf32, #tpu.memory_space<hbm>> -> memref<4096x512xf32, #tpu.memory_space<hbm>>
      tpu.wait_indirect_dma semaphore(%arg7 : memref<!tpu.dma_semaphore, #tpu.memory_space<semaphore_mem>>) src(%arg6 : memref<128x512xf32, #tpu.memory_space<vmem>>) dst(%dma_wait3A_42 : memref<4096x512xf32, #tpu.memory_space<hbm>>)
    } else {
    }
    %scan3A_10 = arith.constant 1 : i32
    return
  }
}

#map = affine_map<(d0, d1) -> (0, 0)>
module attributes {stable_mosaic.version = 14 : i64} {
  func.func @k(%arg0: i32, %arg1: i32, %arg2: memref<4096x512xf32, #tpu.memory_space<hbm>>, %arg3: memref<1x2048xi32, #tpu.memory_space<hbm>>, %arg4: memref<2048x512xf32, #tpu.memory_space<hbm>>, %arg5: memref<1x128xi32, #tpu.memory_space<vmem>>, %arg6: memref<128x512xf32, #tpu.memory_space<vmem>>, %arg7: memref<!tpu.dma_semaphore, #tpu.memory_space<semaphore_mem>>) attributes {dimension_semantics = [#tpu.dimension_semantics<core_parallel>, #tpu.dimension_semantics<subcore_parallel>], iteration_bounds = array<i64: 2, 16>, scalar_prefetch = 0 : i64, scratch_operands = 3 : i64, tpu.core_type = #tpu.core_type<sc_vector_subcore>, window_params = [{transform_indices = #map}, {transform_indices = #map}, {transform_indices = #map}]} {
    %mul3A = arith.constant 16 : i32
    %mul3A_0 = arith.muli %arg0, %mul3A : i32
    %add3A = arith.addi %mul3A_0, %arg1 : i32
    %scan3A = arith.constant 0 : i32
    %mul3A_1 = arith.constant 1 : i32
    %mul3A_2 = arith.muli %scan3A, %mul3A_1 : i32
    %add3A_3 = arith.constant 0 : i32
    %add3A_4 = arith.addi %add3A_3, %mul3A_2 : i32
    %mul3A_5 = arith.constant 32 : i32
    %mul3A_6 = arith.muli %add3A_4, %mul3A_5 : i32
    %add3A_7 = arith.addi %add3A, %mul3A_6 : i32
    %lt3A = arith.constant 16 : i32
    %lt3A_8 = arith.cmpi slt, %add3A_7, %lt3A : i32
    %convert_element_type3A = arith.extui %lt3A_8 : i1 to i32
    %cond3A = arith.constant 0 : i32
    %cond3A_9 = arith.cmpi ne, %convert_element_type3A, %cond3A : i32
    scf.if %cond3A_9 {
      %mul3A_11 = arith.constant 128 : i32
      %mul3A_12 = arith.muli %add3A_7, %mul3A_11 : i32
      %dma_start3A = arith.constant 0 : i32
      %dma_start3A_13 = tpu.memref_slice %arg3[%dma_start3A, %mul3A_12] : memref<1x2048xi32, #tpu.memory_space<hbm>> -> memref<1x128xi32, #tpu.memory_space<hbm>>
      %dma_start3A_14 = arith.constant 0 : i32
      %dma_start3A_15 = tpu.memref_slice %arg3[%dma_start3A_14, %mul3A_12] : memref<1x2048xi32, #tpu.memory_space<hbm>> -> memref<1x128xi32, #tpu.memory_space<hbm>>
      tpu.enqueue_dma source(%dma_start3A_15 : memref<1x128xi32, #tpu.memory_space<hbm>>) target(%arg5 : memref<1x128xi32, #tpu.memory_space<vmem>>) target_semaphore(%arg7 : memref<!tpu.dma_semaphore, #tpu.memory_space<semaphore_mem>>)
      %dma_wait3A = arith.constant 0 : i32
      %dma_wait3A_16 = tpu.memref_slice %arg3[%dma_wait3A, %mul3A_12] : memref<1x2048xi32, #tpu.memory_space<hbm>> -> memref<1x128xi32, #tpu.memory_space<hbm>>
      %dma_wait3A_17 = arith.constant 0 : i32
      %dma_wait3A_18 = tpu.memref_slice %arg3[%dma_wait3A_17, %mul3A_12] : memref<1x2048xi32, #tpu.memory_space<hbm>> -> memref<1x128xi32, #tpu.memory_space<hbm>>
      tpu.wait_dma2 semaphore(%arg7 : memref<!tpu.dma_semaphore, #tpu.memory_space<semaphore_mem>>) src(%dma_wait3A_18 : memref<1x128xi32, #tpu.memory_space<hbm>>) dst(%arg5 : memref<1x128xi32, #tpu.memory_space<vmem>>)
      %dma_start3A_19 = arith.constant 0 : i32
      %dma_start3A_20 = arith.constant 0 : i32
      %dma_start3A_21 = tpu.memref_slice %arg5[%dma_start3A_19, %dma_start3A_20] : memref<1x128xi32, #tpu.memory_space<vmem>> -> memref<1x128xi32, #tpu.memory_space<vmem>>
      %dma_start3A_22 = tpu.memref_squeeze %dma_start3A_21 : memref<1x128xi32, #tpu.memory_space<vmem>> -> memref<128xi32, #tpu.memory_space<vmem>>
      %dma_start3A_23 = arith.constant 0 : i32
      %dma_start3A_24 = arith.constant 0 : i32
      %dma_start3A_25 = tpu.memref_slice %arg2[%dma_start3A_23, %dma_start3A_24] : memref<4096x512xf32, #tpu.memory_space<hbm>> -> memref<4096x512xf32, #tpu.memory_space<hbm>>
      tpu.enqueue_indirect_dma source(%dma_start3A_25 : memref<4096x512xf32, #tpu.memory_space<hbm>>) target(%arg6 : memref<128x512xf32, #tpu.memory_space<vmem>>) offsets(%dma_start3A_22 : memref<128xi32, #tpu.memory_space<vmem>>) semaphore(%arg7 : memref<!tpu.dma_semaphore, #tpu.memory_space<semaphore_mem>>)
      %dma_wait3A_26 = arith.constant 0 : i32
      %dma_wait3A_27 = arith.constant 0 : i32
      %dma_wait3A_28 = tpu.memref_slice %arg5[%dma_wait3A_26, %dma_wait3A_27] : memref<1x128xi32, #tpu.memory_space<vmem>> -> memref<1x128xi32, #tpu.memory_space<vmem>>
      %dma_wait3A_29 = tpu.memref_squeeze %dma_wait3A_28 : memref<1x128xi32, #tpu.memory_space<vmem>> -> memref<128xi32, #tpu.memory_space<vmem>>
      %dma_wait3A_30 = arith.constant 0 : i32
      %dma_wait3A_31 = arith.constant 0 : i32
      %dma_wait3A_32 = tpu.memref_slice %arg2[%dma_wait3A_30, %dma_wait3A_31] : memref<4096x512xf32, #tpu.memory_space<hbm>> -> memref<4096x512xf32, #tpu.memory_space<hbm>>
      tpu.wait_indirect_dma semaphore(%arg7 : memref<!tpu.dma_semaphore, #tpu.memory_space<semaphore_mem>>) src(%dma_wait3A_32 : memref<4096x512xf32, #tpu.memory_space<hbm>>) dst(%arg6 : memref<128x512xf32, #tpu.memory_space<vmem>>)
      %mul3A_33 = arith.constant 128 : i32
      %mul3A_34 = arith.muli %add3A_7, %mul3A_33 : i32
      %dma_start3A_35 = arith.constant 0 : i32
      %dma_start3A_36 = tpu.memref_slice %arg4[%mul3A_34, %dma_start3A_35] : memref<2048x512xf32, #tpu.memory_space<hbm>> -> memref<128x512xf32, #tpu.memory_space<hbm>>
      %dma_start3A_37 = arith.constant 0 : i32
      %dma_start3A_38 = tpu.memref_slice %arg4[%mul3A_34, %dma_start3A_37] : memref<2048x512xf32, #tpu.memory_space<hbm>> -> memref<128x512xf32, #tpu.memory_space<hbm>>
      tpu.enqueue_dma source(%arg6 : memref<128x512xf32, #tpu.memory_space<vmem>>) target(%dma_start3A_38 : memref<128x512xf32, #tpu.memory_space<hbm>>) target_semaphore(%arg7 : memref<!tpu.dma_semaphore, #tpu.memory_space<semaphore_mem>>)
      %dma_wait3A_39 = arith.constant 0 : i32
      %dma_wait3A_40 = tpu.memref_slice %arg4[%mul3A_34, %dma_wait3A_39] : memref<2048x512xf32, #tpu.memory_space<hbm>> -> memref<128x512xf32, #tpu.memory_space<hbm>>
      %dma_wait3A_41 = arith.constant 0 : i32
      %dma_wait3A_42 = tpu.memref_slice %arg4[%mul3A_34, %dma_wait3A_41] : memref<2048x512xf32, #tpu.memory_space<hbm>> -> memref<128x512xf32, #tpu.memory_space<hbm>>
      tpu.wait_dma2 semaphore(%arg7 : memref<!tpu.dma_semaphore, #tpu.memory_space<semaphore_mem>>) src(%arg6 : memref<128x512xf32, #tpu.memory_space<vmem>>) dst(%dma_wait3A_42 : memref<128x512xf32, #tpu.memory_space<hbm>>)
    } else {
    }
    %scan3A_10 = arith.constant 1 : i32
    return
  }
}

#map = affine_map<(d0, d1) -> (0, 0)>
module attributes {stable_mosaic.version = 14 : i64} {
  func.func @k(%arg0: i32, %arg1: i32, %arg2: memref<2048x512xf32, #tpu.memory_space<hbm>>, %arg3: memref<1x2048xi32, #tpu.memory_space<hbm>>, %arg4: memref<4096x512xf32, #tpu.memory_space<hbm>>, %arg5: memref<1x128xi32, #tpu.memory_space<vmem>>, %arg6: memref<128x512xf32, #tpu.memory_space<vmem>>, %arg7: memref<!tpu.dma_semaphore, #tpu.memory_space<semaphore_mem>>) attributes {dimension_semantics = [#tpu.dimension_semantics<core_parallel>, #tpu.dimension_semantics<subcore_parallel>], iteration_bounds = array<i64: 2, 16>, scalar_prefetch = 0 : i64, scratch_operands = 3 : i64, tpu.core_type = #tpu.core_type<sc_vector_subcore>, window_params = [{transform_indices = #map}, {transform_indices = #map}, {transform_indices = #map}]} {
    %mul3A = arith.constant 16 : i32
    %mul3A_0 = arith.muli %arg0, %mul3A : i32
    %add3A = arith.addi %mul3A_0, %arg1 : i32
    %scan3A = arith.constant 0 : i32
    %mul3A_1 = arith.constant 1 : i32
    %mul3A_2 = arith.muli %scan3A, %mul3A_1 : i32
    %add3A_3 = arith.constant 0 : i32
    %add3A_4 = arith.addi %add3A_3, %mul3A_2 : i32
    %mul3A_5 = arith.constant 32 : i32
    %mul3A_6 = arith.muli %add3A_4, %mul3A_5 : i32
    %add3A_7 = arith.addi %add3A, %mul3A_6 : i32
    %lt3A = arith.constant 16 : i32
    %lt3A_8 = arith.cmpi slt, %add3A_7, %lt3A : i32
    %convert_element_type3A = arith.extui %lt3A_8 : i1 to i32
    %cond3A = arith.constant 0 : i32
    %cond3A_9 = arith.cmpi ne, %convert_element_type3A, %cond3A : i32
    scf.if %cond3A_9 {
      %mul3A_11 = arith.constant 128 : i32
      %mul3A_12 = arith.muli %add3A_7, %mul3A_11 : i32
      %dma_start3A = arith.constant 0 : i32
      %dma_start3A_13 = tpu.memref_slice %arg3[%dma_start3A, %mul3A_12] : memref<1x2048xi32, #tpu.memory_space<hbm>> -> memref<1x128xi32, #tpu.memory_space<hbm>>
      %dma_start3A_14 = arith.constant 0 : i32
      %dma_start3A_15 = tpu.memref_slice %arg3[%dma_start3A_14, %mul3A_12] : memref<1x2048xi32, #tpu.memory_space<hbm>> -> memref<1x128xi32, #tpu.memory_space<hbm>>
      tpu.enqueue_dma source(%dma_start3A_15 : memref<1x128xi32, #tpu.memory_space<hbm>>) target(%arg5 : memref<1x128xi32, #tpu.memory_space<vmem>>) target_semaphore(%arg7 : memref<!tpu.dma_semaphore, #tpu.memory_space<semaphore_mem>>)
      %dma_wait3A = arith.constant 0 : i32
      %dma_wait3A_16 = tpu.memref_slice %arg3[%dma_wait3A, %mul3A_12] : memref<1x2048xi32, #tpu.memory_space<hbm>> -> memref<1x128xi32, #tpu.memory_space<hbm>>
      %dma_wait3A_17 = arith.constant 0 : i32
      %dma_wait3A_18 = tpu.memref_slice %arg3[%dma_wait3A_17, %mul3A_12] : memref<1x2048xi32, #tpu.memory_space<hbm>> -> memref<1x128xi32, #tpu.memory_space<hbm>>
      tpu.wait_dma2 semaphore(%arg7 : memref<!tpu.dma_semaphore, #tpu.memory_space<semaphore_mem>>) src(%dma_wait3A_18 : memref<1x128xi32, #tpu.memory_space<hbm>>) dst(%arg5 : memref<1x128xi32, #tpu.memory_space<vmem>>)
      %mul3A_19 = arith.constant 128 : i32
      %mul3A_20 = arith.muli %add3A_7, %mul3A_19 : i32
      %dma_start3A_21 = arith.constant 0 : i32
      %dma_start3A_22 = tpu.memref_slice %arg2[%mul3A_20, %dma_start3A_21] : memref<2048x512xf32, #tpu.memory_space<hbm>> -> memref<128x512xf32, #tpu.memory_space<hbm>>
      %dma_start3A_23 = arith.constant 0 : i32
      %dma_start3A_24 = tpu.memref_slice %arg2[%mul3A_20, %dma_start3A_23] : memref<2048x512xf32, #tpu.memory_space<hbm>> -> memref<128x512xf32, #tpu.memory_space<hbm>>
      tpu.enqueue_dma source(%dma_start3A_24 : memref<128x512xf32, #tpu.memory_space<hbm>>) target(%arg6 : memref<128x512xf32, #tpu.memory_space<vmem>>) target_semaphore(%arg7 : memref<!tpu.dma_semaphore, #tpu.memory_space<semaphore_mem>>)
      %dma_wait3A_25 = arith.constant 0 : i32
      %dma_wait3A_26 = tpu.memref_slice %arg2[%mul3A_20, %dma_wait3A_25] : memref<2048x512xf32, #tpu.memory_space<hbm>> -> memref<128x512xf32, #tpu.memory_space<hbm>>
      %dma_wait3A_27 = arith.constant 0 : i32
      %dma_wait3A_28 = tpu.memref_slice %arg2[%mul3A_20, %dma_wait3A_27] : memref<2048x512xf32, #tpu.memory_space<hbm>> -> memref<128x512xf32, #tpu.memory_space<hbm>>
      tpu.wait_dma2 semaphore(%arg7 : memref<!tpu.dma_semaphore, #tpu.memory_space<semaphore_mem>>) src(%dma_wait3A_28 : memref<128x512xf32, #tpu.memory_space<hbm>>) dst(%arg6 : memref<128x512xf32, #tpu.memory_space<vmem>>)
      %dma_start3A_29 = arith.constant 0 : i32
      %dma_start3A_30 = arith.constant 0 : i32
      %dma_start3A_31 = tpu.memref_slice %arg5[%dma_start3A_29, %dma_start3A_30] : memref<1x128xi32, #tpu.memory_space<vmem>> -> memref<1x128xi32, #tpu.memory_space<vmem>>
      %dma_start3A_32 = tpu.memref_squeeze %dma_start3A_31 : memref<1x128xi32, #tpu.memory_space<vmem>> -> memref<128xi32, #tpu.memory_space<vmem>>
      %dma_start3A_33 = arith.constant 0 : i32
      %dma_start3A_34 = arith.constant 0 : i32
      %dma_start3A_35 = tpu.memref_slice %arg4[%dma_start3A_33, %dma_start3A_34] : memref<4096x512xf32, #tpu.memory_space<hbm>> -> memref<4096x512xf32, #tpu.memory_space<hbm>>
      tpu.enqueue_indirect_dma source(%arg6 : memref<128x512xf32, #tpu.memory_space<vmem>>) target(%dma_start3A_35 : memref<4096x512xf32, #tpu.memory_space<hbm>>) offsets(%dma_start3A_32 : memref<128xi32, #tpu.memory_space<vmem>>) semaphore(%arg7 : memref<!tpu.dma_semaphore, #tpu.memory_space<semaphore_mem>>)
      %dma_wait3A_36 = arith.constant 0 : i32
      %dma_wait3A_37 = arith.constant 0 : i32
      %dma_wait3A_38 = tpu.memref_slice %arg5[%dma_wait3A_36, %dma_wait3A_37] : memref<1x128xi32, #tpu.memory_space<vmem>> -> memref<1x128xi32, #tpu.memory_space<vmem>>
      %dma_wait3A_39 = tpu.memref_squeeze %dma_wait3A_38 : memref<1x128xi32, #tpu.memory_space<vmem>> -> memref<128xi32, #tpu.memory_space<vmem>>
      %dma_wait3A_40 = arith.constant 0 : i32
      %dma_wait3A_41 = arith.constant 0 : i32
      %dma_wait3A_42 = tpu.memref_slice %arg4[%dma_wait3A_40, %dma_wait3A_41] : memref<4096x512xf32, #tpu.memory_space<hbm>> -> memref<4096x512xf32, #tpu.memory_space<hbm>>
      tpu.wait_indirect_dma semaphore(%arg7 : memref<!tpu.dma_semaphore, #tpu.memory_space<semaphore_mem>>) src(%arg6 : memref<128x512xf32, #tpu.memory_space<vmem>>) dst(%dma_wait3A_42 : memref<4096x512xf32, #tpu.memory_space<hbm>>)
    } else {
    }
    %scan3A_10 = arith.constant 1 : i32
    return
  }
}

#map = affine_map<(d0, d1) -> (0, 0)>
module attributes {stable_mosaic.version = 14 : i64} {
  func.func @k(%arg0: i32, %arg1: i32, %arg2: memref<4096x512xf32, #tpu.memory_space<hbm>>, %arg3: memref<1x2048xi32, #tpu.memory_space<hbm>>, %arg4: memref<2048x512xf32, #tpu.memory_space<hbm>>, %arg5: memref<1x128xi32, #tpu.memory_space<vmem>>, %arg6: memref<128x512xf32, #tpu.memory_space<vmem>>, %arg7: memref<!tpu.dma_semaphore, #tpu.memory_space<semaphore_mem>>) attributes {dimension_semantics = [#tpu.dimension_semantics<core_parallel>, #tpu.dimension_semantics<subcore_parallel>], iteration_bounds = array<i64: 2, 16>, scalar_prefetch = 0 : i64, scratch_operands = 3 : i64, tpu.core_type = #tpu.core_type<sc_vector_subcore>, window_params = [{transform_indices = #map}, {transform_indices = #map}, {transform_indices = #map}]} {
    %mul3A = arith.constant 16 : i32
    %mul3A_0 = arith.muli %arg0, %mul3A : i32
    %add3A = arith.addi %mul3A_0, %arg1 : i32
    %scan3A = arith.constant 0 : i32
    %mul3A_1 = arith.constant 1 : i32
    %mul3A_2 = arith.muli %scan3A, %mul3A_1 : i32
    %add3A_3 = arith.constant 0 : i32
    %add3A_4 = arith.addi %add3A_3, %mul3A_2 : i32
    %mul3A_5 = arith.constant 32 : i32
    %mul3A_6 = arith.muli %add3A_4, %mul3A_5 : i32
    %add3A_7 = arith.addi %add3A, %mul3A_6 : i32
    %lt3A = arith.constant 16 : i32
    %lt3A_8 = arith.cmpi slt, %add3A_7, %lt3A : i32
    %convert_element_type3A = arith.extui %lt3A_8 : i1 to i32
    %cond3A = arith.constant 0 : i32
    %cond3A_9 = arith.cmpi ne, %convert_element_type3A, %cond3A : i32
    scf.if %cond3A_9 {
      %mul3A_11 = arith.constant 128 : i32
      %mul3A_12 = arith.muli %add3A_7, %mul3A_11 : i32
      %dma_start3A = arith.constant 0 : i32
      %dma_start3A_13 = tpu.memref_slice %arg3[%dma_start3A, %mul3A_12] : memref<1x2048xi32, #tpu.memory_space<hbm>> -> memref<1x128xi32, #tpu.memory_space<hbm>>
      %dma_start3A_14 = arith.constant 0 : i32
      %dma_start3A_15 = tpu.memref_slice %arg3[%dma_start3A_14, %mul3A_12] : memref<1x2048xi32, #tpu.memory_space<hbm>> -> memref<1x128xi32, #tpu.memory_space<hbm>>
      tpu.enqueue_dma source(%dma_start3A_15 : memref<1x128xi32, #tpu.memory_space<hbm>>) target(%arg5 : memref<1x128xi32, #tpu.memory_space<vmem>>) target_semaphore(%arg7 : memref<!tpu.dma_semaphore, #tpu.memory_space<semaphore_mem>>)
      %dma_wait3A = arith.constant 0 : i32
      %dma_wait3A_16 = tpu.memref_slice %arg3[%dma_wait3A, %mul3A_12] : memref<1x2048xi32, #tpu.memory_space<hbm>> -> memref<1x128xi32, #tpu.memory_space<hbm>>
      %dma_wait3A_17 = arith.constant 0 : i32
      %dma_wait3A_18 = tpu.memref_slice %arg3[%dma_wait3A_17, %mul3A_12] : memref<1x2048xi32, #tpu.memory_space<hbm>> -> memref<1x128xi32, #tpu.memory_space<hbm>>
      tpu.wait_dma2 semaphore(%arg7 : memref<!tpu.dma_semaphore, #tpu.memory_space<semaphore_mem>>) src(%dma_wait3A_18 : memref<1x128xi32, #tpu.memory_space<hbm>>) dst(%arg5 : memref<1x128xi32, #tpu.memory_space<vmem>>)
      %dma_start3A_19 = arith.constant 0 : i32
      %dma_start3A_20 = arith.constant 0 : i32
      %dma_start3A_21 = tpu.memref_slice %arg5[%dma_start3A_19, %dma_start3A_20] : memref<1x128xi32, #tpu.memory_space<vmem>> -> memref<1x128xi32, #tpu.memory_space<vmem>>
      %dma_start3A_22 = tpu.memref_squeeze %dma_start3A_21 : memref<1x128xi32, #tpu.memory_space<vmem>> -> memref<128xi32, #tpu.memory_space<vmem>>
      %dma_start3A_23 = arith.constant 0 : i32
      %dma_start3A_24 = arith.constant 0 : i32
      %dma_start3A_25 = tpu.memref_slice %arg2[%dma_start3A_23, %dma_start3A_24] : memref<4096x512xf32, #tpu.memory_space<hbm>> -> memref<4096x512xf32, #tpu.memory_space<hbm>>
      tpu.enqueue_indirect_dma source(%dma_start3A_25 : memref<4096x512xf32, #tpu.memory_space<hbm>>) target(%arg6 : memref<128x512xf32, #tpu.memory_space<vmem>>) offsets(%dma_start3A_22 : memref<128xi32, #tpu.memory_space<vmem>>) semaphore(%arg7 : memref<!tpu.dma_semaphore, #tpu.memory_space<semaphore_mem>>)
      %dma_wait3A_26 = arith.constant 0 : i32
      %dma_wait3A_27 = arith.constant 0 : i32
      %dma_wait3A_28 = tpu.memref_slice %arg5[%dma_wait3A_26, %dma_wait3A_27] : memref<1x128xi32, #tpu.memory_space<vmem>> -> memref<1x128xi32, #tpu.memory_space<vmem>>
      %dma_wait3A_29 = tpu.memref_squeeze %dma_wait3A_28 : memref<1x128xi32, #tpu.memory_space<vmem>> -> memref<128xi32, #tpu.memory_space<vmem>>
      %dma_wait3A_30 = arith.constant 0 : i32
      %dma_wait3A_31 = arith.constant 0 : i32
      %dma_wait3A_32 = tpu.memref_slice %arg2[%dma_wait3A_30, %dma_wait3A_31] : memref<4096x512xf32, #tpu.memory_space<hbm>> -> memref<4096x512xf32, #tpu.memory_space<hbm>>
      tpu.wait_indirect_dma semaphore(%arg7 : memref<!tpu.dma_semaphore, #tpu.memory_space<semaphore_mem>>) src(%dma_wait3A_32 : memref<4096x512xf32, #tpu.memory_space<hbm>>) dst(%arg6 : memref<128x512xf32, #tpu.memory_space<vmem>>)
      %mul3A_33 = arith.constant 128 : i32
      %mul3A_34 = arith.muli %add3A_7, %mul3A_33 : i32
      %dma_start3A_35 = arith.constant 0 : i32
      %dma_start3A_36 = tpu.memref_slice %arg4[%mul3A_34, %dma_start3A_35] : memref<2048x512xf32, #tpu.memory_space<hbm>> -> memref<128x512xf32, #tpu.memory_space<hbm>>
      %dma_start3A_37 = arith.constant 0 : i32
      %dma_start3A_38 = tpu.memref_slice %arg4[%mul3A_34, %dma_start3A_37] : memref<2048x512xf32, #tpu.memory_space<hbm>> -> memref<128x512xf32, #tpu.memory_space<hbm>>
      tpu.enqueue_dma source(%arg6 : memref<128x512xf32, #tpu.memory_space<vmem>>) target(%dma_start3A_38 : memref<128x512xf32, #tpu.memory_space<hbm>>) target_semaphore(%arg7 : memref<!tpu.dma_semaphore, #tpu.memory_space<semaphore_mem>>)
      %dma_wait3A_39 = arith.constant 0 : i32
      %dma_wait3A_40 = tpu.memref_slice %arg4[%mul3A_34, %dma_wait3A_39] : memref<2048x512xf32, #tpu.memory_space<hbm>> -> memref<128x512xf32, #tpu.memory_space<hbm>>
      %dma_wait3A_41 = arith.constant 0 : i32
      %dma_wait3A_42 = tpu.memref_slice %arg4[%mul3A_34, %dma_wait3A_41] : memref<2048x512xf32, #tpu.memory_space<hbm>> -> memref<128x512xf32, #tpu.memory_space<hbm>>
      tpu.wait_dma2 semaphore(%arg7 : memref<!tpu.dma_semaphore, #tpu.memory_space<semaphore_mem>>) src(%arg6 : memref<128x512xf32, #tpu.memory_space<vmem>>) dst(%dma_wait3A_42 : memref<128x512xf32, #tpu.memory_space<hbm>>)
    } else {
    }
    %scan3A_10 = arith.constant 1 : i32
    return
  }
}

module attributes {stable_mosaic.version = 14 : i64} {
  func.func @_mm_body(%arg0: i32, %arg1: memref<256x512xf32, #tpu.memory_space<vmem>>, %arg2: memref<1536x512xf32, #tpu.memory_space<vmem>>, %arg3: memref<1x1536xf32, #tpu.memory_space<vmem>>, %arg4: memref<256x1536xf32, #tpu.memory_space<vmem>>) attributes {dimension_semantics = [#tpu.dimension_semantics<arbitrary>], iteration_bounds = array<i64: 8>, scalar_prefetch = 0 : i64, scratch_operands = 0 : i64, tpu.core_type = #tpu.core_type<tc>, window_params = [{transform_indices = @transform_0, window_bounds = array<i64: 256, 512>}, {pipeline_mode = #tpu.pipeline_mode<synchronous>, transform_indices = @transform_1, window_bounds = array<i64: 1536, 512>}, {pipeline_mode = #tpu.pipeline_mode<synchronous>, transform_indices = @transform_2, window_bounds = array<i64: 1, 1536>}, {transform_indices = @transform_3, window_bounds = array<i64: 256, 1536>}]} {
    %get3A = arith.constant 0 : index
    %get3A_0 = arith.constant 0 : index
    %get3A_1 = vector.load %arg1[%get3A, %get3A_0] : memref<256x512xf32, #tpu.memory_space<vmem>>, vector<256x512xf32>
    %get3A_2 = arith.constant 0 : index
    %get3A_3 = arith.constant 0 : index
    %get3A_4 = vector.load %arg2[%get3A_2, %get3A_3] : memref<1536x512xf32, #tpu.memory_space<vmem>>, vector<1536x512xf32>
    %dot_general3A = arith.constant dense<0.000000e+00> : vector<256x1536xf32>
    %dot_general3A_5 = tpu.matmul %get3A_1, %get3A_4, %dot_general3A {dimension_numbers = #tpu.dot_dimension_numbers<[1], [1], [0], [0], [0, 0, 1, 0], [], []>, transpose_lhs_hint = false} : vector<256x512xf32>, vector<1536x512xf32>, vector<256x1536xf32> -> vector<256x1536xf32>
    %get3A_6 = arith.constant 0 : index
    %get3A_7 = arith.constant 0 : index
    %get3A_8 = vector.load %arg3[%get3A_6, %get3A_7] : memref<1x1536xf32, #tpu.memory_space<vmem>>, vector<1x1536xf32>
    %add3A = vector.broadcast %get3A_8 : vector<1x1536xf32> to vector<256x1536xf32>
    %add3A_9 = arith.addf %dot_general3A_5, %add3A : vector<256x1536xf32>
    %swap3A = arith.constant 0 : index
    %swap3A_10 = arith.constant 0 : index
    %swap3A_11 = vector.load %arg4[%swap3A, %swap3A_10] : memref<256x1536xf32, #tpu.memory_space<vmem>>, vector<256x1536xf32>
    tpu.vector_store %arg4[%swap3A, %swap3A_10], %add3A_9 {strides = array<i32>} : memref<256x1536xf32, #tpu.memory_space<vmem>>, vector<256x1536xf32>,
    return
  }
  func.func @transform_0(%arg0: i32) -> (i32, i32) {
    %c0_i32 = arith.constant 0 : i32
    %c0_i32_0 = arith.constant 0 : i32
    return %arg0, %c0_i32 : i32, i32
  }
  func.func @transform_1(%arg0: i32) -> (i32, i32) {
    %c0_i32 = arith.constant 0 : i32
    %c0_i32_0 = arith.constant 0 : i32
    %c0_i32_1 = arith.constant 0 : i32
    return %c0_i32, %c0_i32_0 : i32, i32
  }
  func.func @transform_2(%arg0: i32) -> (i32, i32) {
    %c0_i32 = arith.constant 0 : i32
    %c0_i32_0 = arith.constant 0 : i32
    %c0_i32_1 = arith.constant 0 : i32
    return %c0_i32, %c0_i32_0 : i32, i32
  }
  func.func @transform_3(%arg0: i32) -> (i32, i32) {
    %c0_i32 = arith.constant 0 : i32
    %c0_i32_0 = arith.constant 0 : i32
    return %arg0, %c0_i32 : i32, i32
  }
}

module attributes {stable_mosaic.version = 14 : i64} {
  func.func @_k2_body(%arg0: i32, %arg1: i32, %arg2: memref<1x512x64xf32, #tpu.memory_space<vmem>>, %arg3: memref<1x2048x64xf32, #tpu.memory_space<vmem>>, %arg4: memref<1x512x2048xf32, #tpu.memory_space<vmem>>) attributes {dimension_semantics = [#tpu.dimension_semantics<arbitrary>, #tpu.dimension_semantics<arbitrary>], iteration_bounds = array<i64: 8, 4>, scalar_prefetch = 0 : i64, scratch_operands = 0 : i64, tpu.core_type = #tpu.core_type<tc>, window_params = [{transform_indices = @transform_0, window_bounds = array<i64: 1, 512, 64>}, {transform_indices = @transform_1, window_bounds = array<i64: 1, 2048, 64>}, {transform_indices = @transform_2, window_bounds = array<i64: 1, 512, 2048>}]} {
    %get3A = arith.constant 0 : index
    %get3A_0 = arith.constant 0 : index
    %get3A_1 = arith.constant 0 : index
    %get3A_2 = vector.load %arg2[%get3A, %get3A_0, %get3A_1] : memref<1x512x64xf32, #tpu.memory_space<vmem>>, vector<1x512x64xf32>
    %get3A_3 = vector.shape_cast %get3A_2 : vector<1x512x64xf32> to vector<512x64xf32>
    %get3A_4 = arith.constant 0 : index
    %get3A_5 = arith.constant 0 : index
    %get3A_6 = arith.constant 0 : index
    %get3A_7 = vector.load %arg3[%get3A_4, %get3A_5, %get3A_6] : memref<1x2048x64xf32, #tpu.memory_space<vmem>>, vector<1x2048x64xf32>
    %get3A_8 = vector.shape_cast %get3A_7 : vector<1x2048x64xf32> to vector<2048x64xf32>
    %dot_general3A = arith.constant dense<0.000000e+00> : vector<512x2048xf32>
    %dot_general3A_9 = tpu.matmul %get3A_3, %get3A_8, %dot_general3A {dimension_numbers = #tpu.dot_dimension_numbers<[1], [1], [0], [0], [0, 0, 1, 0], [], []>, transpose_lhs_hint = false} : vector<512x64xf32>, vector<2048x64xf32>, vector<512x2048xf32> -> vector<512x2048xf32>
    %div3A = arith.constant 8.000000e+00 : f32
    %div3A_10 = vector.broadcast %div3A : f32 to vector<512x2048xf32>
    %div3A_11 = arith.divf %dot_general3A_9, %div3A_10 : vector<512x2048xf32>
    %swap3A = arith.constant 0 : index
    %swap3A_12 = arith.constant 0 : index
    %swap3A_13 = arith.constant 0 : index
    %swap3A_14 = vector.load %arg4[%swap3A, %swap3A_12, %swap3A_13] : memref<1x512x2048xf32, #tpu.memory_space<vmem>>, vector<1x512x2048xf32>
    %swap3A_15 = vector.shape_cast %swap3A_14 : vector<1x512x2048xf32> to vector<512x2048xf32>
    %swap3A_16 = vector.shape_cast %div3A_11 : vector<512x2048xf32> to vector<1x512x2048xf32>
    tpu.vector_store %arg4[%swap3A, %swap3A_12, %swap3A_13], %swap3A_16 {strides = array<i32>} : memref<1x512x2048xf32, #tpu.memory_space<vmem>>, vector<1x512x2048xf32>,
    return
  }
  func.func @transform_0(%arg0: i32, %arg1: i32) -> (i32, i32, i32) {
    %c0_i32 = arith.constant 0 : i32
    %c0_i32_0 = arith.constant 0 : i32
    return %arg0, %arg1, %c0_i32 : i32, i32, i32
  }
  func.func @transform_1(%arg0: i32, %arg1: i32) -> (i32, i32, i32) {
    %c0_i32 = arith.constant 0 : i32
    %c0_i32_0 = arith.constant 0 : i32
    %c0_i32_1 = arith.constant 0 : i32
    return %arg0, %c0_i32, %c0_i32_0 : i32, i32, i32
  }
  func.func @transform_2(%arg0: i32, %arg1: i32) -> (i32, i32, i32) {
    %c0_i32 = arith.constant 0 : i32
    %c0_i32_0 = arith.constant 0 : i32
    return %arg0, %arg1, %c0_i32 : i32, i32, i32
  }
}

module {
  func.func @main(%arg0: i32, %arg1: i32, %arg2: i32, %arg3: memref<1x1024x1024xf32, #tpu.memory_space<vmem>>, %arg4: memref<1x1024x64xf32, #tpu.memory_space<vmem>>, %arg5: memref<1x1024x64xf32, #tpu.memory_space<vmem>>, %arg6: memref<1x1024x1xf32, #tpu.memory_space<vmem>>, %arg7: memref<1x1024x1xf32, #tpu.memory_space<vmem>>) attributes {dimension_semantics = [#tpu.dimension_semantics<parallel>, #tpu.dimension_semantics<parallel>, #tpu.dimension_semantics<arbitrary>], iteration_bounds = array<i64: 8, 2, 2>, scratch_operands = 2 : i64, window_params = [{transform_indices = @qk_fn, window_bounds = array<i64: 1, 1024, 1024>}, {transform_indices = @v_fn, window_bounds = array<i64: 1, 1024, 64>}, {transform_indices = @oi_fn, window_bounds = array<i64: 1, 1024, 64>}]} {
    %c0 = arith.constant 0 : index
    %c0_i32 = arith.constant 0 : i32
    %0 = arith.cmpi eq, %c0_i32, %arg2 : i32
    scf.if %0 {
      %cst_3 = arith.constant dense<0.000000e+00> : vector<1x1024x64xf32>
      vector.store %cst_3, %arg5[%c0, %c0, %c0] : memref<1x1024x64xf32, #tpu.memory_space<vmem>>, vector<1x1024x64xf32>
      %cst_4 = arith.constant dense<0xFF800000> : vector<1x1024x1xf32>
      vector.store %cst_4, %arg6[%c0, %c0, %c0] : memref<1x1024x1xf32, #tpu.memory_space<vmem>>, vector<1x1024x1xf32>
      %cst_5 = arith.constant dense<0.000000e+00> : vector<1x1024x1xf32>
      vector.store %cst_5, %arg7[%c0, %c0, %c0] : memref<1x1024x1xf32, #tpu.memory_space<vmem>>, vector<1x1024x1xf32>
    }
    %1 = vector.load %arg3[%c0, %c0, %c0] : memref<1x1024x1024xf32, #tpu.memory_space<vmem>>, vector<1x1024x1024xf32>
    %cst = arith.constant dense<0xFF800000> : vector<1x1024xf32>
    %2 = vector.multi_reduction <maximumf>, %1, %cst [2] : vector<1x1024x1024xf32> to vector<1x1024xf32>
    %3 = vector.shape_cast %2 : vector<1x1024xf32> to vector<1x1024x1xf32>
    %4 = vector.load %arg6[%c0, %c0, %c0] : memref<1x1024x1xf32, #tpu.memory_space<vmem>>, vector<1x1024x1xf32>
    %5 = arith.maximumf %4, %3 : vector<1x1024x1xf32>
    %cst_0 = arith.constant dense<0.000000e+00> : vector<1x1024x1xf32>
    %6 = arith.cmpf oeq, %4, %5 : vector<1x1024x1xf32>
    %7 = arith.subf %4, %5 : vector<1x1024x1xf32>
    %8 = arith.select %6, %cst_0, %7 : vector<1x1024x1xi1>, vector<1x1024x1xf32>
    %9 = vector.broadcast %5 : vector<1x1024x1xf32> to vector<1x1024x1024xf32>
    %10 = arith.subf %1, %9 : vector<1x1024x1024xf32>
    %11 = math.exp %10 : vector<1x1024x1024xf32>
    %cst_1 = arith.constant dense<0.000000e+00> : vector<1x1024xf32>
    %12 = vector.multi_reduction <add>, %11, %cst_1 [2] : vector<1x1024x1024xf32> to vector<1x1024xf32>
    %13 = vector.shape_cast %12 : vector<1x1024xf32> to vector<1x1024x1xf32>
    %14 = vector.load %arg7[%c0, %c0, %c0] : memref<1x1024x1xf32, #tpu.memory_space<vmem>>, vector<1x1024x1xf32>
    %15 = math.exp %8 : vector<1x1024x1xf32>
    %16 = arith.mulf %15, %14 : vector<1x1024x1xf32>
    %17 = arith.addf %16, %13 : vector<1x1024x1xf32>
    %18 = vector.load %arg5[%c0, %c0, %c0] : memref<1x1024x64xf32, #tpu.memory_space<vmem>>, vector<1x1024x64xf32>
    %19 = math.exp %8 : vector<1x1024x1xf32>
    %20 = arith.mulf %19, %14 : vector<1x1024x1xf32>
    %21 = vector.broadcast %20 : vector<1x1024x1xf32> to vector<1x1024x64xf32>
    %22 = arith.mulf %21, %18 : vector<1x1024x64xf32>
    %23 = vector.load %arg4[%c0, %c0, %c0] : memref<1x1024x64xf32, #tpu.memory_space<vmem>>, vector<1x1024x64xf32>
    %24 = vector.shape_cast %23 : vector<1x1024x64xf32> to vector<1024x64xf32>
    %25 = vector.shape_cast %11 : vector<1x1024x1024xf32> to vector<1024x1024xf32>
    %26 = vector.shape_cast %22 : vector<1x1024x64xf32> to vector<1024x64xf32>
    %27 = tpu.matmul %25, %24, %26 {dimension_numbers = #tpu.dot_dimension_numbers<[1], [0], [0], [1], [0, 0, 1, 1], [], []>, precision = #tpu.contract_precision<bf16>, transpose_lhs_hint = false} : vector<1024x1024xf32>, vector<1024x64xf32>, vector<1024x64xf32> -> vector<1024x64xf32>
    %28 = vector.shape_cast %27 : vector<1024x64xf32> to vector<1x1024x64xf32>
    %cst_2 = arith.constant dense<1.000000e+00> : vector<1x1024x1xf32>
    %29 = arith.divf %cst_2, %17 : vector<1x1024x1xf32>
    %30 = vector.broadcast %29 : vector<1x1024x1xf32> to vector<1x1024x64xf32>
    %31 = arith.mulf %28, %30 : vector<1x1024x64xf32>
    %32 = vector.shape_cast %31 : vector<1x1024x64xf32> to vector<1x1024x64xf32>
    vector.store %32, %arg5[%c0, %c0, %c0] : memref<1x1024x64xf32, #tpu.memory_space<vmem>>, vector<1x1024x64xf32>
    vector.store %5, %arg6[%c0, %c0, %c0] : memref<1x1024x1xf32, #tpu.memory_space<vmem>>, vector<1x1024x1xf32>
    vector.store %17, %arg7[%c0, %c0, %c0] : memref<1x1024x1xf32, #tpu.memory_space<vmem>>, vector<1x1024x1xf32>
    return
  }
  func.func @qk_fn(%arg0: i32, %arg1: i32, %arg2: i32) -> (i32, i32, i32) {
    return %arg0, %arg1, %arg2 : i32, i32, i32
  }
  func.func @v_fn(%arg0: i32, %arg1: i32, %arg2: i32) -> (i32, i32, i32) {
    %c0_i32 = arith.constant 0 : i32
    return %arg0, %arg2, %c0_i32 : i32, i32, i32
  }
  func.func @oi_fn(%arg0: i32, %arg1: i32, %arg2: i32) -> (i32, i32, i32) {
    %c0_i32 = arith.constant 0 : i32
    return %arg0, %arg1, %c0_i32 : i32, i32, i32
  }
}

module attributes {stable_mosaic.version = 14 : i64} {
  func.func @_mm_nb_body(%arg0: i32, %arg1: memref<256x512xf32, #tpu.memory_space<vmem>>, %arg2: memref<512x512xf32, #tpu.memory_space<vmem>>, %arg3: memref<256x512xf32, #tpu.memory_space<vmem>>) attributes {dimension_semantics = [#tpu.dimension_semantics<arbitrary>], iteration_bounds = array<i64: 8>, scalar_prefetch = 0 : i64, scratch_operands = 0 : i64, tpu.core_type = #tpu.core_type<tc>, window_params = [{transform_indices = @transform_0, window_bounds = array<i64: 256, 512>}, {pipeline_mode = #tpu.pipeline_mode<synchronous>, transform_indices = @transform_1, window_bounds = array<i64: 512, 512>}, {transform_indices = @transform_2, window_bounds = array<i64: 256, 512>}]} {
    %get3A = arith.constant 0 : index
    %get3A_0 = arith.constant 0 : index
    %get3A_1 = vector.load %arg1[%get3A, %get3A_0] : memref<256x512xf32, #tpu.memory_space<vmem>>, vector<256x512xf32>
    %get3A_2 = arith.constant 0 : index
    %get3A_3 = arith.constant 0 : index
    %get3A_4 = vector.load %arg2[%get3A_2, %get3A_3] : memref<512x512xf32, #tpu.memory_space<vmem>>, vector<512x512xf32>
    %dot_general3A = arith.constant dense<0.000000e+00> : vector<256x512xf32>
    %dot_general3A_5 = tpu.matmul %get3A_1, %get3A_4, %dot_general3A {dimension_numbers = #tpu.dot_dimension_numbers<[1], [1], [0], [0], [0, 0, 1, 0], [], []>, transpose_lhs_hint = false} : vector<256x512xf32>, vector<512x512xf32>, vector<256x512xf32> -> vector<256x512xf32>
    %swap3A = arith.constant 0 : index
    %swap3A_6 = arith.constant 0 : index
    %swap3A_7 = vector.load %arg3[%swap3A, %swap3A_6] : memref<256x512xf32, #tpu.memory_space<vmem>>, vector<256x512xf32>
    tpu.vector_store %arg3[%swap3A, %swap3A_6], %dot_general3A_5 {strides = array<i32>} : memref<256x512xf32, #tpu.memory_space<vmem>>, vector<256x512xf32>,
    return
  }
  func.func @transform_0(%arg0: i32) -> (i32, i32) {
    %c0_i32 = arith.constant 0 : i32
    %c0_i32_0 = arith.constant 0 : i32
    return %arg0, %c0_i32 : i32, i32
  }
  func.func @transform_1(%arg0: i32) -> (i32, i32) {
    %c0_i32 = arith.constant 0 : i32
    %c0_i32_0 = arith.constant 0 : i32
    %c0_i32_1 = arith.constant 0 : i32
    return %c0_i32, %c0_i32_0 : i32, i32
  }
  func.func @transform_2(%arg0: i32) -> (i32, i32) {
    %c0_i32 = arith.constant 0 : i32
    %c0_i32_0 = arith.constant 0 : i32
    return %arg0, %c0_i32 : i32, i32
  }
}

module attributes {stable_mosaic.version = 14 : i64} {
  func.func @_mm_nb_body(%arg0: i32, %arg1: memref<256x512xf32, #tpu.memory_space<vmem>>, %arg2: memref<8x512xf32, #tpu.memory_space<vmem>>, %arg3: memref<256x8xf32, #tpu.memory_space<vmem>>) attributes {dimension_semantics = [#tpu.dimension_semantics<arbitrary>], iteration_bounds = array<i64: 8>, scalar_prefetch = 0 : i64, scratch_operands = 0 : i64, tpu.core_type = #tpu.core_type<tc>, window_params = [{transform_indices = @transform_0, window_bounds = array<i64: 256, 512>}, {pipeline_mode = #tpu.pipeline_mode<synchronous>, transform_indices = @transform_1, window_bounds = array<i64: 8, 512>}, {transform_indices = @transform_2, window_bounds = array<i64: 256, 8>}]} {
    %get3A = arith.constant 0 : index
    %get3A_0 = arith.constant 0 : index
    %get3A_1 = vector.load %arg1[%get3A, %get3A_0] : memref<256x512xf32, #tpu.memory_space<vmem>>, vector<256x512xf32>
    %get3A_2 = arith.constant 0 : index
    %get3A_3 = arith.constant 0 : index
    %get3A_4 = vector.load %arg2[%get3A_2, %get3A_3] : memref<8x512xf32, #tpu.memory_space<vmem>>, vector<8x512xf32>
    %dot_general3A = arith.constant dense<0.000000e+00> : vector<256x8xf32>
    %dot_general3A_5 = tpu.matmul %get3A_1, %get3A_4, %dot_general3A {dimension_numbers = #tpu.dot_dimension_numbers<[1], [1], [0], [0], [0, 0, 1, 0], [], []>, transpose_lhs_hint = false} : vector<256x512xf32>, vector<8x512xf32>, vector<256x8xf32> -> vector<256x8xf32>
    %swap3A = arith.constant 0 : index
    %swap3A_6 = arith.constant 0 : index
    %swap3A_7 = vector.load %arg3[%swap3A, %swap3A_6] : memref<256x8xf32, #tpu.memory_space<vmem>>, vector<256x8xf32>
    tpu.vector_store %arg3[%swap3A, %swap3A_6], %dot_general3A_5 {strides = array<i32>} : memref<256x8xf32, #tpu.memory_space<vmem>>, vector<256x8xf32>,
    return
  }
  func.func @transform_0(%arg0: i32) -> (i32, i32) {
    %c0_i32 = arith.constant 0 : i32
    %c0_i32_0 = arith.constant 0 : i32
    return %arg0, %c0_i32 : i32, i32
  }
  func.func @transform_1(%arg0: i32) -> (i32, i32) {
    %c0_i32 = arith.constant 0 : i32
    %c0_i32_0 = arith.constant 0 : i32
    %c0_i32_1 = arith.constant 0 : i32
    return %c0_i32, %c0_i32_0 : i32, i32
  }
  func.func @transform_2(%arg0: i32) -> (i32, i32) {
    %c0_i32 = arith.constant 0 : i32
    %c0_i32_0 = arith.constant 0 : i32
    return %arg0, %c0_i32 : i32, i32
  }
}

module attributes {stable_mosaic.version = 14 : i64} {
  func.func @_k4a_body(%arg0: i32, %arg1: memref<256x8xf32, #tpu.memory_space<vmem>>, %arg2: memref<256x1xf32, #tpu.memory_space<vmem>>, %arg3: memref<256x1xf32, #tpu.memory_space<vmem>>, %arg4: memref<256x1xi32, #tpu.memory_space<vmem>>, %arg5: memref<1x8xf32, #tpu.memory_space<vmem>>, %arg6: memref<1x8xf32, #tpu.memory_space<vmem>>, %arg7: memref<1x8xf32, #tpu.memory_space<vmem>>, %arg8: memref<1x8xf32, #tpu.memory_space<vmem>>) attributes {dimension_semantics = [#tpu.dimension_semantics<arbitrary>], iteration_bounds = array<i64: 8>, scalar_prefetch = 0 : i64, scratch_operands = 2 : i64, tpu.core_type = #tpu.core_type<tc>, window_params = [{transform_indices = @transform_0, window_bounds = array<i64: 256, 8>}, {transform_indices = @transform_1, window_bounds = array<i64: 256, 1>}, {transform_indices = @transform_2, window_bounds = array<i64: 256, 1>}, {transform_indices = @transform_3, window_bounds = array<i64: 256, 1>}, {pipeline_mode = #tpu.pipeline_mode<synchronous>, transform_indices = @transform_4, window_bounds = array<i64: 1, 8>}, {pipeline_mode = #tpu.pipeline_mode<synchronous>, transform_indices = @transform_5, window_bounds = array<i64: 1, 8>}]} {
    %eq3A = arith.constant 0 : i32
    %eq3A_0 = arith.cmpi eq, %arg0, %eq3A : i32
    %convert_element_type3A = arith.extui %eq3A_0 : i1 to i32
    %cond3A = arith.constant 0 : i32
    %cond3A_1 = arith.cmpi ne, %convert_element_type3A, %cond3A : i32
    scf.if %cond3A_1 {
      %broadcast_in_dim3A_69 = arith.constant 0.000000e+00 : f32
      %broadcast_in_dim3A_70 = vector.broadcast %broadcast_in_dim3A_69 : f32 to vector<1x8xf32>
      %swap3A_71 = arith.constant 0 : index
      %swap3A_72 = arith.constant 0 : index
      %swap3A_73 = vector.load %arg7[%swap3A_71, %swap3A_72] : memref<1x8xf32, #tpu.memory_space<vmem>>, vector<1x8xf32>
      tpu.vector_store %arg7[%swap3A_71, %swap3A_72], %broadcast_in_dim3A_70 {strides = array<i32>} : memref<1x8xf32, #tpu.memory_space<vmem>>, vector<1x8xf32>,
      %broadcast_in_dim3A_74 = arith.constant 0.000000e+00 : f32
      %broadcast_in_dim3A_75 = vector.broadcast %broadcast_in_dim3A_74 : f32 to vector<1x8xf32>
      %swap3A_76 = arith.constant 0 : index
      %swap3A_77 = arith.constant 0 : index
      %swap3A_78 = vector.load %arg8[%swap3A_76, %swap3A_77] : memref<1x8xf32, #tpu.memory_space<vmem>>, vector<1x8xf32>
      tpu.vector_store %arg8[%swap3A_76, %swap3A_77], %broadcast_in_dim3A_75 {strides = array<i32>} : memref<1x8xf32, #tpu.memory_space<vmem>>, vector<1x8xf32>,
    } else {
    }
    %get3A = arith.constant 0 : index
    %get3A_2 = arith.constant 0 : index
    %get3A_3 = vector.load %arg1[%get3A, %get3A_2] : memref<256x8xf32, #tpu.memory_space<vmem>>, vector<256x8xf32>
    %reduce_max3A = arith.constant dense<0xFF800000> : vector<256xf32>
    %reduce_max3A_4 = vector.multi_reduction <maximumf>, %get3A_3, %reduce_max3A [1] : vector<256x8xf32> to vector<256xf32>
    %broadcast_in_dim3A = vector.shape_cast %reduce_max3A_4 : vector<256xf32> to vector<256x1xf32>
    %iota3A = tpu.iota {dimensions = array<i32: 1>} : vector<256x8xi32>
    %eq3A_5 = vector.broadcast %broadcast_in_dim3A : vector<256x1xf32> to vector<256x8xf32>
    %eq3A_6 = arith.cmpf oeq, %get3A_3, %eq3A_5 : vector<256x8xf32>
    %jit3A = arith.constant 8 : i32
    %broadcast_in_dim3A_7 = vector.broadcast %jit3A : i32 to vector<256x8xi32>
    %select_n3A = arith.select %eq3A_6, %iota3A, %broadcast_in_dim3A_7 : vector<256x8xi1>, vector<256x8xi32>
    %reduce_min3A = arith.constant dense<2147483647> : vector<256xi32>
    %reduce_min3A_8 = vector.multi_reduction <minsi>, %select_n3A, %reduce_min3A [1] : vector<256x8xi32> to vector<256xi32>
    %broadcast_in_dim3A_9 = vector.shape_cast %reduce_min3A_8 : vector<256xi32> to vector<256x1xi32>
    %eq3A_10 = vector.broadcast %broadcast_in_dim3A_9 : vector<256x1xi32> to vector<256x8xi32>
    %eq3A_11 = arith.cmpi eq, %iota3A, %eq3A_10 : vector<256x8xi32>
    %convert_element_type3A_12 = arith.extui %eq3A_11 : vector<256x8xi1> to vector<256x8xi32>
    %convert_element_type3A_13 = arith.sitofp %convert_element_type3A_12 : vector<256x8xi32> to vector<256x8xf32>
    %add3A = arith.constant 9.99999993E-9 : f32
    %add3A_14 = vector.broadcast %add3A : f32 to vector<256x1xf32>
    %add3A_15 = arith.addf %broadcast_in_dim3A, %add3A_14 : vector<256x1xf32>
    %div3A = arith.divf %broadcast_in_dim3A, %add3A_15 : vector<256x1xf32>
    %swap3A = arith.constant 0 : index
    %swap3A_16 = arith.constant 0 : index
    %swap3A_17 = vector.load %arg2[%swap3A, %swap3A_16] : memref<256x1xf32, #tpu.memory_space<vmem>>, vector<256x1xf32>
    tpu.vector_store %arg2[%swap3A, %swap3A_16], %div3A {strides = array<i32>} : memref<256x1xf32, #tpu.memory_space<vmem>>, vector<256x1xf32>,
    %broadcast_in_dim3A_18 = vector.shape_cast %reduce_min3A_8 : vector<256xi32> to vector<256x1xi32>
    %swap3A_19 = arith.constant 0 : index
    %swap3A_20 = arith.constant 0 : index
    %swap3A_21 = vector.load %arg4[%swap3A_19, %swap3A_20] : memref<256x1xi32, #tpu.memory_space<vmem>>, vector<256x1xi32>
    tpu.vector_store %arg4[%swap3A_19, %swap3A_20], %broadcast_in_dim3A_18 {strides = array<i32>} : memref<256x1xi32, #tpu.memory_space<vmem>>, vector<256x1xi32>,
    %iota3A_22 = tpu.iota {dimensions = array<i32: 0>} : vector<256x256xi32>
    %iota3A_23 = tpu.iota {dimensions = array<i32: 1>} : vector<256x256xi32>
    %lt3A = arith.cmpi slt, %iota3A_23, %iota3A_22 : vector<256x256xi32>
    %convert_element_type3A_24 = arith.extui %lt3A : vector<256x256xi1> to vector<256x256xi32>
    %convert_element_type3A_25 = arith.sitofp %convert_element_type3A_24 : vector<256x256xi32> to vector<256x256xf32>
    %dot_general3A = arith.constant dense<0.000000e+00> : vector<256x8xf32>
    %dot_general3A_26 = tpu.matmul %convert_element_type3A_25, %convert_element_type3A_13, %dot_general3A {dimension_numbers = #tpu.dot_dimension_numbers<[1], [0], [0], [1], [0, 0, 1, 1], [], []>, transpose_lhs_hint = false} : vector<256x256xf32>, vector<256x8xf32>, vector<256x8xf32> -> vector<256x8xf32>
    %get3A_27 = arith.constant 0 : index
    %get3A_28 = arith.constant 0 : index
    %get3A_29 = vector.load %arg7[%get3A_27, %get3A_28] : memref<1x8xf32, #tpu.memory_space<vmem>>, vector<1x8xf32>
    %add3A_30 = vector.broadcast %get3A_29 : vector<1x8xf32> to vector<256x8xf32>
    %add3A_31 = arith.addf %dot_general3A_26, %add3A_30 : vector<256x8xf32>
    %mul3A = arith.mulf %add3A_31, %convert_element_type3A_13 : vector<256x8xf32>
    %reduce_sum3A = arith.constant dense<0.000000e+00> : vector<256xf32>
    %reduce_sum3A_32 = vector.multi_reduction <add>, %mul3A, %reduce_sum3A [1] : vector<256x8xf32> to vector<256xf32>
    %broadcast_in_dim3A_33 = vector.shape_cast %reduce_sum3A_32 : vector<256xf32> to vector<256x1xf32>
    %swap3A_34 = arith.constant 0 : index
    %swap3A_35 = arith.constant 0 : index
    %swap3A_36 = vector.load %arg3[%swap3A_34, %swap3A_35] : memref<256x1xf32, #tpu.memory_space<vmem>>, vector<256x1xf32>
    tpu.vector_store %arg3[%swap3A_34, %swap3A_35], %broadcast_in_dim3A_33 {strides = array<i32>} : memref<256x1xf32, #tpu.memory_space<vmem>>, vector<256x1xf32>,
    %get3A_37 = arith.constant 0 : index
    %get3A_38 = arith.constant 0 : index
    %get3A_39 = vector.load %arg7[%get3A_37, %get3A_38] : memref<1x8xf32, #tpu.memory_space<vmem>>, vector<1x8xf32>
    %reduce_sum3A_40 = arith.constant dense<0.000000e+00> : vector<8xf32>
    %reduce_sum3A_41 = vector.multi_reduction <add>, %convert_element_type3A_13, %reduce_sum3A_40 [0] : vector<256x8xf32> to vector<8xf32>
    %broadcast_in_dim3A_42 = vector.shape_cast %reduce_sum3A_41 : vector<8xf32> to vector<1x8xf32>
    %add3A_43 = arith.addf %get3A_39, %broadcast_in_dim3A_42 : vector<1x8xf32>
    %swap3A_44 = arith.constant 0 : index
    %swap3A_45 = arith.constant 0 : index
    %swap3A_46 = vector.load %arg7[%swap3A_44, %swap3A_45] : memref<1x8xf32, #tpu.memory_space<vmem>>, vector<1x8xf32>
    tpu.vector_store %arg7[%swap3A_44, %swap3A_45], %add3A_43 {strides = array<i32>} : memref<1x8xf32, #tpu.memory_space<vmem>>, vector<1x8xf32>,
    %get3A_47 = arith.constant 0 : index
    %get3A_48 = arith.constant 0 : index
    %get3A_49 = vector.load %arg8[%get3A_47, %get3A_48] : memref<1x8xf32, #tpu.memory_space<vmem>>, vector<1x8xf32>
    %reduce_sum3A_50 = arith.constant dense<0.000000e+00> : vector<8xf32>
    %reduce_sum3A_51 = vector.multi_reduction <add>, %get3A_3, %reduce_sum3A_50 [0] : vector<256x8xf32> to vector<8xf32>
    %broadcast_in_dim3A_52 = vector.shape_cast %reduce_sum3A_51 : vector<8xf32> to vector<1x8xf32>
    %add3A_53 = arith.addf %get3A_49, %broadcast_in_dim3A_52 : vector<1x8xf32>
    %swap3A_54 = arith.constant 0 : index
    %swap3A_55 = arith.constant 0 : index
    %swap3A_56 = vector.load %arg8[%swap3A_54, %swap3A_55] : memref<1x8xf32, #tpu.memory_space<vmem>>, vector<1x8xf32>
    tpu.vector_store %arg8[%swap3A_54, %swap3A_55], %add3A_53 {strides = array<i32>} : memref<1x8xf32, #tpu.memory_space<vmem>>, vector<1x8xf32>,
    %get3A_57 = arith.constant 0 : index
    %get3A_58 = arith.constant 0 : index
    %get3A_59 = vector.load %arg7[%get3A_57, %get3A_58] : memref<1x8xf32, #tpu.memory_space<vmem>>, vector<1x8xf32>
    %swap3A_60 = arith.constant 0 : index
    %swap3A_61 = arith.constant 0 : index
    %swap3A_62 = vector.load %arg5[%swap3A_60, %swap3A_61] : memref<1x8xf32, #tpu.memory_space<vmem>>, vector<1x8xf32>
    tpu.vector_store %arg5[%swap3A_60, %swap3A_61], %get3A_59 {strides = array<i32>} : memref<1x8xf32, #tpu.memory_space<vmem>>, vector<1x8xf32>,
    %get3A_63 = arith.constant 0 : index
    %get3A_64 = arith.constant 0 : index
    %get3A_65 = vector.load %arg8[%get3A_63, %get3A_64] : memref<1x8xf32, #tpu.memory_space<vmem>>, vector<1x8xf32>
    %swap3A_66 = arith.constant 0 : index
    %swap3A_67 = arith.constant 0 : index
    %swap3A_68 = vector.load %arg6[%swap3A_66, %swap3A_67] : memref<1x8xf32, #tpu.memory_space<vmem>>, vector<1x8xf32>
    tpu.vector_store %arg6[%swap3A_66, %swap3A_67], %get3A_65 {strides = array<i32>} : memref<1x8xf32, #tpu.memory_space<vmem>>, vector<1x8xf32>,
    return
  }
  func.func @transform_0(%arg0: i32) -> (i32, i32) {
    %c0_i32 = arith.constant 0 : i32
    %c0_i32_0 = arith.constant 0 : i32
    return %arg0, %c0_i32 : i32, i32
  }
  func.func @transform_1(%arg0: i32) -> (i32, i32) {
    %c0_i32 = arith.constant 0 : i32
    %c0_i32_0 = arith.constant 0 : i32
    return %arg0, %c0_i32 : i32, i32
  }
  func.func @transform_2(%arg0: i32) -> (i32, i32) {
    %c0_i32 = arith.constant 0 : i32
    %c0_i32_0 = arith.constant 0 : i32
    return %arg0, %c0_i32 : i32, i32
  }
  func.func @transform_3(%arg0: i32) -> (i32, i32) {
    %c0_i32 = arith.constant 0 : i32
    %c0_i32_0 = arith.constant 0 : i32
    return %arg0, %c0_i32 : i32, i32
  }
  func.func @transform_4(%arg0: i32) -> (i32, i32) {
    %c0_i32 = arith.constant 0 : i32
    %c0_i32_0 = arith.constant 0 : i32
    %c0_i32_1 = arith.constant 0 : i32
    return %c0_i32, %c0_i32_0 : i32, i32
  }
  func.func @transform_5(%arg0: i32) -> (i32, i32) {
    %c0_i32 = arith.constant 0 : i32
    %c0_i32_0 = arith.constant 0 : i32
    %c0_i32_1 = arith.constant 0 : i32
    return %c0_i32, %c0_i32_0 : i32, i32
  }
}

module attributes {stable_mosaic.version = 14 : i64} {
  func.func @_k4b_body(%arg0: memref<1x8xf32, #tpu.memory_space<vmem>>, %arg1: memref<1x8xf32, #tpu.memory_space<vmem>>, %arg2: memref<2048x1xi32, #tpu.memory_space<vmem>>, %arg3: memref<2048x1xf32, #tpu.memory_space<vmem>>, %arg4: memref<2048x1xi32, #tpu.memory_space<vmem>>, %arg5: memref<16x1xi32, #tpu.memory_space<vmem>>, %arg6: memref<1x1xf32, #tpu.memory_space<vmem>>) attributes {dimension_semantics = [], scalar_prefetch = 0 : i64, scratch_operands = 0 : i64, tpu.core_type = #tpu.core_type<tc>} {
    %get3A = arith.constant 0 : index
    %get3A_0 = arith.constant 0 : index
    %get3A_1 = vector.load %arg0[%get3A, %get3A_0] : memref<1x8xf32, #tpu.memory_space<vmem>>, vector<1x8xf32>
    %div3A = arith.constant 2.560000e+02 : f32
    %div3A_2 = vector.broadcast %div3A : f32 to vector<1x8xf32>
    %div3A_3 = arith.divf %get3A_1, %div3A_2 : vector<1x8xf32>
    %ceil3A = math.ceil %div3A_3 : vector<1x8xf32>
    %mul3A = arith.constant 2.560000e+02 : f32
    %mul3A_4 = vector.broadcast %mul3A : f32 to vector<1x8xf32>
    %mul3A_5 = arith.mulf %ceil3A, %mul3A_4 : vector<1x8xf32>
    %iota3A = tpu.iota {dimensions = array<i32: 0>} : vector<8x8xi32>
    %iota3A_6 = tpu.iota {dimensions = array<i32: 1>} : vector<8x8xi32>
    %le3A = arith.cmpi sle, %iota3A_6, %iota3A : vector<8x8xi32>
    %convert_element_type3A = arith.extui %le3A : vector<8x8xi1> to vector<8x8xi32>
    %convert_element_type3A_7 = arith.sitofp %convert_element_type3A : vector<8x8xi32> to vector<8x8xf32>
    %mul3A_8 = vector.broadcast %mul3A_5 : vector<1x8xf32> to vector<8x8xf32>
    %mul3A_9 = arith.mulf %convert_element_type3A_7, %mul3A_8 : vector<8x8xf32>
    %reduce_sum3A = arith.constant dense<0.000000e+00> : vector<8xf32>
    %reduce_sum3A_10 = vector.multi_reduction <add>, %mul3A_9, %reduce_sum3A [1] : vector<8x8xf32> to vector<8xf32>
    %squeeze3A = vector.shape_cast %mul3A_5 : vector<1x8xf32> to vector<8xf32>
    %sub3A = arith.subf %reduce_sum3A_10, %squeeze3A : vector<8xf32>
    %get3A_11 = arith.constant 0 : index
    %get3A_12 = arith.constant 0 : index
    %get3A_13 = vector.load %arg2[%get3A_11, %get3A_12] : memref<2048x1xi32, #tpu.memory_space<vmem>>, vector<2048x1xi32>
    %squeeze3A_14 = vector.shape_cast %get3A_13 : vector<2048x1xi32> to vector<2048xi32>
    %iota3A_15 = tpu.iota {dimensions = array<i32: 1>} : vector<2048x8xi32>
    %broadcast_in_dim3A = vector.shape_cast %squeeze3A_14 : vector<2048xi32> to vector<2048x1xi32>
    %eq3A = vector.broadcast %broadcast_in_dim3A : vector<2048x1xi32> to vector<2048x8xi32>
    %eq3A_16 = arith.cmpi eq, %iota3A_15, %eq3A : vector<2048x8xi32>
    %convert_element_type3A_17 = arith.extui %eq3A_16 : vector<2048x8xi1> to vector<2048x8xi32>
    %convert_element_type3A_18 = arith.sitofp %convert_element_type3A_17 : vector<2048x8xi32> to vector<2048x8xf32>
    %broadcast_in_dim3A_19 = vector.shape_cast %sub3A : vector<8xf32> to vector<1x8xf32>
    %mul3A_20 = vector.broadcast %broadcast_in_dim3A_19 : vector<1x8xf32> to vector<2048x8xf32>
    %mul3A_21 = arith.mulf %convert_element_type3A_18, %mul3A_20 : vector<2048x8xf32>
    %reduce_sum3A_22 = arith.constant dense<0.000000e+00> : vector<2048xf32>
    %reduce_sum3A_23 = vector.multi_reduction <add>, %mul3A_21, %reduce_sum3A_22 [1] : vector<2048x8xf32> to vector<2048xf32>
    %get3A_24 = arith.constant 0 : index
    %get3A_25 = arith.constant 0 : index
    %get3A_26 = vector.load %arg3[%get3A_24, %get3A_25] : memref<2048x1xf32, #tpu.memory_space<vmem>>, vector<2048x1xf32>
    %squeeze3A_27 = vector.shape_cast %get3A_26 : vector<2048x1xf32> to vector<2048xf32>
    %add3A = arith.addf %reduce_sum3A_23, %squeeze3A_27 : vector<2048xf32>
    %convert_element_type3A_28 = arith.fptosi %add3A : vector<2048xf32> to vector<2048xi32>
    %broadcast_in_dim3A_29 = vector.shape_cast %convert_element_type3A_28 : vector<2048xi32> to vector<2048x1xi32>
    %swap3A = arith.constant 0 : index
    %swap3A_30 = arith.constant 0 : index
    %swap3A_31 = vector.load %arg4[%swap3A, %swap3A_30] : memref<2048x1xi32, #tpu.memory_space<vmem>>, vector<2048x1xi32>
    tpu.vector_store %arg4[%swap3A, %swap3A_30], %broadcast_in_dim3A_29 {strides = array<i32>} : memref<2048x1xi32, #tpu.memory_space<vmem>>, vector<2048x1xi32>,
    %get3A_32 = arith.constant 0 : index
    %get3A_33 = arith.constant 0 : index
    %get3A_34 = vector.load %arg1[%get3A_32, %get3A_33] : memref<1x8xf32, #tpu.memory_space<vmem>>, vector<1x8xf32>
    %div3A_35 = arith.constant 2.048000e+03 : f32
    %div3A_36 = vector.broadcast %div3A_35 : f32 to vector<1x8xf32>
    %div3A_37 = arith.divf %get3A_34, %div3A_36 : vector<1x8xf32>
    %div3A_38 = arith.constant 2.048000e+03 : f32
    %div3A_39 = vector.broadcast %div3A_38 : f32 to vector<1x8xf32>
    %div3A_40 = arith.divf %get3A_1, %div3A_39 : vector<1x8xf32>
    %mul3A_41 = arith.mulf %div3A_37, %div3A_40 : vector<1x8xf32>
    %reduce_sum3A_42 = vector.shape_cast %mul3A_41 : vector<1x8xf32> to vector<1x1x8xf32>
    %reduce_sum3A_43 = arith.constant dense<0.000000e+00> : vector<1xf32>
    %reduce_sum3A_44 = vector.multi_reduction <add>, %reduce_sum3A_42, %reduce_sum3A_43 [1, 2] : vector<1x1x8xf32> to vector<1xf32>
    %reduce_sum3A_45 = vector.shape_cast %reduce_sum3A_44 : vector<1xf32> to vector<1x1x1xf32>
    %reduce_sum3A_46 = vector.extract %reduce_sum3A_45[0, 0, 0] : f32 from vector<1x1x1xf32>
    %mul3A_47 = arith.constant 8.000000e+00 : f32
    %mul3A_48 = arith.mulf %mul3A_47, %reduce_sum3A_46 : f32
    %reshape3A = vector.broadcast %mul3A_48 : f32 to vector<1x1xf32>
    %swap3A_49 = arith.constant 0 : index
    %swap3A_50 = arith.constant 0 : index
    %swap3A_51 = vector.load %arg6[%swap3A_49, %swap3A_50] : memref<1x1xf32, #tpu.memory_space<vmem>>, vector<1x1xf32>
    tpu.vector_store %arg6[%swap3A_49, %swap3A_50], %reshape3A {strides = array<i32>} : memref<1x1xf32, #tpu.memory_space<vmem>>, vector<1x1xf32>,
    %iota3A_52 = tpu.iota {dimensions = array<i32: 0>} : vector<16x8xi32>
    %mul3A_53 = arith.constant 256 : i32
    %mul3A_54 = vector.broadcast %mul3A_53 : i32 to vector<16x8xi32>
    %mul3A_55 = arith.muli %iota3A_52, %mul3A_54 : vector<16x8xi32>
    %convert_element_type3A_56 = arith.sitofp %mul3A_55 : vector<16x8xi32> to vector<16x8xf32>
    %broadcast_in_dim3A_57 = vector.shape_cast %reduce_sum3A_10 : vector<8xf32> to vector<1x8xf32>
    %ge3A = vector.broadcast %broadcast_in_dim3A_57 : vector<1x8xf32> to vector<16x8xf32>
    %ge3A_58 = arith.cmpf oge, %convert_element_type3A_56, %ge3A : vector<16x8xf32>
    %convert_element_type3A_59 = arith.extui %ge3A_58 : vector<16x8xi1> to vector<16x8xi32>
    %reduce_sum3A_60 = arith.constant dense<0> : vector<16xi32>
    %reduce_sum3A_61 = vector.multi_reduction <add>, %convert_element_type3A_59, %reduce_sum3A_60 [1] : vector<16x8xi32> to vector<16xi32>
    %min3A = arith.constant 7 : i32
    %min3A_62 = vector.broadcast %min3A : i32 to vector<16xi32>
    %min3A_63 = arith.minsi %reduce_sum3A_61, %min3A_62 : vector<16xi32>
    %broadcast_in_dim3A_64 = vector.shape_cast %min3A_63 : vector<16xi32> to vector<16x1xi32>
    %swap3A_65 = arith.constant 0 : index
    %swap3A_66 = arith.constant 0 : index
    %swap3A_67 = vector.load %arg5[%swap3A_65, %swap3A_66] : memref<16x1xi32, #tpu.memory_space<vmem>>, vector<16x1xi32>
    tpu.vector_store %arg5[%swap3A_65, %swap3A_66], %broadcast_in_dim3A_64 {strides = array<i32>} : memref<16x1xi32, #tpu.memory_space<vmem>>, vector<16x1xi32>,
    return
  }
}

module attributes {stable_mosaic.version = 14 : i64} {
  func.func @_k5_body(%arg0: i32, %arg1: memref<16xi32, #tpu.memory_space<smem>>, %arg2: memref<256x512xf32, #tpu.memory_space<vmem>>, %arg3: memref<1x2048x512xf32, #tpu.memory_space<vmem>>, %arg4: memref<1x1x2048xf32, #tpu.memory_space<vmem>>, %arg5: memref<1x512x2048xf32, #tpu.memory_space<vmem>>, %arg6: memref<1x1x512xf32, #tpu.memory_space<vmem>>, %arg7: memref<256x512xf32, #tpu.memory_space<vmem>>) attributes {dimension_semantics = [#tpu.dimension_semantics<arbitrary>], iteration_bounds = array<i64: 16>, scalar_prefetch = 1 : i64, scratch_operands = 0 : i64, tpu.core_type = #tpu.core_type<tc>, window_params = [{transform_indices = @transform_0, window_bounds = array<i64: 256, 512>}, {transform_indices = @transform_1, window_bounds = array<i64: 1, 2048, 512>}, {transform_indices = @transform_2, window_bounds = array<i64: 1, 1, 2048>}, {transform_indices = @transform_3, window_bounds = array<i64: 1, 512, 2048>}, {transform_indices = @transform_4, window_bounds = array<i64: 1, 1, 512>}, {transform_indices = @transform_5, window_bounds = array<i64: 256, 512>}]} {
    %get3A = arith.constant 0 : index
    %get3A_0 = arith.constant 0 : index
    %get3A_1 = vector.load %arg2[%get3A, %get3A_0] : memref<256x512xf32, #tpu.memory_space<vmem>>, vector<256x512xf32>
    %get3A_2 = arith.constant 0 : index
    %get3A_3 = arith.constant 0 : index
    %get3A_4 = arith.constant 0 : index
    %get3A_5 = vector.load %arg3[%get3A_2, %get3A_3, %get3A_4] : memref<1x2048x512xf32, #tpu.memory_space<vmem>>, vector<1x2048x512xf32>
    %get3A_6 = vector.shape_cast %get3A_5 : vector<1x2048x512xf32> to vector<2048x512xf32>
    %dot_general3A = arith.constant dense<0.000000e+00> : vector<256x2048xf32>
    %dot_general3A_7 = tpu.matmul %get3A_1, %get3A_6, %dot_general3A {dimension_numbers = #tpu.dot_dimension_numbers<[1], [1], [0], [0], [0, 0, 1, 0], [], []>, transpose_lhs_hint = false} : vector<256x512xf32>, vector<2048x512xf32>, vector<256x2048xf32> -> vector<256x2048xf32>
    %get3A_8 = arith.constant 0 : index
    %get3A_9 = arith.constant 0 : index
    %get3A_10 = arith.constant 0 : index
    %get3A_11 = vector.load %arg4[%get3A_8, %get3A_9, %get3A_10] : memref<1x1x2048xf32, #tpu.memory_space<vmem>>, vector<1x1x2048xf32>
    %get3A_12 = vector.shape_cast %get3A_11 : vector<1x1x2048xf32> to vector<1x2048xf32>
    %add3A = vector.broadcast %get3A_12 : vector<1x2048xf32> to vector<256x2048xf32>
    %add3A_13 = arith.addf %dot_general3A_7, %add3A : vector<256x2048xf32>
    %max3A = arith.constant 0.000000e+00 : f32
    %max3A_14 = vector.broadcast %max3A : f32 to vector<256x2048xf32>
    %max3A_15 = arith.maximumf %add3A_13, %max3A_14 : vector<256x2048xf32>
    %get3A_16 = arith.constant 0 : index
    %get3A_17 = arith.constant 0 : index
    %get3A_18 = arith.constant 0 : index
    %get3A_19 = vector.load %arg5[%get3A_16, %get3A_17, %get3A_18] : memref<1x512x2048xf32, #tpu.memory_space<vmem>>, vector<1x512x2048xf32>
    %get3A_20 = vector.shape_cast %get3A_19 : vector<1x512x2048xf32> to vector<512x2048xf32>
    %dot_general3A_21 = arith.constant dense<0.000000e+00> : vector<256x512xf32>
    %dot_general3A_22 = tpu.matmul %max3A_15, %get3A_20, %dot_general3A_21 {dimension_numbers = #tpu.dot_dimension_numbers<[1], [1], [0], [0], [0, 0, 1, 0], [], []>, transpose_lhs_hint = false} : vector<256x2048xf32>, vector<512x2048xf32>, vector<256x512xf32> -> vector<256x512xf32>
    %get3A_23 = arith.constant 0 : index
    %get3A_24 = arith.constant 0 : index
    %get3A_25 = arith.constant 0 : index
    %get3A_26 = vector.load %arg6[%get3A_23, %get3A_24, %get3A_25] : memref<1x1x512xf32, #tpu.memory_space<vmem>>, vector<1x1x512xf32>
    %get3A_27 = vector.shape_cast %get3A_26 : vector<1x1x512xf32> to vector<1x512xf32>
    %add3A_28 = vector.broadcast %get3A_27 : vector<1x512xf32> to vector<256x512xf32>
    %add3A_29 = arith.addf %dot_general3A_22, %add3A_28 : vector<256x512xf32>
    %swap3A = arith.constant 0 : index
    %swap3A_30 = arith.constant 0 : index
    %swap3A_31 = vector.load %arg7[%swap3A, %swap3A_30] : memref<256x512xf32, #tpu.memory_space<vmem>>, vector<256x512xf32>
    tpu.vector_store %arg7[%swap3A, %swap3A_30], %add3A_29 {strides = array<i32>} : memref<256x512xf32, #tpu.memory_space<vmem>>, vector<256x512xf32>,
    return
  }
  func.func @transform_0(%arg0: i32, %arg1: memref<16xi32, #tpu.memory_space<smem>>) -> (i32, i32) {
    %c0_i32 = arith.constant 0 : i32
    %c0_i32_0 = arith.constant 0 : i32
    return %arg0, %c0_i32 : i32, i32
  }
  func.func @transform_1(%arg0: i32, %arg1: memref<16xi32, #tpu.memory_space<smem>>) -> (i32, i32, i32) {
    %get3A = arith.index_cast %arg0 : i32 to index
    %get3A_0 = memref.load %arg1[%get3A] : memref<16xi32, #tpu.memory_space<smem>>
    %c0_i32 = arith.constant 0 : i32
    %c0_i32_1 = arith.constant 0 : i32
    %c0_i32_2 = arith.constant 0 : i32
    return %get3A_0, %c0_i32, %c0_i32_1 : i32, i32, i32
  }
  func.func @transform_2(%arg0: i32, %arg1: memref<16xi32, #tpu.memory_space<smem>>) -> (i32, i32, i32) {
    %get3A = arith.index_cast %arg0 : i32 to index
    %get3A_0 = memref.load %arg1[%get3A] : memref<16xi32, #tpu.memory_space<smem>>
    %c0_i32 = arith.constant 0 : i32
    %c0_i32_1 = arith.constant 0 : i32
    %c0_i32_2 = arith.constant 0 : i32
    return %get3A_0, %c0_i32, %c0_i32_1 : i32, i32, i32
  }
  func.func @transform_3(%arg0: i32, %arg1: memref<16xi32, #tpu.memory_space<smem>>) -> (i32, i32, i32) {
    %get3A = arith.index_cast %arg0 : i32 to index
    %get3A_0 = memref.load %arg1[%get3A] : memref<16xi32, #tpu.memory_space<smem>>
    %c0_i32 = arith.constant 0 : i32
    %c0_i32_1 = arith.constant 0 : i32
    %c0_i32_2 = arith.constant 0 : i32
    return %get3A_0, %c0_i32, %c0_i32_1 : i32, i32, i32
  }
  func.func @transform_4(%arg0: i32, %arg1: memref<16xi32, #tpu.memory_space<smem>>) -> (i32, i32, i32) {
    %get3A = arith.index_cast %arg0 : i32 to index
    %get3A_0 = memref.load %arg1[%get3A] : memref<16xi32, #tpu.memory_space<smem>>
    %c0_i32 = arith.constant 0 : i32
    %c0_i32_1 = arith.constant 0 : i32
    %c0_i32_2 = arith.constant 0 : i32
    return %get3A_0, %c0_i32, %c0_i32_1 : i32, i32, i32
  }
  func.func @transform_5(%arg0: i32, %arg1: memref<16xi32, #tpu.memory_space<smem>>) -> (i32, i32) {
    %c0_i32 = arith.constant 0 : i32
    %c0_i32_0 = arith.constant 0 : i32
    return %arg0, %c0_i32 : i32, i32
  }
}

module attributes {stable_mosaic.version = 14 : i64} {
  func.func @_k7_body(%arg0: i32, %arg1: i32, %arg2: memref<256x512xbf16, #tpu.memory_space<vmem>>, %arg3: memref<1280x512xbf16, #tpu.memory_space<vmem>>, %arg4: memref<256x1280xf32, #tpu.memory_space<vmem>>) attributes {dimension_semantics = [#tpu.dimension_semantics<arbitrary>, #tpu.dimension_semantics<arbitrary>], iteration_bounds = array<i64: 25, 8>, scalar_prefetch = 0 : i64, scratch_operands = 0 : i64, tpu.core_type = #tpu.core_type<tc>, window_params = [{transform_indices = @transform_0, window_bounds = array<i64: 256, 512>}, {transform_indices = @transform_1, window_bounds = array<i64: 1280, 512>}, {transform_indices = @transform_2, window_bounds = array<i64: 256, 1280>}]} {
    %get3A = arith.constant 0 : index
    %get3A_0 = arith.constant 0 : index
    %get3A_1 = vector.load %arg2[%get3A, %get3A_0] : memref<256x512xbf16, #tpu.memory_space<vmem>>, vector<256x512xbf16>
    %get3A_2 = arith.constant 0 : index
    %get3A_3 = arith.constant 0 : index
    %get3A_4 = vector.load %arg3[%get3A_2, %get3A_3] : memref<1280x512xbf16, #tpu.memory_space<vmem>>, vector<1280x512xbf16>
    %dot_general3A = arith.constant dense<0.000000e+00> : vector<256x1280xf32>
    %dot_general3A_5 = tpu.matmul %get3A_1, %get3A_4, %dot_general3A {dimension_numbers = #tpu.dot_dimension_numbers<[1], [1], [0], [0], [0, 0, 1, 0], [], []>, transpose_lhs_hint = false} : vector<256x512xbf16>, vector<1280x512xbf16>, vector<256x1280xf32> -> vector<256x1280xf32>
    %swap3A = arith.constant 0 : index
    %swap3A_6 = arith.constant 0 : index
    %swap3A_7 = vector.load %arg4[%swap3A, %swap3A_6] : memref<256x1280xf32, #tpu.memory_space<vmem>>, vector<256x1280xf32>
    tpu.vector_store %arg4[%swap3A, %swap3A_6], %dot_general3A_5 {strides = array<i32>} : memref<256x1280xf32, #tpu.memory_space<vmem>>, vector<256x1280xf32>,
    return
  }
  func.func @transform_0(%arg0: i32, %arg1: i32) -> (i32, i32) {
    %c0_i32 = arith.constant 0 : i32
    %c0_i32_0 = arith.constant 0 : i32
    return %arg1, %c0_i32 : i32, i32
  }
  func.func @transform_1(%arg0: i32, %arg1: i32) -> (i32, i32) {
    %c0_i32 = arith.constant 0 : i32
    %c0_i32_0 = arith.constant 0 : i32
    return %arg0, %c0_i32 : i32, i32
  }
  func.func @transform_2(%arg0: i32, %arg1: i32) -> (i32, i32) {
    %c0_i32 = arith.constant 0 : i32
    return %arg1, %arg0 : i32, i32
  }
}

</mosaic_0001>

<sc_bundles>
// kernel: kernel.58.cloned.1.call-start
scs
__scs_entry_jumppad:
0x0: {  	(pc) =	sbr.rel $0x88, $3  }
0x1: {  	(tag) =	ssettag $0x0;
	lr =	simm.s32 $0x1  }
0x2: {  	[smem:$0x3F8E] =	sst lr;
	_ =	strace $0xD0000000  }
0x3: {  	_ = 	snop  }
0x4: {  	_ = 	snop  }
0x5: {  	_ = 	snop  }
0x6: {  	_ = 	snop  }
0x7: {  	_ = 	snop  }
__scs_overlays_trampoline_lowered:
0x8: {  	[smem:$0x3F9D] =	sst s0  }
0x9: {  	[smem:$0x3F9E] =	sst s1  }
0xa: {  	[smem:$0x3F9F] =	sst s2  }
0xb: {  	[smem:$0x3FA0] =	sst s3  }
0xc: {  	[smem:$0x3FA1] =	sst s4  }
0xd: {  	[smem:$0x3FA2] =	sst s5  }
0xe: {  	[smem:$0x3FA3] =	sst s6  }
0xf: {  	[smem:$0x3FA4] =	sst s7  }
0x10: {  	[smem:$0x3FA5] =	sst s8  }
0x11: {  	[smem:$0x3FA6] =	sst s9;
	s0 =	simm.s32 @!p0 $0x0  }
0x12: {  	s1 =	sld [smem:$0x3F8C];
	s0 =	simm.s32 @p0 $0x1  }
0x13: {  	[smem:$0x3FA7] =	sst s0;
	s0 =	simm.s32 @!p1 $0x0  }
0x14: {  	s2 =	sld [smem:$0x3F8B];
	s0 =	simm.s32 @p1 $0x1  }
0x15: {  	[smem:$0x3FA8] =	sst s0;
	s0 =	simm.s32 @!p2 $0x0  }
0x16: {  	s3 =	sld [smem:$0x3FDB];
	s0 =	simm.s32 @p2 $0x1  }
0x17: {  	s4 =	simm.s32 $0x1BF5;
	[smem:$0x3FAA] =	sst s0  }
0x18: {  	s0 =	sld [smem:$0x3F8D];
	_ =	swait.ge [sflag:s4], $0x0  }
0x19: {  	s7 =	sld [smem:$0x3F8E]  }
0x1a: {  	s8 =	sadd.s32 $0xFFFFE003, lr  }
0x1b: {  	s9 =	sadd.s32 $0xFFFFFEF7, lr;
	s5 =	simm.s32 $0xFFFFFFFF;
	p2 =	slt.u32 s8, $0xFFFFF086  }
0x1c: {  	p1 =	slt.u32 s9, $0xF7A;
	s5 =	simm.s32 @!p2 $0x0  }
0x1d: {  	s5 =	simm.s32 @p1 $0x1;
	p0 =	seq.s32 s7, s2  }
0x1e: {  	s7 =	smul.u32 @!p0 $0xF7A, s2;
	p2 =	seq.s32 @!p0 s5, $0x0  }
0x1f: {  	s9 =	smul.u32 $0xF7A, s1;
	s8 =	simm.s32 @!p0 $0x1BF5;
	p2 =	por !p2, p0  }
0x20: {  	[sflag:s8] =	ssyncset.s32 @!p0 $0xFFFFF086;
	s6 =	sadd.s32 @!p0 s3, s7;
	s7 =	simm.s32 @!p0 $0x108  }
0x21: {  	s3 =	sadd.s32 s3, s9;
	s6 =	sadd.s32 @!p0 $0x88, s6;
	s7 =	simm.s32 @p2 $0x1082  }
0x22: {  	[simem:s7], [sflag:s8] =	dma.local @!p0 [hbm:s6], $0xF7A  }
0x23: {  	s9 =	sor.u32 $0xD0000000, s2;
	s6 =	simm.s32 $0x108;
	_ =	swait.ge @!p0 [sflag:s8], $0x0  }
0x24: {  	s3 =	sadd.s32 $0x88, s3;
	s6 =	simm.s32 @!p1 $0x1082;
	[sflag:s4] =	ssyncset.s32 $0xFFFFF086  }
0x25: {  	[simem:s6], [sflag:s4] =	dma.local [hbm:s3], $0xF7A  }
0x26: {  	[smem:$0x3F8E] =	sst s1;
	(tag) =	ssettag s2;
	_ =	strace s9  }
0x27: {  	s1 =	sld [smem:$0x3F9E]  }
0x28: {  	s2 =	sld [smem:$0x3F9F]  }
0x29: {  	s4 =	sld [smem:$0x3FA1]  }
0x2a: {  	p0 =	seq.s32 s5, $0x0;
	s5 =	sld [smem:$0x3FA2]  }
0x2b: {  	s6 =	sld [smem:$0x3FA3]  }
0x2c: {  	s7 =	sld [smem:$0x3FA4]  }
0x2d: {  	s3 =	simm.s32 $0x108;
	s8 =	sld [smem:$0x3FA5]  }
0x2e: {  	s3 =	simm.s32 @!p0 $0x1082;
	s9 =	sld [smem:$0x3FA6]  }
0x2f: {  	lr =	sadd.s32 s0, s3;
	s0 =	sld [smem:$0x3F9D]  }
0x30: {  	s3 =	sld [smem:$0x3FA0]  }
0x31: {  	[smem:$0x3FA9] =	sst s10  }
0x32: {  	s10 =	sld [smem:$0x3FA7];
	_ =	sdelay $0x3  }
0x33: {  	p0 =	seq.s32 s10, $0x1;
	s10 =	sld [smem:$0x3FA9];
	_ =	sdelay $0x3  }
0x34: {  	[smem:$0x3FA9] =	sst s10  }
0x35: {  	s10 =	sld [smem:$0x3FA8];
	_ =	sdelay $0x3  }
0x36: {  	p1 =	seq.s32 s10, $0x1;
	s10 =	sld [smem:$0x3FA9];
	_ =	sdelay $0x3  }
0x37: {  	[smem:$0x3FA9] =	sst s10  }
0x38: {  	s10 =	sld [smem:$0x3FAA]  }
0x39: {  	_ = 	snop;
	(pc) =	sbr.ind lr, $3  }
0x3a: {  	_ = 	snop  }
0x3b: {  	_ = 	snop  }
0x3c: {  	p2 =	seq.s32 s10, $0x1;
	s10 =	sld [smem:$0x3FA9]  }
0x3d: {  	_ =	shalt  }
0x3e: {  	_ =	shalt  }
0x3f: {  	_ =	shalt  }
0x40: {  	_ =	shalt  }
0x41: {  	_ =	shalt  }
0x42: {  	_ =	shalt  }
0x43: {  	_ =	shalt  }
0x44: {  	_ =	shalt  }
0x45: {  	_ =	shalt  }
0x46: {  	_ =	shalt  }
0x47: {  	_ =	shalt  }
0x48: {  	_ =	shalt  }
0x49: {  	_ =	shalt  }
0x4a: {  	_ =	shalt  }
0x4b: {  	_ =	shalt  }
0x4c: {  	_ =	shalt  }
0x4d: {  	_ =	shalt  }
0x4e: {  	_ =	shalt  }
0x4f: {  	_ =	shalt  }
0x50: {  	_ =	shalt  }
0x51: {  	_ =	shalt  }
0x52: {  	_ =	shalt  }
0x53: {  	_ =	shalt  }
0x54: {  	_ =	shalt  }
0x55: {  	_ =	shalt  }
0x56: {  	_ =	shalt  }
0x57: {  	_ =	shalt  }
0x58: {  	_ =	shalt  }
0x59: {  	_ =	shalt  }
0x5a: {  	_ =	shalt  }
0x5b: {  	_ =	shalt  }
0x5c: {  	_ =	shalt  }
0x5d: {  	_ =	shalt  }
0x5e: {  	_ =	shalt  }
0x5f: {  	_ =	shalt  }
0x60: {  	_ =	shalt  }
0x61: {  	_ =	shalt  }
0x62: {  	_ =	shalt  }
0x63: {  	_ =	shalt  }
0x64: {  	_ =	shalt  }
0x65: {  	_ =	shalt  }
0x66: {  	_ =	shalt  }
0x67: {  	_ =	shalt  }
0x68: {  	_ =	shalt  }
0x69: {  	_ =	shalt  }
0x6a: {  	_ =	shalt  }
0x6b: {  	_ =	shalt  }
0x6c: {  	_ =	shalt  }
0x6d: {  	_ =	shalt  }
0x6e: {  	_ =	shalt  }
0x6f: {  	_ =	shalt  }
0x70: {  	_ =	shalt  }
0x71: {  	_ =	shalt  }
0x72: {  	_ =	shalt  }
0x73: {  	_ =	shalt  }
0x74: {  	_ =	shalt  }
0x75: {  	_ =	shalt  }
0x76: {  	_ =	shalt  }
0x77: {  	_ =	shalt  }
0x78: {  	_ =	shalt  }
0x79: {  	_ =	shalt  }
0x7a: {  	_ =	shalt  }
0x7b: {  	_ =	shalt  }
0x7c: {  	_ =	shalt  }
0x7d: {  	_ =	shalt  }
0x7e: {  	_ =	shalt  }
0x7f: {  	_ =	shalt  }
0x80: {  	_ =	shalt  }
0x81: {  	_ =	shalt  }
0x82: {  	_ =	shalt  }
0x83: {  	_ =	shalt  }
0x84: {  	_ =	shalt  }
0x85: {  	_ =	shalt  }
0x86: {  	_ =	shalt  }
0x87: {  	_ =	shalt  }
.Lfunc_end0:
.L_simem_size_0:
called_computation_lowered:
.L_overlay_start_0:
0x88: {  	s2 =	sld [smem:$0x3FD9]  }
0x89: {  	s3 =	sld [smem:$0x3FFE];
	_ =	sdelay $0x1  }
0x8a: {  	s1 =	srdreg.scid  }
0x8b: {  	s0 =	sand.u32 $0x1, s1  }
0x8c: {  	s15 =	sshll.u32 s0, $0xA;
	s2 =	sadd.s32 s3, s2  }
0x8d: {  	s2 =	sadd.s32 s2, s15  }
0x8e: {  	[smem:$0x3FB5] =	sst s2  }
0x8f: {  	_ = 	snop  }
0x90: {  	s2 =	sld [smem:$0x3FD0];
	_ =	sdelay $0x1  }
0x91: {  	s16 =	sld [smem:$0x3FC9]  }
0x92: {  	s5 =	simm.s32 $0xA;
	s6 =	simm.s32 $0x10;
	s4 =	sld [smem:$0x3FC8]  }
0x93: {  	[smem:s6], [sflag:s5] =	dma.local [hbm:s2], $0x1  }
0x94: {  	_ =	swait.eq [sflag:s5], $0x1  }
0x95: {  	[sflag:s5] =	ssyncset.done $0x0  }
0x96: {  	[sflag:s5] =	ssyncadd.s32 $0xFFFFFFFF  }
0x97: {  	s17 =	sld [smem:$0x10];
	(tm) =	ssettm $0x1  }
0x98: {  	s18 =	sld [smem:$0x3FFB];
	_ =	sdelay $0x3  }
0x99: {  	_ =	strace s18  }
0x9a: {  	s5 =	sld [smem:$0x3FFC];
	_ =	sdelay $0x3  }
0x9b: {  	_ =	strace s5  }
0x9c: {  	s5 =	sld [smem:$0x3FFD];
	_ =	sdelay $0x3  }
0x9d: {  	_ =	strace s5  }
0x9e: {  	_ =	strace $0x8FFFFFFF  }
0x9f: {  	s19 =	sld [smem:$0x3FDB];
	_ =	sdelay $0x1  }
0xa0: {  	s20 =	simm.s32 $_scs_section_size  }
0xa1: {  	s7 =	simm.s32 $_size__tile_overlayer_lowered;
	s8 =	simm.s32 $_tile_overlayer_lowered  }
0xa2: {  	s23 =	simm.s32 $0x1BFF;
	s22 =	sshll.u32 s8, $0x1;
	s5 =	sadd.s32 s20, s19  }
0xa3: {  	s9 =	simm.s32 $0x0;
	s21 =	sshll.u32 s7, $0x1;
	s7 =	sadd.s32 s22, s5  }
0xa4: {  	[timem:s9], [sflag:s23] =	dma.local [hbm:s7], s21  }
0xa5: {  	_ =	swait.ge [sflag:s23], s21  }
0xa6: {  	s6 =	ssub.s32 $0x0, s21;
	[sflag:s23] =	ssyncset.done $0x0  }
0xa7: {  	[sflag:s23] =	ssyncadd.s32 s6;
	_ =	sdelay $0x1  }
0xa8: {  	s24 =	simm.s32 $0x1B8B  }
0xa9: {  	_ =	swait.ge [sflag:s24], $0x1  }
0xaa: {  	[sflag:s24] =	ssyncset.done $0x0  }
0xab: {  	s25 =	simm.s32 $0x1B8E;
	[sflag:s24] =	ssyncadd.s32 $0xFFFFFFFF  }
0xac: {  	s26 =	simm.s32 $execute0_lowered;
	[smem:$0x3FD2] =	sst s25  }
0xad: {  	s6 =	sshll.u32 s26, $0x1;
	_ =	strace $0x80000046;
	[dreg:$0x1] =	wrdreg $0xFFFFFFFF  }
0xae: {  	s28 =	simm.s32 $_size_execute0_lowered;
	s5 =	sadd.s32 s5, s6;
	[dreg:$0x0] =	wrdreg $0x0  }
0xaf: {  	s6 =	sshll.u32 s28, $0x1;
	[dreg:$0x2] =	wrdreg s5  }
0xb0: {  	[dreg:$0x3] =	wrdreg s6  }
0xb1: {  	[dreg:$0x4] =	wrdreg $0xC0  }
0xb2: {  	_ =	task [dreg:s9], $0x5FFFF  }
0xb3: {  	[dreg:$0x1] =	wrdreg $0xFFFFFFFF  }
0xb4: {  	[dreg:$0x0] =	wrdreg $0x60  }
0xb5: {  	[dreg:$0x2] =	wrdreg s4  }
0xb6: {  	[dreg:$0x3] =	wrdreg s16  }
0xb7: {  	[dreg:$0x4] =	wrdreg s17  }
0xb8: {  	[dreg:$0x5] =	wrdreg $0x9  }
0xb9: {  	_ =	task.clear_ibuf [dreg:s9], $0x6FFFF;
	_ =	strace $0x90000046  }
0xba: {  	s29 =	simm.s32 $0x9;
	_ =	strace $0x80000048  }
0xbb: {  	_ =	swait.ge [sflag:s29], $0x1  }
0xbc: {  	[sflag:s29] =	ssyncadd.s32 $0xFFFFFFFF  }
0xbd: {  	_ =	strace $0x90000048  }
0xbe: {  	_ =	sfence  }
0xbf: {  	s30 =	sld [smem:$0x0];
	_ =	sdelay $0x2  }
0xc0: {  	s31 =	sshll.u32 s1, $0xD;
	s1 =	sshrl.u32 s1, $0x2  }
0xc1: {  	s3 =	sand.u32 $0x4000, s31;
	s1 =	sadd.s32 s1, s30  }
0xc2: {  	s0 =	sor.u32 s3, s0;
	s1 =	sshll.u32 s1, $0x11  }
0xc3: {  	s0 =	sor.u32 s1, s0  }
0xc4: {  	s0 =	sadd.s32 $0x8F2B, s0  }
0xc5: {  	[sflag:s0] =	ssyncadd.remote.s32 $0x1  }
0xc6: {  	_ =	sfence.sel $0xFFFF  }
0xc7: {  	[dreg:$0x0] =	wrdreg $0xFFFFFFFF;
	(pc) =	sbr.abs _section_cstart, $3  }
0xc8: {  	[dreg:$0x1] =	wrdreg $0xFFFFFFFF  }
0xc9: {  	_ =	task.clear_ibuf [dreg:s9], $0x2FFFF;
	_ =	strace $0x9FFFFFFF  }
0xca: {  	(tm) =	ssettm $0x7FFFFFFF  }
0xcb: {  	_ =	shalt  }
tec
execute0_lowered:
.L_overlay_start_1:
0x0: {  	(tag) =	ssettag $0x1  }
0x1: {  	s1 =	srdreg.scid  }
0x2: {  	s1 =	sand.u32 $0x1, s1  }
0x3: {  	p0 =	seq.s32 s1, $0x1  }
.Ltmp0:
0x4: {  	s4 =	rddreg [dreg:$0x0];
	(pc) =	sbr.rel @p0 .LBB2_2-.Ltmp0, $4  }
0x5: {  	s5 =	rddreg [dreg:$0x1]  }
0x6: {  	s2 =	rddreg [dreg:$0x2];
	s3 =	simm.s32 $0x0  }
0x7: {  	[smem:$0x7FF] =	sst s3  }
0x8: {  	s0 =	rddreg [dreg:$0x3];
	_ =	strace $0x80000047;
	s1 =	stileid.u32  }
0x9: {  	s6 =	sshll.u32 s1, $0x4  }
0xa: {  	s5 =	sadd.s32 s5, s6  }
0xb: {  	[tilespmem:s3], [sflag:$0x1] =	stream.linear.gather [hbm4b:s5+s3], $0x80, $0x38;
	[tilespmem:$0x10080] =	vst v63  }
0xc: {  	s5 =	simm.s32 $0x1  }
0xd: {  	_ =	swait.ge [sflag:s5], $0x80  }
0xe: {  	[sflag:s5] =	ssyncset.done $0x0  }
0xf: {  	[sflag:s5] =	ssyncadd.s32 $0xFFFFFF80  }
0x10: {  	v0 =	vld [tilespmem:$0x0];
	_ =	sdelay $0x4  }
0x11: {  	v1 =	vshll.u32 v0, $0x2  }
0x12: {  	v2 =	vlaneseq.u32;
	v0 =	vand.u32 $0x7, v0;
	v1 =	vand.u32 $0xFFFFFFE0, v1  }
0x13: {  	v56 =	vand.u32 $0x7, v2;
	v3 =	vshrl.u32 v2, $0x3;
	v0 =	vor.u32 v0, v1  }
0x14: {  	v3 =	vmul.u32 $0x8, v3;
	v4 =	vperm.xlane v0, v56;
	_ =	sdelay $0x1  }
0x15: {  	v4 =	vadd.s32 v3, v4  }
0x16: {  	v2 =	vor.u32 $0x8, v2  }
0x17: {  	v0 =	vperm.xlane v0, v2;
	_ =	sdelay $0x1  }
0x18: {  	vm0 =	vmmov $0xffff;
	s6 =	simm.s32 $0x80;
	v0 =	vadd.s32 v3, v0  }
0x19: {  	[tilespmem:s6], [sflag:$0x1] =	stream.indirect_vreg.gather [hbm4b:s4+s3], $0x80, v4, vm0, $0xb8;
	[tilespmem:$0x10080] =	vst v63  }
0x1a: {  	s7 =	sadd.s32 $0x100, s4;
	s8 =	simm.s32 $0x880  }
0x1b: {  	[tilespmem:s8], [sflag:$0x1] =	stream.indirect_vreg.gather [hbm4b:s7+s3], $0x80, v4, vm0, $0xb8;
	[tilespmem:$0x10080] =	vst v63  }
0x1c: {  	s22 =	simm.s32 $0x1080  }
0x1d: {  	[tilespmem:s22], [sflag:$0x1] =	stream.indirect_vreg.gather [hbm4b:s4+s3], $0x80, v0, vm0, $0xb8;
	[tilespmem:$0x10080] =	vst v63  }
0x1e: {  	s23 =	simm.s32 $0x1880  }
0x1f: {  	[tilespmem:s23], [sflag:$0x1] =	stream.indirect_vreg.gather [hbm4b:s7+s3], $0x80, v0, vm0, $0xb8;
	[tilespmem:$0x10080] =	vst v63  }
0x20: {  	v0 =	vld [tilespmem:$0x10];
	_ =	sdelay $0x4  }
0x21: {  	v57 =	vshll.u32 v0, $0x2  }
0x22: {  	v0 =	vand.u32 $0x7, v0;
	v4 =	vand.u32 $0xFFFFFFE0, v57  }
0x23: {  	v0 =	vor.u32 v0, v4  }
0x24: {  	v4 =	vperm.xlane v0, v56;
	_ =	sdelay $0x1  }
0x25: {  	v4 =	vadd.s32 v3, v4;
	_ =	sdelay $0x1  }
0x26: {  	v0 =	vperm.xlane v0, v2;
	_ =	sdelay $0x1  }
0x27: {  	s24 =	simm.s32 $0x2080;
	v0 =	vadd.s32 v3, v0  }
0x28: {  	[tilespmem:s24], [sflag:$0x1] =	stream.indirect_vreg.gather [hbm4b:s4+s3], $0x80, v4, vm0, $0xb8;
	[tilespmem:$0x10080] =	vst v63  }
0x29: {  	s25 =	simm.s32 $0x2880  }
0x2a: {  	[tilespmem:s25], [sflag:$0x1] =	stream.indirect_vreg.gather [hbm4b:s7+s3], $0x80, v4, vm0, $0xb8;
	[tilespmem:$0x10080] =	vst v63  }
0x2b: {  	s26 =	simm.s32 $0x3080  }
0x2c: {  	[tilespmem:s26], [sflag:$0x1] =	stream.indirect_vreg.gather [hbm4b:s4+s3], $0x80, v0, vm0, $0xb8;
	[tilespmem:$0x10080] =	vst v63  }
0x2d: {  	s28 =	simm.s32 $0x3880  }
0x2e: {  	[tilespmem:s28], [sflag:$0x1] =	stream.indirect_vreg.gather [hbm4b:s7+s3], $0x80, v0, vm0, $0xb8;
	[tilespmem:$0x10080] =	vst v63  }
0x2f: {  	v0 =	vld [tilespmem:$0x20];
	_ =	sdelay $0x4  }
0x30: {  	v58 =	vshll.u32 v0, $0x2  }
0x31: {  	v0 =	vand.u32 $0x7, v0;
	v4 =	vand.u32 $0xFFFFFFE0, v58  }
0x32: {  	v0 =	vor.u32 v0, v4  }
0x33: {  	v4 =	vperm.xlane v0, v56;
	_ =	sdelay $0x1  }
0x34: {  	v4 =	vadd.s32 v3, v4;
	_ =	sdelay $0x1  }
0x35: {  	v0 =	vperm.xlane v0, v2;
	_ =	sdelay $0x1  }
0x36: {  	s29 =	simm.s32 $0x4080;
	v0 =	vadd.s32 v3, v0  }
0x37: {  	[tilespmem:s29], [sflag:$0x1] =	stream.indirect_vreg.gather [hbm4b:s4+s3], $0x80, v4, vm0, $0xb8;
	[tilespmem:$0x10080] =	vst v63  }
0x38: {  	s30 =	simm.s32 $0x4880  }
0x39: {  	[tilespmem:s30], [sflag:$0x1] =	stream.indirect_vreg.gather [hbm4b:s7+s3], $0x80, v4, vm0, $0xb8;
	[tilespmem:$0x10080] =	vst v63  }
0x3a: {  	s31 =	simm.s32 $0x5080  }
0x3b: {  	[tilespmem:s31], [sflag:$0x1] =	stream.indirect_vreg.gather [hbm4b:s4+s3], $0x80, v0, vm0, $0xb8;
	[tilespmem:$0x10080] =	vst v63  }
0x3c: {  	s9 =	simm.s32 $0x5880  }
0x3d: {  	[tilespmem:s9], [sflag:$0x1] =	stream.indirect_vreg.gather [hbm4b:s7+s3], $0x80, v0, vm0, $0xb8;
	[tilespmem:$0x10080] =	vst v63  }
0x3e: {  	v0 =	vld [tilespmem:$0x30];
	_ =	sdelay $0x4  }
0x3f: {  	v59 =	vshll.u32 v0, $0x2  }
0x40: {  	v0 =	vand.u32 $0x7, v0;
	v4 =	vand.u32 $0xFFFFFFE0, v59  }
0x41: {  	v0 =	vor.u32 v0, v4  }
0x42: {  	v4 =	vperm.xlane v0, v56;
	_ =	sdelay $0x1  }
0x43: {  	v4 =	vadd.s32 v3, v4;
	_ =	sdelay $0x1  }
0x44: {  	v0 =	vperm.xlane v0, v2;
	_ =	sdelay $0x1  }
0x45: {  	s10 =	simm.s32 $0x6080;
	v0 =	vadd.s32 v3, v0  }
0x46: {  	[tilespmem:s10], [sflag:$0x1] =	stream.indirect_vreg.gather [hbm4b:s4+s3], $0x80, v4, vm0, $0xb8;
	[tilespmem:$0x10080] =	vst v63  }
0x47: {  	s11 =	simm.s32 $0x6880  }
0x48: {  	[tilespmem:s11], [sflag:$0x1] =	stream.indirect_vreg.gather [hbm4b:s7+s3], $0x80, v4, vm0, $0xb8;
	[tilespmem:$0x10080] =	vst v63  }
0x49: {  	s12 =	simm.s32 $0x7080  }
0x4a: {  	[tilespmem:s12], [sflag:$0x1] =	stream.indirect_vreg.gather [hbm4b:s4+s3], $0x80, v0, vm0, $0xb8;
	[tilespmem:$0x10080] =	vst v63  }
0x4b: {  	s13 =	simm.s32 $0x7880  }
0x4c: {  	[tilespmem:s13], [sflag:$0x1] =	stream.indirect_vreg.gather [hbm4b:s7+s3], $0x80, v0, vm0, $0xb8;
	[tilespmem:$0x10080] =	vst v63  }
0x4d: {  	v0 =	vld [tilespmem:$0x40];
	_ =	sdelay $0x4  }
0x4e: {  	v60 =	vshll.u32 v0, $0x2  }
0x4f: {  	v0 =	vand.u32 $0x7, v0;
	v4 =	vand.u32 $0xFFFFFFE0, v60  }
0x50: {  	v0 =	vor.u32 v0, v4  }
0x51: {  	v4 =	vperm.xlane v0, v56;
	_ =	sdelay $0x1  }
0x52: {  	v4 =	vadd.s32 v3, v4;
	_ =	sdelay $0x1  }
0x53: {  	v0 =	vperm.xlane v0, v2;
	_ =	sdelay $0x1  }
0x54: {  	s14 =	simm.s32 $0x8080;
	v0 =	vadd.s32 v3, v0  }
0x55: {  	[tilespmem:s14], [sflag:$0x1] =	stream.indirect_vreg.gather [hbm4b:s4+s3], $0x80, v4, vm0, $0xb8;
	[tilespmem:$0x10080] =	vst v63  }
0x56: {  	s15 =	simm.s32 $0x8880  }
0x57: {  	[tilespmem:s15], [sflag:$0x1] =	stream.indirect_vreg.gather [hbm4b:s7+s3], $0x80, v4, vm0, $0xb8;
	[tilespmem:$0x10080] =	vst v63  }
0x58: {  	s16 =	simm.s32 $0x9080  }
0x59: {  	[tilespmem:s16], [sflag:$0x1] =	stream.indirect_vreg.gather [hbm4b:s4+s3], $0x80, v0, vm0, $0xb8;
	[tilespmem:$0x10080] =	vst v63  }
0x5a: {  	s17 =	simm.s32 $0x9880  }
0x5b: {  	[tilespmem:s17], [sflag:$0x1] =	stream.indirect_vreg.gather [hbm4b:s7+s3], $0x80, v0, vm0, $0xb8;
	[tilespmem:$0x10080] =	vst v63  }
0x5c: {  	v0 =	vld [tilespmem:$0x50];
	_ =	sdelay $0x4  }
0x5d: {  	v61 =	vshll.u32 v0, $0x2  }
0x5e: {  	v0 =	vand.u32 $0x7, v0;
	v4 =	vand.u32 $0xFFFFFFE0, v61  }
0x5f: {  	v0 =	vor.u32 v0, v4  }
0x60: {  	v4 =	vperm.xlane v0, v56;
	_ =	sdelay $0x1  }
0x61: {  	v4 =	vadd.s32 v3, v4;
	_ =	sdelay $0x1  }
0x62: {  	v0 =	vperm.xlane v0, v2;
	_ =	sdelay $0x1  }
0x63: {  	s18 =	simm.s32 $0xA080;
	v0 =	vadd.s32 v3, v0  }
0x64: {  	[tilespmem:s18], [sflag:$0x1] =	stream.indirect_vreg.gather [hbm4b:s4+s3], $0x80, v4, vm0, $0xb8;
	[tilespmem:$0x10080] =	vst v63  }
0x65: {  	s19 =	simm.s32 $0xA880  }
0x66: {  	[tilespmem:s19], [sflag:$0x1] =	stream.indirect_vreg.gather [hbm4b:s7+s3], $0x80, v4, vm0, $0xb8;
	[tilespmem:$0x10080] =	vst v63  }
0x67: {  	s20 =	simm.s32 $0xB080  }
0x68: {  	[tilespmem:s20], [sflag:$0x1] =	stream.indirect_vreg.gather [hbm4b:s4+s3], $0x80, v0, vm0, $0xb8;
	[tilespmem:$0x10080] =	vst v63  }
0x69: {  	s21 =	simm.s32 $0xB880  }
0x6a: {  	[tilespmem:s21], [sflag:$0x1] =	stream.indirect_vreg.gather [hbm4b:s7+s3], $0x80, v0, vm0, $0xb8;
	[tilespmem:$0x10080] =	vst v63  }
0x6b: {  	v0 =	vld [tilespmem:$0x60];
	_ =	sdelay $0x4  }
0x6c: {  	v62 =	vshll.u32 v0, $0x2  }
0x6d: {  	v0 =	vand.u32 $0x7, v0;
	v4 =	vand.u32 $0xFFFFFFE0, v62  }
0x6e: {  	v0 =	vor.u32 v0, v4  }
0x6f: {  	v4 =	vperm.xlane v0, v56;
	_ =	sdelay $0x1  }
0x70: {  	v4 =	vadd.s32 v3, v4;
	_ =	sdelay $0x1  }
0x71: {  	v0 =	vperm.xlane v0, v2;
	_ =	sdelay $0x1  }
0x72: {  	s22 =	simm.s32 $0xC080;
	v0 =	vadd.s32 v3, v0  }
0x73: {  	[tilespmem:s22], [sflag:$0x1] =	stream.indirect_vreg.gather [hbm4b:s4+s3], $0x80, v4, vm0, $0xb8;
	[tilespmem:$0x10080] =	vst v63  }
0x74: {  	s23 =	simm.s32 $0xC880  }
0x75: {  	[tilespmem:s23], [sflag:$0x1] =	stream.indirect_vreg.gather [hbm4b:s7+s3], $0x80, v4, vm0, $0xb8;
	[tilespmem:$0x10080] =	vst v63  }
0x76: {  	s24 =	simm.s32 $0xD080  }
0x77: {  	[tilespmem:s24], [sflag:$0x1] =	stream.indirect_vreg.gather [hbm4b:s4+s3], $0x80, v0, vm0, $0xb8;
	[tilespmem:$0x10080] =	vst v63  }
0x78: {  	s25 =	simm.s32 $0xD880  }
0x79: {  	[tilespmem:s25], [sflag:$0x1] =	stream.indirect_vreg.gather [hbm4b:s7+s3], $0x80, v0, vm0, $0xb8;
	[tilespmem:$0x10080] =	vst v63  }
0x7a: {  	v0 =	vld [tilespmem:$0x70];
	_ =	sdelay $0x4  }
0x7b: {  	v63 =	vshll.u32 v0, $0x2  }
0x7c: {  	v0 =	vand.u32 $0x7, v0;
	v4 =	vand.u32 $0xFFFFFFE0, v63  }
0x7d: {  	v0 =	vor.u32 v0, v4  }
0x7e: {  	v1 =	vperm.xlane v0, v56;
	_ =	sdelay $0x1  }
0x7f: {  	v1 =	vadd.s32 v3, v1;
	_ =	sdelay $0x1  }
0x80: {  	v0 =	vperm.xlane v0, v2;
	_ =	sdelay $0x1  }
0x81: {  	s26 =	simm.s32 $0xE080;
	v0 =	vadd.s32 v3, v0  }
0x82: {  	[tilespmem:s26], [sflag:$0x1] =	stream.indirect_vreg.gather [hbm4b:s4+s3], $0x80, v1, vm0, $0xb8;
	[tilespmem:$0x10080] =	vst v63  }
0x83: {  	s28 =	simm.s32 $0xE880  }
0x84: {  	[tilespmem:s28], [sflag:$0x1] =	stream.indirect_vreg.gather [hbm4b:s7+s3], $0x80, v1, vm0, $0xb8;
	[tilespmem:$0x10080] =	vst v63  }
0x85: {  	s29 =	simm.s32 $0xF080  }
0x86: {  	[tilespmem:s29], [sflag:$0x1] =	stream.indirect_vreg.gather [hbm4b:s4+s3], $0x80, v0, vm0, $0xb8;
	[tilespmem:$0x10080] =	vst v63  }
0x87: {  	s30 =	simm.s32 $0xF880  }
0x88: {  	[tilespmem:s30], [sflag:$0x1] =	stream.indirect_vreg.gather [hbm4b:s7+s3], $0x80, v0, vm0, $0xb8;
	[tilespmem:$0x10080] =	vst v63  }
0x89: {  	_ =	swait.ge [sflag:s5], $0x10000  }
0x8a: {  	s31 =	sshll.u32 s1, $0xD;
	[sflag:s5] =	ssyncset.done $0x0  }
0x8b: {  	s2 =	sadd.s32 s2, s31;
	[sflag:s5] =	ssyncadd.s32 $0xFFFF0000  }
0x8c: {  	[hbm4b:s2+s3] =	stream.linear.scatter [tilespmem:s6], [sflag:$0x1], $0x10000, $0x38;
	[tilespmem:$0x10080] =	vst v63  }
0x8d: {  	_ =	swait.ge [sflag:s5], $0x10000  }
0x8e: {  	[sflag:s5] =	ssyncset.done $0x0  }
0x8f: {  	[sflag:s5] =	ssyncadd.s32 $0xFFFF0000  }
.LBB2_2:
0x90: {  	_ =	sfence.sel $0x180000  }
0x91: {  	[bflag:$0x0] =	sbarrier.arrive $0xFFFF  }
0x92: {  	p0 =	sne.s32 s1, $0x0;
	_ =	strace $0x90000047  }
0x93: {  	s0 =	sadd.s32 @!p0 $0x100000, s0;
	[bflag:$0x2] =	sbarrier.arrive $0xFFFF  }
0x94: {  	[sflag:s0] =	ssyncadd.tile.s32 @!p0 $0x1;
	_ =	shalt  }
.Lfunc_end2:
_tile_overlayer_lowered:
.L_overlay_start_2:
0x95: {  	(tag) =	ssettag $0x2  }
0x96: {  	s0 =	rddreg [dreg:$0x0];
	s2 =	stileid.u32  }
0x97: {  	s1 =	rddreg [dreg:$0x1];
	p0 =	sne.s32 s2, $0x0  }
0x98: {  	s3 =	rddreg [dreg:$0x2];
	[bflag:$0x3] =	sbarrier.arrive $0xFFFF;
	s2 =	simm.s32 @!p0 $0x1C02  }
0x99: {  	[timem:s3], [sflag:s2] =	dma.local @!p0 [hbm:s0], s1  }
0x9a: {  	s0 =	simm.s32 @!p0 $0x2  }
0x9b: {  	_ =	swait.ge @!p0 [sflag:s0], s1  }
0x9c: {  	s1 =	ssub.s32 @!p0 $0x0, s1;
	[sflag:s0] =	ssyncset.done @!p0 $0x0  }
0x9d: {  	[sflag:s0] =	ssyncadd.s32 @!p0 s1  }
0x9e: {  	[bflag:$0x3] =	sbarrier.arrive $0xFFFF  }
0x9f: {  	_ =	shalt  }

// kernel: kernel.61.cloned.1.call-start
scs
__scs_entry_jumppad:
0x0: {  	(pc) =	sbr.rel $0x88, $3  }
0x1: {  	(tag) =	ssettag $0x0;
	lr =	simm.s32 $0x1  }
0x2: {  	[smem:$0x3F8E] =	sst lr;
	_ =	strace $0xD0000000  }
0x3: {  	_ = 	snop  }
0x4: {  	_ = 	snop  }
0x5: {  	_ = 	snop  }
0x6: {  	_ = 	snop  }
0x7: {  	_ = 	snop  }
__scs_overlays_trampoline_lowered:
0x8: {  	[smem:$0x3F9D] =	sst s0  }
0x9: {  	[smem:$0x3F9E] =	sst s1  }
0xa: {  	[smem:$0x3F9F] =	sst s2  }
0xb: {  	[smem:$0x3FA0] =	sst s3  }
0xc: {  	[smem:$0x3FA1] =	sst s4  }
0xd: {  	[smem:$0x3FA2] =	sst s5  }
0xe: {  	[smem:$0x3FA3] =	sst s6  }
0xf: {  	[smem:$0x3FA4] =	sst s7  }
0x10: {  	[smem:$0x3FA5] =	sst s8  }
0x11: {  	[smem:$0x3FA6] =	sst s9;
	s0 =	simm.s32 @!p0 $0x0  }
0x12: {  	s1 =	sld [smem:$0x3F8C];
	s0 =	simm.s32 @p0 $0x1  }
0x13: {  	[smem:$0x3FA7] =	sst s0;
	s0 =	simm.s32 @!p1 $0x0  }
0x14: {  	s2 =	sld [smem:$0x3F8B];
	s0 =	simm.s32 @p1 $0x1  }
0x15: {  	[smem:$0x3FA8] =	sst s0;
	s0 =	simm.s32 @!p2 $0x0  }
0x16: {  	s3 =	sld [smem:$0x3FDB];
	s0 =	simm.s32 @p2 $0x1  }
0x17: {  	s4 =	simm.s32 $0x1BF5;
	[smem:$0x3FAA] =	sst s0  }
0x18: {  	s0 =	sld [smem:$0x3F8D];
	_ =	swait.ge [sflag:s4], $0x0  }
0x19: {  	s7 =	sld [smem:$0x3F8E]  }
0x1a: {  	s8 =	sadd.s32 $0xFFFFE003, lr  }
0x1b: {  	s9 =	sadd.s32 $0xFFFFFEF7, lr;
	s5 =	simm.s32 $0xFFFFFFFF;
	p2 =	slt.u32 s8, $0xFFFFF086  }
0x1c: {  	p1 =	slt.u32 s9, $0xF7A;
	s5 =	simm.s32 @!p2 $0x0  }
0x1d: {  	s5 =	simm.s32 @p1 $0x1;
	p0 =	seq.s32 s7, s2  }
0x1e: {  	s7 =	smul.u32 @!p0 $0xF7A, s2;
	p2 =	seq.s32 @!p0 s5, $0x0  }
0x1f: {  	s9 =	smul.u32 $0xF7A, s1;
	s8 =	simm.s32 @!p0 $0x1BF5;
	p2 =	por !p2, p0  }
0x20: {  	[sflag:s8] =	ssyncset.s32 @!p0 $0xFFFFF086;
	s6 =	sadd.s32 @!p0 s3, s7;
	s7 =	simm.s32 @!p0 $0x108  }
0x21: {  	s3 =	sadd.s32 s3, s9;
	s6 =	sadd.s32 @!p0 $0x88, s6;
	s7 =	simm.s32 @p2 $0x1082  }
0x22: {  	[simem:s7], [sflag:s8] =	dma.local @!p0 [hbm:s6], $0xF7A  }
0x23: {  	s9 =	sor.u32 $0xD0000000, s2;
	s6 =	simm.s32 $0x108;
	_ =	swait.ge @!p0 [sflag:s8], $0x0  }
0x24: {  	s3 =	sadd.s32 $0x88, s3;
	s6 =	simm.s32 @!p1 $0x1082;
	[sflag:s4] =	ssyncset.s32 $0xFFFFF086  }
0x25: {  	[simem:s6], [sflag:s4] =	dma.local [hbm:s3], $0xF7A  }
0x26: {  	[smem:$0x3F8E] =	sst s1;
	(tag) =	ssettag s2;
	_ =	strace s9  }
0x27: {  	s1 =	sld [smem:$0x3F9E]  }
0x28: {  	s2 =	sld [smem:$0x3F9F]  }
0x29: {  	s4 =	sld [smem:$0x3FA1]  }
0x2a: {  	p0 =	seq.s32 s5, $0x0;
	s5 =	sld [smem:$0x3FA2]  }
0x2b: {  	s6 =	sld [smem:$0x3FA3]  }
0x2c: {  	s7 =	sld [smem:$0x3FA4]  }
0x2d: {  	s3 =	simm.s32 $0x108;
	s8 =	sld [smem:$0x3FA5]  }
0x2e: {  	s3 =	simm.s32 @!p0 $0x1082;
	s9 =	sld [smem:$0x3FA6]  }
0x2f: {  	lr =	sadd.s32 s0, s3;
	s0 =	sld [smem:$0x3F9D]  }
0x30: {  	s3 =	sld [smem:$0x3FA0]  }
0x31: {  	[smem:$0x3FA9] =	sst s10  }
0x32: {  	s10 =	sld [smem:$0x3FA7];
	_ =	sdelay $0x3  }
0x33: {  	p0 =	seq.s32 s10, $0x1;
	s10 =	sld [smem:$0x3FA9];
	_ =	sdelay $0x3  }
0x34: {  	[smem:$0x3FA9] =	sst s10  }
0x35: {  	s10 =	sld [smem:$0x3FA8];
	_ =	sdelay $0x3  }
0x36: {  	p1 =	seq.s32 s10, $0x1;
	s10 =	sld [smem:$0x3FA9];
	_ =	sdelay $0x3  }
0x37: {  	[smem:$0x3FA9] =	sst s10  }
0x38: {  	s10 =	sld [smem:$0x3FAA]  }
0x39: {  	_ = 	snop;
	(pc) =	sbr.ind lr, $3  }
0x3a: {  	_ = 	snop  }
0x3b: {  	_ = 	snop  }
0x3c: {  	p2 =	seq.s32 s10, $0x1;
	s10 =	sld [smem:$0x3FA9]  }
0x3d: {  	_ =	shalt  }
0x3e: {  	_ =	shalt  }
0x3f: {  	_ =	shalt  }
0x40: {  	_ =	shalt  }
0x41: {  	_ =	shalt  }
0x42: {  	_ =	shalt  }
0x43: {  	_ =	shalt  }
0x44: {  	_ =	shalt  }
0x45: {  	_ =	shalt  }
0x46: {  	_ =	shalt  }
0x47: {  	_ =	shalt  }
0x48: {  	_ =	shalt  }
0x49: {  	_ =	shalt  }
0x4a: {  	_ =	shalt  }
0x4b: {  	_ =	shalt  }
0x4c: {  	_ =	shalt  }
0x4d: {  	_ =	shalt  }
0x4e: {  	_ =	shalt  }
0x4f: {  	_ =	shalt  }
0x50: {  	_ =	shalt  }
0x51: {  	_ =	shalt  }
0x52: {  	_ =	shalt  }
0x53: {  	_ =	shalt  }
0x54: {  	_ =	shalt  }
0x55: {  	_ =	shalt  }
0x56: {  	_ =	shalt  }
0x57: {  	_ =	shalt  }
0x58: {  	_ =	shalt  }
0x59: {  	_ =	shalt  }
0x5a: {  	_ =	shalt  }
0x5b: {  	_ =	shalt  }
0x5c: {  	_ =	shalt  }
0x5d: {  	_ =	shalt  }
0x5e: {  	_ =	shalt  }
0x5f: {  	_ =	shalt  }
0x60: {  	_ =	shalt  }
0x61: {  	_ =	shalt  }
0x62: {  	_ =	shalt  }
0x63: {  	_ =	shalt  }
0x64: {  	_ =	shalt  }
0x65: {  	_ =	shalt  }
0x66: {  	_ =	shalt  }
0x67: {  	_ =	shalt  }
0x68: {  	_ =	shalt  }
0x69: {  	_ =	shalt  }
0x6a: {  	_ =	shalt  }
0x6b: {  	_ =	shalt  }
0x6c: {  	_ =	shalt  }
0x6d: {  	_ =	shalt  }
0x6e: {  	_ =	shalt  }
0x6f: {  	_ =	shalt  }
0x70: {  	_ =	shalt  }
0x71: {  	_ =	shalt  }
0x72: {  	_ =	shalt  }
0x73: {  	_ =	shalt  }
0x74: {  	_ =	shalt  }
0x75: {  	_ =	shalt  }
0x76: {  	_ =	shalt  }
0x77: {  	_ =	shalt  }
0x78: {  	_ =	shalt  }
0x79: {  	_ =	shalt  }
0x7a: {  	_ =	shalt  }
0x7b: {  	_ =	shalt  }
0x7c: {  	_ =	shalt  }
0x7d: {  	_ =	shalt  }
0x7e: {  	_ =	shalt  }
0x7f: {  	_ =	shalt  }
0x80: {  	_ =	shalt  }
0x81: {  	_ =	shalt  }
0x82: {  	_ =	shalt  }
0x83: {  	_ =	shalt  }
0x84: {  	_ =	shalt  }
0x85: {  	_ =	shalt  }
0x86: {  	_ =	shalt  }
0x87: {  	_ =	shalt  }
.Lfunc_end0:
.L_simem_size_0:
called_computation.1_lowered:
.L_overlay_start_0:
0x88: {  	s2 =	sld [smem:$0x3FD9]  }
0x89: {  	s3 =	sld [smem:$0x3FFE];
	_ =	sdelay $0x1  }
0x8a: {  	s1 =	srdreg.scid  }
0x8b: {  	s0 =	sand.u32 $0x1, s1  }
0x8c: {  	s16 =	sshll.u32 s0, $0xA;
	s2 =	sadd.s32 s3, s2  }
0x8d: {  	s2 =	sadd.s32 s2, s16  }
0x8e: {  	[smem:$0x3FB5] =	sst s2  }
0x8f: {  	_ = 	snop  }
0x90: {  	(tm) =	ssettm $0x1  }
0x91: {  	s17 =	sld [smem:$0x3FFB];
	_ =	sdelay $0x3  }
0x92: {  	_ =	strace s17  }
0x93: {  	s2 =	sld [smem:$0x3FFC];
	_ =	sdelay $0x3  }
0x94: {  	_ =	strace s2  }
0x95: {  	s2 =	sld [smem:$0x3FFD];
	_ =	sdelay $0x3  }
0x96: {  	_ =	strace s2  }
0x97: {  	_ =	strace $0x8FFFFFFF  }
0x98: {  	s18 =	sld [smem:$0x3FDB];
	_ =	sdelay $0x1  }
0x99: {  	s19 =	simm.s32 $_scs_section_size  }
0x9a: {  	s4 =	simm.s32 $_size__tile_overlayer_lowered;
	s5 =	simm.s32 $_tile_overlayer_lowered  }
0x9b: {  	s22 =	simm.s32 $0x1BFF;
	s21 =	sshll.u32 s5, $0x1;
	s2 =	sadd.s32 s19, s18  }
0x9c: {  	s6 =	simm.s32 $0x0;
	s20 =	sshll.u32 s4, $0x1;
	s4 =	sadd.s32 s21, s2  }
0x9d: {  	[timem:s6], [sflag:s22] =	dma.local [hbm:s4], s20  }
0x9e: {  	_ =	swait.ge [sflag:s22], s20  }
0x9f: {  	s3 =	ssub.s32 $0x0, s20;
	[sflag:s22] =	ssyncset.done $0x0  }
0xa0: {  	[sflag:s22] =	ssyncadd.s32 s3;
	_ =	sdelay $0x1  }
0xa1: {  	s23 =	simm.s32 $0x1B8B  }
0xa2: {  	_ =	swait.ge [sflag:s23], $0x1  }
0xa3: {  	[sflag:s23] =	ssyncset.done $0x0  }
0xa4: {  	s25 =	simm.s32 $0x1B8E;
	s24 =	sld [smem:$0x3FFE];
	[sflag:s23] =	ssyncadd.s32 $0xFFFFFFFF  }
0xa5: {  	s26 =	simm.s32 $execute0_lowered;
	[smem:$0x3FD2] =	sst s25  }
0xa6: {  	s4 =	sshll.u32 s26, $0x1;
	_ =	strace $0x80000049;
	[dreg:$0x1] =	wrdreg $0xFFFFFFFF  }
0xa7: {  	s28 =	simm.s32 $_size_execute0_lowered;
	s2 =	sadd.s32 s2, s4;
	[dreg:$0x0] =	wrdreg $0x0  }
0xa8: {  	s4 =	sshll.u32 s28, $0x1;
	[dreg:$0x2] =	wrdreg s2  }
0xa9: {  	[dreg:$0x3] =	wrdreg s4  }
0xaa: {  	[dreg:$0x4] =	wrdreg $0xC0  }
0xab: {  	_ =	task [dreg:s6], $0x5FFFF  }
0xac: {  	[dreg:$0x1] =	wrdreg $0xFFFFFFFF  }
0xad: {  	[dreg:$0x0] =	wrdreg $0x60  }
0xae: {  	[dreg:$0x2] =	wrdreg s24  }
0xaf: {  	[dreg:$0x3] =	wrdreg $0x9  }
0xb0: {  	_ =	task.clear_ibuf [dreg:s6], $0x4FFFF;
	_ =	strace $0x90000049  }
0xb1: {  	s29 =	simm.s32 $0x9;
	_ =	strace $0x8000004B  }
0xb2: {  	_ =	swait.ge [sflag:s29], $0x1  }
0xb3: {  	[sflag:s29] =	ssyncadd.s32 $0xFFFFFFFF  }
0xb4: {  	_ =	strace $0x9000004B  }
0xb5: {  	_ =	sfence  }
0xb6: {  	s30 =	sld [smem:$0x0];
	_ =	sdelay $0x2  }
0xb7: {  	s31 =	sshll.u32 s1, $0xD;
	s1 =	sshrl.u32 s1, $0x2  }
0xb8: {  	s3 =	sand.u32 $0x4000, s31;
	s1 =	sadd.s32 s1, s30  }
0xb9: {  	s0 =	sor.u32 s3, s0;
	s1 =	sshll.u32 s1, $0x11  }
0xba: {  	s0 =	sor.u32 s1, s0  }
0xbb: {  	s0 =	sadd.s32 $0x8F2B, s0  }
0xbc: {  	[sflag:s0] =	ssyncadd.remote.s32 $0x1  }
0xbd: {  	_ =	sfence.sel $0xFFFF  }
0xbe: {  	[dreg:$0x0] =	wrdreg $0xFFFFFFFF;
	(pc) =	sbr.abs _section_cstart, $3  }
0xbf: {  	[dreg:$0x1] =	wrdreg $0xFFFFFFFF  }
0xc0: {  	_ =	task.clear_ibuf [dreg:s6], $0x2FFFF;
	_ =	strace $0x9FFFFFFF  }
0xc1: {  	(tm) =	ssettm $0x7FFFFFFF  }
tec
execute0_lowered:
.L_overlay_start_1:
0x0: {  	(tag) =	ssettag $0x1  }
0x1: {  	s1 =	srdreg.scid  }
0x2: {  	s1 =	sand.u32 $0x1, s1  }
0x3: {  	p0 =	seq.s32 s1, $0x1  }
.Ltmp0:
0x4: {  	_ = 	snop;
	(pc) =	sbr.rel @p0 .LBB2_2-.Ltmp0, $4  }
0x5: {  	_ = 	snop  }
0x6: {  	s4 =	rddreg [dreg:$0x0];
	s2 =	simm.s32 $0x0  }
0x7: {  	[smem:$0x7FF] =	sst s2  }
0x8: {  	s0 =	rddreg [dreg:$0x1];
	_ =	strace $0x8000004A;
	s1 =	stileid.u32  }
0x9: {  	s3 =	sadd.s32 $0x6600, s4;
	s5 =	sshll.u32 s1, $0x4  }
0xa: {  	s3 =	sadd.s32 s3, s5  }
0xb: {  	[tilespmem:s2], [sflag:$0x1] =	stream.linear.gather [hbm4b:s3+s2], $0x80, $0x38;
	[tilespmem:$0x10080] =	vst v63  }
0xc: {  	s3 =	simm.s32 $0x1  }
0xd: {  	_ =	swait.ge [sflag:s3], $0x80  }
0xe: {  	s22 =	sadd.s32 $0xCEA00, s4;
	s6 =	sshll.u32 s1, $0xD;
	[sflag:s3] =	ssyncset.done $0x0  }
0xf: {  	s23 =	simm.s32 $0x80;
	s5 =	sadd.s32 s22, s6;
	[sflag:s3] =	ssyncadd.s32 $0xFFFFFF80  }
0x10: {  	[tilespmem:s23], [sflag:$0x1] =	stream.linear.gather [hbm4b:s5+s2], $0x10000, $0x38;
	[tilespmem:$0x10080] =	vst v63  }
0x11: {  	_ =	swait.ge [sflag:s3], $0x10000  }
0x12: {  	[sflag:s3] =	ssyncset.done $0x0  }
0x13: {  	[sflag:s3] =	ssyncadd.s32 $0xFFFF0000  }
0x14: {  	v0 =	vld [tilespmem:$0x0];
	_ =	sdelay $0x4  }
0x15: {  	v1 =	vshll.u32 v0, $0x2  }
0x16: {  	v2 =	vlaneseq.u32;
	v0 =	vand.u32 $0x7, v0;
	v1 =	vand.u32 $0xFFFFFFE0, v1  }
0x17: {  	v56 =	vand.u32 $0x7, v2;
	v3 =	vshrl.u32 v2, $0x3;
	v0 =	vor.u32 v0, v1  }
0x18: {  	v3 =	vmul.u32 $0x8, v3;
	v4 =	vperm.xlane v0, v56;
	_ =	sdelay $0x1  }
0x19: {  	v4 =	vadd.s32 v3, v4  }
0x1a: {  	v2 =	vor.u32 $0x8, v2  }
0x1b: {  	v0 =	vperm.xlane v0, v2;
	_ =	sdelay $0x1  }
0x1c: {  	s4 =	sadd.s32 $0xF6A00, s4;
	vm0 =	vmmov $0xffff;
	v0 =	vadd.s32 v3, v0  }
0x1d: {  	[hbm4b:s4+s2] =	stream.indirect_vreg.scatter [tilespmem:s23], [sflag:$0x1], $0x80, v4, vm0, $0xb8;
	[tilespmem:$0x10080] =	vst v63  }
0x1e: {  	s24 =	simm.s32 $0x880;
	s5 =	sadd.s32 $0x100, s4  }
0x1f: {  	[hbm4b:s5+s2] =	stream.indirect_vreg.scatter [tilespmem:s24], [sflag:$0x1], $0x80, v4, vm0, $0xb8;
	[tilespmem:$0x10080] =	vst v63  }
0x20: {  	s25 =	simm.s32 $0x1080  }
0x21: {  	[hbm4b:s4+s2] =	stream.indirect_vreg.scatter [tilespmem:s25], [sflag:$0x1], $0x80, v0, vm0, $0xb8;
	[tilespmem:$0x10080] =	vst v63  }
0x22: {  	s26 =	simm.s32 $0x1880  }
0x23: {  	[hbm4b:s5+s2] =	stream.indirect_vreg.scatter [tilespmem:s26], [sflag:$0x1], $0x80, v0, vm0, $0xb8;
	[tilespmem:$0x10080] =	vst v63  }
0x24: {  	v0 =	vld [tilespmem:$0x10];
	_ =	sdelay $0x4  }
0x25: {  	v57 =	vshll.u32 v0, $0x2  }
0x26: {  	v0 =	vand.u32 $0x7, v0;
	v4 =	vand.u32 $0xFFFFFFE0, v57  }
0x27: {  	v0 =	vor.u32 v0, v4  }
0x28: {  	v4 =	vperm.xlane v0, v56;
	_ =	sdelay $0x1  }
0x29: {  	v4 =	vadd.s32 v3, v4;
	_ =	sdelay $0x1  }
0x2a: {  	v0 =	vperm.xlane v0, v2;
	_ =	sdelay $0x1  }
0x2b: {  	s28 =	simm.s32 $0x2080;
	v0 =	vadd.s32 v3, v0  }
0x2c: {  	[hbm4b:s4+s2] =	stream.indirect_vreg.scatter [tilespmem:s28], [sflag:$0x1], $0x80, v4, vm0, $0xb8;
	[tilespmem:$0x10080] =	vst v63  }
0x2d: {  	s29 =	simm.s32 $0x2880  }
0x2e: {  	[hbm4b:s5+s2] =	stream.indirect_vreg.scatter [tilespmem:s29], [sflag:$0x1], $0x80, v4, vm0, $0xb8;
	[tilespmem:$0x10080] =	vst v63  }
0x2f: {  	s30 =	simm.s32 $0x3080  }
0x30: {  	[hbm4b:s4+s2] =	stream.indirect_vreg.scatter [tilespmem:s30], [sflag:$0x1], $0x80, v0, vm0, $0xb8;
	[tilespmem:$0x10080] =	vst v63  }
0x31: {  	s31 =	simm.s32 $0x3880  }
0x32: {  	[hbm4b:s5+s2] =	stream.indirect_vreg.scatter [tilespmem:s31], [sflag:$0x1], $0x80, v0, vm0, $0xb8;
	[tilespmem:$0x10080] =	vst v63  }
0x33: {  	v0 =	vld [tilespmem:$0x20];
	_ =	sdelay $0x4  }
0x34: {  	v58 =	vshll.u32 v0, $0x2  }
0x35: {  	v0 =	vand.u32 $0x7, v0;
	v4 =	vand.u32 $0xFFFFFFE0, v58  }
0x36: {  	v0 =	vor.u32 v0, v4  }
0x37: {  	v4 =	vperm.xlane v0, v56;
	_ =	sdelay $0x1  }
0x38: {  	v4 =	vadd.s32 v3, v4;
	_ =	sdelay $0x1  }
0x39: {  	v0 =	vperm.xlane v0, v2;
	_ =	sdelay $0x1  }
0x3a: {  	s7 =	simm.s32 $0x4080;
	v0 =	vadd.s32 v3, v0  }
0x3b: {  	[hbm4b:s4+s2] =	stream.indirect_vreg.scatter [tilespmem:s7], [sflag:$0x1], $0x80, v4, vm0, $0xb8;
	[tilespmem:$0x10080] =	vst v63  }
0x3c: {  	s8 =	simm.s32 $0x4880  }
0x3d: {  	[hbm4b:s5+s2] =	stream.indirect_vreg.scatter [tilespmem:s8], [sflag:$0x1], $0x80, v4, vm0, $0xb8;
	[tilespmem:$0x10080] =	vst v63  }
0x3e: {  	s9 =	simm.s32 $0x5080  }
0x3f: {  	[hbm4b:s4+s2] =	stream.indirect_vreg.scatter [tilespmem:s9], [sflag:$0x1], $0x80, v0, vm0, $0xb8;
	[tilespmem:$0x10080] =	vst v63  }
0x40: {  	s10 =	simm.s32 $0x5880  }
0x41: {  	[hbm4b:s5+s2] =	stream.indirect_vreg.scatter [tilespmem:s10], [sflag:$0x1], $0x80, v0, vm0, $0xb8;
	[tilespmem:$0x10080] =	vst v63  }
0x42: {  	v0 =	vld [tilespmem:$0x30];
	_ =	sdelay $0x4  }
0x43: {  	v59 =	vshll.u32 v0, $0x2  }
0x44: {  	v0 =	vand.u32 $0x7, v0;
	v4 =	vand.u32 $0xFFFFFFE0, v59  }
0x45: {  	v0 =	vor.u32 v0, v4  }
0x46: {  	v4 =	vperm.xlane v0, v56;
	_ =	sdelay $0x1  }
0x47: {  	v4 =	vadd.s32 v3, v4;
	_ =	sdelay $0x1  }
0x48: {  	v0 =	vperm.xlane v0, v2;
	_ =	sdelay $0x1  }
0x49: {  	s11 =	simm.s32 $0x6080;
	v0 =	vadd.s32 v3, v0  }
0x4a: {  	[hbm4b:s4+s2] =	stream.indirect_vreg.scatter [tilespmem:s11], [sflag:$0x1], $0x80, v4, vm0, $0xb8;
	[tilespmem:$0x10080] =	vst v63  }
0x4b: {  	s12 =	simm.s32 $0x6880  }
0x4c: {  	[hbm4b:s5+s2] =	stream.indirect_vreg.scatter [tilespmem:s12], [sflag:$0x1], $0x80, v4, vm0, $0xb8;
	[tilespmem:$0x10080] =	vst v63  }
0x4d: {  	s13 =	simm.s32 $0x7080  }
0x4e: {  	[hbm4b:s4+s2] =	stream.indirect_vreg.scatter [tilespmem:s13], [sflag:$0x1], $0x80, v0, vm0, $0xb8;
	[tilespmem:$0x10080] =	vst v63  }
0x4f: {  	s14 =	simm.s32 $0x7880  }
0x50: {  	[hbm4b:s5+s2] =	stream.indirect_vreg.scatter [tilespmem:s14], [sflag:$0x1], $0x80, v0, vm0, $0xb8;
	[tilespmem:$0x10080] =	vst v63  }
0x51: {  	v0 =	vld [tilespmem:$0x40];
	_ =	sdelay $0x4  }
0x52: {  	v60 =	vshll.u32 v0, $0x2  }
0x53: {  	v0 =	vand.u32 $0x7, v0;
	v4 =	vand.u32 $0xFFFFFFE0, v60  }
0x54: {  	v0 =	vor.u32 v0, v4  }
0x55: {  	v4 =	vperm.xlane v0, v56;
	_ =	sdelay $0x1  }
0x56: {  	v4 =	vadd.s32 v3, v4;
	_ =	sdelay $0x1  }
0x57: {  	v0 =	vperm.xlane v0, v2;
	_ =	sdelay $0x1  }
0x58: {  	s15 =	simm.s32 $0x8080;
	v0 =	vadd.s32 v3, v0  }
0x59: {  	[hbm4b:s4+s2] =	stream.indirect_vreg.scatter [tilespmem:s15], [sflag:$0x1], $0x80, v4, vm0, $0xb8;
	[tilespmem:$0x10080] =	vst v63  }
0x5a: {  	s16 =	simm.s32 $0x8880  }
0x5b: {  	[hbm4b:s5+s2] =	stream.indirect_vreg.scatter [tilespmem:s16], [sflag:$0x1], $0x80, v4, vm0, $0xb8;
	[tilespmem:$0x10080] =	vst v63  }
0x5c: {  	s17 =	simm.s32 $0x9080  }
0x5d: {  	[hbm4b:s4+s2] =	stream.indirect_vreg.scatter [tilespmem:s17], [sflag:$0x1], $0x80, v0, vm0, $0xb8;
	[tilespmem:$0x10080] =	vst v63  }
0x5e: {  	s18 =	simm.s32 $0x9880  }
0x5f: {  	[hbm4b:s5+s2] =	stream.indirect_vreg.scatter [tilespmem:s18], [sflag:$0x1], $0x80, v0, vm0, $0xb8;
	[tilespmem:$0x10080] =	vst v63  }
0x60: {  	v0 =	vld [tilespmem:$0x50];
	_ =	sdelay $0x4  }
0x61: {  	v61 =	vshll.u32 v0, $0x2  }
0x62: {  	v0 =	vand.u32 $0x7, v0;
	v4 =	vand.u32 $0xFFFFFFE0, v61  }
0x63: {  	v0 =	vor.u32 v0, v4  }
0x64: {  	v4 =	vperm.xlane v0, v56;
	_ =	sdelay $0x1  }
0x65: {  	v4 =	vadd.s32 v3, v4;
	_ =	sdelay $0x1  }
0x66: {  	v0 =	vperm.xlane v0, v2;
	_ =	sdelay $0x1  }
0x67: {  	s19 =	simm.s32 $0xA080;
	v0 =	vadd.s32 v3, v0  }
0x68: {  	[hbm4b:s4+s2] =	stream.indirect_vreg.scatter [tilespmem:s19], [sflag:$0x1], $0x80, v4, vm0, $0xb8;
	[tilespmem:$0x10080] =	vst v63  }
0x69: {  	s20 =	simm.s32 $0xA880  }
0x6a: {  	[hbm4b:s5+s2] =	stream.indirect_vreg.scatter [tilespmem:s20], [sflag:$0x1], $0x80, v4, vm0, $0xb8;
	[tilespmem:$0x10080] =	vst v63  }
0x6b: {  	s21 =	simm.s32 $0xB080  }
0x6c: {  	[hbm4b:s4+s2] =	stream.indirect_vreg.scatter [tilespmem:s21], [sflag:$0x1], $0x80, v0, vm0, $0xb8;
	[tilespmem:$0x10080] =	vst v63  }
0x6d: {  	s22 =	simm.s32 $0xB880  }
0x6e: {  	[hbm4b:s5+s2] =	stream.indirect_vreg.scatter [tilespmem:s22], [sflag:$0x1], $0x80, v0, vm0, $0xb8;
	[tilespmem:$0x10080] =	vst v63  }
0x6f: {  	v0 =	vld [tilespmem:$0x60];
	_ =	sdelay $0x4  }
0x70: {  	v62 =	vshll.u32 v0, $0x2  }
0x71: {  	v0 =	vand.u32 $0x7, v0;
	v4 =	vand.u32 $0xFFFFFFE0, v62  }
0x72: {  	v0 =	vor.u32 v0, v4  }
0x73: {  	v4 =	vperm.xlane v0, v56;
	_ =	sdelay $0x1  }
0x74: {  	v4 =	vadd.s32 v3, v4;
	_ =	sdelay $0x1  }
0x75: {  	v0 =	vperm.xlane v0, v2;
	_ =	sdelay $0x1  }
0x76: {  	s23 =	simm.s32 $0xC080;
	v0 =	vadd.s32 v3, v0  }
0x77: {  	[hbm4b:s4+s2] =	stream.indirect_vreg.scatter [tilespmem:s23], [sflag:$0x1], $0x80, v4, vm0, $0xb8;
	[tilespmem:$0x10080] =	vst v63  }
0x78: {  	s24 =	simm.s32 $0xC880  }
0x79: {  	[hbm4b:s5+s2] =	stream.indirect_vreg.scatter [tilespmem:s24], [sflag:$0x1], $0x80, v4, vm0, $0xb8;
	[tilespmem:$0x10080] =	vst v63  }
0x7a: {  	s25 =	simm.s32 $0xD080  }
0x7b: {  	[hbm4b:s4+s2] =	stream.indirect_vreg.scatter [tilespmem:s25], [sflag:$0x1], $0x80, v0, vm0, $0xb8;
	[tilespmem:$0x10080] =	vst v63  }
0x7c: {  	s26 =	simm.s32 $0xD880  }
0x7d: {  	[hbm4b:s5+s2] =	stream.indirect_vreg.scatter [tilespmem:s26], [sflag:$0x1], $0x80, v0, vm0, $0xb8;
	[tilespmem:$0x10080] =	vst v63  }
0x7e: {  	v0 =	vld [tilespmem:$0x70];
	_ =	sdelay $0x4  }
0x7f: {  	v63 =	vshll.u32 v0, $0x2  }
0x80: {  	v0 =	vand.u32 $0x7, v0;
	v4 =	vand.u32 $0xFFFFFFE0, v63  }
0x81: {  	v0 =	vor.u32 v0, v4  }
0x82: {  	v1 =	vperm.xlane v0, v56;
	_ =	sdelay $0x1  }
0x83: {  	v1 =	vadd.s32 v3, v1;
	_ =	sdelay $0x1  }
0x84: {  	v0 =	vperm.xlane v0, v2;
	_ =	sdelay $0x1  }
0x85: {  	s28 =	simm.s32 $0xE080;
	v0 =	vadd.s32 v3, v0  }
0x86: {  	[hbm4b:s4+s2] =	stream.indirect_vreg.scatter [tilespmem:s28], [sflag:$0x1], $0x80, v1, vm0, $0xb8;
	[tilespmem:$0x10080] =	vst v63  }
0x87: {  	s29 =	simm.s32 $0xE880  }
0x88: {  	[hbm4b:s5+s2] =	stream.indirect_vreg.scatter [tilespmem:s29], [sflag:$0x1], $0x80, v1, vm0, $0xb8;
	[tilespmem:$0x10080] =	vst v63  }
0x89: {  	s30 =	simm.s32 $0xF080  }
0x8a: {  	[hbm4b:s4+s2] =	stream.indirect_vreg.scatter [tilespmem:s30], [sflag:$0x1], $0x80, v0, vm0, $0xb8;
	[tilespmem:$0x10080] =	vst v63  }
0x8b: {  	s31 =	simm.s32 $0xF880  }
0x8c: {  	[hbm4b:s5+s2] =	stream.indirect_vreg.scatter [tilespmem:s31], [sflag:$0x1], $0x80, v0, vm0, $0xb8;
	[tilespmem:$0x10080] =	vst v63  }
0x8d: {  	_ =	swait.ge [sflag:s3], $0x10000  }
0x8e: {  	[sflag:s3] =	ssyncset.done $0x0  }
0x8f: {  	[sflag:s3] =	ssyncadd.s32 $0xFFFF0000  }
.LBB2_2:
0x90: {  	_ =	sfence.sel $0x180000  }
0x91: {  	[bflag:$0x0] =	sbarrier.arrive $0xFFFF  }
0x92: {  	p0 =	sne.s32 s1, $0x0;
	_ =	strace $0x9000004A  }
0x93: {  	s0 =	sadd.s32 @!p0 $0x100000, s0;
	[bflag:$0x2] =	sbarrier.arrive $0xFFFF  }
0x94: {  	[sflag:s0] =	ssyncadd.tile.s32 @!p0 $0x1;
	_ =	shalt  }
.Lfunc_end2:
_tile_overlayer_lowered:
.L_overlay_start_2:
0x95: {  	(tag) =	ssettag $0x2  }
0x96: {  	s0 =	rddreg [dreg:$0x0];
	s2 =	stileid.u32  }
0x97: {  	s1 =	rddreg [dreg:$0x1];
	p0 =	sne.s32 s2, $0x0  }
0x98: {  	s3 =	rddreg [dreg:$0x2];
	[bflag:$0x3] =	sbarrier.arrive $0xFFFF;
	s2 =	simm.s32 @!p0 $0x1C02  }
0x99: {  	[timem:s3], [sflag:s2] =	dma.local @!p0 [hbm:s0], s1  }
0x9a: {  	s0 =	simm.s32 @!p0 $0x2  }
0x9b: {  	_ =	swait.ge @!p0 [sflag:s0], s1  }
0x9c: {  	s1 =	ssub.s32 @!p0 $0x0, s1;
	[sflag:s0] =	ssyncset.done @!p0 $0x0  }
0x9d: {  	[sflag:s0] =	ssyncadd.s32 @!p0 s1  }
0x9e: {  	[bflag:$0x3] =	sbarrier.arrive $0xFFFF  }
0x9f: {  	_ =	shalt  }

// kernel: kernel.64.cloned.1.call-start
scs
__scs_entry_jumppad:
0x0: {  	(pc) =	sbr.rel $0x88, $3  }
0x1: {  	(tag) =	ssettag $0x0;
	lr =	simm.s32 $0x1  }
0x2: {  	[smem:$0x3F8E] =	sst lr;
	_ =	strace $0xD0000000  }
0x3: {  	_ = 	snop  }
0x4: {  	_ = 	snop  }
0x5: {  	_ = 	snop  }
0x6: {  	_ = 	snop  }
0x7: {  	_ = 	snop  }
__scs_overlays_trampoline_lowered:
0x8: {  	[smem:$0x3F9D] =	sst s0  }
0x9: {  	[smem:$0x3F9E] =	sst s1  }
0xa: {  	[smem:$0x3F9F] =	sst s2  }
0xb: {  	[smem:$0x3FA0] =	sst s3  }
0xc: {  	[smem:$0x3FA1] =	sst s4  }
0xd: {  	[smem:$0x3FA2] =	sst s5  }
0xe: {  	[smem:$0x3FA3] =	sst s6  }
0xf: {  	[smem:$0x3FA4] =	sst s7  }
0x10: {  	[smem:$0x3FA5] =	sst s8  }
0x11: {  	[smem:$0x3FA6] =	sst s9;
	s0 =	simm.s32 @!p0 $0x0  }
0x12: {  	s1 =	sld [smem:$0x3F8C];
	s0 =	simm.s32 @p0 $0x1  }
0x13: {  	[smem:$0x3FA7] =	sst s0;
	s0 =	simm.s32 @!p1 $0x0  }
0x14: {  	s2 =	sld [smem:$0x3F8B];
	s0 =	simm.s32 @p1 $0x1  }
0x15: {  	[smem:$0x3FA8] =	sst s0;
	s0 =	simm.s32 @!p2 $0x0  }
0x16: {  	s3 =	sld [smem:$0x3FDB];
	s0 =	simm.s32 @p2 $0x1  }
0x17: {  	s4 =	simm.s32 $0x1BF5;
	[smem:$0x3FAA] =	sst s0  }
0x18: {  	s0 =	sld [smem:$0x3F8D];
	_ =	swait.ge [sflag:s4], $0x0  }
0x19: {  	s7 =	sld [smem:$0x3F8E]  }
0x1a: {  	s8 =	sadd.s32 $0xFFFFE003, lr  }
0x1b: {  	s9 =	sadd.s32 $0xFFFFFEF7, lr;
	s5 =	simm.s32 $0xFFFFFFFF;
	p2 =	slt.u32 s8, $0xFFFFF086  }
0x1c: {  	p1 =	slt.u32 s9, $0xF7A;
	s5 =	simm.s32 @!p2 $0x0  }
0x1d: {  	s5 =	simm.s32 @p1 $0x1;
	p0 =	seq.s32 s7, s2  }
0x1e: {  	s7 =	smul.u32 @!p0 $0xF7A, s2;
	p2 =	seq.s32 @!p0 s5, $0x0  }
0x1f: {  	s9 =	smul.u32 $0xF7A, s1;
	s8 =	simm.s32 @!p0 $0x1BF5;
	p2 =	por !p2, p0  }
0x20: {  	[sflag:s8] =	ssyncset.s32 @!p0 $0xFFFFF086;
	s6 =	sadd.s32 @!p0 s3, s7;
	s7 =	simm.s32 @!p0 $0x108  }
0x21: {  	s3 =	sadd.s32 s3, s9;
	s6 =	sadd.s32 @!p0 $0x88, s6;
	s7 =	simm.s32 @p2 $0x1082  }
0x22: {  	[simem:s7], [sflag:s8] =	dma.local @!p0 [hbm:s6], $0xF7A  }
0x23: {  	s9 =	sor.u32 $0xD0000000, s2;
	s6 =	simm.s32 $0x108;
	_ =	swait.ge @!p0 [sflag:s8], $0x0  }
0x24: {  	s3 =	sadd.s32 $0x88, s3;
	s6 =	simm.s32 @!p1 $0x1082;
	[sflag:s4] =	ssyncset.s32 $0xFFFFF086  }
0x25: {  	[simem:s6], [sflag:s4] =	dma.local [hbm:s3], $0xF7A  }
0x26: {  	[smem:$0x3F8E] =	sst s1;
	(tag) =	ssettag s2;
	_ =	strace s9  }
0x27: {  	s1 =	sld [smem:$0x3F9E]  }
0x28: {  	s2 =	sld [smem:$0x3F9F]  }
0x29: {  	s4 =	sld [smem:$0x3FA1]  }
0x2a: {  	p0 =	seq.s32 s5, $0x0;
	s5 =	sld [smem:$0x3FA2]  }
0x2b: {  	s6 =	sld [smem:$0x3FA3]  }
0x2c: {  	s7 =	sld [smem:$0x3FA4]  }
0x2d: {  	s3 =	simm.s32 $0x108;
	s8 =	sld [smem:$0x3FA5]  }
0x2e: {  	s3 =	simm.s32 @!p0 $0x1082;
	s9 =	sld [smem:$0x3FA6]  }
0x2f: {  	lr =	sadd.s32 s0, s3;
	s0 =	sld [smem:$0x3F9D]  }
0x30: {  	s3 =	sld [smem:$0x3FA0]  }
0x31: {  	[smem:$0x3FA9] =	sst s10  }
0x32: {  	s10 =	sld [smem:$0x3FA7];
	_ =	sdelay $0x3  }
0x33: {  	p0 =	seq.s32 s10, $0x1;
	s10 =	sld [smem:$0x3FA9];
	_ =	sdelay $0x3  }
0x34: {  	[smem:$0x3FA9] =	sst s10  }
0x35: {  	s10 =	sld [smem:$0x3FA8];
	_ =	sdelay $0x3  }
0x36: {  	p1 =	seq.s32 s10, $0x1;
	s10 =	sld [smem:$0x3FA9];
	_ =	sdelay $0x3  }
0x37: {  	[smem:$0x3FA9] =	sst s10  }
0x38: {  	s10 =	sld [smem:$0x3FAA]  }
0x39: {  	_ = 	snop;
	(pc) =	sbr.ind lr, $3  }
0x3a: {  	_ = 	snop  }
0x3b: {  	_ = 	snop  }
0x3c: {  	p2 =	seq.s32 s10, $0x1;
	s10 =	sld [smem:$0x3FA9]  }
0x3d: {  	_ =	shalt  }
0x3e: {  	_ =	shalt  }
0x3f: {  	_ =	shalt  }
0x40: {  	_ =	shalt  }
0x41: {  	_ =	shalt  }
0x42: {  	_ =	shalt  }
0x43: {  	_ =	shalt  }
0x44: {  	_ =	shalt  }
0x45: {  	_ =	shalt  }
0x46: {  	_ =	shalt  }
0x47: {  	_ =	shalt  }
0x48: {  	_ =	shalt  }
0x49: {  	_ =	shalt  }
0x4a: {  	_ =	shalt  }
0x4b: {  	_ =	shalt  }
0x4c: {  	_ =	shalt  }
0x4d: {  	_ =	shalt  }
0x4e: {  	_ =	shalt  }
0x4f: {  	_ =	shalt  }
0x50: {  	_ =	shalt  }
0x51: {  	_ =	shalt  }
0x52: {  	_ =	shalt  }
0x53: {  	_ =	shalt  }
0x54: {  	_ =	shalt  }
0x55: {  	_ =	shalt  }
0x56: {  	_ =	shalt  }
0x57: {  	_ =	shalt  }
0x58: {  	_ =	shalt  }
0x59: {  	_ =	shalt  }
0x5a: {  	_ =	shalt  }
0x5b: {  	_ =	shalt  }
0x5c: {  	_ =	shalt  }
0x5d: {  	_ =	shalt  }
0x5e: {  	_ =	shalt  }
0x5f: {  	_ =	shalt  }
0x60: {  	_ =	shalt  }
0x61: {  	_ =	shalt  }
0x62: {  	_ =	shalt  }
0x63: {  	_ =	shalt  }
0x64: {  	_ =	shalt  }
0x65: {  	_ =	shalt  }
0x66: {  	_ =	shalt  }
0x67: {  	_ =	shalt  }
0x68: {  	_ =	shalt  }
0x69: {  	_ =	shalt  }
0x6a: {  	_ =	shalt  }
0x6b: {  	_ =	shalt  }
0x6c: {  	_ =	shalt  }
0x6d: {  	_ =	shalt  }
0x6e: {  	_ =	shalt  }
0x6f: {  	_ =	shalt  }
0x70: {  	_ =	shalt  }
0x71: {  	_ =	shalt  }
0x72: {  	_ =	shalt  }
0x73: {  	_ =	shalt  }
0x74: {  	_ =	shalt  }
0x75: {  	_ =	shalt  }
0x76: {  	_ =	shalt  }
0x77: {  	_ =	shalt  }
0x78: {  	_ =	shalt  }
0x79: {  	_ =	shalt  }
0x7a: {  	_ =	shalt  }
0x7b: {  	_ =	shalt  }
0x7c: {  	_ =	shalt  }
0x7d: {  	_ =	shalt  }
0x7e: {  	_ =	shalt  }
0x7f: {  	_ =	shalt  }
0x80: {  	_ =	shalt  }
0x81: {  	_ =	shalt  }
0x82: {  	_ =	shalt  }
0x83: {  	_ =	shalt  }
0x84: {  	_ =	shalt  }
0x85: {  	_ =	shalt  }
0x86: {  	_ =	shalt  }
0x87: {  	_ =	shalt  }
.Lfunc_end0:
.L_simem_size_0:
called_computation.2_lowered:
.L_overlay_start_0:
0x88: {  	s2 =	sld [smem:$0x3FD9]  }
0x89: {  	s3 =	sld [smem:$0x3FFE];
	_ =	sdelay $0x1  }
0x8a: {  	s1 =	srdreg.scid  }
0x8b: {  	s0 =	sand.u32 $0x1, s1  }
0x8c: {  	s14 =	sshll.u32 s0, $0xA;
	s2 =	sadd.s32 s3, s2  }
0x8d: {  	s2 =	sadd.s32 s2, s14  }
0x8e: {  	[smem:$0x3FB5] =	sst s2  }
0x8f: {  	_ = 	snop  }
0x90: {  	s2 =	sld [smem:$0x3FD0];
	_ =	sdelay $0x2  }
0x91: {  	s15 =	simm.s32 $0xA;
	s4 =	simm.s32 $0x10  }
0x92: {  	[smem:s4], [sflag:s15] =	dma.local [hbm:s2], $0x1  }
0x93: {  	_ =	swait.eq [sflag:s15], $0x1  }
0x94: {  	[sflag:s15] =	ssyncset.done $0x0  }
0x95: {  	[sflag:s15] =	ssyncadd.s32 $0xFFFFFFFF  }
0x96: {  	s16 =	sld [smem:$0x10];
	(tm) =	ssettm $0x1  }
0x97: {  	s17 =	sld [smem:$0x3FFB];
	_ =	sdelay $0x3  }
0x98: {  	_ =	strace s17  }
0x99: {  	s3 =	sld [smem:$0x3FFC];
	_ =	sdelay $0x3  }
0x9a: {  	_ =	strace s3  }
0x9b: {  	s3 =	sld [smem:$0x3FFD];
	_ =	sdelay $0x3  }
0x9c: {  	_ =	strace s3  }
0x9d: {  	_ =	strace $0x8FFFFFFF  }
0x9e: {  	s18 =	sld [smem:$0x3FDB];
	_ =	sdelay $0x1  }
0x9f: {  	s19 =	simm.s32 $_scs_section_size  }
0xa0: {  	s5 =	simm.s32 $_size__tile_overlayer_lowered;
	s6 =	simm.s32 $_tile_overlayer_lowered  }
0xa1: {  	s22 =	simm.s32 $0x1BFF;
	s21 =	sshll.u32 s6, $0x1;
	s3 =	sadd.s32 s19, s18  }
0xa2: {  	s7 =	simm.s32 $0x0;
	s20 =	sshll.u32 s5, $0x1;
	s5 =	sadd.s32 s21, s3  }
0xa3: {  	[timem:s7], [sflag:s22] =	dma.local [hbm:s5], s20  }
0xa4: {  	_ =	swait.ge [sflag:s22], s20  }
0xa5: {  	s4 =	ssub.s32 $0x0, s20;
	[sflag:s22] =	ssyncset.done $0x0  }
0xa6: {  	[sflag:s22] =	ssyncadd.s32 s4;
	_ =	sdelay $0x1  }
0xa7: {  	s23 =	simm.s32 $0x1B8B  }
0xa8: {  	_ =	swait.ge [sflag:s23], $0x1  }
0xa9: {  	[sflag:s23] =	ssyncset.done $0x0  }
0xaa: {  	s25 =	simm.s32 $0x1B8E;
	s24 =	sld [smem:$0x3FFE];
	[sflag:s23] =	ssyncadd.s32 $0xFFFFFFFF  }
0xab: {  	s26 =	simm.s32 $execute0_lowered;
	[smem:$0x3FD2] =	sst s25  }
0xac: {  	s5 =	sshll.u32 s26, $0x1;
	_ =	strace $0x8000004C;
	[dreg:$0x1] =	wrdreg $0xFFFFFFFF  }
0xad: {  	s28 =	simm.s32 $_size_execute0_lowered;
	s3 =	sadd.s32 s3, s5;
	[dreg:$0x0] =	wrdreg $0x0  }
0xae: {  	s5 =	sshll.u32 s28, $0x1;
	[dreg:$0x2] =	wrdreg s3  }
0xaf: {  	[dreg:$0x3] =	wrdreg s5  }
0xb0: {  	[dreg:$0x4] =	wrdreg $0xC0  }
0xb1: {  	_ =	task [dreg:s7], $0x5FFFF  }
0xb2: {  	[dreg:$0x1] =	wrdreg $0xFFFFFFFF  }
0xb3: {  	[dreg:$0x0] =	wrdreg $0x60  }
0xb4: {  	[dreg:$0x2] =	wrdreg s16  }
0xb5: {  	[dreg:$0x3] =	wrdreg s24  }
0xb6: {  	[dreg:$0x4] =	wrdreg $0x9  }
0xb7: {  	_ =	task.clear_ibuf [dreg:s7], $0x5FFFF;
	_ =	strace $0x9000004C  }
0xb8: {  	s29 =	simm.s32 $0x9;
	_ =	strace $0x8000004E  }
0xb9: {  	_ =	swait.ge [sflag:s29], $0x1  }
0xba: {  	[sflag:s29] =	ssyncadd.s32 $0xFFFFFFFF  }
0xbb: {  	_ =	strace $0x9000004E  }
0xbc: {  	_ =	sfence  }
0xbd: {  	s30 =	sld [smem:$0x0];
	_ =	sdelay $0x2  }
0xbe: {  	s31 =	sshll.u32 s1, $0xD;
	s1 =	sshrl.u32 s1, $0x2  }
0xbf: {  	s3 =	sand.u32 $0x4000, s31;
	s1 =	sadd.s32 s1, s30  }
0xc0: {  	s0 =	sor.u32 s3, s0;
	s1 =	sshll.u32 s1, $0x11  }
0xc1: {  	s0 =	sor.u32 s1, s0  }
0xc2: {  	s0 =	sadd.s32 $0x8F2B, s0  }
0xc3: {  	[sflag:s0] =	ssyncadd.remote.s32 $0x1  }
0xc4: {  	_ =	sfence.sel $0xFFFF  }
0xc5: {  	[dreg:$0x0] =	wrdreg $0xFFFFFFFF;
	(pc) =	sbr.abs _section_cstart, $3  }
0xc6: {  	[dreg:$0x1] =	wrdreg $0xFFFFFFFF  }
0xc7: {  	_ =	task.clear_ibuf [dreg:s7], $0x2FFFF;
	_ =	strace $0x9FFFFFFF  }
0xc8: {  	(tm) =	ssettm $0x7FFFFFFF  }
0xc9: {  	_ =	shalt  }
tec
execute0_lowered:
.L_overlay_start_1:
0x0: {  	(tag) =	ssettag $0x1  }
0x1: {  	s1 =	srdreg.scid  }
0x2: {  	s1 =	sand.u32 $0x1, s1  }
0x3: {  	p0 =	seq.s32 s1, $0x1  }
.Ltmp0:
0x4: {  	_ = 	snop;
	(pc) =	sbr.rel @p0 .LBB2_2-.Ltmp0, $4  }
0x5: {  	s4 =	rddreg [dreg:$0x0]  }
0x6: {  	s3 =	rddreg [dreg:$0x1];
	s2 =	simm.s32 $0x0  }
0x7: {  	[smem:$0x7FF] =	sst s2  }
0x8: {  	s0 =	rddreg [dreg:$0x2];
	_ =	strace $0x8000004D;
	s1 =	stileid.u32  }
0x9: {  	s5 =	sadd.s32 $0x6600, s3;
	s6 =	sshll.u32 s1, $0x4  }
0xa: {  	s5 =	sadd.s32 s5, s6  }
0xb: {  	[tilespmem:s2], [sflag:$0x1] =	stream.linear.gather [hbm4b:s5+s2], $0x80, $0x38;
	[tilespmem:$0x10080] =	vst v63  }
0xc: {  	s5 =	simm.s32 $0x1  }
0xd: {  	_ =	swait.ge [sflag:s5], $0x80  }
0xe: {  	[sflag:s5] =	ssyncset.done $0x0  }
0xf: {  	[sflag:s5] =	ssyncadd.s32 $0xFFFFFF80  }
0x10: {  	v0 =	vld [tilespmem:$0x0];
	_ =	sdelay $0x4  }
0x11: {  	v1 =	vshll.u32 v0, $0x2  }
0x12: {  	v2 =	vlaneseq.u32;
	v0 =	vand.u32 $0x7, v0;
	v1 =	vand.u32 $0xFFFFFFE0, v1  }
0x13: {  	v56 =	vand.u32 $0x7, v2;
	v3 =	vshrl.u32 v2, $0x3;
	v0 =	vor.u32 v0, v1  }
0x14: {  	v3 =	vmul.u32 $0x8, v3;
	v4 =	vperm.xlane v0, v56;
	_ =	sdelay $0x1  }
0x15: {  	v4 =	vadd.s32 v3, v4  }
0x16: {  	v2 =	vor.u32 $0x8, v2  }
0x17: {  	v0 =	vperm.xlane v0, v2;
	_ =	sdelay $0x1  }
0x18: {  	vm0 =	vmmov $0xffff;
	s6 =	simm.s32 $0x80;
	v0 =	vadd.s32 v3, v0  }
0x19: {  	[tilespmem:s6], [sflag:$0x1] =	stream.indirect_vreg.gather [hbm4b:s4+s2], $0x80, v4, vm0, $0xb8;
	[tilespmem:$0x10080] =	vst v63  }
0x1a: {  	s7 =	sadd.s32 $0x100, s4;
	s8 =	simm.s32 $0x880  }
0x1b: {  	[tilespmem:s8], [sflag:$0x1] =	stream.indirect_vreg.gather [hbm4b:s7+s2], $0x80, v4, vm0, $0xb8;
	[tilespmem:$0x10080] =	vst v63  }
0x1c: {  	s21 =	simm.s32 $0x1080  }
0x1d: {  	[tilespmem:s21], [sflag:$0x1] =	stream.indirect_vreg.gather [hbm4b:s4+s2], $0x80, v0, vm0, $0xb8;
	[tilespmem:$0x10080] =	vst v63  }
0x1e: {  	s22 =	simm.s32 $0x1880  }
0x1f: {  	[tilespmem:s22], [sflag:$0x1] =	stream.indirect_vreg.gather [hbm4b:s7+s2], $0x80, v0, vm0, $0xb8;
	[tilespmem:$0x10080] =	vst v63  }
0x20: {  	v0 =	vld [tilespmem:$0x10];
	_ =	sdelay $0x4  }
0x21: {  	v57 =	vshll.u32 v0, $0x2  }
0x22: {  	v0 =	vand.u32 $0x7, v0;
	v4 =	vand.u32 $0xFFFFFFE0, v57  }
0x23: {  	v0 =	vor.u32 v0, v4  }
0x24: {  	v4 =	vperm.xlane v0, v56;
	_ =	sdelay $0x1  }
0x25: {  	v4 =	vadd.s32 v3, v4;
	_ =	sdelay $0x1  }
0x26: {  	v0 =	vperm.xlane v0, v2;
	_ =	sdelay $0x1  }
0x27: {  	s23 =	simm.s32 $0x2080;
	v0 =	vadd.s32 v3, v0  }
0x28: {  	[tilespmem:s23], [sflag:$0x1] =	stream.indirect_vreg.gather [hbm4b:s4+s2], $0x80, v4, vm0, $0xb8;
	[tilespmem:$0x10080] =	vst v63  }
0x29: {  	s24 =	simm.s32 $0x2880  }
0x2a: {  	[tilespmem:s24], [sflag:$0x1] =	stream.indirect_vreg.gather [hbm4b:s7+s2], $0x80, v4, vm0, $0xb8;
	[tilespmem:$0x10080] =	vst v63  }
0x2b: {  	s25 =	simm.s32 $0x3080  }
0x2c: {  	[tilespmem:s25], [sflag:$0x1] =	stream.indirect_vreg.gather [hbm4b:s4+s2], $0x80, v0, vm0, $0xb8;
	[tilespmem:$0x10080] =	vst v63  }
0x2d: {  	s26 =	simm.s32 $0x3880  }
0x2e: {  	[tilespmem:s26], [sflag:$0x1] =	stream.indirect_vreg.gather [hbm4b:s7+s2], $0x80, v0, vm0, $0xb8;
	[tilespmem:$0x10080] =	vst v63  }
0x2f: {  	v0 =	vld [tilespmem:$0x20];
	_ =	sdelay $0x4  }
0x30: {  	v58 =	vshll.u32 v0, $0x2  }
0x31: {  	v0 =	vand.u32 $0x7, v0;
	v4 =	vand.u32 $0xFFFFFFE0, v58  }
0x32: {  	v0 =	vor.u32 v0, v4  }
0x33: {  	v4 =	vperm.xlane v0, v56;
	_ =	sdelay $0x1  }
0x34: {  	v4 =	vadd.s32 v3, v4;
	_ =	sdelay $0x1  }
0x35: {  	v0 =	vperm.xlane v0, v2;
	_ =	sdelay $0x1  }
0x36: {  	s28 =	simm.s32 $0x4080;
	v0 =	vadd.s32 v3, v0  }
0x37: {  	[tilespmem:s28], [sflag:$0x1] =	stream.indirect_vreg.gather [hbm4b:s4+s2], $0x80, v4, vm0, $0xb8;
	[tilespmem:$0x10080] =	vst v63  }
0x38: {  	s29 =	simm.s32 $0x4880  }
0x39: {  	[tilespmem:s29], [sflag:$0x1] =	stream.indirect_vreg.gather [hbm4b:s7+s2], $0x80, v4, vm0, $0xb8;
	[tilespmem:$0x10080] =	vst v63  }
0x3a: {  	s30 =	simm.s32 $0x5080  }
0x3b: {  	[tilespmem:s30], [sflag:$0x1] =	stream.indirect_vreg.gather [hbm4b:s4+s2], $0x80, v0, vm0, $0xb8;
	[tilespmem:$0x10080] =	vst v63  }
0x3c: {  	s31 =	simm.s32 $0x5880  }
0x3d: {  	[tilespmem:s31], [sflag:$0x1] =	stream.indirect_vreg.gather [hbm4b:s7+s2], $0x80, v0, vm0, $0xb8;
	[tilespmem:$0x10080] =	vst v63  }
0x3e: {  	v0 =	vld [tilespmem:$0x30];
	_ =	sdelay $0x4  }
0x3f: {  	v59 =	vshll.u32 v0, $0x2  }
0x40: {  	v0 =	vand.u32 $0x7, v0;
	v4 =	vand.u32 $0xFFFFFFE0, v59  }
0x41: {  	v0 =	vor.u32 v0, v4  }
0x42: {  	v4 =	vperm.xlane v0, v56;
	_ =	sdelay $0x1  }
0x43: {  	v4 =	vadd.s32 v3, v4;
	_ =	sdelay $0x1  }
0x44: {  	v0 =	vperm.xlane v0, v2;
	_ =	sdelay $0x1  }
0x45: {  	s9 =	simm.s32 $0x6080;
	v0 =	vadd.s32 v3, v0  }
0x46: {  	[tilespmem:s9], [sflag:$0x1] =	stream.indirect_vreg.gather [hbm4b:s4+s2], $0x80, v4, vm0, $0xb8;
	[tilespmem:$0x10080] =	vst v63  }
0x47: {  	s10 =	simm.s32 $0x6880  }
0x48: {  	[tilespmem:s10], [sflag:$0x1] =	stream.indirect_vreg.gather [hbm4b:s7+s2], $0x80, v4, vm0, $0xb8;
	[tilespmem:$0x10080] =	vst v63  }
0x49: {  	s11 =	simm.s32 $0x7080  }
0x4a: {  	[tilespmem:s11], [sflag:$0x1] =	stream.indirect_vreg.gather [hbm4b:s4+s2], $0x80, v0, vm0, $0xb8;
	[tilespmem:$0x10080] =	vst v63  }
0x4b: {  	s12 =	simm.s32 $0x7880  }
0x4c: {  	[tilespmem:s12], [sflag:$0x1] =	stream.indirect_vreg.gather [hbm4b:s7+s2], $0x80, v0, vm0, $0xb8;
	[tilespmem:$0x10080] =	vst v63  }
0x4d: {  	v0 =	vld [tilespmem:$0x40];
	_ =	sdelay $0x4  }
0x4e: {  	v60 =	vshll.u32 v0, $0x2  }
0x4f: {  	v0 =	vand.u32 $0x7, v0;
	v4 =	vand.u32 $0xFFFFFFE0, v60  }
0x50: {  	v0 =	vor.u32 v0, v4  }
0x51: {  	v4 =	vperm.xlane v0, v56;
	_ =	sdelay $0x1  }
0x52: {  	v4 =	vadd.s32 v3, v4;
	_ =	sdelay $0x1  }
0x53: {  	v0 =	vperm.xlane v0, v2;
	_ =	sdelay $0x1  }
0x54: {  	s13 =	simm.s32 $0x8080;
	v0 =	vadd.s32 v3, v0  }
0x55: {  	[tilespmem:s13], [sflag:$0x1] =	stream.indirect_vreg.gather [hbm4b:s4+s2], $0x80, v4, vm0, $0xb8;
	[tilespmem:$0x10080] =	vst v63  }
0x56: {  	s14 =	simm.s32 $0x8880  }
0x57: {  	[tilespmem:s14], [sflag:$0x1] =	stream.indirect_vreg.gather [hbm4b:s7+s2], $0x80, v4, vm0, $0xb8;
	[tilespmem:$0x10080] =	vst v63  }
0x58: {  	s15 =	simm.s32 $0x9080  }
0x59: {  	[tilespmem:s15], [sflag:$0x1] =	stream.indirect_vreg.gather [hbm4b:s4+s2], $0x80, v0, vm0, $0xb8;
	[tilespmem:$0x10080] =	vst v63  }
0x5a: {  	s16 =	simm.s32 $0x9880  }
0x5b: {  	[tilespmem:s16], [sflag:$0x1] =	stream.indirect_vreg.gather [hbm4b:s7+s2], $0x80, v0, vm0, $0xb8;
	[tilespmem:$0x10080] =	vst v63  }
0x5c: {  	v0 =	vld [tilespmem:$0x50];
	_ =	sdelay $0x4  }
0x5d: {  	v61 =	vshll.u32 v0, $0x2  }
0x5e: {  	v0 =	vand.u32 $0x7, v0;
	v4 =	vand.u32 $0xFFFFFFE0, v61  }
0x5f: {  	v0 =	vor.u32 v0, v4  }
0x60: {  	v4 =	vperm.xlane v0, v56;
	_ =	sdelay $0x1  }
0x61: {  	v4 =	vadd.s32 v3, v4;
	_ =	sdelay $0x1  }
0x62: {  	v0 =	vperm.xlane v0, v2;
	_ =	sdelay $0x1  }
0x63: {  	s17 =	simm.s32 $0xA080;
	v0 =	vadd.s32 v3, v0  }
0x64: {  	[tilespmem:s17], [sflag:$0x1] =	stream.indirect_vreg.gather [hbm4b:s4+s2], $0x80, v4, vm0, $0xb8;
	[tilespmem:$0x10080] =	vst v63  }
0x65: {  	s18 =	simm.s32 $0xA880  }
0x66: {  	[tilespmem:s18], [sflag:$0x1] =	stream.indirect_vreg.gather [hbm4b:s7+s2], $0x80, v4, vm0, $0xb8;
	[tilespmem:$0x10080] =	vst v63  }
0x67: {  	s19 =	simm.s32 $0xB080  }
0x68: {  	[tilespmem:s19], [sflag:$0x1] =	stream.indirect_vreg.gather [hbm4b:s4+s2], $0x80, v0, vm0, $0xb8;
	[tilespmem:$0x10080] =	vst v63  }
0x69: {  	s20 =	simm.s32 $0xB880  }
0x6a: {  	[tilespmem:s20], [sflag:$0x1] =	stream.indirect_vreg.gather [hbm4b:s7+s2], $0x80, v0, vm0, $0xb8;
	[tilespmem:$0x10080] =	vst v63  }
0x6b: {  	v0 =	vld [tilespmem:$0x60];
	_ =	sdelay $0x4  }
0x6c: {  	v62 =	vshll.u32 v0, $0x2  }
0x6d: {  	v0 =	vand.u32 $0x7, v0;
	v4 =	vand.u32 $0xFFFFFFE0, v62  }
0x6e: {  	v0 =	vor.u32 v0, v4  }
0x6f: {  	v4 =	vperm.xlane v0, v56;
	_ =	sdelay $0x1  }
0x70: {  	v4 =	vadd.s32 v3, v4;
	_ =	sdelay $0x1  }
0x71: {  	v0 =	vperm.xlane v0, v2;
	_ =	sdelay $0x1  }
0x72: {  	s21 =	simm.s32 $0xC080;
	v0 =	vadd.s32 v3, v0  }
0x73: {  	[tilespmem:s21], [sflag:$0x1] =	stream.indirect_vreg.gather [hbm4b:s4+s2], $0x80, v4, vm0, $0xb8;
	[tilespmem:$0x10080] =	vst v63  }
0x74: {  	s22 =	simm.s32 $0xC880  }
0x75: {  	[tilespmem:s22], [sflag:$0x1] =	stream.indirect_vreg.gather [hbm4b:s7+s2], $0x80, v4, vm0, $0xb8;
	[tilespmem:$0x10080] =	vst v63  }
0x76: {  	s23 =	simm.s32 $0xD080  }
0x77: {  	[tilespmem:s23], [sflag:$0x1] =	stream.indirect_vreg.gather [hbm4b:s4+s2], $0x80, v0, vm0, $0xb8;
	[tilespmem:$0x10080] =	vst v63  }
0x78: {  	s24 =	simm.s32 $0xD880  }
0x79: {  	[tilespmem:s24], [sflag:$0x1] =	stream.indirect_vreg.gather [hbm4b:s7+s2], $0x80, v0, vm0, $0xb8;
	[tilespmem:$0x10080] =	vst v63  }
0x7a: {  	v0 =	vld [tilespmem:$0x70];
	_ =	sdelay $0x4  }
0x7b: {  	v63 =	vshll.u32 v0, $0x2  }
0x7c: {  	v0 =	vand.u32 $0x7, v0;
	v4 =	vand.u32 $0xFFFFFFE0, v63  }
0x7d: {  	v0 =	vor.u32 v0, v4  }
0x7e: {  	v1 =	vperm.xlane v0, v56;
	_ =	sdelay $0x1  }
0x7f: {  	v1 =	vadd.s32 v3, v1;
	_ =	sdelay $0x1  }
0x80: {  	v0 =	vperm.xlane v0, v2;
	_ =	sdelay $0x1  }
0x81: {  	s25 =	simm.s32 $0xE080;
	v0 =	vadd.s32 v3, v0  }
0x82: {  	[tilespmem:s25], [sflag:$0x1] =	stream.indirect_vreg.gather [hbm4b:s4+s2], $0x80, v1, vm0, $0xb8;
	[tilespmem:$0x10080] =	vst v63  }
0x83: {  	s26 =	simm.s32 $0xE880  }
0x84: {  	[tilespmem:s26], [sflag:$0x1] =	stream.indirect_vreg.gather [hbm4b:s7+s2], $0x80, v1, vm0, $0xb8;
	[tilespmem:$0x10080] =	vst v63  }
0x85: {  	s28 =	simm.s32 $0xF080  }
0x86: {  	[tilespmem:s28], [sflag:$0x1] =	stream.indirect_vreg.gather [hbm4b:s4+s2], $0x80, v0, vm0, $0xb8;
	[tilespmem:$0x10080] =	vst v63  }
0x87: {  	s29 =	simm.s32 $0xF880  }
0x88: {  	[tilespmem:s29], [sflag:$0x1] =	stream.indirect_vreg.gather [hbm4b:s7+s2], $0x80, v0, vm0, $0xb8;
	[tilespmem:$0x10080] =	vst v63  }
0x89: {  	_ =	swait.ge [sflag:s5], $0x10000  }
0x8a: {  	s30 =	sadd.s32 $0xCEA00, s3;
	s31 =	sshll.u32 s1, $0xD;
	[sflag:s5] =	ssyncset.done $0x0  }
0x8b: {  	s3 =	sadd.s32 s30, s31;
	[sflag:s5] =	ssyncadd.s32 $0xFFFF0000  }
0x8c: {  	[hbm4b:s3+s2] =	stream.linear.scatter [tilespmem:s6], [sflag:$0x1], $0x10000, $0x38;
	[tilespmem:$0x10080] =	vst v63  }
0x8d: {  	_ =	swait.ge [sflag:s5], $0x10000  }
0x8e: {  	[sflag:s5] =	ssyncset.done $0x0  }
0x8f: {  	[sflag:s5] =	ssyncadd.s32 $0xFFFF0000  }
.LBB2_2:
0x90: {  	_ =	sfence.sel $0x180000  }
0x91: {  	[bflag:$0x0] =	sbarrier.arrive $0xFFFF  }
0x92: {  	p0 =	sne.s32 s1, $0x0;
	_ =	strace $0x9000004D  }
0x93: {  	s0 =	sadd.s32 @!p0 $0x100000, s0;
	[bflag:$0x2] =	sbarrier.arrive $0xFFFF  }
0x94: {  	[sflag:s0] =	ssyncadd.tile.s32 @!p0 $0x1;
	_ =	shalt  }
.Lfunc_end2:
_tile_overlayer_lowered:
.L_overlay_start_2:
0x95: {  	(tag) =	ssettag $0x2  }
0x96: {  	s0 =	rddreg [dreg:$0x0];
	s2 =	stileid.u32  }
0x97: {  	s1 =	rddreg [dreg:$0x1];
	p0 =	sne.s32 s2, $0x0  }
0x98: {  	s3 =	rddreg [dreg:$0x2];
	[bflag:$0x3] =	sbarrier.arrive $0xFFFF;
	s2 =	simm.s32 @!p0 $0x1C02  }
0x99: {  	[timem:s3], [sflag:s2] =	dma.local @!p0 [hbm:s0], s1  }
0x9a: {  	s0 =	simm.s32 @!p0 $0x2  }
0x9b: {  	_ =	swait.ge @!p0 [sflag:s0], s1  }
0x9c: {  	s1 =	ssub.s32 @!p0 $0x0, s1;
	[sflag:s0] =	ssyncset.done @!p0 $0x0  }
0x9d: {  	[sflag:s0] =	ssyncadd.s32 @!p0 s1  }
0x9e: {  	[bflag:$0x3] =	sbarrier.arrive $0xFFFF  }
0x9f: {  	_ =	shalt  }

// kernel: kernel.67.cloned.1.call-start
scs
__scs_entry_jumppad:
0x0: {  	(pc) =	sbr.rel $0x88, $3  }
0x1: {  	(tag) =	ssettag $0x0;
	lr =	simm.s32 $0x1  }
0x2: {  	[smem:$0x3F8E] =	sst lr;
	_ =	strace $0xD0000000  }
0x3: {  	_ = 	snop  }
0x4: {  	_ = 	snop  }
0x5: {  	_ = 	snop  }
0x6: {  	_ = 	snop  }
0x7: {  	_ = 	snop  }
__scs_overlays_trampoline_lowered:
0x8: {  	[smem:$0x3F9D] =	sst s0  }
0x9: {  	[smem:$0x3F9E] =	sst s1  }
0xa: {  	[smem:$0x3F9F] =	sst s2  }
0xb: {  	[smem:$0x3FA0] =	sst s3  }
0xc: {  	[smem:$0x3FA1] =	sst s4  }
0xd: {  	[smem:$0x3FA2] =	sst s5  }
0xe: {  	[smem:$0x3FA3] =	sst s6  }
0xf: {  	[smem:$0x3FA4] =	sst s7  }
0x10: {  	[smem:$0x3FA5] =	sst s8  }
0x11: {  	[smem:$0x3FA6] =	sst s9;
	s0 =	simm.s32 @!p0 $0x0  }
0x12: {  	s1 =	sld [smem:$0x3F8C];
	s0 =	simm.s32 @p0 $0x1  }
0x13: {  	[smem:$0x3FA7] =	sst s0;
	s0 =	simm.s32 @!p1 $0x0  }
0x14: {  	s2 =	sld [smem:$0x3F8B];
	s0 =	simm.s32 @p1 $0x1  }
0x15: {  	[smem:$0x3FA8] =	sst s0;
	s0 =	simm.s32 @!p2 $0x0  }
0x16: {  	s3 =	sld [smem:$0x3FDB];
	s0 =	simm.s32 @p2 $0x1  }
0x17: {  	s4 =	simm.s32 $0x1BF5;
	[smem:$0x3FAA] =	sst s0  }
0x18: {  	s0 =	sld [smem:$0x3F8D];
	_ =	swait.ge [sflag:s4], $0x0  }
0x19: {  	s7 =	sld [smem:$0x3F8E]  }
0x1a: {  	s8 =	sadd.s32 $0xFFFFE003, lr  }
0x1b: {  	s9 =	sadd.s32 $0xFFFFFEF7, lr;
	s5 =	simm.s32 $0xFFFFFFFF;
	p2 =	slt.u32 s8, $0xFFFFF086  }
0x1c: {  	p1 =	slt.u32 s9, $0xF7A;
	s5 =	simm.s32 @!p2 $0x0  }
0x1d: {  	s5 =	simm.s32 @p1 $0x1;
	p0 =	seq.s32 s7, s2  }
0x1e: {  	s7 =	smul.u32 @!p0 $0xF7A, s2;
	p2 =	seq.s32 @!p0 s5, $0x0  }
0x1f: {  	s9 =	smul.u32 $0xF7A, s1;
	s8 =	simm.s32 @!p0 $0x1BF5;
	p2 =	por !p2, p0  }
0x20: {  	[sflag:s8] =	ssyncset.s32 @!p0 $0xFFFFF086;
	s6 =	sadd.s32 @!p0 s3, s7;
	s7 =	simm.s32 @!p0 $0x108  }
0x21: {  	s3 =	sadd.s32 s3, s9;
	s6 =	sadd.s32 @!p0 $0x88, s6;
	s7 =	simm.s32 @p2 $0x1082  }
0x22: {  	[simem:s7], [sflag:s8] =	dma.local @!p0 [hbm:s6], $0xF7A  }
0x23: {  	s9 =	sor.u32 $0xD0000000, s2;
	s6 =	simm.s32 $0x108;
	_ =	swait.ge @!p0 [sflag:s8], $0x0  }
0x24: {  	s3 =	sadd.s32 $0x88, s3;
	s6 =	simm.s32 @!p1 $0x1082;
	[sflag:s4] =	ssyncset.s32 $0xFFFFF086  }
0x25: {  	[simem:s6], [sflag:s4] =	dma.local [hbm:s3], $0xF7A  }
0x26: {  	[smem:$0x3F8E] =	sst s1;
	(tag) =	ssettag s2;
	_ =	strace s9  }
0x27: {  	s1 =	sld [smem:$0x3F9E]  }
0x28: {  	s2 =	sld [smem:$0x3F9F]  }
0x29: {  	s4 =	sld [smem:$0x3FA1]  }
0x2a: {  	p0 =	seq.s32 s5, $0x0;
	s5 =	sld [smem:$0x3FA2]  }
0x2b: {  	s6 =	sld [smem:$0x3FA3]  }
0x2c: {  	s7 =	sld [smem:$0x3FA4]  }
0x2d: {  	s3 =	simm.s32 $0x108;
	s8 =	sld [smem:$0x3FA5]  }
0x2e: {  	s3 =	simm.s32 @!p0 $0x1082;
	s9 =	sld [smem:$0x3FA6]  }
0x2f: {  	lr =	sadd.s32 s0, s3;
	s0 =	sld [smem:$0x3F9D]  }
0x30: {  	s3 =	sld [smem:$0x3FA0]  }
0x31: {  	[smem:$0x3FA9] =	sst s10  }
0x32: {  	s10 =	sld [smem:$0x3FA7];
	_ =	sdelay $0x3  }
0x33: {  	p0 =	seq.s32 s10, $0x1;
	s10 =	sld [smem:$0x3FA9];
	_ =	sdelay $0x3  }
0x34: {  	[smem:$0x3FA9] =	sst s10  }
0x35: {  	s10 =	sld [smem:$0x3FA8];
	_ =	sdelay $0x3  }
0x36: {  	p1 =	seq.s32 s10, $0x1;
	s10 =	sld [smem:$0x3FA9];
	_ =	sdelay $0x3  }
0x37: {  	[smem:$0x3FA9] =	sst s10  }
0x38: {  	s10 =	sld [smem:$0x3FAA]  }
0x39: {  	_ = 	snop;
	(pc) =	sbr.ind lr, $3  }
0x3a: {  	_ = 	snop  }
0x3b: {  	_ = 	snop  }
0x3c: {  	p2 =	seq.s32 s10, $0x1;
	s10 =	sld [smem:$0x3FA9]  }
0x3d: {  	_ =	shalt  }
0x3e: {  	_ =	shalt  }
0x3f: {  	_ =	shalt  }
0x40: {  	_ =	shalt  }
0x41: {  	_ =	shalt  }
0x42: {  	_ =	shalt  }
0x43: {  	_ =	shalt  }
0x44: {  	_ =	shalt  }
0x45: {  	_ =	shalt  }
0x46: {  	_ =	shalt  }
0x47: {  	_ =	shalt  }
0x48: {  	_ =	shalt  }
0x49: {  	_ =	shalt  }
0x4a: {  	_ =	shalt  }
0x4b: {  	_ =	shalt  }
0x4c: {  	_ =	shalt  }
0x4d: {  	_ =	shalt  }
0x4e: {  	_ =	shalt  }
0x4f: {  	_ =	shalt  }
0x50: {  	_ =	shalt  }
0x51: {  	_ =	shalt  }
0x52: {  	_ =	shalt  }
0x53: {  	_ =	shalt  }
0x54: {  	_ =	shalt  }
0x55: {  	_ =	shalt  }
0x56: {  	_ =	shalt  }
0x57: {  	_ =	shalt  }
0x58: {  	_ =	shalt  }
0x59: {  	_ =	shalt  }
0x5a: {  	_ =	shalt  }
0x5b: {  	_ =	shalt  }
0x5c: {  	_ =	shalt  }
0x5d: {  	_ =	shalt  }
0x5e: {  	_ =	shalt  }
0x5f: {  	_ =	shalt  }
0x60: {  	_ =	shalt  }
0x61: {  	_ =	shalt  }
0x62: {  	_ =	shalt  }
0x63: {  	_ =	shalt  }
0x64: {  	_ =	shalt  }
0x65: {  	_ =	shalt  }
0x66: {  	_ =	shalt  }
0x67: {  	_ =	shalt  }
0x68: {  	_ =	shalt  }
0x69: {  	_ =	shalt  }
0x6a: {  	_ =	shalt  }
0x6b: {  	_ =	shalt  }
0x6c: {  	_ =	shalt  }
0x6d: {  	_ =	shalt  }
0x6e: {  	_ =	shalt  }
0x6f: {  	_ =	shalt  }
0x70: {  	_ =	shalt  }
0x71: {  	_ =	shalt  }
0x72: {  	_ =	shalt  }
0x73: {  	_ =	shalt  }
0x74: {  	_ =	shalt  }
0x75: {  	_ =	shalt  }
0x76: {  	_ =	shalt  }
0x77: {  	_ =	shalt  }
0x78: {  	_ =	shalt  }
0x79: {  	_ =	shalt  }
0x7a: {  	_ =	shalt  }
0x7b: {  	_ =	shalt  }
0x7c: {  	_ =	shalt  }
0x7d: {  	_ =	shalt  }
0x7e: {  	_ =	shalt  }
0x7f: {  	_ =	shalt  }
0x80: {  	_ =	shalt  }
0x81: {  	_ =	shalt  }
0x82: {  	_ =	shalt  }
0x83: {  	_ =	shalt  }
0x84: {  	_ =	shalt  }
0x85: {  	_ =	shalt  }
0x86: {  	_ =	shalt  }
0x87: {  	_ =	shalt  }
.Lfunc_end0:
.L_simem_size_0:
called_computation.3_lowered:
.L_overlay_start_0:
0x88: {  	s2 =	sld [smem:$0x3FD9]  }
0x89: {  	s3 =	sld [smem:$0x3FFE];
	_ =	sdelay $0x1  }
0x8a: {  	s1 =	srdreg.scid  }
0x8b: {  	s0 =	sand.u32 $0x1, s1  }
0x8c: {  	s14 =	sshll.u32 s0, $0xA;
	s2 =	sadd.s32 s3, s2  }
0x8d: {  	s2 =	sadd.s32 s2, s14  }
0x8e: {  	[smem:$0x3FB5] =	sst s2  }
0x8f: {  	_ = 	snop  }
0x90: {  	s2 =	sld [smem:$0x3FD0];
	_ =	sdelay $0x2  }
0x91: {  	s15 =	simm.s32 $0xA;
	s4 =	simm.s32 $0x10  }
0x92: {  	[smem:s4], [sflag:s15] =	dma.local [hbm:s2], $0x1  }
0x93: {  	_ =	swait.eq [sflag:s15], $0x1  }
0x94: {  	[sflag:s15] =	ssyncset.done $0x0  }
0x95: {  	[sflag:s15] =	ssyncadd.s32 $0xFFFFFFFF  }
0x96: {  	s16 =	sld [smem:$0x10];
	(tm) =	ssettm $0x1  }
0x97: {  	s17 =	sld [smem:$0x3FFB];
	_ =	sdelay $0x3  }
0x98: {  	_ =	strace s17  }
0x99: {  	s3 =	sld [smem:$0x3FFC];
	_ =	sdelay $0x3  }
0x9a: {  	_ =	strace s3  }
0x9b: {  	s3 =	sld [smem:$0x3FFD];
	_ =	sdelay $0x3  }
0x9c: {  	_ =	strace s3  }
0x9d: {  	_ =	strace $0x8FFFFFFF  }
0x9e: {  	s18 =	sld [smem:$0x3FDB];
	_ =	sdelay $0x1  }
0x9f: {  	s19 =	simm.s32 $_scs_section_size  }
0xa0: {  	s5 =	simm.s32 $_size__tile_overlayer_lowered;
	s6 =	simm.s32 $_tile_overlayer_lowered  }
0xa1: {  	s22 =	simm.s32 $0x1BFF;
	s21 =	sshll.u32 s6, $0x1;
	s3 =	sadd.s32 s19, s18  }
0xa2: {  	s7 =	simm.s32 $0x0;
	s20 =	sshll.u32 s5, $0x1;
	s5 =	sadd.s32 s21, s3  }
0xa3: {  	[timem:s7], [sflag:s22] =	dma.local [hbm:s5], s20  }
0xa4: {  	_ =	swait.ge [sflag:s22], s20  }
0xa5: {  	s4 =	ssub.s32 $0x0, s20;
	[sflag:s22] =	ssyncset.done $0x0  }
0xa6: {  	[sflag:s22] =	ssyncadd.s32 s4;
	_ =	sdelay $0x1  }
0xa7: {  	s23 =	simm.s32 $0x1B8B  }
0xa8: {  	_ =	swait.ge [sflag:s23], $0x1  }
0xa9: {  	[sflag:s23] =	ssyncset.done $0x0  }
0xaa: {  	s25 =	simm.s32 $0x1B8E;
	s24 =	sld [smem:$0x3FFE];
	[sflag:s23] =	ssyncadd.s32 $0xFFFFFFFF  }
0xab: {  	s26 =	simm.s32 $execute0_lowered;
	[smem:$0x3FD2] =	sst s25  }
0xac: {  	s5 =	sshll.u32 s26, $0x1;
	_ =	strace $0x8000004F;
	[dreg:$0x1] =	wrdreg $0xFFFFFFFF  }
0xad: {  	s28 =	simm.s32 $_size_execute0_lowered;
	s3 =	sadd.s32 s3, s5;
	[dreg:$0x0] =	wrdreg $0x0  }
0xae: {  	s5 =	sshll.u32 s28, $0x1;
	[dreg:$0x2] =	wrdreg s3  }
0xaf: {  	[dreg:$0x3] =	wrdreg s5  }
0xb0: {  	[dreg:$0x4] =	wrdreg $0xC0  }
0xb1: {  	_ =	task [dreg:s7], $0x5FFFF  }
0xb2: {  	[dreg:$0x1] =	wrdreg $0xFFFFFFFF  }
0xb3: {  	[dreg:$0x0] =	wrdreg $0x60  }
0xb4: {  	[dreg:$0x2] =	wrdreg s24  }
0xb5: {  	[dreg:$0x3] =	wrdreg s16  }
0xb6: {  	[dreg:$0x4] =	wrdreg $0x9  }
0xb7: {  	_ =	task.clear_ibuf [dreg:s7], $0x5FFFF;
	_ =	strace $0x9000004F  }
0xb8: {  	s29 =	simm.s32 $0x9;
	_ =	strace $0x80000051  }
0xb9: {  	_ =	swait.ge [sflag:s29], $0x1  }
0xba: {  	[sflag:s29] =	ssyncadd.s32 $0xFFFFFFFF  }
0xbb: {  	_ =	strace $0x90000051  }
0xbc: {  	_ =	sfence  }
0xbd: {  	s30 =	sld [smem:$0x0];
	_ =	sdelay $0x2  }
0xbe: {  	s31 =	sshll.u32 s1, $0xD;
	s1 =	sshrl.u32 s1, $0x2  }
0xbf: {  	s3 =	sand.u32 $0x4000, s31;
	s1 =	sadd.s32 s1, s30  }
0xc0: {  	s0 =	sor.u32 s3, s0;
	s1 =	sshll.u32 s1, $0x11  }
0xc1: {  	s0 =	sor.u32 s1, s0  }
0xc2: {  	s0 =	sadd.s32 $0x8F2B, s0  }
0xc3: {  	[sflag:s0] =	ssyncadd.remote.s32 $0x1  }
0xc4: {  	_ =	sfence.sel $0xFFFF  }
0xc5: {  	[dreg:$0x0] =	wrdreg $0xFFFFFFFF;
	(pc) =	sbr.abs _section_cstart, $3  }
0xc6: {  	[dreg:$0x1] =	wrdreg $0xFFFFFFFF  }
0xc7: {  	_ =	task.clear_ibuf [dreg:s7], $0x2FFFF;
	_ =	strace $0x9FFFFFFF  }
0xc8: {  	(tm) =	ssettm $0x7FFFFFFF  }
0xc9: {  	_ =	shalt  }
tec
execute0_lowered:
.L_overlay_start_1:
0x0: {  	(tag) =	ssettag $0x1  }
0x1: {  	s1 =	srdreg.scid  }
0x2: {  	s1 =	sand.u32 $0x1, s1  }
0x3: {  	p0 =	seq.s32 s1, $0x1  }
.Ltmp0:
0x4: {  	_ = 	snop;
	(pc) =	sbr.rel @p0 .LBB2_2-.Ltmp0, $4  }
0x5: {  	s5 =	rddreg [dreg:$0x0]  }
0x6: {  	s2 =	rddreg [dreg:$0x1];
	s3 =	simm.s32 $0x0  }
0x7: {  	[smem:$0x7FF] =	sst s3  }
0x8: {  	s0 =	rddreg [dreg:$0x2];
	_ =	strace $0x80000050;
	s1 =	stileid.u32  }
0x9: {  	s4 =	sadd.s32 $0x6600, s5;
	s6 =	sshll.u32 s1, $0x4  }
0xa: {  	s4 =	sadd.s32 s4, s6  }
0xb: {  	[tilespmem:s3], [sflag:$0x1] =	stream.linear.gather [hbm4b:s4+s3], $0x80, $0x38;
	[tilespmem:$0x10080] =	vst v63  }
0xc: {  	s4 =	simm.s32 $0x1  }
0xd: {  	_ =	swait.ge [sflag:s4], $0x80  }
0xe: {  	s21 =	sadd.s32 $0xAEA00, s5;
	s22 =	sshll.u32 s1, $0xD;
	[sflag:s4] =	ssyncset.done $0x0  }
0xf: {  	s23 =	simm.s32 $0x80;
	s5 =	sadd.s32 s21, s22;
	[sflag:s4] =	ssyncadd.s32 $0xFFFFFF80  }
0x10: {  	[tilespmem:s23], [sflag:$0x1] =	stream.linear.gather [hbm4b:s5+s3], $0x10000, $0x38;
	[tilespmem:$0x10080] =	vst v63  }
0x11: {  	_ =	swait.ge [sflag:s4], $0x10000  }
0x12: {  	[sflag:s4] =	ssyncset.done $0x0  }
0x13: {  	[sflag:s4] =	ssyncadd.s32 $0xFFFF0000  }
0x14: {  	v0 =	vld [tilespmem:$0x0];
	_ =	sdelay $0x4  }
0x15: {  	v1 =	vshll.u32 v0, $0x2  }
0x16: {  	v2 =	vlaneseq.u32;
	v0 =	vand.u32 $0x7, v0;
	v1 =	vand.u32 $0xFFFFFFE0, v1  }
0x17: {  	v56 =	vand.u32 $0x7, v2;
	v3 =	vshrl.u32 v2, $0x3;
	v0 =	vor.u32 v0, v1  }
0x18: {  	v3 =	vmul.u32 $0x8, v3;
	v4 =	vperm.xlane v0, v56;
	_ =	sdelay $0x1  }
0x19: {  	v4 =	vadd.s32 v3, v4  }
0x1a: {  	v2 =	vor.u32 $0x8, v2  }
0x1b: {  	v0 =	vperm.xlane v0, v2;
	_ =	sdelay $0x1  }
0x1c: {  	vm0 =	vmmov $0xffff;
	v0 =	vadd.s32 v3, v0  }
0x1d: {  	[hbm4b:s2+s3] =	stream.indirect_vreg.scatter [tilespmem:s23], [sflag:$0x1], $0x80, v4, vm0, $0xb8;
	[tilespmem:$0x10080] =	vst v63  }
0x1e: {  	s24 =	simm.s32 $0x880;
	s5 =	sadd.s32 $0x100, s2  }
0x1f: {  	[hbm4b:s5+s3] =	stream.indirect_vreg.scatter [tilespmem:s24], [sflag:$0x1], $0x80, v4, vm0, $0xb8;
	[tilespmem:$0x10080] =	vst v63  }
0x20: {  	s25 =	simm.s32 $0x1080  }
0x21: {  	[hbm4b:s2+s3] =	stream.indirect_vreg.scatter [tilespmem:s25], [sflag:$0x1], $0x80, v0, vm0, $0xb8;
	[tilespmem:$0x10080] =	vst v63  }
0x22: {  	s26 =	simm.s32 $0x1880  }
0x23: {  	[hbm4b:s5+s3] =	stream.indirect_vreg.scatter [tilespmem:s26], [sflag:$0x1], $0x80, v0, vm0, $0xb8;
	[tilespmem:$0x10080] =	vst v63  }
0x24: {  	v0 =	vld [tilespmem:$0x10];
	_ =	sdelay $0x4  }
0x25: {  	v57 =	vshll.u32 v0, $0x2  }
0x26: {  	v0 =	vand.u32 $0x7, v0;
	v4 =	vand.u32 $0xFFFFFFE0, v57  }
0x27: {  	v0 =	vor.u32 v0, v4  }
0x28: {  	v4 =	vperm.xlane v0, v56;
	_ =	sdelay $0x1  }
0x29: {  	v4 =	vadd.s32 v3, v4;
	_ =	sdelay $0x1  }
0x2a: {  	v0 =	vperm.xlane v0, v2;
	_ =	sdelay $0x1  }
0x2b: {  	s28 =	simm.s32 $0x2080;
	v0 =	vadd.s32 v3, v0  }
0x2c: {  	[hbm4b:s2+s3] =	stream.indirect_vreg.scatter [tilespmem:s28], [sflag:$0x1], $0x80, v4, vm0, $0xb8;
	[tilespmem:$0x10080] =	vst v63  }
0x2d: {  	s29 =	simm.s32 $0x2880  }
0x2e: {  	[hbm4b:s5+s3] =	stream.indirect_vreg.scatter [tilespmem:s29], [sflag:$0x1], $0x80, v4, vm0, $0xb8;
	[tilespmem:$0x10080] =	vst v63  }
0x2f: {  	s30 =	simm.s32 $0x3080  }
0x30: {  	[hbm4b:s2+s3] =	stream.indirect_vreg.scatter [tilespmem:s30], [sflag:$0x1], $0x80, v0, vm0, $0xb8;
	[tilespmem:$0x10080] =	vst v63  }
0x31: {  	s31 =	simm.s32 $0x3880  }
0x32: {  	[hbm4b:s5+s3] =	stream.indirect_vreg.scatter [tilespmem:s31], [sflag:$0x1], $0x80, v0, vm0, $0xb8;
	[tilespmem:$0x10080] =	vst v63  }
0x33: {  	v0 =	vld [tilespmem:$0x20];
	_ =	sdelay $0x4  }
0x34: {  	v58 =	vshll.u32 v0, $0x2  }
0x35: {  	v0 =	vand.u32 $0x7, v0;
	v4 =	vand.u32 $0xFFFFFFE0, v58  }
0x36: {  	v0 =	vor.u32 v0, v4  }
0x37: {  	v4 =	vperm.xlane v0, v56;
	_ =	sdelay $0x1  }
0x38: {  	v4 =	vadd.s32 v3, v4;
	_ =	sdelay $0x1  }
0x39: {  	v0 =	vperm.xlane v0, v2;
	_ =	sdelay $0x1  }
0x3a: {  	s7 =	simm.s32 $0x4080;
	v0 =	vadd.s32 v3, v0  }
0x3b: {  	[hbm4b:s2+s3] =	stream.indirect_vreg.scatter [tilespmem:s7], [sflag:$0x1], $0x80, v4, vm0, $0xb8;
	[tilespmem:$0x10080] =	vst v63  }
0x3c: {  	s8 =	simm.s32 $0x4880  }
0x3d: {  	[hbm4b:s5+s3] =	stream.indirect_vreg.scatter [tilespmem:s8], [sflag:$0x1], $0x80, v4, vm0, $0xb8;
	[tilespmem:$0x10080] =	vst v63  }
0x3e: {  	s9 =	simm.s32 $0x5080  }
0x3f: {  	[hbm4b:s2+s3] =	stream.indirect_vreg.scatter [tilespmem:s9], [sflag:$0x1], $0x80, v0, vm0, $0xb8;
	[tilespmem:$0x10080] =	vst v63  }
0x40: {  	s10 =	simm.s32 $0x5880  }
0x41: {  	[hbm4b:s5+s3] =	stream.indirect_vreg.scatter [tilespmem:s10], [sflag:$0x1], $0x80, v0, vm0, $0xb8;
	[tilespmem:$0x10080] =	vst v63  }
0x42: {  	v0 =	vld [tilespmem:$0x30];
	_ =	sdelay $0x4  }
0x43: {  	v59 =	vshll.u32 v0, $0x2  }
0x44: {  	v0 =	vand.u32 $0x7, v0;
	v4 =	vand.u32 $0xFFFFFFE0, v59  }
0x45: {  	v0 =	vor.u32 v0, v4  }
0x46: {  	v4 =	vperm.xlane v0, v56;
	_ =	sdelay $0x1  }
0x47: {  	v4 =	vadd.s32 v3, v4;
	_ =	sdelay $0x1  }
0x48: {  	v0 =	vperm.xlane v0, v2;
	_ =	sdelay $0x1  }
0x49: {  	s11 =	simm.s32 $0x6080;
	v0 =	vadd.s32 v3, v0  }
0x4a: {  	[hbm4b:s2+s3] =	stream.indirect_vreg.scatter [tilespmem:s11], [sflag:$0x1], $0x80, v4, vm0, $0xb8;
	[tilespmem:$0x10080] =	vst v63  }
0x4b: {  	s12 =	simm.s32 $0x6880  }
0x4c: {  	[hbm4b:s5+s3] =	stream.indirect_vreg.scatter [tilespmem:s12], [sflag:$0x1], $0x80, v4, vm0, $0xb8;
	[tilespmem:$0x10080] =	vst v63  }
0x4d: {  	s13 =	simm.s32 $0x7080  }
0x4e: {  	[hbm4b:s2+s3] =	stream.indirect_vreg.scatter [tilespmem:s13], [sflag:$0x1], $0x80, v0, vm0, $0xb8;
	[tilespmem:$0x10080] =	vst v63  }
0x4f: {  	s14 =	simm.s32 $0x7880  }
0x50: {  	[hbm4b:s5+s3] =	stream.indirect_vreg.scatter [tilespmem:s14], [sflag:$0x1], $0x80, v0, vm0, $0xb8;
	[tilespmem:$0x10080] =	vst v63  }
0x51: {  	v0 =	vld [tilespmem:$0x40];
	_ =	sdelay $0x4  }
0x52: {  	v60 =	vshll.u32 v0, $0x2  }
0x53: {  	v0 =	vand.u32 $0x7, v0;
	v4 =	vand.u32 $0xFFFFFFE0, v60  }
0x54: {  	v0 =	vor.u32 v0, v4  }
0x55: {  	v4 =	vperm.xlane v0, v56;
	_ =	sdelay $0x1  }
0x56: {  	v4 =	vadd.s32 v3, v4;
	_ =	sdelay $0x1  }
0x57: {  	v0 =	vperm.xlane v0, v2;
	_ =	sdelay $0x1  }
0x58: {  	s15 =	simm.s32 $0x8080;
	v0 =	vadd.s32 v3, v0  }
0x59: {  	[hbm4b:s2+s3] =	stream.indirect_vreg.scatter [tilespmem:s15], [sflag:$0x1], $0x80, v4, vm0, $0xb8;
	[tilespmem:$0x10080] =	vst v63  }
0x5a: {  	s16 =	simm.s32 $0x8880  }
0x5b: {  	[hbm4b:s5+s3] =	stream.indirect_vreg.scatter [tilespmem:s16], [sflag:$0x1], $0x80, v4, vm0, $0xb8;
	[tilespmem:$0x10080] =	vst v63  }
0x5c: {  	s17 =	simm.s32 $0x9080  }
0x5d: {  	[hbm4b:s2+s3] =	stream.indirect_vreg.scatter [tilespmem:s17], [sflag:$0x1], $0x80, v0, vm0, $0xb8;
	[tilespmem:$0x10080] =	vst v63  }
0x5e: {  	s18 =	simm.s32 $0x9880  }
0x5f: {  	[hbm4b:s5+s3] =	stream.indirect_vreg.scatter [tilespmem:s18], [sflag:$0x1], $0x80, v0, vm0, $0xb8;
	[tilespmem:$0x10080] =	vst v63  }
0x60: {  	v0 =	vld [tilespmem:$0x50];
	_ =	sdelay $0x4  }
0x61: {  	v61 =	vshll.u32 v0, $0x2  }
0x62: {  	v0 =	vand.u32 $0x7, v0;
	v4 =	vand.u32 $0xFFFFFFE0, v61  }
0x63: {  	v0 =	vor.u32 v0, v4  }
0x64: {  	v4 =	vperm.xlane v0, v56;
	_ =	sdelay $0x1  }
0x65: {  	v4 =	vadd.s32 v3, v4;
	_ =	sdelay $0x1  }
0x66: {  	v0 =	vperm.xlane v0, v2;
	_ =	sdelay $0x1  }
0x67: {  	s19 =	simm.s32 $0xA080;
	v0 =	vadd.s32 v3, v0  }
0x68: {  	[hbm4b:s2+s3] =	stream.indirect_vreg.scatter [tilespmem:s19], [sflag:$0x1], $0x80, v4, vm0, $0xb8;
	[tilespmem:$0x10080] =	vst v63  }
0x69: {  	s20 =	simm.s32 $0xA880  }
0x6a: {  	[hbm4b:s5+s3] =	stream.indirect_vreg.scatter [tilespmem:s20], [sflag:$0x1], $0x80, v4, vm0, $0xb8;
	[tilespmem:$0x10080] =	vst v63  }
0x6b: {  	s21 =	simm.s32 $0xB080  }
0x6c: {  	[hbm4b:s2+s3] =	stream.indirect_vreg.scatter [tilespmem:s21], [sflag:$0x1], $0x80, v0, vm0, $0xb8;
	[tilespmem:$0x10080] =	vst v63  }
0x6d: {  	s22 =	simm.s32 $0xB880  }
0x6e: {  	[hbm4b:s5+s3] =	stream.indirect_vreg.scatter [tilespmem:s22], [sflag:$0x1], $0x80, v0, vm0, $0xb8;
	[tilespmem:$0x10080] =	vst v63  }
0x6f: {  	v0 =	vld [tilespmem:$0x60];
	_ =	sdelay $0x4  }
0x70: {  	v62 =	vshll.u32 v0, $0x2  }
0x71: {  	v0 =	vand.u32 $0x7, v0;
	v4 =	vand.u32 $0xFFFFFFE0, v62  }
0x72: {  	v0 =	vor.u32 v0, v4  }
0x73: {  	v4 =	vperm.xlane v0, v56;
	_ =	sdelay $0x1  }
0x74: {  	v4 =	vadd.s32 v3, v4;
	_ =	sdelay $0x1  }
0x75: {  	v0 =	vperm.xlane v0, v2;
	_ =	sdelay $0x1  }
0x76: {  	s23 =	simm.s32 $0xC080;
	v0 =	vadd.s32 v3, v0  }
0x77: {  	[hbm4b:s2+s3] =	stream.indirect_vreg.scatter [tilespmem:s23], [sflag:$0x1], $0x80, v4, vm0, $0xb8;
	[tilespmem:$0x10080] =	vst v63  }
0x78: {  	s24 =	simm.s32 $0xC880  }
0x79: {  	[hbm4b:s5+s3] =	stream.indirect_vreg.scatter [tilespmem:s24], [sflag:$0x1], $0x80, v4, vm0, $0xb8;
	[tilespmem:$0x10080] =	vst v63  }
0x7a: {  	s25 =	simm.s32 $0xD080  }
0x7b: {  	[hbm4b:s2+s3] =	stream.indirect_vreg.scatter [tilespmem:s25], [sflag:$0x1], $0x80, v0, vm0, $0xb8;
	[tilespmem:$0x10080] =	vst v63  }
0x7c: {  	s26 =	simm.s32 $0xD880  }
0x7d: {  	[hbm4b:s5+s3] =	stream.indirect_vreg.scatter [tilespmem:s26], [sflag:$0x1], $0x80, v0, vm0, $0xb8;
	[tilespmem:$0x10080] =	vst v63  }
0x7e: {  	v0 =	vld [tilespmem:$0x70];
	_ =	sdelay $0x4  }
0x7f: {  	v63 =	vshll.u32 v0, $0x2  }
0x80: {  	v0 =	vand.u32 $0x7, v0;
	v4 =	vand.u32 $0xFFFFFFE0, v63  }
0x81: {  	v0 =	vor.u32 v0, v4  }
0x82: {  	v1 =	vperm.xlane v0, v56;
	_ =	sdelay $0x1  }
0x83: {  	v1 =	vadd.s32 v3, v1;
	_ =	sdelay $0x1  }
0x84: {  	v0 =	vperm.xlane v0, v2;
	_ =	sdelay $0x1  }
0x85: {  	s28 =	simm.s32 $0xE080;
	v0 =	vadd.s32 v3, v0  }
0x86: {  	[hbm4b:s2+s3] =	stream.indirect_vreg.scatter [tilespmem:s28], [sflag:$0x1], $0x80, v1, vm0, $0xb8;
	[tilespmem:$0x10080] =	vst v63  }
0x87: {  	s29 =	simm.s32 $0xE880  }
0x88: {  	[hbm4b:s5+s3] =	stream.indirect_vreg.scatter [tilespmem:s29], [sflag:$0x1], $0x80, v1, vm0, $0xb8;
	[tilespmem:$0x10080] =	vst v63  }
0x89: {  	s30 =	simm.s32 $0xF080  }
0x8a: {  	[hbm4b:s2+s3] =	stream.indirect_vreg.scatter [tilespmem:s30], [sflag:$0x1], $0x80, v0, vm0, $0xb8;
	[tilespmem:$0x10080] =	vst v63  }
0x8b: {  	s31 =	simm.s32 $0xF880  }
0x8c: {  	[hbm4b:s5+s3] =	stream.indirect_vreg.scatter [tilespmem:s31], [sflag:$0x1], $0x80, v0, vm0, $0xb8;
	[tilespmem:$0x10080] =	vst v63  }
0x8d: {  	_ =	swait.ge [sflag:s4], $0x10000  }
0x8e: {  	[sflag:s4] =	ssyncset.done $0x0  }
0x8f: {  	[sflag:s4] =	ssyncadd.s32 $0xFFFF0000  }
.LBB2_2:
0x90: {  	_ =	sfence.sel $0x180000  }
0x91: {  	[bflag:$0x0] =	sbarrier.arrive $0xFFFF  }
0x92: {  	p0 =	sne.s32 s1, $0x0;
	_ =	strace $0x90000050  }
0x93: {  	s0 =	sadd.s32 @!p0 $0x100000, s0;
	[bflag:$0x2] =	sbarrier.arrive $0xFFFF  }
0x94: {  	[sflag:s0] =	ssyncadd.tile.s32 @!p0 $0x1;
	_ =	shalt  }
.Lfunc_end2:
_tile_overlayer_lowered:
.L_overlay_start_2:
0x95: {  	(tag) =	ssettag $0x2  }
0x96: {  	s0 =	rddreg [dreg:$0x0];
	s2 =	stileid.u32  }
0x97: {  	s1 =	rddreg [dreg:$0x1];
	p0 =	sne.s32 s2, $0x0  }
0x98: {  	s3 =	rddreg [dreg:$0x2];
	[bflag:$0x3] =	sbarrier.arrive $0xFFFF;
	s2 =	simm.s32 @!p0 $0x1C02  }
0x99: {  	[timem:s3], [sflag:s2] =	dma.local @!p0 [hbm:s0], s1  }
0x9a: {  	s0 =	simm.s32 @!p0 $0x2  }
0x9b: {  	_ =	swait.ge @!p0 [sflag:s0], s1  }
0x9c: {  	s1 =	ssub.s32 @!p0 $0x0, s1;
	[sflag:s0] =	ssyncset.done @!p0 $0x0  }
0x9d: {  	[sflag:s0] =	ssyncadd.s32 @!p0 s1  }
0x9e: {  	[bflag:$0x3] =	sbarrier.arrive $0xFFFF  }
0x9f: {  	_ =	shalt  }

// kernel: kernel.70.cloned.1.call-start
scs
__scs_entry_jumppad:
0x0: {  	(pc) =	sbr.rel $0x88, $3  }
0x1: {  	(tag) =	ssettag $0x0;
	lr =	simm.s32 $0x1  }
0x2: {  	[smem:$0x3F8E] =	sst lr;
	_ =	strace $0xD0000000  }
0x3: {  	_ = 	snop  }
0x4: {  	_ = 	snop  }
0x5: {  	_ = 	snop  }
0x6: {  	_ = 	snop  }
0x7: {  	_ = 	snop  }
__scs_overlays_trampoline_lowered:
0x8: {  	[smem:$0x3F9D] =	sst s0  }
0x9: {  	[smem:$0x3F9E] =	sst s1  }
0xa: {  	[smem:$0x3F9F] =	sst s2  }
0xb: {  	[smem:$0x3FA0] =	sst s3  }
0xc: {  	[smem:$0x3FA1] =	sst s4  }
0xd: {  	[smem:$0x3FA2] =	sst s5  }
0xe: {  	[smem:$0x3FA3] =	sst s6  }
0xf: {  	[smem:$0x3FA4] =	sst s7  }
0x10: {  	[smem:$0x3FA5] =	sst s8  }
0x11: {  	[smem:$0x3FA6] =	sst s9;
	s0 =	simm.s32 @!p0 $0x0  }
0x12: {  	s1 =	sld [smem:$0x3F8C];
	s0 =	simm.s32 @p0 $0x1  }
0x13: {  	[smem:$0x3FA7] =	sst s0;
	s0 =	simm.s32 @!p1 $0x0  }
0x14: {  	s2 =	sld [smem:$0x3F8B];
	s0 =	simm.s32 @p1 $0x1  }
0x15: {  	[smem:$0x3FA8] =	sst s0;
	s0 =	simm.s32 @!p2 $0x0  }
0x16: {  	s3 =	sld [smem:$0x3FDB];
	s0 =	simm.s32 @p2 $0x1  }
0x17: {  	s4 =	simm.s32 $0x1BF5;
	[smem:$0x3FAA] =	sst s0  }
0x18: {  	s0 =	sld [smem:$0x3F8D];
	_ =	swait.ge [sflag:s4], $0x0  }
0x19: {  	s7 =	sld [smem:$0x3F8E]  }
0x1a: {  	s8 =	sadd.s32 $0xFFFFE003, lr  }
0x1b: {  	s9 =	sadd.s32 $0xFFFFFEF7, lr;
	s5 =	simm.s32 $0xFFFFFFFF;
	p2 =	slt.u32 s8, $0xFFFFF086  }
0x1c: {  	p1 =	slt.u32 s9, $0xF7A;
	s5 =	simm.s32 @!p2 $0x0  }
0x1d: {  	s5 =	simm.s32 @p1 $0x1;
	p0 =	seq.s32 s7, s2  }
0x1e: {  	s7 =	smul.u32 @!p0 $0xF7A, s2;
	p2 =	seq.s32 @!p0 s5, $0x0  }
0x1f: {  	s9 =	smul.u32 $0xF7A, s1;
	s8 =	simm.s32 @!p0 $0x1BF5;
	p2 =	por !p2, p0  }
0x20: {  	[sflag:s8] =	ssyncset.s32 @!p0 $0xFFFFF086;
	s6 =	sadd.s32 @!p0 s3, s7;
	s7 =	simm.s32 @!p0 $0x108  }
0x21: {  	s3 =	sadd.s32 s3, s9;
	s6 =	sadd.s32 @!p0 $0x88, s6;
	s7 =	simm.s32 @p2 $0x1082  }
0x22: {  	[simem:s7], [sflag:s8] =	dma.local @!p0 [hbm:s6], $0xF7A  }
0x23: {  	s9 =	sor.u32 $0xD0000000, s2;
	s6 =	simm.s32 $0x108;
	_ =	swait.ge @!p0 [sflag:s8], $0x0  }
0x24: {  	s3 =	sadd.s32 $0x88, s3;
	s6 =	simm.s32 @!p1 $0x1082;
	[sflag:s4] =	ssyncset.s32 $0xFFFFF086  }
0x25: {  	[simem:s6], [sflag:s4] =	dma.local [hbm:s3], $0xF7A  }
0x26: {  	[smem:$0x3F8E] =	sst s1;
	(tag) =	ssettag s2;
	_ =	strace s9  }
0x27: {  	s1 =	sld [smem:$0x3F9E]  }
0x28: {  	s2 =	sld [smem:$0x3F9F]  }
0x29: {  	s4 =	sld [smem:$0x3FA1]  }
0x2a: {  	p0 =	seq.s32 s5, $0x0;
	s5 =	sld [smem:$0x3FA2]  }
0x2b: {  	s6 =	sld [smem:$0x3FA3]  }
0x2c: {  	s7 =	sld [smem:$0x3FA4]  }
0x2d: {  	s3 =	simm.s32 $0x108;
	s8 =	sld [smem:$0x3FA5]  }
0x2e: {  	s3 =	simm.s32 @!p0 $0x1082;
	s9 =	sld [smem:$0x3FA6]  }
0x2f: {  	lr =	sadd.s32 s0, s3;
	s0 =	sld [smem:$0x3F9D]  }
0x30: {  	s3 =	sld [smem:$0x3FA0]  }
0x31: {  	[smem:$0x3FA9] =	sst s10  }
0x32: {  	s10 =	sld [smem:$0x3FA7];
	_ =	sdelay $0x3  }
0x33: {  	p0 =	seq.s32 s10, $0x1;
	s10 =	sld [smem:$0x3FA9];
	_ =	sdelay $0x3  }
0x34: {  	[smem:$0x3FA9] =	sst s10  }
0x35: {  	s10 =	sld [smem:$0x3FA8];
	_ =	sdelay $0x3  }
0x36: {  	p1 =	seq.s32 s10, $0x1;
	s10 =	sld [smem:$0x3FA9];
	_ =	sdelay $0x3  }
0x37: {  	[smem:$0x3FA9] =	sst s10  }
0x38: {  	s10 =	sld [smem:$0x3FAA]  }
0x39: {  	_ = 	snop;
	(pc) =	sbr.ind lr, $3  }
0x3a: {  	_ = 	snop  }
0x3b: {  	_ = 	snop  }
0x3c: {  	p2 =	seq.s32 s10, $0x1;
	s10 =	sld [smem:$0x3FA9]  }
0x3d: {  	_ =	shalt  }
0x3e: {  	_ =	shalt  }
0x3f: {  	_ =	shalt  }
0x40: {  	_ =	shalt  }
0x41: {  	_ =	shalt  }
0x42: {  	_ =	shalt  }
0x43: {  	_ =	shalt  }
0x44: {  	_ =	shalt  }
0x45: {  	_ =	shalt  }
0x46: {  	_ =	shalt  }
0x47: {  	_ =	shalt  }
0x48: {  	_ =	shalt  }
0x49: {  	_ =	shalt  }
0x4a: {  	_ =	shalt  }
0x4b: {  	_ =	shalt  }
0x4c: {  	_ =	shalt  }
0x4d: {  	_ =	shalt  }
0x4e: {  	_ =	shalt  }
0x4f: {  	_ =	shalt  }
0x50: {  	_ =	shalt  }
0x51: {  	_ =	shalt  }
0x52: {  	_ =	shalt  }
0x53: {  	_ =	shalt  }
0x54: {  	_ =	shalt  }
0x55: {  	_ =	shalt  }
0x56: {  	_ =	shalt  }
0x57: {  	_ =	shalt  }
0x58: {  	_ =	shalt  }
0x59: {  	_ =	shalt  }
0x5a: {  	_ =	shalt  }
0x5b: {  	_ =	shalt  }
0x5c: {  	_ =	shalt  }
0x5d: {  	_ =	shalt  }
0x5e: {  	_ =	shalt  }
0x5f: {  	_ =	shalt  }
0x60: {  	_ =	shalt  }
0x61: {  	_ =	shalt  }
0x62: {  	_ =	shalt  }
0x63: {  	_ =	shalt  }
0x64: {  	_ =	shalt  }
0x65: {  	_ =	shalt  }
0x66: {  	_ =	shalt  }
0x67: {  	_ =	shalt  }
0x68: {  	_ =	shalt  }
0x69: {  	_ =	shalt  }
0x6a: {  	_ =	shalt  }
0x6b: {  	_ =	shalt  }
0x6c: {  	_ =	shalt  }
0x6d: {  	_ =	shalt  }
0x6e: {  	_ =	shalt  }
0x6f: {  	_ =	shalt  }
0x70: {  	_ =	shalt  }
0x71: {  	_ =	shalt  }
0x72: {  	_ =	shalt  }
0x73: {  	_ =	shalt  }
0x74: {  	_ =	shalt  }
0x75: {  	_ =	shalt  }
0x76: {  	_ =	shalt  }
0x77: {  	_ =	shalt  }
0x78: {  	_ =	shalt  }
0x79: {  	_ =	shalt  }
0x7a: {  	_ =	shalt  }
0x7b: {  	_ =	shalt  }
0x7c: {  	_ =	shalt  }
0x7d: {  	_ =	shalt  }
0x7e: {  	_ =	shalt  }
0x7f: {  	_ =	shalt  }
0x80: {  	_ =	shalt  }
0x81: {  	_ =	shalt  }
0x82: {  	_ =	shalt  }
0x83: {  	_ =	shalt  }
0x84: {  	_ =	shalt  }
0x85: {  	_ =	shalt  }
0x86: {  	_ =	shalt  }
0x87: {  	_ =	shalt  }
.Lfunc_end0:
.L_simem_size_0:
called_computation.4_lowered:
.L_overlay_start_0:
0x88: {  	s2 =	sld [smem:$0x3FD9]  }
0x89: {  	s3 =	sld [smem:$0x3FFE];
	_ =	sdelay $0x1  }
0x8a: {  	s1 =	srdreg.scid  }
0x8b: {  	s0 =	sand.u32 $0x1, s1  }
0x8c: {  	s14 =	sshll.u32 s0, $0xA;
	s2 =	sadd.s32 s3, s2  }
0x8d: {  	s2 =	sadd.s32 s2, s14  }
0x8e: {  	[smem:$0x3FB5] =	sst s2  }
0x8f: {  	_ = 	snop  }
0x90: {  	s2 =	sld [smem:$0x3FD0];
	_ =	sdelay $0x2  }
0x91: {  	s15 =	simm.s32 $0xA;
	s4 =	simm.s32 $0x10  }
0x92: {  	[smem:s4], [sflag:s15] =	dma.local [hbm:s2], $0x1  }
0x93: {  	_ =	swait.eq [sflag:s15], $0x1  }
0x94: {  	[sflag:s15] =	ssyncset.done $0x0  }
0x95: {  	[sflag:s15] =	ssyncadd.s32 $0xFFFFFFFF  }
0x96: {  	s16 =	sld [smem:$0x10];
	(tm) =	ssettm $0x1  }
0x97: {  	s17 =	sld [smem:$0x3FFB];
	_ =	sdelay $0x3  }
0x98: {  	_ =	strace s17  }
0x99: {  	s3 =	sld [smem:$0x3FFC];
	_ =	sdelay $0x3  }
0x9a: {  	_ =	strace s3  }
0x9b: {  	s3 =	sld [smem:$0x3FFD];
	_ =	sdelay $0x3  }
0x9c: {  	_ =	strace s3  }
0x9d: {  	_ =	strace $0x8FFFFFFF  }
0x9e: {  	s18 =	sld [smem:$0x3FDB];
	_ =	sdelay $0x1  }
0x9f: {  	s19 =	simm.s32 $_scs_section_size  }
0xa0: {  	s5 =	simm.s32 $_size__tile_overlayer_lowered;
	s6 =	simm.s32 $_tile_overlayer_lowered  }
0xa1: {  	s22 =	simm.s32 $0x1BFF;
	s21 =	sshll.u32 s6, $0x1;
	s3 =	sadd.s32 s19, s18  }
0xa2: {  	s7 =	simm.s32 $0x0;
	s20 =	sshll.u32 s5, $0x1;
	s5 =	sadd.s32 s21, s3  }
0xa3: {  	[timem:s7], [sflag:s22] =	dma.local [hbm:s5], s20  }
0xa4: {  	_ =	swait.ge [sflag:s22], s20  }
0xa5: {  	s4 =	ssub.s32 $0x0, s20;
	[sflag:s22] =	ssyncset.done $0x0  }
0xa6: {  	[sflag:s22] =	ssyncadd.s32 s4;
	_ =	sdelay $0x1  }
0xa7: {  	s23 =	simm.s32 $0x1B8B  }
0xa8: {  	_ =	swait.ge [sflag:s23], $0x1  }
0xa9: {  	[sflag:s23] =	ssyncset.done $0x0  }
0xaa: {  	s25 =	simm.s32 $0x1B8E;
	s24 =	sld [smem:$0x3FFE];
	[sflag:s23] =	ssyncadd.s32 $0xFFFFFFFF  }
0xab: {  	s26 =	simm.s32 $execute0_lowered;
	[smem:$0x3FD2] =	sst s25  }
0xac: {  	s5 =	sshll.u32 s26, $0x1;
	_ =	strace $0x80000052;
	[dreg:$0x1] =	wrdreg $0xFFFFFFFF  }
0xad: {  	s28 =	simm.s32 $_size_execute0_lowered;
	s3 =	sadd.s32 s3, s5;
	[dreg:$0x0] =	wrdreg $0x0  }
0xae: {  	s5 =	sshll.u32 s28, $0x1;
	[dreg:$0x2] =	wrdreg s3  }
0xaf: {  	[dreg:$0x3] =	wrdreg s5  }
0xb0: {  	[dreg:$0x4] =	wrdreg $0xC0  }
0xb1: {  	_ =	task [dreg:s7], $0x5FFFF  }
0xb2: {  	[dreg:$0x1] =	wrdreg $0xFFFFFFFF  }
0xb3: {  	[dreg:$0x0] =	wrdreg $0x60  }
0xb4: {  	[dreg:$0x2] =	wrdreg s16  }
0xb5: {  	[dreg:$0x3] =	wrdreg s24  }
0xb6: {  	[dreg:$0x4] =	wrdreg $0x9  }
0xb7: {  	_ =	task.clear_ibuf [dreg:s7], $0x5FFFF;
	_ =	strace $0x90000052  }
0xb8: {  	s29 =	simm.s32 $0x9;
	_ =	strace $0x80000054  }
0xb9: {  	_ =	swait.ge [sflag:s29], $0x1  }
0xba: {  	[sflag:s29] =	ssyncadd.s32 $0xFFFFFFFF  }
0xbb: {  	_ =	strace $0x90000054  }
0xbc: {  	_ =	sfence  }
0xbd: {  	s30 =	sld [smem:$0x0];
	_ =	sdelay $0x2  }
0xbe: {  	s31 =	sshll.u32 s1, $0xD;
	s1 =	sshrl.u32 s1, $0x2  }
0xbf: {  	s3 =	sand.u32 $0x4000, s31;
	s1 =	sadd.s32 s1, s30  }
0xc0: {  	s0 =	sor.u32 s3, s0;
	s1 =	sshll.u32 s1, $0x11  }
0xc1: {  	s0 =	sor.u32 s1, s0  }
0xc2: {  	s0 =	sadd.s32 $0x8F2B, s0  }
0xc3: {  	[sflag:s0] =	ssyncadd.remote.s32 $0x1  }
0xc4: {  	_ =	sfence.sel $0xFFFF  }
0xc5: {  	[dreg:$0x0] =	wrdreg $0xFFFFFFFF;
	(pc) =	sbr.abs _section_cstart, $3  }
0xc6: {  	[dreg:$0x1] =	wrdreg $0xFFFFFFFF  }
0xc7: {  	_ =	task.clear_ibuf [dreg:s7], $0x2FFFF;
	_ =	strace $0x9FFFFFFF  }
0xc8: {  	(tm) =	ssettm $0x7FFFFFFF  }
0xc9: {  	_ =	shalt  }
tec
execute0_lowered:
.L_overlay_start_1:
0x0: {  	(tag) =	ssettag $0x1  }
0x1: {  	s1 =	srdreg.scid  }
0x2: {  	s1 =	sand.u32 $0x1, s1  }
0x3: {  	p0 =	seq.s32 s1, $0x1  }
.Ltmp0:
0x4: {  	_ = 	snop;
	(pc) =	sbr.rel @p0 .LBB2_2-.Ltmp0, $4  }
0x5: {  	s4 =	rddreg [dreg:$0x0]  }
0x6: {  	s3 =	rddreg [dreg:$0x1];
	s2 =	simm.s32 $0x0  }
0x7: {  	[smem:$0x7FF] =	sst s2  }
0x8: {  	s0 =	rddreg [dreg:$0x2];
	_ =	strace $0x80000053;
	s1 =	stileid.u32  }
0x9: {  	s5 =	sadd.s32 $0x6600, s3;
	s6 =	sshll.u32 s1, $0x4  }
0xa: {  	s5 =	sadd.s32 s5, s6  }
0xb: {  	[tilespmem:s2], [sflag:$0x1] =	stream.linear.gather [hbm4b:s5+s2], $0x80, $0x38;
	[tilespmem:$0x10080] =	vst v63  }
0xc: {  	s5 =	simm.s32 $0x1  }
0xd: {  	_ =	swait.ge [sflag:s5], $0x80  }
0xe: {  	[sflag:s5] =	ssyncset.done $0x0  }
0xf: {  	[sflag:s5] =	ssyncadd.s32 $0xFFFFFF80  }
0x10: {  	v0 =	vld [tilespmem:$0x0];
	_ =	sdelay $0x4  }
0x11: {  	v1 =	vshll.u32 v0, $0x2  }
0x12: {  	v2 =	vlaneseq.u32;
	v0 =	vand.u32 $0x7, v0;
	v1 =	vand.u32 $0xFFFFFFE0, v1  }
0x13: {  	v56 =	vand.u32 $0x7, v2;
	v3 =	vshrl.u32 v2, $0x3;
	v0 =	vor.u32 v0, v1  }
0x14: {  	v3 =	vmul.u32 $0x8, v3;
	v4 =	vperm.xlane v0, v56;
	_ =	sdelay $0x1  }
0x15: {  	v4 =	vadd.s32 v3, v4  }
0x16: {  	v2 =	vor.u32 $0x8, v2  }
0x17: {  	v0 =	vperm.xlane v0, v2;
	_ =	sdelay $0x1  }
0x18: {  	vm0 =	vmmov $0xffff;
	s6 =	simm.s32 $0x80;
	v0 =	vadd.s32 v3, v0  }
0x19: {  	[tilespmem:s6], [sflag:$0x1] =	stream.indirect_vreg.gather [hbm4b:s4+s2], $0x80, v4, vm0, $0xb8;
	[tilespmem:$0x10080] =	vst v63  }
0x1a: {  	s7 =	sadd.s32 $0x100, s4;
	s8 =	simm.s32 $0x880  }
0x1b: {  	[tilespmem:s8], [sflag:$0x1] =	stream.indirect_vreg.gather [hbm4b:s7+s2], $0x80, v4, vm0, $0xb8;
	[tilespmem:$0x10080] =	vst v63  }
0x1c: {  	s21 =	simm.s32 $0x1080  }
0x1d: {  	[tilespmem:s21], [sflag:$0x1] =	stream.indirect_vreg.gather [hbm4b:s4+s2], $0x80, v0, vm0, $0xb8;
	[tilespmem:$0x10080] =	vst v63  }
0x1e: {  	s22 =	simm.s32 $0x1880  }
0x1f: {  	[tilespmem:s22], [sflag:$0x1] =	stream.indirect_vreg.gather [hbm4b:s7+s2], $0x80, v0, vm0, $0xb8;
	[tilespmem:$0x10080] =	vst v63  }
0x20: {  	v0 =	vld [tilespmem:$0x10];
	_ =	sdelay $0x4  }
0x21: {  	v57 =	vshll.u32 v0, $0x2  }
0x22: {  	v0 =	vand.u32 $0x7, v0;
	v4 =	vand.u32 $0xFFFFFFE0, v57  }
0x23: {  	v0 =	vor.u32 v0, v4  }
0x24: {  	v4 =	vperm.xlane v0, v56;
	_ =	sdelay $0x1  }
0x25: {  	v4 =	vadd.s32 v3, v4;
	_ =	sdelay $0x1  }
0x26: {  	v0 =	vperm.xlane v0, v2;
	_ =	sdelay $0x1  }
0x27: {  	s23 =	simm.s32 $0x2080;
	v0 =	vadd.s32 v3, v0  }
0x28: {  	[tilespmem:s23], [sflag:$0x1] =	stream.indirect_vreg.gather [hbm4b:s4+s2], $0x80, v4, vm0, $0xb8;
	[tilespmem:$0x10080] =	vst v63  }
0x29: {  	s24 =	simm.s32 $0x2880  }
0x2a: {  	[tilespmem:s24], [sflag:$0x1] =	stream.indirect_vreg.gather [hbm4b:s7+s2], $0x80, v4, vm0, $0xb8;
	[tilespmem:$0x10080] =	vst v63  }
0x2b: {  	s25 =	simm.s32 $0x3080  }
0x2c: {  	[tilespmem:s25], [sflag:$0x1] =	stream.indirect_vreg.gather [hbm4b:s4+s2], $0x80, v0, vm0, $0xb8;
	[tilespmem:$0x10080] =	vst v63  }
0x2d: {  	s26 =	simm.s32 $0x3880  }
0x2e: {  	[tilespmem:s26], [sflag:$0x1] =	stream.indirect_vreg.gather [hbm4b:s7+s2], $0x80, v0, vm0, $0xb8;
	[tilespmem:$0x10080] =	vst v63  }
0x2f: {  	v0 =	vld [tilespmem:$0x20];
	_ =	sdelay $0x4  }
0x30: {  	v58 =	vshll.u32 v0, $0x2  }
0x31: {  	v0 =	vand.u32 $0x7, v0;
	v4 =	vand.u32 $0xFFFFFFE0, v58  }
0x32: {  	v0 =	vor.u32 v0, v4  }
0x33: {  	v4 =	vperm.xlane v0, v56;
	_ =	sdelay $0x1  }
0x34: {  	v4 =	vadd.s32 v3, v4;
	_ =	sdelay $0x1  }
0x35: {  	v0 =	vperm.xlane v0, v2;
	_ =	sdelay $0x1  }
0x36: {  	s28 =	simm.s32 $0x4080;
	v0 =	vadd.s32 v3, v0  }
0x37: {  	[tilespmem:s28], [sflag:$0x1] =	stream.indirect_vreg.gather [hbm4b:s4+s2], $0x80, v4, vm0, $0xb8;
	[tilespmem:$0x10080] =	vst v63  }
0x38: {  	s29 =	simm.s32 $0x4880  }
0x39: {  	[tilespmem:s29], [sflag:$0x1] =	stream.indirect_vreg.gather [hbm4b:s7+s2], $0x80, v4, vm0, $0xb8;
	[tilespmem:$0x10080] =	vst v63  }
0x3a: {  	s30 =	simm.s32 $0x5080  }
0x3b: {  	[tilespmem:s30], [sflag:$0x1] =	stream.indirect_vreg.gather [hbm4b:s4+s2], $0x80, v0, vm0, $0xb8;
	[tilespmem:$0x10080] =	vst v63  }
0x3c: {  	s31 =	simm.s32 $0x5880  }
0x3d: {  	[tilespmem:s31], [sflag:$0x1] =	stream.indirect_vreg.gather [hbm4b:s7+s2], $0x80, v0, vm0, $0xb8;
	[tilespmem:$0x10080] =	vst v63  }
0x3e: {  	v0 =	vld [tilespmem:$0x30];
	_ =	sdelay $0x4  }
0x3f: {  	v59 =	vshll.u32 v0, $0x2  }
0x40: {  	v0 =	vand.u32 $0x7, v0;
	v4 =	vand.u32 $0xFFFFFFE0, v59  }
0x41: {  	v0 =	vor.u32 v0, v4  }
0x42: {  	v4 =	vperm.xlane v0, v56;
	_ =	sdelay $0x1  }
0x43: {  	v4 =	vadd.s32 v3, v4;
	_ =	sdelay $0x1  }
0x44: {  	v0 =	vperm.xlane v0, v2;
	_ =	sdelay $0x1  }
0x45: {  	s9 =	simm.s32 $0x6080;
	v0 =	vadd.s32 v3, v0  }
0x46: {  	[tilespmem:s9], [sflag:$0x1] =	stream.indirect_vreg.gather [hbm4b:s4+s2], $0x80, v4, vm0, $0xb8;
	[tilespmem:$0x10080] =	vst v63  }
0x47: {  	s10 =	simm.s32 $0x6880  }
0x48: {  	[tilespmem:s10], [sflag:$0x1] =	stream.indirect_vreg.gather [hbm4b:s7+s2], $0x80, v4, vm0, $0xb8;
	[tilespmem:$0x10080] =	vst v63  }
0x49: {  	s11 =	simm.s32 $0x7080  }
0x4a: {  	[tilespmem:s11], [sflag:$0x1] =	stream.indirect_vreg.gather [hbm4b:s4+s2], $0x80, v0, vm0, $0xb8;
	[tilespmem:$0x10080] =	vst v63  }
0x4b: {  	s12 =	simm.s32 $0x7880  }
0x4c: {  	[tilespmem:s12], [sflag:$0x1] =	stream.indirect_vreg.gather [hbm4b:s7+s2], $0x80, v0, vm0, $0xb8;
	[tilespmem:$0x10080] =	vst v63  }
0x4d: {  	v0 =	vld [tilespmem:$0x40];
	_ =	sdelay $0x4  }
0x4e: {  	v60 =	vshll.u32 v0, $0x2  }
0x4f: {  	v0 =	vand.u32 $0x7, v0;
	v4 =	vand.u32 $0xFFFFFFE0, v60  }
0x50: {  	v0 =	vor.u32 v0, v4  }
0x51: {  	v4 =	vperm.xlane v0, v56;
	_ =	sdelay $0x1  }
0x52: {  	v4 =	vadd.s32 v3, v4;
	_ =	sdelay $0x1  }
0x53: {  	v0 =	vperm.xlane v0, v2;
	_ =	sdelay $0x1  }
0x54: {  	s13 =	simm.s32 $0x8080;
	v0 =	vadd.s32 v3, v0  }
0x55: {  	[tilespmem:s13], [sflag:$0x1] =	stream.indirect_vreg.gather [hbm4b:s4+s2], $0x80, v4, vm0, $0xb8;
	[tilespmem:$0x10080] =	vst v63  }
0x56: {  	s14 =	simm.s32 $0x8880  }
0x57: {  	[tilespmem:s14], [sflag:$0x1] =	stream.indirect_vreg.gather [hbm4b:s7+s2], $0x80, v4, vm0, $0xb8;
	[tilespmem:$0x10080] =	vst v63  }
0x58: {  	s15 =	simm.s32 $0x9080  }
0x59: {  	[tilespmem:s15], [sflag:$0x1] =	stream.indirect_vreg.gather [hbm4b:s4+s2], $0x80, v0, vm0, $0xb8;
	[tilespmem:$0x10080] =	vst v63  }
0x5a: {  	s16 =	simm.s32 $0x9880  }
0x5b: {  	[tilespmem:s16], [sflag:$0x1] =	stream.indirect_vreg.gather [hbm4b:s7+s2], $0x80, v0, vm0, $0xb8;
	[tilespmem:$0x10080] =	vst v63  }
0x5c: {  	v0 =	vld [tilespmem:$0x50];
	_ =	sdelay $0x4  }
0x5d: {  	v61 =	vshll.u32 v0, $0x2  }
0x5e: {  	v0 =	vand.u32 $0x7, v0;
	v4 =	vand.u32 $0xFFFFFFE0, v61  }
0x5f: {  	v0 =	vor.u32 v0, v4  }
0x60: {  	v4 =	vperm.xlane v0, v56;
	_ =	sdelay $0x1  }
0x61: {  	v4 =	vadd.s32 v3, v4;
	_ =	sdelay $0x1  }
0x62: {  	v0 =	vperm.xlane v0, v2;
	_ =	sdelay $0x1  }
0x63: {  	s17 =	simm.s32 $0xA080;
	v0 =	vadd.s32 v3, v0  }
0x64: {  	[tilespmem:s17], [sflag:$0x1] =	stream.indirect_vreg.gather [hbm4b:s4+s2], $0x80, v4, vm0, $0xb8;
	[tilespmem:$0x10080] =	vst v63  }
0x65: {  	s18 =	simm.s32 $0xA880  }
0x66: {  	[tilespmem:s18], [sflag:$0x1] =	stream.indirect_vreg.gather [hbm4b:s7+s2], $0x80, v4, vm0, $0xb8;
	[tilespmem:$0x10080] =	vst v63  }
0x67: {  	s19 =	simm.s32 $0xB080  }
0x68: {  	[tilespmem:s19], [sflag:$0x1] =	stream.indirect_vreg.gather [hbm4b:s4+s2], $0x80, v0, vm0, $0xb8;
	[tilespmem:$0x10080] =	vst v63  }
0x69: {  	s20 =	simm.s32 $0xB880  }
0x6a: {  	[tilespmem:s20], [sflag:$0x1] =	stream.indirect_vreg.gather [hbm4b:s7+s2], $0x80, v0, vm0, $0xb8;
	[tilespmem:$0x10080] =	vst v63  }
0x6b: {  	v0 =	vld [tilespmem:$0x60];
	_ =	sdelay $0x4  }
0x6c: {  	v62 =	vshll.u32 v0, $0x2  }
0x6d: {  	v0 =	vand.u32 $0x7, v0;
	v4 =	vand.u32 $0xFFFFFFE0, v62  }
0x6e: {  	v0 =	vor.u32 v0, v4  }
0x6f: {  	v4 =	vperm.xlane v0, v56;
	_ =	sdelay $0x1  }
0x70: {  	v4 =	vadd.s32 v3, v4;
	_ =	sdelay $0x1  }
0x71: {  	v0 =	vperm.xlane v0, v2;
	_ =	sdelay $0x1  }
0x72: {  	s21 =	simm.s32 $0xC080;
	v0 =	vadd.s32 v3, v0  }
0x73: {  	[tilespmem:s21], [sflag:$0x1] =	stream.indirect_vreg.gather [hbm4b:s4+s2], $0x80, v4, vm0, $0xb8;
	[tilespmem:$0x10080] =	vst v63  }
0x74: {  	s22 =	simm.s32 $0xC880  }
0x75: {  	[tilespmem:s22], [sflag:$0x1] =	stream.indirect_vreg.gather [hbm4b:s7+s2], $0x80, v4, vm0, $0xb8;
	[tilespmem:$0x10080] =	vst v63  }
0x76: {  	s23 =	simm.s32 $0xD080  }
0x77: {  	[tilespmem:s23], [sflag:$0x1] =	stream.indirect_vreg.gather [hbm4b:s4+s2], $0x80, v0, vm0, $0xb8;
	[tilespmem:$0x10080] =	vst v63  }
0x78: {  	s24 =	simm.s32 $0xD880  }
0x79: {  	[tilespmem:s24], [sflag:$0x1] =	stream.indirect_vreg.gather [hbm4b:s7+s2], $0x80, v0, vm0, $0xb8;
	[tilespmem:$0x10080] =	vst v63  }
0x7a: {  	v0 =	vld [tilespmem:$0x70];
	_ =	sdelay $0x4  }
0x7b: {  	v63 =	vshll.u32 v0, $0x2  }
0x7c: {  	v0 =	vand.u32 $0x7, v0;
	v4 =	vand.u32 $0xFFFFFFE0, v63  }
0x7d: {  	v0 =	vor.u32 v0, v4  }
0x7e: {  	v1 =	vperm.xlane v0, v56;
	_ =	sdelay $0x1  }
0x7f: {  	v1 =	vadd.s32 v3, v1;
	_ =	sdelay $0x1  }
0x80: {  	v0 =	vperm.xlane v0, v2;
	_ =	sdelay $0x1  }
0x81: {  	s25 =	simm.s32 $0xE080;
	v0 =	vadd.s32 v3, v0  }
0x82: {  	[tilespmem:s25], [sflag:$0x1] =	stream.indirect_vreg.gather [hbm4b:s4+s2], $0x80, v1, vm0, $0xb8;
	[tilespmem:$0x10080] =	vst v63  }
0x83: {  	s26 =	simm.s32 $0xE880  }
0x84: {  	[tilespmem:s26], [sflag:$0x1] =	stream.indirect_vreg.gather [hbm4b:s7+s2], $0x80, v1, vm0, $0xb8;
	[tilespmem:$0x10080] =	vst v63  }
0x85: {  	s28 =	simm.s32 $0xF080  }
0x86: {  	[tilespmem:s28], [sflag:$0x1] =	stream.indirect_vreg.gather [hbm4b:s4+s2], $0x80, v0, vm0, $0xb8;
	[tilespmem:$0x10080] =	vst v63  }
0x87: {  	s29 =	simm.s32 $0xF880  }
0x88: {  	[tilespmem:s29], [sflag:$0x1] =	stream.indirect_vreg.gather [hbm4b:s7+s2], $0x80, v0, vm0, $0xb8;
	[tilespmem:$0x10080] =	vst v63  }
0x89: {  	_ =	swait.ge [sflag:s5], $0x10000  }
0x8a: {  	s30 =	sadd.s32 $0x736A00, s3;
	s31 =	sshll.u32 s1, $0xD;
	[sflag:s5] =	ssyncset.done $0x0  }
0x8b: {  	s3 =	sadd.s32 s30, s31;
	[sflag:s5] =	ssyncadd.s32 $0xFFFF0000  }
0x8c: {  	[hbm4b:s3+s2] =	stream.linear.scatter [tilespmem:s6], [sflag:$0x1], $0x10000, $0x38;
	[tilespmem:$0x10080] =	vst v63  }
0x8d: {  	_ =	swait.ge [sflag:s5], $0x10000  }
0x8e: {  	[sflag:s5] =	ssyncset.done $0x0  }
0x8f: {  	[sflag:s5] =	ssyncadd.s32 $0xFFFF0000  }
.LBB2_2:
0x90: {  	_ =	sfence.sel $0x180000  }
0x91: {  	[bflag:$0x0] =	sbarrier.arrive $0xFFFF  }
0x92: {  	p0 =	sne.s32 s1, $0x0;
	_ =	strace $0x90000053  }
0x93: {  	s0 =	sadd.s32 @!p0 $0x100000, s0;
	[bflag:$0x2] =	sbarrier.arrive $0xFFFF  }
0x94: {  	[sflag:s0] =	ssyncadd.tile.s32 @!p0 $0x1;
	_ =	shalt  }
.Lfunc_end2:
_tile_overlayer_lowered:
.L_overlay_start_2:
0x95: {  	(tag) =	ssettag $0x2  }
0x96: {  	s0 =	rddreg [dreg:$0x0];
	s2 =	stileid.u32  }
0x97: {  	s1 =	rddreg [dreg:$0x1];
	p0 =	sne.s32 s2, $0x0  }
0x98: {  	s3 =	rddreg [dreg:$0x2];
	[bflag:$0x3] =	sbarrier.arrive $0xFFFF;
	s2 =	simm.s32 @!p0 $0x1C02  }
0x99: {  	[timem:s3], [sflag:s2] =	dma.local @!p0 [hbm:s0], s1  }
0x9a: {  	s0 =	simm.s32 @!p0 $0x2  }
0x9b: {  	_ =	swait.ge @!p0 [sflag:s0], s1  }
0x9c: {  	s1 =	ssub.s32 @!p0 $0x0, s1;
	[sflag:s0] =	ssyncset.done @!p0 $0x0  }
0x9d: {  	[sflag:s0] =	ssyncadd.s32 @!p0 s1  }
0x9e: {  	[bflag:$0x3] =	sbarrier.arrive $0xFFFF  }
0x9f: {  	_ =	shalt  }

// kernel: kernel.73.cloned.1.call-start
scs
__scs_entry_jumppad:
0x0: {  	(pc) =	sbr.rel $0x88, $3  }
0x1: {  	(tag) =	ssettag $0x0;
	lr =	simm.s32 $0x1  }
0x2: {  	[smem:$0x3F8E] =	sst lr;
	_ =	strace $0xD0000000  }
0x3: {  	_ = 	snop  }
0x4: {  	_ = 	snop  }
0x5: {  	_ = 	snop  }
0x6: {  	_ = 	snop  }
0x7: {  	_ = 	snop  }
__scs_overlays_trampoline_lowered:
0x8: {  	[smem:$0x3F9D] =	sst s0  }
0x9: {  	[smem:$0x3F9E] =	sst s1  }
0xa: {  	[smem:$0x3F9F] =	sst s2  }
0xb: {  	[smem:$0x3FA0] =	sst s3  }
0xc: {  	[smem:$0x3FA1] =	sst s4  }
0xd: {  	[smem:$0x3FA2] =	sst s5  }
0xe: {  	[smem:$0x3FA3] =	sst s6  }
0xf: {  	[smem:$0x3FA4] =	sst s7  }
0x10: {  	[smem:$0x3FA5] =	sst s8  }
0x11: {  	[smem:$0x3FA6] =	sst s9;
	s0 =	simm.s32 @!p0 $0x0  }
0x12: {  	s1 =	sld [smem:$0x3F8C];
	s0 =	simm.s32 @p0 $0x1  }
0x13: {  	[smem:$0x3FA7] =	sst s0;
	s0 =	simm.s32 @!p1 $0x0  }
0x14: {  	s2 =	sld [smem:$0x3F8B];
	s0 =	simm.s32 @p1 $0x1  }
0x15: {  	[smem:$0x3FA8] =	sst s0;
	s0 =	simm.s32 @!p2 $0x0  }
0x16: {  	s3 =	sld [smem:$0x3FDB];
	s0 =	simm.s32 @p2 $0x1  }
0x17: {  	s4 =	simm.s32 $0x1BF5;
	[smem:$0x3FAA] =	sst s0  }
0x18: {  	s0 =	sld [smem:$0x3F8D];
	_ =	swait.ge [sflag:s4], $0x0  }
0x19: {  	s7 =	sld [smem:$0x3F8E]  }
0x1a: {  	s8 =	sadd.s32 $0xFFFFE003, lr  }
0x1b: {  	s9 =	sadd.s32 $0xFFFFFEF7, lr;
	s5 =	simm.s32 $0xFFFFFFFF;
	p2 =	slt.u32 s8, $0xFFFFF086  }
0x1c: {  	p1 =	slt.u32 s9, $0xF7A;
	s5 =	simm.s32 @!p2 $0x0  }
0x1d: {  	s5 =	simm.s32 @p1 $0x1;
	p0 =	seq.s32 s7, s2  }
0x1e: {  	s7 =	smul.u32 @!p0 $0xF7A, s2;
	p2 =	seq.s32 @!p0 s5, $0x0  }
0x1f: {  	s9 =	smul.u32 $0xF7A, s1;
	s8 =	simm.s32 @!p0 $0x1BF5;
	p2 =	por !p2, p0  }
0x20: {  	[sflag:s8] =	ssyncset.s32 @!p0 $0xFFFFF086;
	s6 =	sadd.s32 @!p0 s3, s7;
	s7 =	simm.s32 @!p0 $0x108  }
0x21: {  	s3 =	sadd.s32 s3, s9;
	s6 =	sadd.s32 @!p0 $0x88, s6;
	s7 =	simm.s32 @p2 $0x1082  }
0x22: {  	[simem:s7], [sflag:s8] =	dma.local @!p0 [hbm:s6], $0xF7A  }
0x23: {  	s9 =	sor.u32 $0xD0000000, s2;
	s6 =	simm.s32 $0x108;
	_ =	swait.ge @!p0 [sflag:s8], $0x0  }
0x24: {  	s3 =	sadd.s32 $0x88, s3;
	s6 =	simm.s32 @!p1 $0x1082;
	[sflag:s4] =	ssyncset.s32 $0xFFFFF086  }
0x25: {  	[simem:s6], [sflag:s4] =	dma.local [hbm:s3], $0xF7A  }
0x26: {  	[smem:$0x3F8E] =	sst s1;
	(tag) =	ssettag s2;
	_ =	strace s9  }
0x27: {  	s1 =	sld [smem:$0x3F9E]  }
0x28: {  	s2 =	sld [smem:$0x3F9F]  }
0x29: {  	s4 =	sld [smem:$0x3FA1]  }
0x2a: {  	p0 =	seq.s32 s5, $0x0;
	s5 =	sld [smem:$0x3FA2]  }
0x2b: {  	s6 =	sld [smem:$0x3FA3]  }
0x2c: {  	s7 =	sld [smem:$0x3FA4]  }
0x2d: {  	s3 =	simm.s32 $0x108;
	s8 =	sld [smem:$0x3FA5]  }
0x2e: {  	s3 =	simm.s32 @!p0 $0x1082;
	s9 =	sld [smem:$0x3FA6]  }
0x2f: {  	lr =	sadd.s32 s0, s3;
	s0 =	sld [smem:$0x3F9D]  }
0x30: {  	s3 =	sld [smem:$0x3FA0]  }
0x31: {  	[smem:$0x3FA9] =	sst s10  }
0x32: {  	s10 =	sld [smem:$0x3FA7];
	_ =	sdelay $0x3  }
0x33: {  	p0 =	seq.s32 s10, $0x1;
	s10 =	sld [smem:$0x3FA9];
	_ =	sdelay $0x3  }
0x34: {  	[smem:$0x3FA9] =	sst s10  }
0x35: {  	s10 =	sld [smem:$0x3FA8];
	_ =	sdelay $0x3  }
0x36: {  	p1 =	seq.s32 s10, $0x1;
	s10 =	sld [smem:$0x3FA9];
	_ =	sdelay $0x3  }
0x37: {  	[smem:$0x3FA9] =	sst s10  }
0x38: {  	s10 =	sld [smem:$0x3FAA]  }
0x39: {  	_ = 	snop;
	(pc) =	sbr.ind lr, $3  }
0x3a: {  	_ = 	snop  }
0x3b: {  	_ = 	snop  }
0x3c: {  	p2 =	seq.s32 s10, $0x1;
	s10 =	sld [smem:$0x3FA9]  }
0x3d: {  	_ =	shalt  }
0x3e: {  	_ =	shalt  }
0x3f: {  	_ =	shalt  }
0x40: {  	_ =	shalt  }
0x41: {  	_ =	shalt  }
0x42: {  	_ =	shalt  }
0x43: {  	_ =	shalt  }
0x44: {  	_ =	shalt  }
0x45: {  	_ =	shalt  }
0x46: {  	_ =	shalt  }
0x47: {  	_ =	shalt  }
0x48: {  	_ =	shalt  }
0x49: {  	_ =	shalt  }
0x4a: {  	_ =	shalt  }
0x4b: {  	_ =	shalt  }
0x4c: {  	_ =	shalt  }
0x4d: {  	_ =	shalt  }
0x4e: {  	_ =	shalt  }
0x4f: {  	_ =	shalt  }
0x50: {  	_ =	shalt  }
0x51: {  	_ =	shalt  }
0x52: {  	_ =	shalt  }
0x53: {  	_ =	shalt  }
0x54: {  	_ =	shalt  }
0x55: {  	_ =	shalt  }
0x56: {  	_ =	shalt  }
0x57: {  	_ =	shalt  }
0x58: {  	_ =	shalt  }
0x59: {  	_ =	shalt  }
0x5a: {  	_ =	shalt  }
0x5b: {  	_ =	shalt  }
0x5c: {  	_ =	shalt  }
0x5d: {  	_ =	shalt  }
0x5e: {  	_ =	shalt  }
0x5f: {  	_ =	shalt  }
0x60: {  	_ =	shalt  }
0x61: {  	_ =	shalt  }
0x62: {  	_ =	shalt  }
0x63: {  	_ =	shalt  }
0x64: {  	_ =	shalt  }
0x65: {  	_ =	shalt  }
0x66: {  	_ =	shalt  }
0x67: {  	_ =	shalt  }
0x68: {  	_ =	shalt  }
0x69: {  	_ =	shalt  }
0x6a: {  	_ =	shalt  }
0x6b: {  	_ =	shalt  }
0x6c: {  	_ =	shalt  }
0x6d: {  	_ =	shalt  }
0x6e: {  	_ =	shalt  }
0x6f: {  	_ =	shalt  }
0x70: {  	_ =	shalt  }
0x71: {  	_ =	shalt  }
0x72: {  	_ =	shalt  }
0x73: {  	_ =	shalt  }
0x74: {  	_ =	shalt  }
0x75: {  	_ =	shalt  }
0x76: {  	_ =	shalt  }
0x77: {  	_ =	shalt  }
0x78: {  	_ =	shalt  }
0x79: {  	_ =	shalt  }
0x7a: {  	_ =	shalt  }
0x7b: {  	_ =	shalt  }
0x7c: {  	_ =	shalt  }
0x7d: {  	_ =	shalt  }
0x7e: {  	_ =	shalt  }
0x7f: {  	_ =	shalt  }
0x80: {  	_ =	shalt  }
0x81: {  	_ =	shalt  }
0x82: {  	_ =	shalt  }
0x83: {  	_ =	shalt  }
0x84: {  	_ =	shalt  }
0x85: {  	_ =	shalt  }
0x86: {  	_ =	shalt  }
0x87: {  	_ =	shalt  }
.Lfunc_end0:
.L_simem_size_0:
called_computation.5_lowered:
.L_overlay_start_0:
0x88: {  	s2 =	sld [smem:$0x3FD9]  }
0x89: {  	s3 =	sld [smem:$0x3FFE];
	_ =	sdelay $0x1  }
0x8a: {  	s1 =	srdreg.scid  }
0x8b: {  	s0 =	sand.u32 $0x1, s1  }
0x8c: {  	s14 =	sshll.u32 s0, $0xA;
	s2 =	sadd.s32 s3, s2  }
0x8d: {  	s2 =	sadd.s32 s2, s14  }
0x8e: {  	[smem:$0x3FB5] =	sst s2  }
0x8f: {  	_ = 	snop  }
0x90: {  	s2 =	sld [smem:$0x3FD0];
	_ =	sdelay $0x2  }
0x91: {  	s15 =	simm.s32 $0xA;
	s4 =	simm.s32 $0x10  }
0x92: {  	[smem:s4], [sflag:s15] =	dma.local [hbm:s2], $0x1  }
0x93: {  	_ =	swait.eq [sflag:s15], $0x1  }
0x94: {  	[sflag:s15] =	ssyncset.done $0x0  }
0x95: {  	[sflag:s15] =	ssyncadd.s32 $0xFFFFFFFF  }
0x96: {  	s16 =	sld [smem:$0x10];
	(tm) =	ssettm $0x1  }
0x97: {  	s17 =	sld [smem:$0x3FFB];
	_ =	sdelay $0x3  }
0x98: {  	_ =	strace s17  }
0x99: {  	s3 =	sld [smem:$0x3FFC];
	_ =	sdelay $0x3  }
0x9a: {  	_ =	strace s3  }
0x9b: {  	s3 =	sld [smem:$0x3FFD];
	_ =	sdelay $0x3  }
0x9c: {  	_ =	strace s3  }
0x9d: {  	_ =	strace $0x8FFFFFFF  }
0x9e: {  	s18 =	sld [smem:$0x3FDB];
	_ =	sdelay $0x1  }
0x9f: {  	s19 =	simm.s32 $_scs_section_size  }
0xa0: {  	s5 =	simm.s32 $_size__tile_overlayer_lowered;
	s6 =	simm.s32 $_tile_overlayer_lowered  }
0xa1: {  	s22 =	simm.s32 $0x1BFF;
	s21 =	sshll.u32 s6, $0x1;
	s3 =	sadd.s32 s19, s18  }
0xa2: {  	s7 =	simm.s32 $0x0;
	s20 =	sshll.u32 s5, $0x1;
	s5 =	sadd.s32 s21, s3  }
0xa3: {  	[timem:s7], [sflag:s22] =	dma.local [hbm:s5], s20  }
0xa4: {  	_ =	swait.ge [sflag:s22], s20  }
0xa5: {  	s4 =	ssub.s32 $0x0, s20;
	[sflag:s22] =	ssyncset.done $0x0  }
0xa6: {  	[sflag:s22] =	ssyncadd.s32 s4;
	_ =	sdelay $0x1  }
0xa7: {  	s23 =	simm.s32 $0x1B8B  }
0xa8: {  	_ =	swait.ge [sflag:s23], $0x1  }
0xa9: {  	[sflag:s23] =	ssyncset.done $0x0  }
0xaa: {  	s25 =	simm.s32 $0x1B8E;
	s24 =	sld [smem:$0x3FFE];
	[sflag:s23] =	ssyncadd.s32 $0xFFFFFFFF  }
0xab: {  	s26 =	simm.s32 $execute0_lowered;
	[smem:$0x3FD2] =	sst s25  }
0xac: {  	s5 =	sshll.u32 s26, $0x1;
	_ =	strace $0x80000055;
	[dreg:$0x1] =	wrdreg $0xFFFFFFFF  }
0xad: {  	s28 =	simm.s32 $_size_execute0_lowered;
	s3 =	sadd.s32 s3, s5;
	[dreg:$0x0] =	wrdreg $0x0  }
0xae: {  	s5 =	sshll.u32 s28, $0x1;
	[dreg:$0x2] =	wrdreg s3  }
0xaf: {  	[dreg:$0x3] =	wrdreg s5  }
0xb0: {  	[dreg:$0x4] =	wrdreg $0xC0  }
0xb1: {  	_ =	task [dreg:s7], $0x5FFFF  }
0xb2: {  	[dreg:$0x1] =	wrdreg $0xFFFFFFFF  }
0xb3: {  	[dreg:$0x0] =	wrdreg $0x60  }
0xb4: {  	[dreg:$0x2] =	wrdreg s24  }
0xb5: {  	[dreg:$0x3] =	wrdreg s16  }
0xb6: {  	[dreg:$0x4] =	wrdreg $0x9  }
0xb7: {  	_ =	task.clear_ibuf [dreg:s7], $0x5FFFF;
	_ =	strace $0x90000055  }
0xb8: {  	s29 =	simm.s32 $0x9;
	_ =	strace $0x80000057  }
0xb9: {  	_ =	swait.ge [sflag:s29], $0x1  }
0xba: {  	[sflag:s29] =	ssyncadd.s32 $0xFFFFFFFF  }
0xbb: {  	_ =	strace $0x90000057  }
0xbc: {  	_ =	sfence  }
0xbd: {  	s30 =	sld [smem:$0x0];
	_ =	sdelay $0x2  }
0xbe: {  	s31 =	sshll.u32 s1, $0xD;
	s1 =	sshrl.u32 s1, $0x2  }
0xbf: {  	s3 =	sand.u32 $0x4000, s31;
	s1 =	sadd.s32 s1, s30  }
0xc0: {  	s0 =	sor.u32 s3, s0;
	s1 =	sshll.u32 s1, $0x11  }
0xc1: {  	s0 =	sor.u32 s1, s0  }
0xc2: {  	s0 =	sadd.s32 $0x8F2B, s0  }
0xc3: {  	[sflag:s0] =	ssyncadd.remote.s32 $0x1  }
0xc4: {  	_ =	sfence.sel $0xFFFF  }
0xc5: {  	[dreg:$0x0] =	wrdreg $0xFFFFFFFF;
	(pc) =	sbr.abs _section_cstart, $3  }
0xc6: {  	[dreg:$0x1] =	wrdreg $0xFFFFFFFF  }
0xc7: {  	_ =	task.clear_ibuf [dreg:s7], $0x2FFFF;
	_ =	strace $0x9FFFFFFF  }
0xc8: {  	(tm) =	ssettm $0x7FFFFFFF  }
0xc9: {  	_ =	shalt  }
tec
execute0_lowered:
.L_overlay_start_1:
0x0: {  	(tag) =	ssettag $0x1  }
0x1: {  	s1 =	srdreg.scid  }
0x2: {  	s1 =	sand.u32 $0x1, s1  }
0x3: {  	p0 =	seq.s32 s1, $0x1  }
.Ltmp0:
0x4: {  	_ = 	snop;
	(pc) =	sbr.rel @p0 .LBB2_2-.Ltmp0, $4  }
0x5: {  	s5 =	rddreg [dreg:$0x0]  }
0x6: {  	s2 =	rddreg [dreg:$0x1];
	s3 =	simm.s32 $0x0  }
0x7: {  	[smem:$0x7FF] =	sst s3  }
0x8: {  	s0 =	rddreg [dreg:$0x2];
	_ =	strace $0x80000056;
	s1 =	stileid.u32  }
0x9: {  	s4 =	sadd.s32 $0x7200, s5;
	s6 =	sshll.u32 s1, $0x4  }
0xa: {  	s4 =	sadd.s32 s4, s6  }
0xb: {  	[tilespmem:s3], [sflag:$0x1] =	stream.linear.gather [hbm4b:s4+s3], $0x80, $0x38;
	[tilespmem:$0x10080] =	vst v63  }
0xc: {  	s4 =	simm.s32 $0x1  }
0xd: {  	_ =	swait.ge [sflag:s4], $0x80  }
0xe: {  	s21 =	sadd.s32 $0x36A00, s5;
	s22 =	sshll.u32 s1, $0xD;
	[sflag:s4] =	ssyncset.done $0x0  }
0xf: {  	s23 =	simm.s32 $0x80;
	s5 =	sadd.s32 s21, s22;
	[sflag:s4] =	ssyncadd.s32 $0xFFFFFF80  }
0x10: {  	[tilespmem:s23], [sflag:$0x1] =	stream.linear.gather [hbm4b:s5+s3], $0x10000, $0x38;
	[tilespmem:$0x10080] =	vst v63  }
0x11: {  	_ =	swait.ge [sflag:s4], $0x10000  }
0x12: {  	[sflag:s4] =	ssyncset.done $0x0  }
0x13: {  	[sflag:s4] =	ssyncadd.s32 $0xFFFF0000  }
0x14: {  	v0 =	vld [tilespmem:$0x0];
	_ =	sdelay $0x4  }
0x15: {  	v1 =	vshll.u32 v0, $0x2  }
0x16: {  	v2 =	vlaneseq.u32;
	v0 =	vand.u32 $0x7, v0;
	v1 =	vand.u32 $0xFFFFFFE0, v1  }
0x17: {  	v56 =	vand.u32 $0x7, v2;
	v3 =	vshrl.u32 v2, $0x3;
	v0 =	vor.u32 v0, v1  }
0x18: {  	v3 =	vmul.u32 $0x8, v3;
	v4 =	vperm.xlane v0, v56;
	_ =	sdelay $0x1  }
0x19: {  	v4 =	vadd.s32 v3, v4  }
0x1a: {  	v2 =	vor.u32 $0x8, v2  }
0x1b: {  	v0 =	vperm.xlane v0, v2;
	_ =	sdelay $0x1  }
0x1c: {  	vm0 =	vmmov $0xffff;
	v0 =	vadd.s32 v3, v0  }
0x1d: {  	[hbm4b:s2+s3] =	stream.indirect_vreg.scatter [tilespmem:s23], [sflag:$0x1], $0x80, v4, vm0, $0xb8;
	[tilespmem:$0x10080] =	vst v63  }
0x1e: {  	s24 =	simm.s32 $0x880;
	s5 =	sadd.s32 $0x100, s2  }
0x1f: {  	[hbm4b:s5+s3] =	stream.indirect_vreg.scatter [tilespmem:s24], [sflag:$0x1], $0x80, v4, vm0, $0xb8;
	[tilespmem:$0x10080] =	vst v63  }
0x20: {  	s25 =	simm.s32 $0x1080  }
0x21: {  	[hbm4b:s2+s3] =	stream.indirect_vreg.scatter [tilespmem:s25], [sflag:$0x1], $0x80, v0, vm0, $0xb8;
	[tilespmem:$0x10080] =	vst v63  }
0x22: {  	s26 =	simm.s32 $0x1880  }
0x23: {  	[hbm4b:s5+s3] =	stream.indirect_vreg.scatter [tilespmem:s26], [sflag:$0x1], $0x80, v0, vm0, $0xb8;
	[tilespmem:$0x10080] =	vst v63  }
0x24: {  	v0 =	vld [tilespmem:$0x10];
	_ =	sdelay $0x4  }
0x25: {  	v57 =	vshll.u32 v0, $0x2  }
0x26: {  	v0 =	vand.u32 $0x7, v0;
	v4 =	vand.u32 $0xFFFFFFE0, v57  }
0x27: {  	v0 =	vor.u32 v0, v4  }
0x28: {  	v4 =	vperm.xlane v0, v56;
	_ =	sdelay $0x1  }
0x29: {  	v4 =	vadd.s32 v3, v4;
	_ =	sdelay $0x1  }
0x2a: {  	v0 =	vperm.xlane v0, v2;
	_ =	sdelay $0x1  }
0x2b: {  	s28 =	simm.s32 $0x2080;
	v0 =	vadd.s32 v3, v0  }
0x2c: {  	[hbm4b:s2+s3] =	stream.indirect_vreg.scatter [tilespmem:s28], [sflag:$0x1], $0x80, v4, vm0, $0xb8;
	[tilespmem:$0x10080] =	vst v63  }
0x2d: {  	s29 =	simm.s32 $0x2880  }
0x2e: {  	[hbm4b:s5+s3] =	stream.indirect_vreg.scatter [tilespmem:s29], [sflag:$0x1], $0x80, v4, vm0, $0xb8;
	[tilespmem:$0x10080] =	vst v63  }
0x2f: {  	s30 =	simm.s32 $0x3080  }
0x30: {  	[hbm4b:s2+s3] =	stream.indirect_vreg.scatter [tilespmem:s30], [sflag:$0x1], $0x80, v0, vm0, $0xb8;
	[tilespmem:$0x10080] =	vst v63  }
0x31: {  	s31 =	simm.s32 $0x3880  }
0x32: {  	[hbm4b:s5+s3] =	stream.indirect_vreg.scatter [tilespmem:s31], [sflag:$0x1], $0x80, v0, vm0, $0xb8;
	[tilespmem:$0x10080] =	vst v63  }
0x33: {  	v0 =	vld [tilespmem:$0x20];
	_ =	sdelay $0x4  }
0x34: {  	v58 =	vshll.u32 v0, $0x2  }
0x35: {  	v0 =	vand.u32 $0x7, v0;
	v4 =	vand.u32 $0xFFFFFFE0, v58  }
0x36: {  	v0 =	vor.u32 v0, v4  }
0x37: {  	v4 =	vperm.xlane v0, v56;
	_ =	sdelay $0x1  }
0x38: {  	v4 =	vadd.s32 v3, v4;
	_ =	sdelay $0x1  }
0x39: {  	v0 =	vperm.xlane v0, v2;
	_ =	sdelay $0x1  }
0x3a: {  	s7 =	simm.s32 $0x4080;
	v0 =	vadd.s32 v3, v0  }
0x3b: {  	[hbm4b:s2+s3] =	stream.indirect_vreg.scatter [tilespmem:s7], [sflag:$0x1], $0x80, v4, vm0, $0xb8;
	[tilespmem:$0x10080] =	vst v63  }
0x3c: {  	s8 =	simm.s32 $0x4880  }
0x3d: {  	[hbm4b:s5+s3] =	stream.indirect_vreg.scatter [tilespmem:s8], [sflag:$0x1], $0x80, v4, vm0, $0xb8;
	[tilespmem:$0x10080] =	vst v63  }
0x3e: {  	s9 =	simm.s32 $0x5080  }
0x3f: {  	[hbm4b:s2+s3] =	stream.indirect_vreg.scatter [tilespmem:s9], [sflag:$0x1], $0x80, v0, vm0, $0xb8;
	[tilespmem:$0x10080] =	vst v63  }
0x40: {  	s10 =	simm.s32 $0x5880  }
0x41: {  	[hbm4b:s5+s3] =	stream.indirect_vreg.scatter [tilespmem:s10], [sflag:$0x1], $0x80, v0, vm0, $0xb8;
	[tilespmem:$0x10080] =	vst v63  }
0x42: {  	v0 =	vld [tilespmem:$0x30];
	_ =	sdelay $0x4  }
0x43: {  	v59 =	vshll.u32 v0, $0x2  }
0x44: {  	v0 =	vand.u32 $0x7, v0;
	v4 =	vand.u32 $0xFFFFFFE0, v59  }
0x45: {  	v0 =	vor.u32 v0, v4  }
0x46: {  	v4 =	vperm.xlane v0, v56;
	_ =	sdelay $0x1  }
0x47: {  	v4 =	vadd.s32 v3, v4;
	_ =	sdelay $0x1  }
0x48: {  	v0 =	vperm.xlane v0, v2;
	_ =	sdelay $0x1  }
0x49: {  	s11 =	simm.s32 $0x6080;
	v0 =	vadd.s32 v3, v0  }
0x4a: {  	[hbm4b:s2+s3] =	stream.indirect_vreg.scatter [tilespmem:s11], [sflag:$0x1], $0x80, v4, vm0, $0xb8;
	[tilespmem:$0x10080] =	vst v63  }
0x4b: {  	s12 =	simm.s32 $0x6880  }
0x4c: {  	[hbm4b:s5+s3] =	stream.indirect_vreg.scatter [tilespmem:s12], [sflag:$0x1], $0x80, v4, vm0, $0xb8;
	[tilespmem:$0x10080] =	vst v63  }
0x4d: {  	s13 =	simm.s32 $0x7080  }
0x4e: {  	[hbm4b:s2+s3] =	stream.indirect_vreg.scatter [tilespmem:s13], [sflag:$0x1], $0x80, v0, vm0, $0xb8;
	[tilespmem:$0x10080] =	vst v63  }
0x4f: {  	s14 =	simm.s32 $0x7880  }
0x50: {  	[hbm4b:s5+s3] =	stream.indirect_vreg.scatter [tilespmem:s14], [sflag:$0x1], $0x80, v0, vm0, $0xb8;
	[tilespmem:$0x10080] =	vst v63  }
0x51: {  	v0 =	vld [tilespmem:$0x40];
	_ =	sdelay $0x4  }
0x52: {  	v60 =	vshll.u32 v0, $0x2  }
0x53: {  	v0 =	vand.u32 $0x7, v0;
	v4 =	vand.u32 $0xFFFFFFE0, v60  }
0x54: {  	v0 =	vor.u32 v0, v4  }
0x55: {  	v4 =	vperm.xlane v0, v56;
	_ =	sdelay $0x1  }
0x56: {  	v4 =	vadd.s32 v3, v4;
	_ =	sdelay $0x1  }
0x57: {  	v0 =	vperm.xlane v0, v2;
	_ =	sdelay $0x1  }
0x58: {  	s15 =	simm.s32 $0x8080;
	v0 =	vadd.s32 v3, v0  }
0x59: {  	[hbm4b:s2+s3] =	stream.indirect_vreg.scatter [tilespmem:s15], [sflag:$0x1], $0x80, v4, vm0, $0xb8;
	[tilespmem:$0x10080] =	vst v63  }
0x5a: {  	s16 =	simm.s32 $0x8880  }
0x5b: {  	[hbm4b:s5+s3] =	stream.indirect_vreg.scatter [tilespmem:s16], [sflag:$0x1], $0x80, v4, vm0, $0xb8;
	[tilespmem:$0x10080] =	vst v63  }
0x5c: {  	s17 =	simm.s32 $0x9080  }
0x5d: {  	[hbm4b:s2+s3] =	stream.indirect_vreg.scatter [tilespmem:s17], [sflag:$0x1], $0x80, v0, vm0, $0xb8;
	[tilespmem:$0x10080] =	vst v63  }
0x5e: {  	s18 =	simm.s32 $0x9880  }
0x5f: {  	[hbm4b:s5+s3] =	stream.indirect_vreg.scatter [tilespmem:s18], [sflag:$0x1], $0x80, v0, vm0, $0xb8;
	[tilespmem:$0x10080] =	vst v63  }
0x60: {  	v0 =	vld [tilespmem:$0x50];
	_ =	sdelay $0x4  }
0x61: {  	v61 =	vshll.u32 v0, $0x2  }
0x62: {  	v0 =	vand.u32 $0x7, v0;
	v4 =	vand.u32 $0xFFFFFFE0, v61  }
0x63: {  	v0 =	vor.u32 v0, v4  }
0x64: {  	v4 =	vperm.xlane v0, v56;
	_ =	sdelay $0x1  }
0x65: {  	v4 =	vadd.s32 v3, v4;
	_ =	sdelay $0x1  }
0x66: {  	v0 =	vperm.xlane v0, v2;
	_ =	sdelay $0x1  }
0x67: {  	s19 =	simm.s32 $0xA080;
	v0 =	vadd.s32 v3, v0  }
0x68: {  	[hbm4b:s2+s3] =	stream.indirect_vreg.scatter [tilespmem:s19], [sflag:$0x1], $0x80, v4, vm0, $0xb8;
	[tilespmem:$0x10080] =	vst v63  }
0x69: {  	s20 =	simm.s32 $0xA880  }
0x6a: {  	[hbm4b:s5+s3] =	stream.indirect_vreg.scatter [tilespmem:s20], [sflag:$0x1], $0x80, v4, vm0, $0xb8;
	[tilespmem:$0x10080] =	vst v63  }
0x6b: {  	s21 =	simm.s32 $0xB080  }
0x6c: {  	[hbm4b:s2+s3] =	stream.indirect_vreg.scatter [tilespmem:s21], [sflag:$0x1], $0x80, v0, vm0, $0xb8;
	[tilespmem:$0x10080] =	vst v63  }
0x6d: {  	s22 =	simm.s32 $0xB880  }
0x6e: {  	[hbm4b:s5+s3] =	stream.indirect_vreg.scatter [tilespmem:s22], [sflag:$0x1], $0x80, v0, vm0, $0xb8;
	[tilespmem:$0x10080] =	vst v63  }
0x6f: {  	v0 =	vld [tilespmem:$0x60];
	_ =	sdelay $0x4  }
0x70: {  	v62 =	vshll.u32 v0, $0x2  }
0x71: {  	v0 =	vand.u32 $0x7, v0;
	v4 =	vand.u32 $0xFFFFFFE0, v62  }
0x72: {  	v0 =	vor.u32 v0, v4  }
0x73: {  	v4 =	vperm.xlane v0, v56;
	_ =	sdelay $0x1  }
0x74: {  	v4 =	vadd.s32 v3, v4;
	_ =	sdelay $0x1  }
0x75: {  	v0 =	vperm.xlane v0, v2;
	_ =	sdelay $0x1  }
0x76: {  	s23 =	simm.s32 $0xC080;
	v0 =	vadd.s32 v3, v0  }
0x77: {  	[hbm4b:s2+s3] =	stream.indirect_vreg.scatter [tilespmem:s23], [sflag:$0x1], $0x80, v4, vm0, $0xb8;
	[tilespmem:$0x10080] =	vst v63  }
0x78: {  	s24 =	simm.s32 $0xC880  }
0x79: {  	[hbm4b:s5+s3] =	stream.indirect_vreg.scatter [tilespmem:s24], [sflag:$0x1], $0x80, v4, vm0, $0xb8;
	[tilespmem:$0x10080] =	vst v63  }
0x7a: {  	s25 =	simm.s32 $0xD080  }
0x7b: {  	[hbm4b:s2+s3] =	stream.indirect_vreg.scatter [tilespmem:s25], [sflag:$0x1], $0x80, v0, vm0, $0xb8;
	[tilespmem:$0x10080] =	vst v63  }
0x7c: {  	s26 =	simm.s32 $0xD880  }
0x7d: {  	[hbm4b:s5+s3] =	stream.indirect_vreg.scatter [tilespmem:s26], [sflag:$0x1], $0x80, v0, vm0, $0xb8;
	[tilespmem:$0x10080] =	vst v63  }
0x7e: {  	v0 =	vld [tilespmem:$0x70];
	_ =	sdelay $0x4  }
0x7f: {  	v63 =	vshll.u32 v0, $0x2  }
0x80: {  	v0 =	vand.u32 $0x7, v0;
	v4 =	vand.u32 $0xFFFFFFE0, v63  }
0x81: {  	v0 =	vor.u32 v0, v4  }
0x82: {  	v1 =	vperm.xlane v0, v56;
	_ =	sdelay $0x1  }
0x83: {  	v1 =	vadd.s32 v3, v1;
	_ =	sdelay $0x1  }
0x84: {  	v0 =	vperm.xlane v0, v2;
	_ =	sdelay $0x1  }
0x85: {  	s28 =	simm.s32 $0xE080;
	v0 =	vadd.s32 v3, v0  }
0x86: {  	[hbm4b:s2+s3] =	stream.indirect_vreg.scatter [tilespmem:s28], [sflag:$0x1], $0x80, v1, vm0, $0xb8;
	[tilespmem:$0x10080] =	vst v63  }
0x87: {  	s29 =	simm.s32 $0xE880  }
0x88: {  	[hbm4b:s5+s3] =	stream.indirect_vreg.scatter [tilespmem:s29], [sflag:$0x1], $0x80, v1, vm0, $0xb8;
	[tilespmem:$0x10080] =	vst v63  }
0x89: {  	s30 =	simm.s32 $0xF080  }
0x8a: {  	[hbm4b:s2+s3] =	stream.indirect_vreg.scatter [tilespmem:s30], [sflag:$0x1], $0x80, v0, vm0, $0xb8;
	[tilespmem:$0x10080] =	vst v63  }
0x8b: {  	s31 =	simm.s32 $0xF880  }
0x8c: {  	[hbm4b:s5+s3] =	stream.indirect_vreg.scatter [tilespmem:s31], [sflag:$0x1], $0x80, v0, vm0, $0xb8;
	[tilespmem:$0x10080] =	vst v63  }
0x8d: {  	_ =	swait.ge [sflag:s4], $0x10000  }
0x8e: {  	[sflag:s4] =	ssyncset.done $0x0  }
0x8f: {  	[sflag:s4] =	ssyncadd.s32 $0xFFFF0000  }
.LBB2_2:
0x90: {  	_ =	sfence.sel $0x180000  }
0x91: {  	[bflag:$0x0] =	sbarrier.arrive $0xFFFF  }
0x92: {  	p0 =	sne.s32 s1, $0x0;
	_ =	strace $0x90000056  }
0x93: {  	s0 =	sadd.s32 @!p0 $0x100000, s0;
	[bflag:$0x2] =	sbarrier.arrive $0xFFFF  }
0x94: {  	[sflag:s0] =	ssyncadd.tile.s32 @!p0 $0x1;
	_ =	shalt  }
.Lfunc_end2:
_tile_overlayer_lowered:
.L_overlay_start_2:
0x95: {  	(tag) =	ssettag $0x2  }
0x96: {  	s0 =	rddreg [dreg:$0x0];
	s2 =	stileid.u32  }
0x97: {  	s1 =	rddreg [dreg:$0x1];
	p0 =	sne.s32 s2, $0x0  }
0x98: {  	s3 =	rddreg [dreg:$0x2];
	[bflag:$0x3] =	sbarrier.arrive $0xFFFF;
	s2 =	simm.s32 @!p0 $0x1C02  }
0x99: {  	[timem:s3], [sflag:s2] =	dma.local @!p0 [hbm:s0], s1  }
0x9a: {  	s0 =	simm.s32 @!p0 $0x2  }
0x9b: {  	_ =	swait.ge @!p0 [sflag:s0], s1  }
0x9c: {  	s1 =	ssub.s32 @!p0 $0x0, s1;
	[sflag:s0] =	ssyncset.done @!p0 $0x0  }
0x9d: {  	[sflag:s0] =	ssyncadd.s32 @!p0 s1  }
0x9e: {  	[bflag:$0x3] =	sbarrier.arrive $0xFFFF  }
0x9f: {  	_ =	shalt  }

// kernel: kernel.76.cloned.1.call-start
scs
__scs_entry_jumppad:
0x0: {  	(pc) =	sbr.rel $0x88, $3  }
0x1: {  	(tag) =	ssettag $0x0;
	lr =	simm.s32 $0x1  }
0x2: {  	[smem:$0x3F8E] =	sst lr;
	_ =	strace $0xD0000000  }
0x3: {  	_ = 	snop  }
0x4: {  	_ = 	snop  }
0x5: {  	_ = 	snop  }
0x6: {  	_ = 	snop  }
0x7: {  	_ = 	snop  }
__scs_overlays_trampoline_lowered:
0x8: {  	[smem:$0x3F9D] =	sst s0  }
0x9: {  	[smem:$0x3F9E] =	sst s1  }
0xa: {  	[smem:$0x3F9F] =	sst s2  }
0xb: {  	[smem:$0x3FA0] =	sst s3  }
0xc: {  	[smem:$0x3FA1] =	sst s4  }
0xd: {  	[smem:$0x3FA2] =	sst s5  }
0xe: {  	[smem:$0x3FA3] =	sst s6  }
0xf: {  	[smem:$0x3FA4] =	sst s7  }
0x10: {  	[smem:$0x3FA5] =	sst s8  }
0x11: {  	[smem:$0x3FA6] =	sst s9;
	s0 =	simm.s32 @!p0 $0x0  }
0x12: {  	s1 =	sld [smem:$0x3F8C];
	s0 =	simm.s32 @p0 $0x1  }
0x13: {  	[smem:$0x3FA7] =	sst s0;
	s0 =	simm.s32 @!p1 $0x0  }
0x14: {  	s2 =	sld [smem:$0x3F8B];
	s0 =	simm.s32 @p1 $0x1  }
0x15: {  	[smem:$0x3FA8] =	sst s0;
	s0 =	simm.s32 @!p2 $0x0  }
0x16: {  	s3 =	sld [smem:$0x3FDB];
	s0 =	simm.s32 @p2 $0x1  }
0x17: {  	s4 =	simm.s32 $0x1BF5;
	[smem:$0x3FAA] =	sst s0  }
0x18: {  	s0 =	sld [smem:$0x3F8D];
	_ =	swait.ge [sflag:s4], $0x0  }
0x19: {  	s7 =	sld [smem:$0x3F8E]  }
0x1a: {  	s8 =	sadd.s32 $0xFFFFE003, lr  }
0x1b: {  	s9 =	sadd.s32 $0xFFFFFEF7, lr;
	s5 =	simm.s32 $0xFFFFFFFF;
	p2 =	slt.u32 s8, $0xFFFFF086  }
0x1c: {  	p1 =	slt.u32 s9, $0xF7A;
	s5 =	simm.s32 @!p2 $0x0  }
0x1d: {  	s5 =	simm.s32 @p1 $0x1;
	p0 =	seq.s32 s7, s2  }
0x1e: {  	s7 =	smul.u32 @!p0 $0xF7A, s2;
	p2 =	seq.s32 @!p0 s5, $0x0  }
0x1f: {  	s9 =	smul.u32 $0xF7A, s1;
	s8 =	simm.s32 @!p0 $0x1BF5;
	p2 =	por !p2, p0  }
0x20: {  	[sflag:s8] =	ssyncset.s32 @!p0 $0xFFFFF086;
	s6 =	sadd.s32 @!p0 s3, s7;
	s7 =	simm.s32 @!p0 $0x108  }
0x21: {  	s3 =	sadd.s32 s3, s9;
	s6 =	sadd.s32 @!p0 $0x88, s6;
	s7 =	simm.s32 @p2 $0x1082  }
0x22: {  	[simem:s7], [sflag:s8] =	dma.local @!p0 [hbm:s6], $0xF7A  }
0x23: {  	s9 =	sor.u32 $0xD0000000, s2;
	s6 =	simm.s32 $0x108;
	_ =	swait.ge @!p0 [sflag:s8], $0x0  }
0x24: {  	s3 =	sadd.s32 $0x88, s3;
	s6 =	simm.s32 @!p1 $0x1082;
	[sflag:s4] =	ssyncset.s32 $0xFFFFF086  }
0x25: {  	[simem:s6], [sflag:s4] =	dma.local [hbm:s3], $0xF7A  }
0x26: {  	[smem:$0x3F8E] =	sst s1;
	(tag) =	ssettag s2;
	_ =	strace s9  }
0x27: {  	s1 =	sld [smem:$0x3F9E]  }
0x28: {  	s2 =	sld [smem:$0x3F9F]  }
0x29: {  	s4 =	sld [smem:$0x3FA1]  }
0x2a: {  	p0 =	seq.s32 s5, $0x0;
	s5 =	sld [smem:$0x3FA2]  }
0x2b: {  	s6 =	sld [smem:$0x3FA3]  }
0x2c: {  	s7 =	sld [smem:$0x3FA4]  }
0x2d: {  	s3 =	simm.s32 $0x108;
	s8 =	sld [smem:$0x3FA5]  }
0x2e: {  	s3 =	simm.s32 @!p0 $0x1082;
	s9 =	sld [smem:$0x3FA6]  }
0x2f: {  	lr =	sadd.s32 s0, s3;
	s0 =	sld [smem:$0x3F9D]  }
0x30: {  	s3 =	sld [smem:$0x3FA0]  }
0x31: {  	[smem:$0x3FA9] =	sst s10  }
0x32: {  	s10 =	sld [smem:$0x3FA7];
	_ =	sdelay $0x3  }
0x33: {  	p0 =	seq.s32 s10, $0x1;
	s10 =	sld [smem:$0x3FA9];
	_ =	sdelay $0x3  }
0x34: {  	[smem:$0x3FA9] =	sst s10  }
0x35: {  	s10 =	sld [smem:$0x3FA8];
	_ =	sdelay $0x3  }
0x36: {  	p1 =	seq.s32 s10, $0x1;
	s10 =	sld [smem:$0x3FA9];
	_ =	sdelay $0x3  }
0x37: {  	[smem:$0x3FA9] =	sst s10  }
0x38: {  	s10 =	sld [smem:$0x3FAA]  }
0x39: {  	_ = 	snop;
	(pc) =	sbr.ind lr, $3  }
0x3a: {  	_ = 	snop  }
0x3b: {  	_ = 	snop  }
0x3c: {  	p2 =	seq.s32 s10, $0x1;
	s10 =	sld [smem:$0x3FA9]  }
0x3d: {  	_ =	shalt  }
0x3e: {  	_ =	shalt  }
0x3f: {  	_ =	shalt  }
0x40: {  	_ =	shalt  }
0x41: {  	_ =	shalt  }
0x42: {  	_ =	shalt  }
0x43: {  	_ =	shalt  }
0x44: {  	_ =	shalt  }
0x45: {  	_ =	shalt  }
0x46: {  	_ =	shalt  }
0x47: {  	_ =	shalt  }
0x48: {  	_ =	shalt  }
0x49: {  	_ =	shalt  }
0x4a: {  	_ =	shalt  }
0x4b: {  	_ =	shalt  }
0x4c: {  	_ =	shalt  }
0x4d: {  	_ =	shalt  }
0x4e: {  	_ =	shalt  }
0x4f: {  	_ =	shalt  }
0x50: {  	_ =	shalt  }
0x51: {  	_ =	shalt  }
0x52: {  	_ =	shalt  }
0x53: {  	_ =	shalt  }
0x54: {  	_ =	shalt  }
0x55: {  	_ =	shalt  }
0x56: {  	_ =	shalt  }
0x57: {  	_ =	shalt  }
0x58: {  	_ =	shalt  }
0x59: {  	_ =	shalt  }
0x5a: {  	_ =	shalt  }
0x5b: {  	_ =	shalt  }
0x5c: {  	_ =	shalt  }
0x5d: {  	_ =	shalt  }
0x5e: {  	_ =	shalt  }
0x5f: {  	_ =	shalt  }
0x60: {  	_ =	shalt  }
0x61: {  	_ =	shalt  }
0x62: {  	_ =	shalt  }
0x63: {  	_ =	shalt  }
0x64: {  	_ =	shalt  }
0x65: {  	_ =	shalt  }
0x66: {  	_ =	shalt  }
0x67: {  	_ =	shalt  }
0x68: {  	_ =	shalt  }
0x69: {  	_ =	shalt  }
0x6a: {  	_ =	shalt  }
0x6b: {  	_ =	shalt  }
0x6c: {  	_ =	shalt  }
0x6d: {  	_ =	shalt  }
0x6e: {  	_ =	shalt  }
0x6f: {  	_ =	shalt  }
0x70: {  	_ =	shalt  }
0x71: {  	_ =	shalt  }
0x72: {  	_ =	shalt  }
0x73: {  	_ =	shalt  }
0x74: {  	_ =	shalt  }
0x75: {  	_ =	shalt  }
0x76: {  	_ =	shalt  }
0x77: {  	_ =	shalt  }
0x78: {  	_ =	shalt  }
0x79: {  	_ =	shalt  }
0x7a: {  	_ =	shalt  }
0x7b: {  	_ =	shalt  }
0x7c: {  	_ =	shalt  }
0x7d: {  	_ =	shalt  }
0x7e: {  	_ =	shalt  }
0x7f: {  	_ =	shalt  }
0x80: {  	_ =	shalt  }
0x81: {  	_ =	shalt  }
0x82: {  	_ =	shalt  }
0x83: {  	_ =	shalt  }
0x84: {  	_ =	shalt  }
0x85: {  	_ =	shalt  }
0x86: {  	_ =	shalt  }
0x87: {  	_ =	shalt  }
.Lfunc_end0:
.L_simem_size_0:
called_computation.6_lowered:
.L_overlay_start_0:
0x88: {  	s2 =	sld [smem:$0x3FD9]  }
0x89: {  	s3 =	sld [smem:$0x3FFE];
	_ =	sdelay $0x1  }
0x8a: {  	s1 =	srdreg.scid  }
0x8b: {  	s0 =	sand.u32 $0x1, s1  }
0x8c: {  	s14 =	sshll.u32 s0, $0xA;
	s2 =	sadd.s32 s3, s2  }
0x8d: {  	s2 =	sadd.s32 s2, s14  }
0x8e: {  	[smem:$0x3FB5] =	sst s2  }
0x8f: {  	_ = 	snop  }
0x90: {  	s2 =	sld [smem:$0x3FD0];
	_ =	sdelay $0x2  }
0x91: {  	s15 =	simm.s32 $0xA;
	s4 =	simm.s32 $0x10  }
0x92: {  	[smem:s4], [sflag:s15] =	dma.local [hbm:s2], $0x1  }
0x93: {  	_ =	swait.eq [sflag:s15], $0x1  }
0x94: {  	[sflag:s15] =	ssyncset.done $0x0  }
0x95: {  	[sflag:s15] =	ssyncadd.s32 $0xFFFFFFFF  }
0x96: {  	s16 =	sld [smem:$0x10];
	(tm) =	ssettm $0x1  }
0x97: {  	s17 =	sld [smem:$0x3FFB];
	_ =	sdelay $0x3  }
0x98: {  	_ =	strace s17  }
0x99: {  	s3 =	sld [smem:$0x3FFC];
	_ =	sdelay $0x3  }
0x9a: {  	_ =	strace s3  }
0x9b: {  	s3 =	sld [smem:$0x3FFD];
	_ =	sdelay $0x3  }
0x9c: {  	_ =	strace s3  }
0x9d: {  	_ =	strace $0x8FFFFFFF  }
0x9e: {  	s18 =	sld [smem:$0x3FDB];
	_ =	sdelay $0x1  }
0x9f: {  	s19 =	simm.s32 $_scs_section_size  }
0xa0: {  	s5 =	simm.s32 $_size__tile_overlayer_lowered;
	s6 =	simm.s32 $_tile_overlayer_lowered  }
0xa1: {  	s22 =	simm.s32 $0x1BFF;
	s21 =	sshll.u32 s6, $0x1;
	s3 =	sadd.s32 s19, s18  }
0xa2: {  	s7 =	simm.s32 $0x0;
	s20 =	sshll.u32 s5, $0x1;
	s5 =	sadd.s32 s21, s3  }
0xa3: {  	[timem:s7], [sflag:s22] =	dma.local [hbm:s5], s20  }
0xa4: {  	_ =	swait.ge [sflag:s22], s20  }
0xa5: {  	s4 =	ssub.s32 $0x0, s20;
	[sflag:s22] =	ssyncset.done $0x0  }
0xa6: {  	[sflag:s22] =	ssyncadd.s32 s4;
	_ =	sdelay $0x1  }
0xa7: {  	s23 =	simm.s32 $0x1B8B  }
0xa8: {  	_ =	swait.ge [sflag:s23], $0x1  }
0xa9: {  	[sflag:s23] =	ssyncset.done $0x0  }
0xaa: {  	s25 =	simm.s32 $0x1B8E;
	s24 =	sld [smem:$0x3FFE];
	[sflag:s23] =	ssyncadd.s32 $0xFFFFFFFF  }
0xab: {  	s26 =	simm.s32 $execute0_lowered;
	[smem:$0x3FD2] =	sst s25  }
0xac: {  	s5 =	sshll.u32 s26, $0x1;
	_ =	strace $0x80000058;
	[dreg:$0x1] =	wrdreg $0xFFFFFFFF  }
0xad: {  	s28 =	simm.s32 $_size_execute0_lowered;
	s3 =	sadd.s32 s3, s5;
	[dreg:$0x0] =	wrdreg $0x0  }
0xae: {  	s5 =	sshll.u32 s28, $0x1;
	[dreg:$0x2] =	wrdreg s3  }
0xaf: {  	[dreg:$0x3] =	wrdreg s5  }
0xb0: {  	[dreg:$0x4] =	wrdreg $0xC0  }
0xb1: {  	_ =	task [dreg:s7], $0x5FFFF  }
0xb2: {  	[dreg:$0x1] =	wrdreg $0xFFFFFFFF  }
0xb3: {  	[dreg:$0x0] =	wrdreg $0x60  }
0xb4: {  	[dreg:$0x2] =	wrdreg s16  }
0xb5: {  	[dreg:$0x3] =	wrdreg s24  }
0xb6: {  	[dreg:$0x4] =	wrdreg $0x9  }
0xb7: {  	_ =	task.clear_ibuf [dreg:s7], $0x5FFFF;
	_ =	strace $0x90000058  }
0xb8: {  	s29 =	simm.s32 $0x9;
	_ =	strace $0x8000005A  }
0xb9: {  	_ =	swait.ge [sflag:s29], $0x1  }
0xba: {  	[sflag:s29] =	ssyncadd.s32 $0xFFFFFFFF  }
0xbb: {  	_ =	strace $0x9000005A  }
0xbc: {  	_ =	sfence  }
0xbd: {  	s30 =	sld [smem:$0x0];
	_ =	sdelay $0x2  }
0xbe: {  	s31 =	sshll.u32 s1, $0xD;
	s1 =	sshrl.u32 s1, $0x2  }
0xbf: {  	s3 =	sand.u32 $0x4000, s31;
	s1 =	sadd.s32 s1, s30  }
0xc0: {  	s0 =	sor.u32 s3, s0;
	s1 =	sshll.u32 s1, $0x11  }
0xc1: {  	s0 =	sor.u32 s1, s0  }
0xc2: {  	s0 =	sadd.s32 $0x8F2B, s0  }
0xc3: {  	[sflag:s0] =	ssyncadd.remote.s32 $0x1  }
0xc4: {  	_ =	sfence.sel $0xFFFF  }
0xc5: {  	[dreg:$0x0] =	wrdreg $0xFFFFFFFF;
	(pc) =	sbr.abs _section_cstart, $3  }
0xc6: {  	[dreg:$0x1] =	wrdreg $0xFFFFFFFF  }
0xc7: {  	_ =	task.clear_ibuf [dreg:s7], $0x2FFFF;
	_ =	strace $0x9FFFFFFF  }
0xc8: {  	(tm) =	ssettm $0x7FFFFFFF  }
0xc9: {  	_ =	shalt  }
tec
execute0_lowered:
.L_overlay_start_1:
0x0: {  	(tag) =	ssettag $0x1  }
0x1: {  	s1 =	srdreg.scid  }
0x2: {  	s1 =	sand.u32 $0x1, s1  }
0x3: {  	p0 =	seq.s32 s1, $0x1  }
.Ltmp0:
0x4: {  	_ = 	snop;
	(pc) =	sbr.rel @p0 .LBB2_2-.Ltmp0, $4  }
0x5: {  	s4 =	rddreg [dreg:$0x0]  }
0x6: {  	s3 =	rddreg [dreg:$0x1];
	s2 =	simm.s32 $0x0  }
0x7: {  	[smem:$0x7FF] =	sst s2  }
0x8: {  	s0 =	rddreg [dreg:$0x2];
	_ =	strace $0x80000059;
	s1 =	stileid.u32  }
0x9: {  	s5 =	sadd.s32 $0x7200, s3;
	s6 =	sshll.u32 s1, $0x4  }
0xa: {  	s5 =	sadd.s32 s5, s6  }
0xb: {  	[tilespmem:s2], [sflag:$0x1] =	stream.linear.gather [hbm4b:s5+s2], $0x80, $0x38;
	[tilespmem:$0x10080] =	vst v63  }
0xc: {  	s5 =	simm.s32 $0x1  }
0xd: {  	_ =	swait.ge [sflag:s5], $0x80  }
0xe: {  	[sflag:s5] =	ssyncset.done $0x0  }
0xf: {  	[sflag:s5] =	ssyncadd.s32 $0xFFFFFF80  }
0x10: {  	v0 =	vld [tilespmem:$0x0];
	_ =	sdelay $0x4  }
0x11: {  	v1 =	vshll.u32 v0, $0x2  }
0x12: {  	v2 =	vlaneseq.u32;
	v0 =	vand.u32 $0x7, v0;
	v1 =	vand.u32 $0xFFFFFFE0, v1  }
0x13: {  	v56 =	vand.u32 $0x7, v2;
	v3 =	vshrl.u32 v2, $0x3;
	v0 =	vor.u32 v0, v1  }
0x14: {  	v3 =	vmul.u32 $0x8, v3;
	v4 =	vperm.xlane v0, v56;
	_ =	sdelay $0x1  }
0x15: {  	v4 =	vadd.s32 v3, v4  }
0x16: {  	v2 =	vor.u32 $0x8, v2  }
0x17: {  	v0 =	vperm.xlane v0, v2;
	_ =	sdelay $0x1  }
0x18: {  	vm0 =	vmmov $0xffff;
	s6 =	simm.s32 $0x80;
	v0 =	vadd.s32 v3, v0  }
0x19: {  	[tilespmem:s6], [sflag:$0x1] =	stream.indirect_vreg.gather [hbm4b:s4+s2], $0x80, v4, vm0, $0xb8;
	[tilespmem:$0x10080] =	vst v63  }
0x1a: {  	s7 =	sadd.s32 $0x100, s4;
	s8 =	simm.s32 $0x880  }
0x1b: {  	[tilespmem:s8], [sflag:$0x1] =	stream.indirect_vreg.gather [hbm4b:s7+s2], $0x80, v4, vm0, $0xb8;
	[tilespmem:$0x10080] =	vst v63  }
0x1c: {  	s21 =	simm.s32 $0x1080  }
0x1d: {  	[tilespmem:s21], [sflag:$0x1] =	stream.indirect_vreg.gather [hbm4b:s4+s2], $0x80, v0, vm0, $0xb8;
	[tilespmem:$0x10080] =	vst v63  }
0x1e: {  	s22 =	simm.s32 $0x1880  }
0x1f: {  	[tilespmem:s22], [sflag:$0x1] =	stream.indirect_vreg.gather [hbm4b:s7+s2], $0x80, v0, vm0, $0xb8;
	[tilespmem:$0x10080] =	vst v63  }
0x20: {  	v0 =	vld [tilespmem:$0x10];
	_ =	sdelay $0x4  }
0x21: {  	v57 =	vshll.u32 v0, $0x2  }
0x22: {  	v0 =	vand.u32 $0x7, v0;
	v4 =	vand.u32 $0xFFFFFFE0, v57  }
0x23: {  	v0 =	vor.u32 v0, v4  }
0x24: {  	v4 =	vperm.xlane v0, v56;
	_ =	sdelay $0x1  }
0x25: {  	v4 =	vadd.s32 v3, v4;
	_ =	sdelay $0x1  }
0x26: {  	v0 =	vperm.xlane v0, v2;
	_ =	sdelay $0x1  }
0x27: {  	s23 =	simm.s32 $0x2080;
	v0 =	vadd.s32 v3, v0  }
0x28: {  	[tilespmem:s23], [sflag:$0x1] =	stream.indirect_vreg.gather [hbm4b:s4+s2], $0x80, v4, vm0, $0xb8;
	[tilespmem:$0x10080] =	vst v63  }
0x29: {  	s24 =	simm.s32 $0x2880  }
0x2a: {  	[tilespmem:s24], [sflag:$0x1] =	stream.indirect_vreg.gather [hbm4b:s7+s2], $0x80, v4, vm0, $0xb8;
	[tilespmem:$0x10080] =	vst v63  }
0x2b: {  	s25 =	simm.s32 $0x3080  }
0x2c: {  	[tilespmem:s25], [sflag:$0x1] =	stream.indirect_vreg.gather [hbm4b:s4+s2], $0x80, v0, vm0, $0xb8;
	[tilespmem:$0x10080] =	vst v63  }
0x2d: {  	s26 =	simm.s32 $0x3880  }
0x2e: {  	[tilespmem:s26], [sflag:$0x1] =	stream.indirect_vreg.gather [hbm4b:s7+s2], $0x80, v0, vm0, $0xb8;
	[tilespmem:$0x10080] =	vst v63  }
0x2f: {  	v0 =	vld [tilespmem:$0x20];
	_ =	sdelay $0x4  }
0x30: {  	v58 =	vshll.u32 v0, $0x2  }
0x31: {  	v0 =	vand.u32 $0x7, v0;
	v4 =	vand.u32 $0xFFFFFFE0, v58  }
0x32: {  	v0 =	vor.u32 v0, v4  }
0x33: {  	v4 =	vperm.xlane v0, v56;
	_ =	sdelay $0x1  }
0x34: {  	v4 =	vadd.s32 v3, v4;
	_ =	sdelay $0x1  }
0x35: {  	v0 =	vperm.xlane v0, v2;
	_ =	sdelay $0x1  }
0x36: {  	s28 =	simm.s32 $0x4080;
	v0 =	vadd.s32 v3, v0  }
0x37: {  	[tilespmem:s28], [sflag:$0x1] =	stream.indirect_vreg.gather [hbm4b:s4+s2], $0x80, v4, vm0, $0xb8;
	[tilespmem:$0x10080] =	vst v63  }
0x38: {  	s29 =	simm.s32 $0x4880  }
0x39: {  	[tilespmem:s29], [sflag:$0x1] =	stream.indirect_vreg.gather [hbm4b:s7+s2], $0x80, v4, vm0, $0xb8;
	[tilespmem:$0x10080] =	vst v63  }
0x3a: {  	s30 =	simm.s32 $0x5080  }
0x3b: {  	[tilespmem:s30], [sflag:$0x1] =	stream.indirect_vreg.gather [hbm4b:s4+s2], $0x80, v0, vm0, $0xb8;
	[tilespmem:$0x10080] =	vst v63  }
0x3c: {  	s31 =	simm.s32 $0x5880  }
0x3d: {  	[tilespmem:s31], [sflag:$0x1] =	stream.indirect_vreg.gather [hbm4b:s7+s2], $0x80, v0, vm0, $0xb8;
	[tilespmem:$0x10080] =	vst v63  }
0x3e: {  	v0 =	vld [tilespmem:$0x30];
	_ =	sdelay $0x4  }
0x3f: {  	v59 =	vshll.u32 v0, $0x2  }
0x40: {  	v0 =	vand.u32 $0x7, v0;
	v4 =	vand.u32 $0xFFFFFFE0, v59  }
0x41: {  	v0 =	vor.u32 v0, v4  }
0x42: {  	v4 =	vperm.xlane v0, v56;
	_ =	sdelay $0x1  }
0x43: {  	v4 =	vadd.s32 v3, v4;
	_ =	sdelay $0x1  }
0x44: {  	v0 =	vperm.xlane v0, v2;
	_ =	sdelay $0x1  }
0x45: {  	s9 =	simm.s32 $0x6080;
	v0 =	vadd.s32 v3, v0  }
0x46: {  	[tilespmem:s9], [sflag:$0x1] =	stream.indirect_vreg.gather [hbm4b:s4+s2], $0x80, v4, vm0, $0xb8;
	[tilespmem:$0x10080] =	vst v63  }
0x47: {  	s10 =	simm.s32 $0x6880  }
0x48: {  	[tilespmem:s10], [sflag:$0x1] =	stream.indirect_vreg.gather [hbm4b:s7+s2], $0x80, v4, vm0, $0xb8;
	[tilespmem:$0x10080] =	vst v63  }
0x49: {  	s11 =	simm.s32 $0x7080  }
0x4a: {  	[tilespmem:s11], [sflag:$0x1] =	stream.indirect_vreg.gather [hbm4b:s4+s2], $0x80, v0, vm0, $0xb8;
	[tilespmem:$0x10080] =	vst v63  }
0x4b: {  	s12 =	simm.s32 $0x7880  }
0x4c: {  	[tilespmem:s12], [sflag:$0x1] =	stream.indirect_vreg.gather [hbm4b:s7+s2], $0x80, v0, vm0, $0xb8;
	[tilespmem:$0x10080] =	vst v63  }
0x4d: {  	v0 =	vld [tilespmem:$0x40];
	_ =	sdelay $0x4  }
0x4e: {  	v60 =	vshll.u32 v0, $0x2  }
0x4f: {  	v0 =	vand.u32 $0x7, v0;
	v4 =	vand.u32 $0xFFFFFFE0, v60  }
0x50: {  	v0 =	vor.u32 v0, v4  }
0x51: {  	v4 =	vperm.xlane v0, v56;
	_ =	sdelay $0x1  }
0x52: {  	v4 =	vadd.s32 v3, v4;
	_ =	sdelay $0x1  }
0x53: {  	v0 =	vperm.xlane v0, v2;
	_ =	sdelay $0x1  }
0x54: {  	s13 =	simm.s32 $0x8080;
	v0 =	vadd.s32 v3, v0  }
0x55: {  	[tilespmem:s13], [sflag:$0x1] =	stream.indirect_vreg.gather [hbm4b:s4+s2], $0x80, v4, vm0, $0xb8;
	[tilespmem:$0x10080] =	vst v63  }
0x56: {  	s14 =	simm.s32 $0x8880  }
0x57: {  	[tilespmem:s14], [sflag:$0x1] =	stream.indirect_vreg.gather [hbm4b:s7+s2], $0x80, v4, vm0, $0xb8;
	[tilespmem:$0x10080] =	vst v63  }
0x58: {  	s15 =	simm.s32 $0x9080  }
0x59: {  	[tilespmem:s15], [sflag:$0x1] =	stream.indirect_vreg.gather [hbm4b:s4+s2], $0x80, v0, vm0, $0xb8;
	[tilespmem:$0x10080] =	vst v63  }
0x5a: {  	s16 =	simm.s32 $0x9880  }
0x5b: {  	[tilespmem:s16], [sflag:$0x1] =	stream.indirect_vreg.gather [hbm4b:s7+s2], $0x80, v0, vm0, $0xb8;
	[tilespmem:$0x10080] =	vst v63  }
0x5c: {  	v0 =	vld [tilespmem:$0x50];
	_ =	sdelay $0x4  }
0x5d: {  	v61 =	vshll.u32 v0, $0x2  }
0x5e: {  	v0 =	vand.u32 $0x7, v0;
	v4 =	vand.u32 $0xFFFFFFE0, v61  }
0x5f: {  	v0 =	vor.u32 v0, v4  }
0x60: {  	v4 =	vperm.xlane v0, v56;
	_ =	sdelay $0x1  }
0x61: {  	v4 =	vadd.s32 v3, v4;
	_ =	sdelay $0x1  }
0x62: {  	v0 =	vperm.xlane v0, v2;
	_ =	sdelay $0x1  }
0x63: {  	s17 =	simm.s32 $0xA080;
	v0 =	vadd.s32 v3, v0  }
0x64: {  	[tilespmem:s17], [sflag:$0x1] =	stream.indirect_vreg.gather [hbm4b:s4+s2], $0x80, v4, vm0, $0xb8;
	[tilespmem:$0x10080] =	vst v63  }
0x65: {  	s18 =	simm.s32 $0xA880  }
0x66: {  	[tilespmem:s18], [sflag:$0x1] =	stream.indirect_vreg.gather [hbm4b:s7+s2], $0x80, v4, vm0, $0xb8;
	[tilespmem:$0x10080] =	vst v63  }
0x67: {  	s19 =	simm.s32 $0xB080  }
0x68: {  	[tilespmem:s19], [sflag:$0x1] =	stream.indirect_vreg.gather [hbm4b:s4+s2], $0x80, v0, vm0, $0xb8;
	[tilespmem:$0x10080] =	vst v63  }
0x69: {  	s20 =	simm.s32 $0xB880  }
0x6a: {  	[tilespmem:s20], [sflag:$0x1] =	stream.indirect_vreg.gather [hbm4b:s7+s2], $0x80, v0, vm0, $0xb8;
	[tilespmem:$0x10080] =	vst v63  }
0x6b: {  	v0 =	vld [tilespmem:$0x60];
	_ =	sdelay $0x4  }
0x6c: {  	v62 =	vshll.u32 v0, $0x2  }
0x6d: {  	v0 =	vand.u32 $0x7, v0;
	v4 =	vand.u32 $0xFFFFFFE0, v62  }
0x6e: {  	v0 =	vor.u32 v0, v4  }
0x6f: {  	v4 =	vperm.xlane v0, v56;
	_ =	sdelay $0x1  }
0x70: {  	v4 =	vadd.s32 v3, v4;
	_ =	sdelay $0x1  }
0x71: {  	v0 =	vperm.xlane v0, v2;
	_ =	sdelay $0x1  }
0x72: {  	s21 =	simm.s32 $0xC080;
	v0 =	vadd.s32 v3, v0  }
0x73: {  	[tilespmem:s21], [sflag:$0x1] =	stream.indirect_vreg.gather [hbm4b:s4+s2], $0x80, v4, vm0, $0xb8;
	[tilespmem:$0x10080] =	vst v63  }
0x74: {  	s22 =	simm.s32 $0xC880  }
0x75: {  	[tilespmem:s22], [sflag:$0x1] =	stream.indirect_vreg.gather [hbm4b:s7+s2], $0x80, v4, vm0, $0xb8;
	[tilespmem:$0x10080] =	vst v63  }
0x76: {  	s23 =	simm.s32 $0xD080  }
0x77: {  	[tilespmem:s23], [sflag:$0x1] =	stream.indirect_vreg.gather [hbm4b:s4+s2], $0x80, v0, vm0, $0xb8;
	[tilespmem:$0x10080] =	vst v63  }
0x78: {  	s24 =	simm.s32 $0xD880  }
0x79: {  	[tilespmem:s24], [sflag:$0x1] =	stream.indirect_vreg.gather [hbm4b:s7+s2], $0x80, v0, vm0, $0xb8;
	[tilespmem:$0x10080] =	vst v63  }
0x7a: {  	v0 =	vld [tilespmem:$0x70];
	_ =	sdelay $0x4  }
0x7b: {  	v63 =	vshll.u32 v0, $0x2  }
0x7c: {  	v0 =	vand.u32 $0x7, v0;
	v4 =	vand.u32 $0xFFFFFFE0, v63  }
0x7d: {  	v0 =	vor.u32 v0, v4  }
0x7e: {  	v1 =	vperm.xlane v0, v56;
	_ =	sdelay $0x1  }
0x7f: {  	v1 =	vadd.s32 v3, v1;
	_ =	sdelay $0x1  }
0x80: {  	v0 =	vperm.xlane v0, v2;
	_ =	sdelay $0x1  }
0x81: {  	s25 =	simm.s32 $0xE080;
	v0 =	vadd.s32 v3, v0  }
0x82: {  	[tilespmem:s25], [sflag:$0x1] =	stream.indirect_vreg.gather [hbm4b:s4+s2], $0x80, v1, vm0, $0xb8;
	[tilespmem:$0x10080] =	vst v63  }
0x83: {  	s26 =	simm.s32 $0xE880  }
0x84: {  	[tilespmem:s26], [sflag:$0x1] =	stream.indirect_vreg.gather [hbm4b:s7+s2], $0x80, v1, vm0, $0xb8;
	[tilespmem:$0x10080] =	vst v63  }
0x85: {  	s28 =	simm.s32 $0xF080  }
0x86: {  	[tilespmem:s28], [sflag:$0x1] =	stream.indirect_vreg.gather [hbm4b:s4+s2], $0x80, v0, vm0, $0xb8;
	[tilespmem:$0x10080] =	vst v63  }
0x87: {  	s29 =	simm.s32 $0xF880  }
0x88: {  	[tilespmem:s29], [sflag:$0x1] =	stream.indirect_vreg.gather [hbm4b:s7+s2], $0x80, v0, vm0, $0xb8;
	[tilespmem:$0x10080] =	vst v63  }
0x89: {  	_ =	swait.ge [sflag:s5], $0x10000  }
0x8a: {  	s30 =	sadd.s32 $0x36A00, s3;
	s31 =	sshll.u32 s1, $0xD;
	[sflag:s5] =	ssyncset.done $0x0  }
0x8b: {  	s3 =	sadd.s32 s30, s31;
	[sflag:s5] =	ssyncadd.s32 $0xFFFF0000  }
0x8c: {  	[hbm4b:s3+s2] =	stream.linear.scatter [tilespmem:s6], [sflag:$0x1], $0x10000, $0x38;
	[tilespmem:$0x10080] =	vst v63  }
0x8d: {  	_ =	swait.ge [sflag:s5], $0x10000  }
0x8e: {  	[sflag:s5] =	ssyncset.done $0x0  }
0x8f: {  	[sflag:s5] =	ssyncadd.s32 $0xFFFF0000  }
.LBB2_2:
0x90: {  	_ =	sfence.sel $0x180000  }
0x91: {  	[bflag:$0x0] =	sbarrier.arrive $0xFFFF  }
0x92: {  	p0 =	sne.s32 s1, $0x0;
	_ =	strace $0x90000059  }
0x93: {  	s0 =	sadd.s32 @!p0 $0x100000, s0;
	[bflag:$0x2] =	sbarrier.arrive $0xFFFF  }
0x94: {  	[sflag:s0] =	ssyncadd.tile.s32 @!p0 $0x1;
	_ =	shalt  }
.Lfunc_end2:
_tile_overlayer_lowered:
.L_overlay_start_2:
0x95: {  	(tag) =	ssettag $0x2  }
0x96: {  	s0 =	rddreg [dreg:$0x0];
	s2 =	stileid.u32  }
0x97: {  	s1 =	rddreg [dreg:$0x1];
	p0 =	sne.s32 s2, $0x0  }
0x98: {  	s3 =	rddreg [dreg:$0x2];
	[bflag:$0x3] =	sbarrier.arrive $0xFFFF;
	s2 =	simm.s32 @!p0 $0x1C02  }
0x99: {  	[timem:s3], [sflag:s2] =	dma.local @!p0 [hbm:s0], s1  }
0x9a: {  	s0 =	simm.s32 @!p0 $0x2  }
0x9b: {  	_ =	swait.ge @!p0 [sflag:s0], s1  }
0x9c: {  	s1 =	ssub.s32 @!p0 $0x0, s1;
	[sflag:s0] =	ssyncset.done @!p0 $0x0  }
0x9d: {  	[sflag:s0] =	ssyncadd.s32 @!p0 s1  }
0x9e: {  	[bflag:$0x3] =	sbarrier.arrive $0xFFFF  }
0x9f: {  	_ =	shalt  }

// kernel: kernel.79.cloned.1.call-start
scs
__scs_entry_jumppad:
0x0: {  	(pc) =	sbr.rel $0x88, $3  }
0x1: {  	(tag) =	ssettag $0x0;
	lr =	simm.s32 $0x1  }
0x2: {  	[smem:$0x3F8E] =	sst lr;
	_ =	strace $0xD0000000  }
0x3: {  	_ = 	snop  }
0x4: {  	_ = 	snop  }
0x5: {  	_ = 	snop  }
0x6: {  	_ = 	snop  }
0x7: {  	_ = 	snop  }
__scs_overlays_trampoline_lowered:
0x8: {  	[smem:$0x3F9D] =	sst s0  }
0x9: {  	[smem:$0x3F9E] =	sst s1  }
0xa: {  	[smem:$0x3F9F] =	sst s2  }
0xb: {  	[smem:$0x3FA0] =	sst s3  }
0xc: {  	[smem:$0x3FA1] =	sst s4  }
0xd: {  	[smem:$0x3FA2] =	sst s5  }
0xe: {  	[smem:$0x3FA3] =	sst s6  }
0xf: {  	[smem:$0x3FA4] =	sst s7  }
0x10: {  	[smem:$0x3FA5] =	sst s8  }
0x11: {  	[smem:$0x3FA6] =	sst s9;
	s0 =	simm.s32 @!p0 $0x0  }
0x12: {  	s1 =	sld [smem:$0x3F8C];
	s0 =	simm.s32 @p0 $0x1  }
0x13: {  	[smem:$0x3FA7] =	sst s0;
	s0 =	simm.s32 @!p1 $0x0  }
0x14: {  	s2 =	sld [smem:$0x3F8B];
	s0 =	simm.s32 @p1 $0x1  }
0x15: {  	[smem:$0x3FA8] =	sst s0;
	s0 =	simm.s32 @!p2 $0x0  }
0x16: {  	s3 =	sld [smem:$0x3FDB];
	s0 =	simm.s32 @p2 $0x1  }
0x17: {  	s4 =	simm.s32 $0x1BF5;
	[smem:$0x3FAA] =	sst s0  }
0x18: {  	s0 =	sld [smem:$0x3F8D];
	_ =	swait.ge [sflag:s4], $0x0  }
0x19: {  	s7 =	sld [smem:$0x3F8E]  }
0x1a: {  	s8 =	sadd.s32 $0xFFFFE003, lr  }
0x1b: {  	s9 =	sadd.s32 $0xFFFFFEF7, lr;
	s5 =	simm.s32 $0xFFFFFFFF;
	p2 =	slt.u32 s8, $0xFFFFF086  }
0x1c: {  	p1 =	slt.u32 s9, $0xF7A;
	s5 =	simm.s32 @!p2 $0x0  }
0x1d: {  	s5 =	simm.s32 @p1 $0x1;
	p0 =	seq.s32 s7, s2  }
0x1e: {  	s7 =	smul.u32 @!p0 $0xF7A, s2;
	p2 =	seq.s32 @!p0 s5, $0x0  }
0x1f: {  	s9 =	smul.u32 $0xF7A, s1;
	s8 =	simm.s32 @!p0 $0x1BF5;
	p2 =	por !p2, p0  }
0x20: {  	[sflag:s8] =	ssyncset.s32 @!p0 $0xFFFFF086;
	s6 =	sadd.s32 @!p0 s3, s7;
	s7 =	simm.s32 @!p0 $0x108  }
0x21: {  	s3 =	sadd.s32 s3, s9;
	s6 =	sadd.s32 @!p0 $0x88, s6;
	s7 =	simm.s32 @p2 $0x1082  }
0x22: {  	[simem:s7], [sflag:s8] =	dma.local @!p0 [hbm:s6], $0xF7A  }
0x23: {  	s9 =	sor.u32 $0xD0000000, s2;
	s6 =	simm.s32 $0x108;
	_ =	swait.ge @!p0 [sflag:s8], $0x0  }
0x24: {  	s3 =	sadd.s32 $0x88, s3;
	s6 =	simm.s32 @!p1 $0x1082;
	[sflag:s4] =	ssyncset.s32 $0xFFFFF086  }
0x25: {  	[simem:s6], [sflag:s4] =	dma.local [hbm:s3], $0xF7A  }
0x26: {  	[smem:$0x3F8E] =	sst s1;
	(tag) =	ssettag s2;
	_ =	strace s9  }
0x27: {  	s1 =	sld [smem:$0x3F9E]  }
0x28: {  	s2 =	sld [smem:$0x3F9F]  }
0x29: {  	s4 =	sld [smem:$0x3FA1]  }
0x2a: {  	p0 =	seq.s32 s5, $0x0;
	s5 =	sld [smem:$0x3FA2]  }
0x2b: {  	s6 =	sld [smem:$0x3FA3]  }
0x2c: {  	s7 =	sld [smem:$0x3FA4]  }
0x2d: {  	s3 =	simm.s32 $0x108;
	s8 =	sld [smem:$0x3FA5]  }
0x2e: {  	s3 =	simm.s32 @!p0 $0x1082;
	s9 =	sld [smem:$0x3FA6]  }
0x2f: {  	lr =	sadd.s32 s0, s3;
	s0 =	sld [smem:$0x3F9D]  }
0x30: {  	s3 =	sld [smem:$0x3FA0]  }
0x31: {  	[smem:$0x3FA9] =	sst s10  }
0x32: {  	s10 =	sld [smem:$0x3FA7];
	_ =	sdelay $0x3  }
0x33: {  	p0 =	seq.s32 s10, $0x1;
	s10 =	sld [smem:$0x3FA9];
	_ =	sdelay $0x3  }
0x34: {  	[smem:$0x3FA9] =	sst s10  }
0x35: {  	s10 =	sld [smem:$0x3FA8];
	_ =	sdelay $0x3  }
0x36: {  	p1 =	seq.s32 s10, $0x1;
	s10 =	sld [smem:$0x3FA9];
	_ =	sdelay $0x3  }
0x37: {  	[smem:$0x3FA9] =	sst s10  }
0x38: {  	s10 =	sld [smem:$0x3FAA]  }
0x39: {  	_ = 	snop;
	(pc) =	sbr.ind lr, $3  }
0x3a: {  	_ = 	snop  }
0x3b: {  	_ = 	snop  }
0x3c: {  	p2 =	seq.s32 s10, $0x1;
	s10 =	sld [smem:$0x3FA9]  }
0x3d: {  	_ =	shalt  }
0x3e: {  	_ =	shalt  }
0x3f: {  	_ =	shalt  }
0x40: {  	_ =	shalt  }
0x41: {  	_ =	shalt  }
0x42: {  	_ =	shalt  }
0x43: {  	_ =	shalt  }
0x44: {  	_ =	shalt  }
0x45: {  	_ =	shalt  }
0x46: {  	_ =	shalt  }
0x47: {  	_ =	shalt  }
0x48: {  	_ =	shalt  }
0x49: {  	_ =	shalt  }
0x4a: {  	_ =	shalt  }
0x4b: {  	_ =	shalt  }
0x4c: {  	_ =	shalt  }
0x4d: {  	_ =	shalt  }
0x4e: {  	_ =	shalt  }
0x4f: {  	_ =	shalt  }
0x50: {  	_ =	shalt  }
0x51: {  	_ =	shalt  }
0x52: {  	_ =	shalt  }
0x53: {  	_ =	shalt  }
0x54: {  	_ =	shalt  }
0x55: {  	_ =	shalt  }
0x56: {  	_ =	shalt  }
0x57: {  	_ =	shalt  }
0x58: {  	_ =	shalt  }
0x59: {  	_ =	shalt  }
0x5a: {  	_ =	shalt  }
0x5b: {  	_ =	shalt  }
0x5c: {  	_ =	shalt  }
0x5d: {  	_ =	shalt  }
0x5e: {  	_ =	shalt  }
0x5f: {  	_ =	shalt  }
0x60: {  	_ =	shalt  }
0x61: {  	_ =	shalt  }
0x62: {  	_ =	shalt  }
0x63: {  	_ =	shalt  }
0x64: {  	_ =	shalt  }
0x65: {  	_ =	shalt  }
0x66: {  	_ =	shalt  }
0x67: {  	_ =	shalt  }
0x68: {  	_ =	shalt  }
0x69: {  	_ =	shalt  }
0x6a: {  	_ =	shalt  }
0x6b: {  	_ =	shalt  }
0x6c: {  	_ =	shalt  }
0x6d: {  	_ =	shalt  }
0x6e: {  	_ =	shalt  }
0x6f: {  	_ =	shalt  }
0x70: {  	_ =	shalt  }
0x71: {  	_ =	shalt  }
0x72: {  	_ =	shalt  }
0x73: {  	_ =	shalt  }
0x74: {  	_ =	shalt  }
0x75: {  	_ =	shalt  }
0x76: {  	_ =	shalt  }
0x77: {  	_ =	shalt  }
0x78: {  	_ =	shalt  }
0x79: {  	_ =	shalt  }
0x7a: {  	_ =	shalt  }
0x7b: {  	_ =	shalt  }
0x7c: {  	_ =	shalt  }
0x7d: {  	_ =	shalt  }
0x7e: {  	_ =	shalt  }
0x7f: {  	_ =	shalt  }
0x80: {  	_ =	shalt  }
0x81: {  	_ =	shalt  }
0x82: {  	_ =	shalt  }
0x83: {  	_ =	shalt  }
0x84: {  	_ =	shalt  }
0x85: {  	_ =	shalt  }
0x86: {  	_ =	shalt  }
0x87: {  	_ =	shalt  }
.Lfunc_end0:
.L_simem_size_0:
called_computation.7_lowered:
.L_overlay_start_0:
0x88: {  	s2 =	sld [smem:$0x3FD9]  }
0x89: {  	s3 =	sld [smem:$0x3FFE];
	_ =	sdelay $0x1  }
0x8a: {  	s1 =	srdreg.scid  }
0x8b: {  	s0 =	sand.u32 $0x1, s1  }
0x8c: {  	s14 =	sshll.u32 s0, $0xA;
	s2 =	sadd.s32 s3, s2  }
0x8d: {  	s2 =	sadd.s32 s2, s14  }
0x8e: {  	[smem:$0x3FB5] =	sst s2  }
0x8f: {  	_ = 	snop  }
0x90: {  	s2 =	sld [smem:$0x3FD0];
	_ =	sdelay $0x2  }
0x91: {  	s15 =	simm.s32 $0xA;
	s4 =	simm.s32 $0x10  }
0x92: {  	[smem:s4], [sflag:s15] =	dma.local [hbm:s2], $0x1  }
0x93: {  	_ =	swait.eq [sflag:s15], $0x1  }
0x94: {  	[sflag:s15] =	ssyncset.done $0x0  }
0x95: {  	[sflag:s15] =	ssyncadd.s32 $0xFFFFFFFF  }
0x96: {  	s16 =	sld [smem:$0x10];
	(tm) =	ssettm $0x1  }
0x97: {  	s17 =	sld [smem:$0x3FFB];
	_ =	sdelay $0x3  }
0x98: {  	_ =	strace s17  }
0x99: {  	s3 =	sld [smem:$0x3FFC];
	_ =	sdelay $0x3  }
0x9a: {  	_ =	strace s3  }
0x9b: {  	s3 =	sld [smem:$0x3FFD];
	_ =	sdelay $0x3  }
0x9c: {  	_ =	strace s3  }
0x9d: {  	_ =	strace $0x8FFFFFFF  }
0x9e: {  	s18 =	sld [smem:$0x3FDB];
	_ =	sdelay $0x1  }
0x9f: {  	s19 =	simm.s32 $_scs_section_size  }
0xa0: {  	s5 =	simm.s32 $_size__tile_overlayer_lowered;
	s6 =	simm.s32 $_tile_overlayer_lowered  }
0xa1: {  	s22 =	simm.s32 $0x1BFF;
	s21 =	sshll.u32 s6, $0x1;
	s3 =	sadd.s32 s19, s18  }
0xa2: {  	s7 =	simm.s32 $0x0;
	s20 =	sshll.u32 s5, $0x1;
	s5 =	sadd.s32 s21, s3  }
0xa3: {  	[timem:s7], [sflag:s22] =	dma.local [hbm:s5], s20  }
0xa4: {  	_ =	swait.ge [sflag:s22], s20  }
0xa5: {  	s4 =	ssub.s32 $0x0, s20;
	[sflag:s22] =	ssyncset.done $0x0  }
0xa6: {  	[sflag:s22] =	ssyncadd.s32 s4;
	_ =	sdelay $0x1  }
0xa7: {  	s23 =	simm.s32 $0x1B8B  }
0xa8: {  	_ =	swait.ge [sflag:s23], $0x1  }
0xa9: {  	[sflag:s23] =	ssyncset.done $0x0  }
0xaa: {  	s25 =	simm.s32 $0x1B8E;
	s24 =	sld [smem:$0x3FFE];
	[sflag:s23] =	ssyncadd.s32 $0xFFFFFFFF  }
0xab: {  	s26 =	simm.s32 $execute0_lowered;
	[smem:$0x3FD2] =	sst s25  }
0xac: {  	s5 =	sshll.u32 s26, $0x1;
	_ =	strace $0x8000005B;
	[dreg:$0x1] =	wrdreg $0xFFFFFFFF  }
0xad: {  	s28 =	simm.s32 $_size_execute0_lowered;
	s3 =	sadd.s32 s3, s5;
	[dreg:$0x0] =	wrdreg $0x0  }
0xae: {  	s5 =	sshll.u32 s28, $0x1;
	[dreg:$0x2] =	wrdreg s3  }
0xaf: {  	[dreg:$0x3] =	wrdreg s5  }
0xb0: {  	[dreg:$0x4] =	wrdreg $0xC0  }
0xb1: {  	_ =	task [dreg:s7], $0x5FFFF  }
0xb2: {  	[dreg:$0x1] =	wrdreg $0xFFFFFFFF  }
0xb3: {  	[dreg:$0x0] =	wrdreg $0x60  }
0xb4: {  	[dreg:$0x2] =	wrdreg s24  }
0xb5: {  	[dreg:$0x3] =	wrdreg s16  }
0xb6: {  	[dreg:$0x4] =	wrdreg $0x9  }
0xb7: {  	_ =	task.clear_ibuf [dreg:s7], $0x5FFFF;
	_ =	strace $0x9000005B  }
0xb8: {  	s29 =	simm.s32 $0x9;
	_ =	strace $0x8000005D  }
0xb9: {  	_ =	swait.ge [sflag:s29], $0x1  }
0xba: {  	[sflag:s29] =	ssyncadd.s32 $0xFFFFFFFF  }
0xbb: {  	_ =	strace $0x9000005D  }
0xbc: {  	_ =	sfence  }
0xbd: {  	s30 =	sld [smem:$0x0];
	_ =	sdelay $0x2  }
0xbe: {  	s31 =	sshll.u32 s1, $0xD;
	s1 =	sshrl.u32 s1, $0x2  }
0xbf: {  	s3 =	sand.u32 $0x4000, s31;
	s1 =	sadd.s32 s1, s30  }
0xc0: {  	s0 =	sor.u32 s3, s0;
	s1 =	sshll.u32 s1, $0x11  }
0xc1: {  	s0 =	sor.u32 s1, s0  }
0xc2: {  	s0 =	sadd.s32 $0x8F2B, s0  }
0xc3: {  	[sflag:s0] =	ssyncadd.remote.s32 $0x1  }
0xc4: {  	_ =	sfence.sel $0xFFFF  }
0xc5: {  	[dreg:$0x0] =	wrdreg $0xFFFFFFFF;
	(pc) =	sbr.abs _section_cstart, $3  }
0xc6: {  	[dreg:$0x1] =	wrdreg $0xFFFFFFFF  }
0xc7: {  	_ =	task.clear_ibuf [dreg:s7], $0x2FFFF;
	_ =	strace $0x9FFFFFFF  }
0xc8: {  	(tm) =	ssettm $0x7FFFFFFF  }
0xc9: {  	_ =	shalt  }
tec
execute0_lowered:
.L_overlay_start_1:
0x0: {  	(tag) =	ssettag $0x1  }
0x1: {  	s1 =	srdreg.scid  }
0x2: {  	s1 =	sand.u32 $0x1, s1  }
0x3: {  	p0 =	seq.s32 s1, $0x1  }
.Ltmp0:
0x4: {  	_ = 	snop;
	(pc) =	sbr.rel @p0 .LBB2_2-.Ltmp0, $4  }
0x5: {  	s5 =	rddreg [dreg:$0x0]  }
0x6: {  	s2 =	rddreg [dreg:$0x1];
	s3 =	simm.s32 $0x0  }
0x7: {  	[smem:$0x7FF] =	sst s3  }
0x8: {  	s0 =	rddreg [dreg:$0x2];
	_ =	strace $0x8000005C;
	s1 =	stileid.u32  }
0x9: {  	s4 =	sadd.s32 $0x4000, s5;
	s6 =	sshll.u32 s1, $0x4  }
0xa: {  	s4 =	sadd.s32 s4, s6  }
0xb: {  	[tilespmem:s3], [sflag:$0x1] =	stream.linear.gather [hbm4b:s4+s3], $0x80, $0x38;
	[tilespmem:$0x10080] =	vst v63  }
0xc: {  	s4 =	simm.s32 $0x1  }
0xd: {  	_ =	swait.ge [sflag:s4], $0x80  }
0xe: {  	s21 =	sadd.s32 $0x36A00, s5;
	s22 =	sshll.u32 s1, $0xD;
	[sflag:s4] =	ssyncset.done $0x0  }
0xf: {  	s23 =	simm.s32 $0x80;
	s5 =	sadd.s32 s21, s22;
	[sflag:s4] =	ssyncadd.s32 $0xFFFFFF80  }
0x10: {  	[tilespmem:s23], [sflag:$0x1] =	stream.linear.gather [hbm4b:s5+s3], $0x10000, $0x38;
	[tilespmem:$0x10080] =	vst v63  }
0x11: {  	_ =	swait.ge [sflag:s4], $0x10000  }
0x12: {  	[sflag:s4] =	ssyncset.done $0x0  }
0x13: {  	[sflag:s4] =	ssyncadd.s32 $0xFFFF0000  }
0x14: {  	v0 =	vld [tilespmem:$0x0];
	_ =	sdelay $0x4  }
0x15: {  	v1 =	vshll.u32 v0, $0x2  }
0x16: {  	v2 =	vlaneseq.u32;
	v0 =	vand.u32 $0x7, v0;
	v1 =	vand.u32 $0xFFFFFFE0, v1  }
0x17: {  	v56 =	vand.u32 $0x7, v2;
	v3 =	vshrl.u32 v2, $0x3;
	v0 =	vor.u32 v0, v1  }
0x18: {  	v3 =	vmul.u32 $0x8, v3;
	v4 =	vperm.xlane v0, v56;
	_ =	sdelay $0x1  }
0x19: {  	v4 =	vadd.s32 v3, v4  }
0x1a: {  	v2 =	vor.u32 $0x8, v2  }
0x1b: {  	v0 =	vperm.xlane v0, v2;
	_ =	sdelay $0x1  }
0x1c: {  	vm0 =	vmmov $0xffff;
	v0 =	vadd.s32 v3, v0  }
0x1d: {  	[hbm4b:s2+s3] =	stream.indirect_vreg.scatter [tilespmem:s23], [sflag:$0x1], $0x80, v4, vm0, $0xb8;
	[tilespmem:$0x10080] =	vst v63  }
0x1e: {  	s24 =	simm.s32 $0x880;
	s5 =	sadd.s32 $0x100, s2  }
0x1f: {  	[hbm4b:s5+s3] =	stream.indirect_vreg.scatter [tilespmem:s24], [sflag:$0x1], $0x80, v4, vm0, $0xb8;
	[tilespmem:$0x10080] =	vst v63  }
0x20: {  	s25 =	simm.s32 $0x1080  }
0x21: {  	[hbm4b:s2+s3] =	stream.indirect_vreg.scatter [tilespmem:s25], [sflag:$0x1], $0x80, v0, vm0, $0xb8;
	[tilespmem:$0x10080] =	vst v63  }
0x22: {  	s26 =	simm.s32 $0x1880  }
0x23: {  	[hbm4b:s5+s3] =	stream.indirect_vreg.scatter [tilespmem:s26], [sflag:$0x1], $0x80, v0, vm0, $0xb8;
	[tilespmem:$0x10080] =	vst v63  }
0x24: {  	v0 =	vld [tilespmem:$0x10];
	_ =	sdelay $0x4  }
0x25: {  	v57 =	vshll.u32 v0, $0x2  }
0x26: {  	v0 =	vand.u32 $0x7, v0;
	v4 =	vand.u32 $0xFFFFFFE0, v57  }
0x27: {  	v0 =	vor.u32 v0, v4  }
0x28: {  	v4 =	vperm.xlane v0, v56;
	_ =	sdelay $0x1  }
0x29: {  	v4 =	vadd.s32 v3, v4;
	_ =	sdelay $0x1  }
0x2a: {  	v0 =	vperm.xlane v0, v2;
	_ =	sdelay $0x1  }
0x2b: {  	s28 =	simm.s32 $0x2080;
	v0 =	vadd.s32 v3, v0  }
0x2c: {  	[hbm4b:s2+s3] =	stream.indirect_vreg.scatter [tilespmem:s28], [sflag:$0x1], $0x80, v4, vm0, $0xb8;
	[tilespmem:$0x10080] =	vst v63  }
0x2d: {  	s29 =	simm.s32 $0x2880  }
0x2e: {  	[hbm4b:s5+s3] =	stream.indirect_vreg.scatter [tilespmem:s29], [sflag:$0x1], $0x80, v4, vm0, $0xb8;
	[tilespmem:$0x10080] =	vst v63  }
0x2f: {  	s30 =	simm.s32 $0x3080  }
0x30: {  	[hbm4b:s2+s3] =	stream.indirect_vreg.scatter [tilespmem:s30], [sflag:$0x1], $0x80, v0, vm0, $0xb8;
	[tilespmem:$0x10080] =	vst v63  }
0x31: {  	s31 =	simm.s32 $0x3880  }
0x32: {  	[hbm4b:s5+s3] =	stream.indirect_vreg.scatter [tilespmem:s31], [sflag:$0x1], $0x80, v0, vm0, $0xb8;
	[tilespmem:$0x10080] =	vst v63  }
0x33: {  	v0 =	vld [tilespmem:$0x20];
	_ =	sdelay $0x4  }
0x34: {  	v58 =	vshll.u32 v0, $0x2  }
0x35: {  	v0 =	vand.u32 $0x7, v0;
	v4 =	vand.u32 $0xFFFFFFE0, v58  }
0x36: {  	v0 =	vor.u32 v0, v4  }
0x37: {  	v4 =	vperm.xlane v0, v56;
	_ =	sdelay $0x1  }
0x38: {  	v4 =	vadd.s32 v3, v4;
	_ =	sdelay $0x1  }
0x39: {  	v0 =	vperm.xlane v0, v2;
	_ =	sdelay $0x1  }
0x3a: {  	s7 =	simm.s32 $0x4080;
	v0 =	vadd.s32 v3, v0  }
0x3b: {  	[hbm4b:s2+s3] =	stream.indirect_vreg.scatter [tilespmem:s7], [sflag:$0x1], $0x80, v4, vm0, $0xb8;
	[tilespmem:$0x10080] =	vst v63  }
0x3c: {  	s8 =	simm.s32 $0x4880  }
0x3d: {  	[hbm4b:s5+s3] =	stream.indirect_vreg.scatter [tilespmem:s8], [sflag:$0x1], $0x80, v4, vm0, $0xb8;
	[tilespmem:$0x10080] =	vst v63  }
0x3e: {  	s9 =	simm.s32 $0x5080  }
0x3f: {  	[hbm4b:s2+s3] =	stream.indirect_vreg.scatter [tilespmem:s9], [sflag:$0x1], $0x80, v0, vm0, $0xb8;
	[tilespmem:$0x10080] =	vst v63  }
0x40: {  	s10 =	simm.s32 $0x5880  }
0x41: {  	[hbm4b:s5+s3] =	stream.indirect_vreg.scatter [tilespmem:s10], [sflag:$0x1], $0x80, v0, vm0, $0xb8;
	[tilespmem:$0x10080] =	vst v63  }
0x42: {  	v0 =	vld [tilespmem:$0x30];
	_ =	sdelay $0x4  }
0x43: {  	v59 =	vshll.u32 v0, $0x2  }
0x44: {  	v0 =	vand.u32 $0x7, v0;
	v4 =	vand.u32 $0xFFFFFFE0, v59  }
0x45: {  	v0 =	vor.u32 v0, v4  }
0x46: {  	v4 =	vperm.xlane v0, v56;
	_ =	sdelay $0x1  }
0x47: {  	v4 =	vadd.s32 v3, v4;
	_ =	sdelay $0x1  }
0x48: {  	v0 =	vperm.xlane v0, v2;
	_ =	sdelay $0x1  }
0x49: {  	s11 =	simm.s32 $0x6080;
	v0 =	vadd.s32 v3, v0  }
0x4a: {  	[hbm4b:s2+s3] =	stream.indirect_vreg.scatter [tilespmem:s11], [sflag:$0x1], $0x80, v4, vm0, $0xb8;
	[tilespmem:$0x10080] =	vst v63  }
0x4b: {  	s12 =	simm.s32 $0x6880  }
0x4c: {  	[hbm4b:s5+s3] =	stream.indirect_vreg.scatter [tilespmem:s12], [sflag:$0x1], $0x80, v4, vm0, $0xb8;
	[tilespmem:$0x10080] =	vst v63  }
0x4d: {  	s13 =	simm.s32 $0x7080  }
0x4e: {  	[hbm4b:s2+s3] =	stream.indirect_vreg.scatter [tilespmem:s13], [sflag:$0x1], $0x80, v0, vm0, $0xb8;
	[tilespmem:$0x10080] =	vst v63  }
0x4f: {  	s14 =	simm.s32 $0x7880  }
0x50: {  	[hbm4b:s5+s3] =	stream.indirect_vreg.scatter [tilespmem:s14], [sflag:$0x1], $0x80, v0, vm0, $0xb8;
	[tilespmem:$0x10080] =	vst v63  }
0x51: {  	v0 =	vld [tilespmem:$0x40];
	_ =	sdelay $0x4  }
0x52: {  	v60 =	vshll.u32 v0, $0x2  }
0x53: {  	v0 =	vand.u32 $0x7, v0;
	v4 =	vand.u32 $0xFFFFFFE0, v60  }
0x54: {  	v0 =	vor.u32 v0, v4  }
0x55: {  	v4 =	vperm.xlane v0, v56;
	_ =	sdelay $0x1  }
0x56: {  	v4 =	vadd.s32 v3, v4;
	_ =	sdelay $0x1  }
0x57: {  	v0 =	vperm.xlane v0, v2;
	_ =	sdelay $0x1  }
0x58: {  	s15 =	simm.s32 $0x8080;
	v0 =	vadd.s32 v3, v0  }
0x59: {  	[hbm4b:s2+s3] =	stream.indirect_vreg.scatter [tilespmem:s15], [sflag:$0x1], $0x80, v4, vm0, $0xb8;
	[tilespmem:$0x10080] =	vst v63  }
0x5a: {  	s16 =	simm.s32 $0x8880  }
0x5b: {  	[hbm4b:s5+s3] =	stream.indirect_vreg.scatter [tilespmem:s16], [sflag:$0x1], $0x80, v4, vm0, $0xb8;
	[tilespmem:$0x10080] =	vst v63  }
0x5c: {  	s17 =	simm.s32 $0x9080  }
0x5d: {  	[hbm4b:s2+s3] =	stream.indirect_vreg.scatter [tilespmem:s17], [sflag:$0x1], $0x80, v0, vm0, $0xb8;
	[tilespmem:$0x10080] =	vst v63  }
0x5e: {  	s18 =	simm.s32 $0x9880  }
0x5f: {  	[hbm4b:s5+s3] =	stream.indirect_vreg.scatter [tilespmem:s18], [sflag:$0x1], $0x80, v0, vm0, $0xb8;
	[tilespmem:$0x10080] =	vst v63  }
0x60: {  	v0 =	vld [tilespmem:$0x50];
	_ =	sdelay $0x4  }
0x61: {  	v61 =	vshll.u32 v0, $0x2  }
0x62: {  	v0 =	vand.u32 $0x7, v0;
	v4 =	vand.u32 $0xFFFFFFE0, v61  }
0x63: {  	v0 =	vor.u32 v0, v4  }
0x64: {  	v4 =	vperm.xlane v0, v56;
	_ =	sdelay $0x1  }
0x65: {  	v4 =	vadd.s32 v3, v4;
	_ =	sdelay $0x1  }
0x66: {  	v0 =	vperm.xlane v0, v2;
	_ =	sdelay $0x1  }
0x67: {  	s19 =	simm.s32 $0xA080;
	v0 =	vadd.s32 v3, v0  }
0x68: {  	[hbm4b:s2+s3] =	stream.indirect_vreg.scatter [tilespmem:s19], [sflag:$0x1], $0x80, v4, vm0, $0xb8;
	[tilespmem:$0x10080] =	vst v63  }
0x69: {  	s20 =	simm.s32 $0xA880  }
0x6a: {  	[hbm4b:s5+s3] =	stream.indirect_vreg.scatter [tilespmem:s20], [sflag:$0x1], $0x80, v4, vm0, $0xb8;
	[tilespmem:$0x10080] =	vst v63  }
0x6b: {  	s21 =	simm.s32 $0xB080  }
0x6c: {  	[hbm4b:s2+s3] =	stream.indirect_vreg.scatter [tilespmem:s21], [sflag:$0x1], $0x80, v0, vm0, $0xb8;
	[tilespmem:$0x10080] =	vst v63  }
0x6d: {  	s22 =	simm.s32 $0xB880  }
0x6e: {  	[hbm4b:s5+s3] =	stream.indirect_vreg.scatter [tilespmem:s22], [sflag:$0x1], $0x80, v0, vm0, $0xb8;
	[tilespmem:$0x10080] =	vst v63  }
0x6f: {  	v0 =	vld [tilespmem:$0x60];
	_ =	sdelay $0x4  }
0x70: {  	v62 =	vshll.u32 v0, $0x2  }
0x71: {  	v0 =	vand.u32 $0x7, v0;
	v4 =	vand.u32 $0xFFFFFFE0, v62  }
0x72: {  	v0 =	vor.u32 v0, v4  }
0x73: {  	v4 =	vperm.xlane v0, v56;
	_ =	sdelay $0x1  }
0x74: {  	v4 =	vadd.s32 v3, v4;
	_ =	sdelay $0x1  }
0x75: {  	v0 =	vperm.xlane v0, v2;
	_ =	sdelay $0x1  }
0x76: {  	s23 =	simm.s32 $0xC080;
	v0 =	vadd.s32 v3, v0  }
0x77: {  	[hbm4b:s2+s3] =	stream.indirect_vreg.scatter [tilespmem:s23], [sflag:$0x1], $0x80, v4, vm0, $0xb8;
	[tilespmem:$0x10080] =	vst v63  }
0x78: {  	s24 =	simm.s32 $0xC880  }
0x79: {  	[hbm4b:s5+s3] =	stream.indirect_vreg.scatter [tilespmem:s24], [sflag:$0x1], $0x80, v4, vm0, $0xb8;
	[tilespmem:$0x10080] =	vst v63  }
0x7a: {  	s25 =	simm.s32 $0xD080  }
0x7b: {  	[hbm4b:s2+s3] =	stream.indirect_vreg.scatter [tilespmem:s25], [sflag:$0x1], $0x80, v0, vm0, $0xb8;
	[tilespmem:$0x10080] =	vst v63  }
0x7c: {  	s26 =	simm.s32 $0xD880  }
0x7d: {  	[hbm4b:s5+s3] =	stream.indirect_vreg.scatter [tilespmem:s26], [sflag:$0x1], $0x80, v0, vm0, $0xb8;
	[tilespmem:$0x10080] =	vst v63  }
0x7e: {  	v0 =	vld [tilespmem:$0x70];
	_ =	sdelay $0x4  }
0x7f: {  	v63 =	vshll.u32 v0, $0x2  }
0x80: {  	v0 =	vand.u32 $0x7, v0;
	v4 =	vand.u32 $0xFFFFFFE0, v63  }
0x81: {  	v0 =	vor.u32 v0, v4  }
0x82: {  	v1 =	vperm.xlane v0, v56;
	_ =	sdelay $0x1  }
0x83: {  	v1 =	vadd.s32 v3, v1;
	_ =	sdelay $0x1  }
0x84: {  	v0 =	vperm.xlane v0, v2;
	_ =	sdelay $0x1  }
0x85: {  	s28 =	simm.s32 $0xE080;
	v0 =	vadd.s32 v3, v0  }
0x86: {  	[hbm4b:s2+s3] =	stream.indirect_vreg.scatter [tilespmem:s28], [sflag:$0x1], $0x80, v1, vm0, $0xb8;
	[tilespmem:$0x10080] =	vst v63  }
0x87: {  	s29 =	simm.s32 $0xE880  }
0x88: {  	[hbm4b:s5+s3] =	stream.indirect_vreg.scatter [tilespmem:s29], [sflag:$0x1], $0x80, v1, vm0, $0xb8;
	[tilespmem:$0x10080] =	vst v63  }
0x89: {  	s30 =	simm.s32 $0xF080  }
0x8a: {  	[hbm4b:s2+s3] =	stream.indirect_vreg.scatter [tilespmem:s30], [sflag:$0x1], $0x80, v0, vm0, $0xb8;
	[tilespmem:$0x10080] =	vst v63  }
0x8b: {  	s31 =	simm.s32 $0xF880  }
0x8c: {  	[hbm4b:s5+s3] =	stream.indirect_vreg.scatter [tilespmem:s31], [sflag:$0x1], $0x80, v0, vm0, $0xb8;
	[tilespmem:$0x10080] =	vst v63  }
0x8d: {  	_ =	swait.ge [sflag:s4], $0x10000  }
0x8e: {  	[sflag:s4] =	ssyncset.done $0x0  }
0x8f: {  	[sflag:s4] =	ssyncadd.s32 $0xFFFF0000  }
.LBB2_2:
0x90: {  	_ =	sfence.sel $0x180000  }
0x91: {  	[bflag:$0x0] =	sbarrier.arrive $0xFFFF  }
0x92: {  	p0 =	sne.s32 s1, $0x0;
	_ =	strace $0x9000005C  }
0x93: {  	s0 =	sadd.s32 @!p0 $0x100000, s0;
	[bflag:$0x2] =	sbarrier.arrive $0xFFFF  }
0x94: {  	[sflag:s0] =	ssyncadd.tile.s32 @!p0 $0x1;
	_ =	shalt  }
.Lfunc_end2:
_tile_overlayer_lowered:
.L_overlay_start_2:
0x95: {  	(tag) =	ssettag $0x2  }
0x96: {  	s0 =	rddreg [dreg:$0x0];
	s2 =	stileid.u32  }
0x97: {  	s1 =	rddreg [dreg:$0x1];
	p0 =	sne.s32 s2, $0x0  }
0x98: {  	s3 =	rddreg [dreg:$0x2];
	[bflag:$0x3] =	sbarrier.arrive $0xFFFF;
	s2 =	simm.s32 @!p0 $0x1C02  }
0x99: {  	[timem:s3], [sflag:s2] =	dma.local @!p0 [hbm:s0], s1  }
0x9a: {  	s0 =	simm.s32 @!p0 $0x2  }
0x9b: {  	_ =	swait.ge @!p0 [sflag:s0], s1  }
0x9c: {  	s1 =	ssub.s32 @!p0 $0x0, s1;
	[sflag:s0] =	ssyncset.done @!p0 $0x0  }
0x9d: {  	[sflag:s0] =	ssyncadd.s32 @!p0 s1  }
0x9e: {  	[bflag:$0x3] =	sbarrier.arrive $0xFFFF  }
0x9f: {  	_ =	shalt  }

// kernel: kernel.82.cloned.1.call-start
scs
__scs_entry_jumppad:
0x0: {  	(pc) =	sbr.rel $0x88, $3  }
0x1: {  	(tag) =	ssettag $0x0;
	lr =	simm.s32 $0x1  }
0x2: {  	[smem:$0x3F8E] =	sst lr;
	_ =	strace $0xD0000000  }
0x3: {  	_ = 	snop  }
0x4: {  	_ = 	snop  }
0x5: {  	_ = 	snop  }
0x6: {  	_ = 	snop  }
0x7: {  	_ = 	snop  }
__scs_overlays_trampoline_lowered:
0x8: {  	[smem:$0x3F9D] =	sst s0  }
0x9: {  	[smem:$0x3F9E] =	sst s1  }
0xa: {  	[smem:$0x3F9F] =	sst s2  }
0xb: {  	[smem:$0x3FA0] =	sst s3  }
0xc: {  	[smem:$0x3FA1] =	sst s4  }
0xd: {  	[smem:$0x3FA2] =	sst s5  }
0xe: {  	[smem:$0x3FA3] =	sst s6  }
0xf: {  	[smem:$0x3FA4] =	sst s7  }
0x10: {  	[smem:$0x3FA5] =	sst s8  }
0x11: {  	[smem:$0x3FA6] =	sst s9;
	s0 =	simm.s32 @!p0 $0x0  }
0x12: {  	s1 =	sld [smem:$0x3F8C];
	s0 =	simm.s32 @p0 $0x1  }
0x13: {  	[smem:$0x3FA7] =	sst s0;
	s0 =	simm.s32 @!p1 $0x0  }
0x14: {  	s2 =	sld [smem:$0x3F8B];
	s0 =	simm.s32 @p1 $0x1  }
0x15: {  	[smem:$0x3FA8] =	sst s0;
	s0 =	simm.s32 @!p2 $0x0  }
0x16: {  	s3 =	sld [smem:$0x3FDB];
	s0 =	simm.s32 @p2 $0x1  }
0x17: {  	s4 =	simm.s32 $0x1BF5;
	[smem:$0x3FAA] =	sst s0  }
0x18: {  	s0 =	sld [smem:$0x3F8D];
	_ =	swait.ge [sflag:s4], $0x0  }
0x19: {  	s7 =	sld [smem:$0x3F8E]  }
0x1a: {  	s8 =	sadd.s32 $0xFFFFE003, lr  }
0x1b: {  	s9 =	sadd.s32 $0xFFFFFEF7, lr;
	s5 =	simm.s32 $0xFFFFFFFF;
	p2 =	slt.u32 s8, $0xFFFFF086  }
0x1c: {  	p1 =	slt.u32 s9, $0xF7A;
	s5 =	simm.s32 @!p2 $0x0  }
0x1d: {  	s5 =	simm.s32 @p1 $0x1;
	p0 =	seq.s32 s7, s2  }
0x1e: {  	s7 =	smul.u32 @!p0 $0xF7A, s2;
	p2 =	seq.s32 @!p0 s5, $0x0  }
0x1f: {  	s9 =	smul.u32 $0xF7A, s1;
	s8 =	simm.s32 @!p0 $0x1BF5;
	p2 =	por !p2, p0  }
0x20: {  	[sflag:s8] =	ssyncset.s32 @!p0 $0xFFFFF086;
	s6 =	sadd.s32 @!p0 s3, s7;
	s7 =	simm.s32 @!p0 $0x108  }
0x21: {  	s3 =	sadd.s32 s3, s9;
	s6 =	sadd.s32 @!p0 $0x88, s6;
	s7 =	simm.s32 @p2 $0x1082  }
0x22: {  	[simem:s7], [sflag:s8] =	dma.local @!p0 [hbm:s6], $0xF7A  }
0x23: {  	s9 =	sor.u32 $0xD0000000, s2;
	s6 =	simm.s32 $0x108;
	_ =	swait.ge @!p0 [sflag:s8], $0x0  }
0x24: {  	s3 =	sadd.s32 $0x88, s3;
	s6 =	simm.s32 @!p1 $0x1082;
	[sflag:s4] =	ssyncset.s32 $0xFFFFF086  }
0x25: {  	[simem:s6], [sflag:s4] =	dma.local [hbm:s3], $0xF7A  }
0x26: {  	[smem:$0x3F8E] =	sst s1;
	(tag) =	ssettag s2;
	_ =	strace s9  }
0x27: {  	s1 =	sld [smem:$0x3F9E]  }
0x28: {  	s2 =	sld [smem:$0x3F9F]  }
0x29: {  	s4 =	sld [smem:$0x3FA1]  }
0x2a: {  	p0 =	seq.s32 s5, $0x0;
	s5 =	sld [smem:$0x3FA2]  }
0x2b: {  	s6 =	sld [smem:$0x3FA3]  }
0x2c: {  	s7 =	sld [smem:$0x3FA4]  }
0x2d: {  	s3 =	simm.s32 $0x108;
	s8 =	sld [smem:$0x3FA5]  }
0x2e: {  	s3 =	simm.s32 @!p0 $0x1082;
	s9 =	sld [smem:$0x3FA6]  }
0x2f: {  	lr =	sadd.s32 s0, s3;
	s0 =	sld [smem:$0x3F9D]  }
0x30: {  	s3 =	sld [smem:$0x3FA0]  }
0x31: {  	[smem:$0x3FA9] =	sst s10  }
0x32: {  	s10 =	sld [smem:$0x3FA7];
	_ =	sdelay $0x3  }
0x33: {  	p0 =	seq.s32 s10, $0x1;
	s10 =	sld [smem:$0x3FA9];
	_ =	sdelay $0x3  }
0x34: {  	[smem:$0x3FA9] =	sst s10  }
0x35: {  	s10 =	sld [smem:$0x3FA8];
	_ =	sdelay $0x3  }
0x36: {  	p1 =	seq.s32 s10, $0x1;
	s10 =	sld [smem:$0x3FA9];
	_ =	sdelay $0x3  }
0x37: {  	[smem:$0x3FA9] =	sst s10  }
0x38: {  	s10 =	sld [smem:$0x3FAA]  }
0x39: {  	_ = 	snop;
	(pc) =	sbr.ind lr, $3  }
0x3a: {  	_ = 	snop  }
0x3b: {  	_ = 	snop  }
0x3c: {  	p2 =	seq.s32 s10, $0x1;
	s10 =	sld [smem:$0x3FA9]  }
0x3d: {  	_ =	shalt  }
0x3e: {  	_ =	shalt  }
0x3f: {  	_ =	shalt  }
0x40: {  	_ =	shalt  }
0x41: {  	_ =	shalt  }
0x42: {  	_ =	shalt  }
0x43: {  	_ =	shalt  }
0x44: {  	_ =	shalt  }
0x45: {  	_ =	shalt  }
0x46: {  	_ =	shalt  }
0x47: {  	_ =	shalt  }
0x48: {  	_ =	shalt  }
0x49: {  	_ =	shalt  }
0x4a: {  	_ =	shalt  }
0x4b: {  	_ =	shalt  }
0x4c: {  	_ =	shalt  }
0x4d: {  	_ =	shalt  }
0x4e: {  	_ =	shalt  }
0x4f: {  	_ =	shalt  }
0x50: {  	_ =	shalt  }
0x51: {  	_ =	shalt  }
0x52: {  	_ =	shalt  }
0x53: {  	_ =	shalt  }
0x54: {  	_ =	shalt  }
0x55: {  	_ =	shalt  }
0x56: {  	_ =	shalt  }
0x57: {  	_ =	shalt  }
0x58: {  	_ =	shalt  }
0x59: {  	_ =	shalt  }
0x5a: {  	_ =	shalt  }
0x5b: {  	_ =	shalt  }
0x5c: {  	_ =	shalt  }
0x5d: {  	_ =	shalt  }
0x5e: {  	_ =	shalt  }
0x5f: {  	_ =	shalt  }
0x60: {  	_ =	shalt  }
0x61: {  	_ =	shalt  }
0x62: {  	_ =	shalt  }
0x63: {  	_ =	shalt  }
0x64: {  	_ =	shalt  }
0x65: {  	_ =	shalt  }
0x66: {  	_ =	shalt  }
0x67: {  	_ =	shalt  }
0x68: {  	_ =	shalt  }
0x69: {  	_ =	shalt  }
0x6a: {  	_ =	shalt  }
0x6b: {  	_ =	shalt  }
0x6c: {  	_ =	shalt  }
0x6d: {  	_ =	shalt  }
0x6e: {  	_ =	shalt  }
0x6f: {  	_ =	shalt  }
0x70: {  	_ =	shalt  }
0x71: {  	_ =	shalt  }
0x72: {  	_ =	shalt  }
0x73: {  	_ =	shalt  }
0x74: {  	_ =	shalt  }
0x75: {  	_ =	shalt  }
0x76: {  	_ =	shalt  }
0x77: {  	_ =	shalt  }
0x78: {  	_ =	shalt  }
0x79: {  	_ =	shalt  }
0x7a: {  	_ =	shalt  }
0x7b: {  	_ =	shalt  }
0x7c: {  	_ =	shalt  }
0x7d: {  	_ =	shalt  }
0x7e: {  	_ =	shalt  }
0x7f: {  	_ =	shalt  }
0x80: {  	_ =	shalt  }
0x81: {  	_ =	shalt  }
0x82: {  	_ =	shalt  }
0x83: {  	_ =	shalt  }
0x84: {  	_ =	shalt  }
0x85: {  	_ =	shalt  }
0x86: {  	_ =	shalt  }
0x87: {  	_ =	shalt  }
.Lfunc_end0:
.L_simem_size_0:
called_computation.8_lowered:
.L_overlay_start_0:
0x88: {  	s2 =	sld [smem:$0x3FD9]  }
0x89: {  	s3 =	sld [smem:$0x3FFE];
	_ =	sdelay $0x1  }
0x8a: {  	s1 =	srdreg.scid  }
0x8b: {  	s0 =	sand.u32 $0x1, s1  }
0x8c: {  	s14 =	sshll.u32 s0, $0xA;
	s2 =	sadd.s32 s3, s2  }
0x8d: {  	s2 =	sadd.s32 s2, s14  }
0x8e: {  	[smem:$0x3FB5] =	sst s2  }
0x8f: {  	_ = 	snop  }
0x90: {  	s2 =	sld [smem:$0x3FD0];
	_ =	sdelay $0x2  }
0x91: {  	s15 =	simm.s32 $0xA;
	s4 =	simm.s32 $0x10  }
0x92: {  	[smem:s4], [sflag:s15] =	dma.local [hbm:s2], $0x1  }
0x93: {  	_ =	swait.eq [sflag:s15], $0x1  }
0x94: {  	[sflag:s15] =	ssyncset.done $0x0  }
0x95: {  	[sflag:s15] =	ssyncadd.s32 $0xFFFFFFFF  }
0x96: {  	s16 =	sld [smem:$0x10];
	(tm) =	ssettm $0x1  }
0x97: {  	s17 =	sld [smem:$0x3FFB];
	_ =	sdelay $0x3  }
0x98: {  	_ =	strace s17  }
0x99: {  	s3 =	sld [smem:$0x3FFC];
	_ =	sdelay $0x3  }
0x9a: {  	_ =	strace s3  }
0x9b: {  	s3 =	sld [smem:$0x3FFD];
	_ =	sdelay $0x3  }
0x9c: {  	_ =	strace s3  }
0x9d: {  	_ =	strace $0x8FFFFFFF  }
0x9e: {  	s18 =	sld [smem:$0x3FDB];
	_ =	sdelay $0x1  }
0x9f: {  	s19 =	simm.s32 $_scs_section_size  }
0xa0: {  	s5 =	simm.s32 $_size__tile_overlayer_lowered;
	s6 =	simm.s32 $_tile_overlayer_lowered  }
0xa1: {  	s22 =	simm.s32 $0x1BFF;
	s21 =	sshll.u32 s6, $0x1;
	s3 =	sadd.s32 s19, s18  }
0xa2: {  	s7 =	simm.s32 $0x0;
	s20 =	sshll.u32 s5, $0x1;
	s5 =	sadd.s32 s21, s3  }
0xa3: {  	[timem:s7], [sflag:s22] =	dma.local [hbm:s5], s20  }
0xa4: {  	_ =	swait.ge [sflag:s22], s20  }
0xa5: {  	s4 =	ssub.s32 $0x0, s20;
	[sflag:s22] =	ssyncset.done $0x0  }
0xa6: {  	[sflag:s22] =	ssyncadd.s32 s4;
	_ =	sdelay $0x1  }
0xa7: {  	s23 =	simm.s32 $0x1B8B  }
0xa8: {  	_ =	swait.ge [sflag:s23], $0x1  }
0xa9: {  	[sflag:s23] =	ssyncset.done $0x0  }
0xaa: {  	s25 =	simm.s32 $0x1B8E;
	s24 =	sld [smem:$0x3FFE];
	[sflag:s23] =	ssyncadd.s32 $0xFFFFFFFF  }
0xab: {  	s26 =	simm.s32 $execute0_lowered;
	[smem:$0x3FD2] =	sst s25  }
0xac: {  	s5 =	sshll.u32 s26, $0x1;
	_ =	strace $0x8000005E;
	[dreg:$0x1] =	wrdreg $0xFFFFFFFF  }
0xad: {  	s28 =	simm.s32 $_size_execute0_lowered;
	s3 =	sadd.s32 s3, s5;
	[dreg:$0x0] =	wrdreg $0x0  }
0xae: {  	s5 =	sshll.u32 s28, $0x1;
	[dreg:$0x2] =	wrdreg s3  }
0xaf: {  	[dreg:$0x3] =	wrdreg s5  }
0xb0: {  	[dreg:$0x4] =	wrdreg $0xC0  }
0xb1: {  	_ =	task [dreg:s7], $0x5FFFF  }
0xb2: {  	[dreg:$0x1] =	wrdreg $0xFFFFFFFF  }
0xb3: {  	[dreg:$0x0] =	wrdreg $0x60  }
0xb4: {  	[dreg:$0x2] =	wrdreg s16  }
0xb5: {  	[dreg:$0x3] =	wrdreg s24  }
0xb6: {  	[dreg:$0x4] =	wrdreg $0x9  }
0xb7: {  	_ =	task.clear_ibuf [dreg:s7], $0x5FFFF;
	_ =	strace $0x9000005E  }
0xb8: {  	s29 =	simm.s32 $0x9;
	_ =	strace $0x80000060  }
0xb9: {  	_ =	swait.ge [sflag:s29], $0x1  }
0xba: {  	[sflag:s29] =	ssyncadd.s32 $0xFFFFFFFF  }
0xbb: {  	_ =	strace $0x90000060  }
0xbc: {  	_ =	sfence  }
0xbd: {  	s30 =	sld [smem:$0x0];
	_ =	sdelay $0x2  }
0xbe: {  	s31 =	sshll.u32 s1, $0xD;
	s1 =	sshrl.u32 s1, $0x2  }
0xbf: {  	s3 =	sand.u32 $0x4000, s31;
	s1 =	sadd.s32 s1, s30  }
0xc0: {  	s0 =	sor.u32 s3, s0;
	s1 =	sshll.u32 s1, $0x11  }
0xc1: {  	s0 =	sor.u32 s1, s0  }
0xc2: {  	s0 =	sadd.s32 $0x8F2B, s0  }
0xc3: {  	[sflag:s0] =	ssyncadd.remote.s32 $0x1  }
0xc4: {  	_ =	sfence.sel $0xFFFF  }
0xc5: {  	[dreg:$0x0] =	wrdreg $0xFFFFFFFF;
	(pc) =	sbr.abs _section_cstart, $3  }
0xc6: {  	[dreg:$0x1] =	wrdreg $0xFFFFFFFF  }
0xc7: {  	_ =	task.clear_ibuf [dreg:s7], $0x2FFFF;
	_ =	strace $0x9FFFFFFF  }
0xc8: {  	(tm) =	ssettm $0x7FFFFFFF  }
0xc9: {  	_ =	shalt  }
tec
execute0_lowered:
.L_overlay_start_1:
0x0: {  	(tag) =	ssettag $0x1  }
0x1: {  	s1 =	srdreg.scid  }
0x2: {  	s1 =	sand.u32 $0x1, s1  }
0x3: {  	p0 =	seq.s32 s1, $0x1  }
.Ltmp0:
0x4: {  	_ = 	snop;
	(pc) =	sbr.rel @p0 .LBB2_2-.Ltmp0, $4  }
0x5: {  	s4 =	rddreg [dreg:$0x0]  }
0x6: {  	s3 =	rddreg [dreg:$0x1];
	s2 =	simm.s32 $0x0  }
0x7: {  	[smem:$0x7FF] =	sst s2  }
0x8: {  	s0 =	rddreg [dreg:$0x2];
	_ =	strace $0x8000005F;
	s1 =	stileid.u32  }
0x9: {  	s5 =	sadd.s32 $0x4000, s3;
	s6 =	sshll.u32 s1, $0x4  }
0xa: {  	s5 =	sadd.s32 s5, s6  }
0xb: {  	[tilespmem:s2], [sflag:$0x1] =	stream.linear.gather [hbm4b:s5+s2], $0x80, $0x38;
	[tilespmem:$0x10080] =	vst v63  }
0xc: {  	s5 =	simm.s32 $0x1  }
0xd: {  	_ =	swait.ge [sflag:s5], $0x80  }
0xe: {  	[sflag:s5] =	ssyncset.done $0x0  }
0xf: {  	[sflag:s5] =	ssyncadd.s32 $0xFFFFFF80  }
0x10: {  	v0 =	vld [tilespmem:$0x0];
	_ =	sdelay $0x4  }
0x11: {  	v1 =	vshll.u32 v0, $0x2  }
0x12: {  	v2 =	vlaneseq.u32;
	v0 =	vand.u32 $0x7, v0;
	v1 =	vand.u32 $0xFFFFFFE0, v1  }
0x13: {  	v56 =	vand.u32 $0x7, v2;
	v3 =	vshrl.u32 v2, $0x3;
	v0 =	vor.u32 v0, v1  }
0x14: {  	v3 =	vmul.u32 $0x8, v3;
	v4 =	vperm.xlane v0, v56;
	_ =	sdelay $0x1  }
0x15: {  	v4 =	vadd.s32 v3, v4  }
0x16: {  	v2 =	vor.u32 $0x8, v2  }
0x17: {  	v0 =	vperm.xlane v0, v2;
	_ =	sdelay $0x1  }
0x18: {  	vm0 =	vmmov $0xffff;
	s6 =	simm.s32 $0x80;
	v0 =	vadd.s32 v3, v0  }
0x19: {  	[tilespmem:s6], [sflag:$0x1] =	stream.indirect_vreg.gather [hbm4b:s4+s2], $0x80, v4, vm0, $0xb8;
	[tilespmem:$0x10080] =	vst v63  }
0x1a: {  	s7 =	sadd.s32 $0x100, s4;
	s8 =	simm.s32 $0x880  }
0x1b: {  	[tilespmem:s8], [sflag:$0x1] =	stream.indirect_vreg.gather [hbm4b:s7+s2], $0x80, v4, vm0, $0xb8;
	[tilespmem:$0x10080] =	vst v63  }
0x1c: {  	s21 =	simm.s32 $0x1080  }
0x1d: {  	[tilespmem:s21], [sflag:$0x1] =	stream.indirect_vreg.gather [hbm4b:s4+s2], $0x80, v0, vm0, $0xb8;
	[tilespmem:$0x10080] =	vst v63  }
0x1e: {  	s22 =	simm.s32 $0x1880  }
0x1f: {  	[tilespmem:s22], [sflag:$0x1] =	stream.indirect_vreg.gather [hbm4b:s7+s2], $0x80, v0, vm0, $0xb8;
	[tilespmem:$0x10080] =	vst v63  }
0x20: {  	v0 =	vld [tilespmem:$0x10];
	_ =	sdelay $0x4  }
0x21: {  	v57 =	vshll.u32 v0, $0x2  }
0x22: {  	v0 =	vand.u32 $0x7, v0;
	v4 =	vand.u32 $0xFFFFFFE0, v57  }
0x23: {  	v0 =	vor.u32 v0, v4  }
0x24: {  	v4 =	vperm.xlane v0, v56;
	_ =	sdelay $0x1  }
0x25: {  	v4 =	vadd.s32 v3, v4;
	_ =	sdelay $0x1  }
0x26: {  	v0 =	vperm.xlane v0, v2;
	_ =	sdelay $0x1  }
0x27: {  	s23 =	simm.s32 $0x2080;
	v0 =	vadd.s32 v3, v0  }
0x28: {  	[tilespmem:s23], [sflag:$0x1] =	stream.indirect_vreg.gather [hbm4b:s4+s2], $0x80, v4, vm0, $0xb8;
	[tilespmem:$0x10080] =	vst v63  }
0x29: {  	s24 =	simm.s32 $0x2880  }
0x2a: {  	[tilespmem:s24], [sflag:$0x1] =	stream.indirect_vreg.gather [hbm4b:s7+s2], $0x80, v4, vm0, $0xb8;
	[tilespmem:$0x10080] =	vst v63  }
0x2b: {  	s25 =	simm.s32 $0x3080  }
0x2c: {  	[tilespmem:s25], [sflag:$0x1] =	stream.indirect_vreg.gather [hbm4b:s4+s2], $0x80, v0, vm0, $0xb8;
	[tilespmem:$0x10080] =	vst v63  }
0x2d: {  	s26 =	simm.s32 $0x3880  }
0x2e: {  	[tilespmem:s26], [sflag:$0x1] =	stream.indirect_vreg.gather [hbm4b:s7+s2], $0x80, v0, vm0, $0xb8;
	[tilespmem:$0x10080] =	vst v63  }
0x2f: {  	v0 =	vld [tilespmem:$0x20];
	_ =	sdelay $0x4  }
0x30: {  	v58 =	vshll.u32 v0, $0x2  }
0x31: {  	v0 =	vand.u32 $0x7, v0;
	v4 =	vand.u32 $0xFFFFFFE0, v58  }
0x32: {  	v0 =	vor.u32 v0, v4  }
0x33: {  	v4 =	vperm.xlane v0, v56;
	_ =	sdelay $0x1  }
0x34: {  	v4 =	vadd.s32 v3, v4;
	_ =	sdelay $0x1  }
0x35: {  	v0 =	vperm.xlane v0, v2;
	_ =	sdelay $0x1  }
0x36: {  	s28 =	simm.s32 $0x4080;
	v0 =	vadd.s32 v3, v0  }
0x37: {  	[tilespmem:s28], [sflag:$0x1] =	stream.indirect_vreg.gather [hbm4b:s4+s2], $0x80, v4, vm0, $0xb8;
	[tilespmem:$0x10080] =	vst v63  }
0x38: {  	s29 =	simm.s32 $0x4880  }
0x39: {  	[tilespmem:s29], [sflag:$0x1] =	stream.indirect_vreg.gather [hbm4b:s7+s2], $0x80, v4, vm0, $0xb8;
	[tilespmem:$0x10080] =	vst v63  }
0x3a: {  	s30 =	simm.s32 $0x5080  }
0x3b: {  	[tilespmem:s30], [sflag:$0x1] =	stream.indirect_vreg.gather [hbm4b:s4+s2], $0x80, v0, vm0, $0xb8;
	[tilespmem:$0x10080] =	vst v63  }
0x3c: {  	s31 =	simm.s32 $0x5880  }
0x3d: {  	[tilespmem:s31], [sflag:$0x1] =	stream.indirect_vreg.gather [hbm4b:s7+s2], $0x80, v0, vm0, $0xb8;
	[tilespmem:$0x10080] =	vst v63  }
0x3e: {  	v0 =	vld [tilespmem:$0x30];
	_ =	sdelay $0x4  }
0x3f: {  	v59 =	vshll.u32 v0, $0x2  }
0x40: {  	v0 =	vand.u32 $0x7, v0;
	v4 =	vand.u32 $0xFFFFFFE0, v59  }
0x41: {  	v0 =	vor.u32 v0, v4  }
0x42: {  	v4 =	vperm.xlane v0, v56;
	_ =	sdelay $0x1  }
0x43: {  	v4 =	vadd.s32 v3, v4;
	_ =	sdelay $0x1  }
0x44: {  	v0 =	vperm.xlane v0, v2;
	_ =	sdelay $0x1  }
0x45: {  	s9 =	simm.s32 $0x6080;
	v0 =	vadd.s32 v3, v0  }
0x46: {  	[tilespmem:s9], [sflag:$0x1] =	stream.indirect_vreg.gather [hbm4b:s4+s2], $0x80, v4, vm0, $0xb8;
	[tilespmem:$0x10080] =	vst v63  }
0x47: {  	s10 =	simm.s32 $0x6880  }
0x48: {  	[tilespmem:s10], [sflag:$0x1] =	stream.indirect_vreg.gather [hbm4b:s7+s2], $0x80, v4, vm0, $0xb8;
	[tilespmem:$0x10080] =	vst v63  }
0x49: {  	s11 =	simm.s32 $0x7080  }
0x4a: {  	[tilespmem:s11], [sflag:$0x1] =	stream.indirect_vreg.gather [hbm4b:s4+s2], $0x80, v0, vm0, $0xb8;
	[tilespmem:$0x10080] =	vst v63  }
0x4b: {  	s12 =	simm.s32 $0x7880  }
0x4c: {  	[tilespmem:s12], [sflag:$0x1] =	stream.indirect_vreg.gather [hbm4b:s7+s2], $0x80, v0, vm0, $0xb8;
	[tilespmem:$0x10080] =	vst v63  }
0x4d: {  	v0 =	vld [tilespmem:$0x40];
	_ =	sdelay $0x4  }
0x4e: {  	v60 =	vshll.u32 v0, $0x2  }
0x4f: {  	v0 =	vand.u32 $0x7, v0;
	v4 =	vand.u32 $0xFFFFFFE0, v60  }
0x50: {  	v0 =	vor.u32 v0, v4  }
0x51: {  	v4 =	vperm.xlane v0, v56;
	_ =	sdelay $0x1  }
0x52: {  	v4 =	vadd.s32 v3, v4;
	_ =	sdelay $0x1  }
0x53: {  	v0 =	vperm.xlane v0, v2;
	_ =	sdelay $0x1  }
0x54: {  	s13 =	simm.s32 $0x8080;
	v0 =	vadd.s32 v3, v0  }
0x55: {  	[tilespmem:s13], [sflag:$0x1] =	stream.indirect_vreg.gather [hbm4b:s4+s2], $0x80, v4, vm0, $0xb8;
	[tilespmem:$0x10080] =	vst v63  }
0x56: {  	s14 =	simm.s32 $0x8880  }
0x57: {  	[tilespmem:s14], [sflag:$0x1] =	stream.indirect_vreg.gather [hbm4b:s7+s2], $0x80, v4, vm0, $0xb8;
	[tilespmem:$0x10080] =	vst v63  }
0x58: {  	s15 =	simm.s32 $0x9080  }
0x59: {  	[tilespmem:s15], [sflag:$0x1] =	stream.indirect_vreg.gather [hbm4b:s4+s2], $0x80, v0, vm0, $0xb8;
	[tilespmem:$0x10080] =	vst v63  }
0x5a: {  	s16 =	simm.s32 $0x9880  }
0x5b: {  	[tilespmem:s16], [sflag:$0x1] =	stream.indirect_vreg.gather [hbm4b:s7+s2], $0x80, v0, vm0, $0xb8;
	[tilespmem:$0x10080] =	vst v63  }
0x5c: {  	v0 =	vld [tilespmem:$0x50];
	_ =	sdelay $0x4  }
0x5d: {  	v61 =	vshll.u32 v0, $0x2  }
0x5e: {  	v0 =	vand.u32 $0x7, v0;
	v4 =	vand.u32 $0xFFFFFFE0, v61  }
0x5f: {  	v0 =	vor.u32 v0, v4  }
0x60: {  	v4 =	vperm.xlane v0, v56;
	_ =	sdelay $0x1  }
0x61: {  	v4 =	vadd.s32 v3, v4;
	_ =	sdelay $0x1  }
0x62: {  	v0 =	vperm.xlane v0, v2;
	_ =	sdelay $0x1  }
0x63: {  	s17 =	simm.s32 $0xA080;
	v0 =	vadd.s32 v3, v0  }
0x64: {  	[tilespmem:s17], [sflag:$0x1] =	stream.indirect_vreg.gather [hbm4b:s4+s2], $0x80, v4, vm0, $0xb8;
	[tilespmem:$0x10080] =	vst v63  }
0x65: {  	s18 =	simm.s32 $0xA880  }
0x66: {  	[tilespmem:s18], [sflag:$0x1] =	stream.indirect_vreg.gather [hbm4b:s7+s2], $0x80, v4, vm0, $0xb8;
	[tilespmem:$0x10080] =	vst v63  }
0x67: {  	s19 =	simm.s32 $0xB080  }
0x68: {  	[tilespmem:s19], [sflag:$0x1] =	stream.indirect_vreg.gather [hbm4b:s4+s2], $0x80, v0, vm0, $0xb8;
	[tilespmem:$0x10080] =	vst v63  }
0x69: {  	s20 =	simm.s32 $0xB880  }
0x6a: {  	[tilespmem:s20], [sflag:$0x1] =	stream.indirect_vreg.gather [hbm4b:s7+s2], $0x80, v0, vm0, $0xb8;
	[tilespmem:$0x10080] =	vst v63  }
0x6b: {  	v0 =	vld [tilespmem:$0x60];
	_ =	sdelay $0x4  }
0x6c: {  	v62 =	vshll.u32 v0, $0x2  }
0x6d: {  	v0 =	vand.u32 $0x7, v0;
	v4 =	vand.u32 $0xFFFFFFE0, v62  }
0x6e: {  	v0 =	vor.u32 v0, v4  }
0x6f: {  	v4 =	vperm.xlane v0, v56;
	_ =	sdelay $0x1  }
0x70: {  	v4 =	vadd.s32 v3, v4;
	_ =	sdelay $0x1  }
0x71: {  	v0 =	vperm.xlane v0, v2;
	_ =	sdelay $0x1  }
0x72: {  	s21 =	simm.s32 $0xC080;
	v0 =	vadd.s32 v3, v0  }
0x73: {  	[tilespmem:s21], [sflag:$0x1] =	stream.indirect_vreg.gather [hbm4b:s4+s2], $0x80, v4, vm0, $0xb8;
	[tilespmem:$0x10080] =	vst v63  }
0x74: {  	s22 =	simm.s32 $0xC880  }
0x75: {  	[tilespmem:s22], [sflag:$0x1] =	stream.indirect_vreg.gather [hbm4b:s7+s2], $0x80, v4, vm0, $0xb8;
	[tilespmem:$0x10080] =	vst v63  }
0x76: {  	s23 =	simm.s32 $0xD080  }
0x77: {  	[tilespmem:s23], [sflag:$0x1] =	stream.indirect_vreg.gather [hbm4b:s4+s2], $0x80, v0, vm0, $0xb8;
	[tilespmem:$0x10080] =	vst v63  }
0x78: {  	s24 =	simm.s32 $0xD880  }
0x79: {  	[tilespmem:s24], [sflag:$0x1] =	stream.indirect_vreg.gather [hbm4b:s7+s2], $0x80, v0, vm0, $0xb8;
	[tilespmem:$0x10080] =	vst v63  }
0x7a: {  	v0 =	vld [tilespmem:$0x70];
	_ =	sdelay $0x4  }
0x7b: {  	v63 =	vshll.u32 v0, $0x2  }
0x7c: {  	v0 =	vand.u32 $0x7, v0;
	v4 =	vand.u32 $0xFFFFFFE0, v63  }
0x7d: {  	v0 =	vor.u32 v0, v4  }
0x7e: {  	v1 =	vperm.xlane v0, v56;
	_ =	sdelay $0x1  }
0x7f: {  	v1 =	vadd.s32 v3, v1;
	_ =	sdelay $0x1  }
0x80: {  	v0 =	vperm.xlane v0, v2;
	_ =	sdelay $0x1  }
0x81: {  	s25 =	simm.s32 $0xE080;
	v0 =	vadd.s32 v3, v0  }
0x82: {  	[tilespmem:s25], [sflag:$0x1] =	stream.indirect_vreg.gather [hbm4b:s4+s2], $0x80, v1, vm0, $0xb8;
	[tilespmem:$0x10080] =	vst v63  }
0x83: {  	s26 =	simm.s32 $0xE880  }
0x84: {  	[tilespmem:s26], [sflag:$0x1] =	stream.indirect_vreg.gather [hbm4b:s7+s2], $0x80, v1, vm0, $0xb8;
	[tilespmem:$0x10080] =	vst v63  }
0x85: {  	s28 =	simm.s32 $0xF080  }
0x86: {  	[tilespmem:s28], [sflag:$0x1] =	stream.indirect_vreg.gather [hbm4b:s4+s2], $0x80, v0, vm0, $0xb8;
	[tilespmem:$0x10080] =	vst v63  }
0x87: {  	s29 =	simm.s32 $0xF880  }
0x88: {  	[tilespmem:s29], [sflag:$0x1] =	stream.indirect_vreg.gather [hbm4b:s7+s2], $0x80, v0, vm0, $0xb8;
	[tilespmem:$0x10080] =	vst v63  }
0x89: {  	_ =	swait.ge [sflag:s5], $0x10000  }
0x8a: {  	s30 =	sadd.s32 $0x36A00, s3;
	s31 =	sshll.u32 s1, $0xD;
	[sflag:s5] =	ssyncset.done $0x0  }
0x8b: {  	s3 =	sadd.s32 s30, s31;
	[sflag:s5] =	ssyncadd.s32 $0xFFFF0000  }
0x8c: {  	[hbm4b:s3+s2] =	stream.linear.scatter [tilespmem:s6], [sflag:$0x1], $0x10000, $0x38;
	[tilespmem:$0x10080] =	vst v63  }
0x8d: {  	_ =	swait.ge [sflag:s5], $0x10000  }
0x8e: {  	[sflag:s5] =	ssyncset.done $0x0  }
0x8f: {  	[sflag:s5] =	ssyncadd.s32 $0xFFFF0000  }
.LBB2_2:
0x90: {  	_ =	sfence.sel $0x180000  }
0x91: {  	[bflag:$0x0] =	sbarrier.arrive $0xFFFF  }
0x92: {  	p0 =	sne.s32 s1, $0x0;
	_ =	strace $0x9000005F  }
0x93: {  	s0 =	sadd.s32 @!p0 $0x100000, s0;
	[bflag:$0x2] =	sbarrier.arrive $0xFFFF  }
0x94: {  	[sflag:s0] =	ssyncadd.tile.s32 @!p0 $0x1;
	_ =	shalt  }
.Lfunc_end2:
_tile_overlayer_lowered:
.L_overlay_start_2:
0x95: {  	(tag) =	ssettag $0x2  }
0x96: {  	s0 =	rddreg [dreg:$0x0];
	s2 =	stileid.u32  }
0x97: {  	s1 =	rddreg [dreg:$0x1];
	p0 =	sne.s32 s2, $0x0  }
0x98: {  	s3 =	rddreg [dreg:$0x2];
	[bflag:$0x3] =	sbarrier.arrive $0xFFFF;
	s2 =	simm.s32 @!p0 $0x1C02  }
0x99: {  	[timem:s3], [sflag:s2] =	dma.local @!p0 [hbm:s0], s1  }
0x9a: {  	s0 =	simm.s32 @!p0 $0x2  }
0x9b: {  	_ =	swait.ge @!p0 [sflag:s0], s1  }
0x9c: {  	s1 =	ssub.s32 @!p0 $0x0, s1;
	[sflag:s0] =	ssyncset.done @!p0 $0x0  }
0x9d: {  	[sflag:s0] =	ssyncadd.s32 @!p0 s1  }
0x9e: {  	[bflag:$0x3] =	sbarrier.arrive $0xFFFF  }
0x9f: {  	_ =	shalt  }

// kernel: kernel.85.cloned.1.call-start
scs
__scs_entry_jumppad:
0x0: {  	(pc) =	sbr.rel $0x88, $3  }
0x1: {  	(tag) =	ssettag $0x0;
	lr =	simm.s32 $0x1  }
0x2: {  	[smem:$0x3F8E] =	sst lr;
	_ =	strace $0xD0000000  }
0x3: {  	_ = 	snop  }
0x4: {  	_ = 	snop  }
0x5: {  	_ = 	snop  }
0x6: {  	_ = 	snop  }
0x7: {  	_ = 	snop  }
__scs_overlays_trampoline_lowered:
0x8: {  	[smem:$0x3F9D] =	sst s0  }
0x9: {  	[smem:$0x3F9E] =	sst s1  }
0xa: {  	[smem:$0x3F9F] =	sst s2  }
0xb: {  	[smem:$0x3FA0] =	sst s3  }
0xc: {  	[smem:$0x3FA1] =	sst s4  }
0xd: {  	[smem:$0x3FA2] =	sst s5  }
0xe: {  	[smem:$0x3FA3] =	sst s6  }
0xf: {  	[smem:$0x3FA4] =	sst s7  }
0x10: {  	[smem:$0x3FA5] =	sst s8  }
0x11: {  	[smem:$0x3FA6] =	sst s9;
	s0 =	simm.s32 @!p0 $0x0  }
0x12: {  	s1 =	sld [smem:$0x3F8C];
	s0 =	simm.s32 @p0 $0x1  }
0x13: {  	[smem:$0x3FA7] =	sst s0;
	s0 =	simm.s32 @!p1 $0x0  }
0x14: {  	s2 =	sld [smem:$0x3F8B];
	s0 =	simm.s32 @p1 $0x1  }
0x15: {  	[smem:$0x3FA8] =	sst s0;
	s0 =	simm.s32 @!p2 $0x0  }
0x16: {  	s3 =	sld [smem:$0x3FDB];
	s0 =	simm.s32 @p2 $0x1  }
0x17: {  	s4 =	simm.s32 $0x1BF5;
	[smem:$0x3FAA] =	sst s0  }
0x18: {  	s0 =	sld [smem:$0x3F8D];
	_ =	swait.ge [sflag:s4], $0x0  }
0x19: {  	s7 =	sld [smem:$0x3F8E]  }
0x1a: {  	s8 =	sadd.s32 $0xFFFFE003, lr  }
0x1b: {  	s9 =	sadd.s32 $0xFFFFFEF7, lr;
	s5 =	simm.s32 $0xFFFFFFFF;
	p2 =	slt.u32 s8, $0xFFFFF086  }
0x1c: {  	p1 =	slt.u32 s9, $0xF7A;
	s5 =	simm.s32 @!p2 $0x0  }
0x1d: {  	s5 =	simm.s32 @p1 $0x1;
	p0 =	seq.s32 s7, s2  }
0x1e: {  	s7 =	smul.u32 @!p0 $0xF7A, s2;
	p2 =	seq.s32 @!p0 s5, $0x0  }
0x1f: {  	s9 =	smul.u32 $0xF7A, s1;
	s8 =	simm.s32 @!p0 $0x1BF5;
	p2 =	por !p2, p0  }
0x20: {  	[sflag:s8] =	ssyncset.s32 @!p0 $0xFFFFF086;
	s6 =	sadd.s32 @!p0 s3, s7;
	s7 =	simm.s32 @!p0 $0x108  }
0x21: {  	s3 =	sadd.s32 s3, s9;
	s6 =	sadd.s32 @!p0 $0x88, s6;
	s7 =	simm.s32 @p2 $0x1082  }
0x22: {  	[simem:s7], [sflag:s8] =	dma.local @!p0 [hbm:s6], $0xF7A  }
0x23: {  	s9 =	sor.u32 $0xD0000000, s2;
	s6 =	simm.s32 $0x108;
	_ =	swait.ge @!p0 [sflag:s8], $0x0  }
0x24: {  	s3 =	sadd.s32 $0x88, s3;
	s6 =	simm.s32 @!p1 $0x1082;
	[sflag:s4] =	ssyncset.s32 $0xFFFFF086  }
0x25: {  	[simem:s6], [sflag:s4] =	dma.local [hbm:s3], $0xF7A  }
0x26: {  	[smem:$0x3F8E] =	sst s1;
	(tag) =	ssettag s2;
	_ =	strace s9  }
0x27: {  	s1 =	sld [smem:$0x3F9E]  }
0x28: {  	s2 =	sld [smem:$0x3F9F]  }
0x29: {  	s4 =	sld [smem:$0x3FA1]  }
0x2a: {  	p0 =	seq.s32 s5, $0x0;
	s5 =	sld [smem:$0x3FA2]  }
0x2b: {  	s6 =	sld [smem:$0x3FA3]  }
0x2c: {  	s7 =	sld [smem:$0x3FA4]  }
0x2d: {  	s3 =	simm.s32 $0x108;
	s8 =	sld [smem:$0x3FA5]  }
0x2e: {  	s3 =	simm.s32 @!p0 $0x1082;
	s9 =	sld [smem:$0x3FA6]  }
0x2f: {  	lr =	sadd.s32 s0, s3;
	s0 =	sld [smem:$0x3F9D]  }
0x30: {  	s3 =	sld [smem:$0x3FA0]  }
0x31: {  	[smem:$0x3FA9] =	sst s10  }
0x32: {  	s10 =	sld [smem:$0x3FA7];
	_ =	sdelay $0x3  }
0x33: {  	p0 =	seq.s32 s10, $0x1;
	s10 =	sld [smem:$0x3FA9];
	_ =	sdelay $0x3  }
0x34: {  	[smem:$0x3FA9] =	sst s10  }
0x35: {  	s10 =	sld [smem:$0x3FA8];
	_ =	sdelay $0x3  }
0x36: {  	p1 =	seq.s32 s10, $0x1;
	s10 =	sld [smem:$0x3FA9];
	_ =	sdelay $0x3  }
0x37: {  	[smem:$0x3FA9] =	sst s10  }
0x38: {  	s10 =	sld [smem:$0x3FAA]  }
0x39: {  	_ = 	snop;
	(pc) =	sbr.ind lr, $3  }
0x3a: {  	_ = 	snop  }
0x3b: {  	_ = 	snop  }
0x3c: {  	p2 =	seq.s32 s10, $0x1;
	s10 =	sld [smem:$0x3FA9]  }
0x3d: {  	_ =	shalt  }
0x3e: {  	_ =	shalt  }
0x3f: {  	_ =	shalt  }
0x40: {  	_ =	shalt  }
0x41: {  	_ =	shalt  }
0x42: {  	_ =	shalt  }
0x43: {  	_ =	shalt  }
0x44: {  	_ =	shalt  }
0x45: {  	_ =	shalt  }
0x46: {  	_ =	shalt  }
0x47: {  	_ =	shalt  }
0x48: {  	_ =	shalt  }
0x49: {  	_ =	shalt  }
0x4a: {  	_ =	shalt  }
0x4b: {  	_ =	shalt  }
0x4c: {  	_ =	shalt  }
0x4d: {  	_ =	shalt  }
0x4e: {  	_ =	shalt  }
0x4f: {  	_ =	shalt  }
0x50: {  	_ =	shalt  }
0x51: {  	_ =	shalt  }
0x52: {  	_ =	shalt  }
0x53: {  	_ =	shalt  }
0x54: {  	_ =	shalt  }
0x55: {  	_ =	shalt  }
0x56: {  	_ =	shalt  }
0x57: {  	_ =	shalt  }
0x58: {  	_ =	shalt  }
0x59: {  	_ =	shalt  }
0x5a: {  	_ =	shalt  }
0x5b: {  	_ =	shalt  }
0x5c: {  	_ =	shalt  }
0x5d: {  	_ =	shalt  }
0x5e: {  	_ =	shalt  }
0x5f: {  	_ =	shalt  }
0x60: {  	_ =	shalt  }
0x61: {  	_ =	shalt  }
0x62: {  	_ =	shalt  }
0x63: {  	_ =	shalt  }
0x64: {  	_ =	shalt  }
0x65: {  	_ =	shalt  }
0x66: {  	_ =	shalt  }
0x67: {  	_ =	shalt  }
0x68: {  	_ =	shalt  }
0x69: {  	_ =	shalt  }
0x6a: {  	_ =	shalt  }
0x6b: {  	_ =	shalt  }
0x6c: {  	_ =	shalt  }
0x6d: {  	_ =	shalt  }
0x6e: {  	_ =	shalt  }
0x6f: {  	_ =	shalt  }
0x70: {  	_ =	shalt  }
0x71: {  	_ =	shalt  }
0x72: {  	_ =	shalt  }
0x73: {  	_ =	shalt  }
0x74: {  	_ =	shalt  }
0x75: {  	_ =	shalt  }
0x76: {  	_ =	shalt  }
0x77: {  	_ =	shalt  }
0x78: {  	_ =	shalt  }
0x79: {  	_ =	shalt  }
0x7a: {  	_ =	shalt  }
0x7b: {  	_ =	shalt  }
0x7c: {  	_ =	shalt  }
0x7d: {  	_ =	shalt  }
0x7e: {  	_ =	shalt  }
0x7f: {  	_ =	shalt  }
0x80: {  	_ =	shalt  }
0x81: {  	_ =	shalt  }
0x82: {  	_ =	shalt  }
0x83: {  	_ =	shalt  }
0x84: {  	_ =	shalt  }
0x85: {  	_ =	shalt  }
0x86: {  	_ =	shalt  }
0x87: {  	_ =	shalt  }
.Lfunc_end0:
.L_simem_size_0:
called_computation.9_lowered:
.L_overlay_start_0:
0x88: {  	s2 =	sld [smem:$0x3FD9]  }
0x89: {  	s3 =	sld [smem:$0x3FFE];
	_ =	sdelay $0x1  }
0x8a: {  	s1 =	srdreg.scid  }
0x8b: {  	s0 =	sand.u32 $0x1, s1  }
0x8c: {  	s14 =	sshll.u32 s0, $0xA;
	s2 =	sadd.s32 s3, s2  }
0x8d: {  	s2 =	sadd.s32 s2, s14  }
0x8e: {  	[smem:$0x3FB5] =	sst s2  }
0x8f: {  	_ = 	snop  }
0x90: {  	s2 =	sld [smem:$0x3FD0];
	_ =	sdelay $0x2  }
0x91: {  	s15 =	simm.s32 $0xA;
	s4 =	simm.s32 $0x10  }
0x92: {  	[smem:s4], [sflag:s15] =	dma.local [hbm:s2], $0x1  }
0x93: {  	_ =	swait.eq [sflag:s15], $0x1  }
0x94: {  	[sflag:s15] =	ssyncset.done $0x0  }
0x95: {  	[sflag:s15] =	ssyncadd.s32 $0xFFFFFFFF  }
0x96: {  	s16 =	sld [smem:$0x10];
	(tm) =	ssettm $0x1  }
0x97: {  	s17 =	sld [smem:$0x3FFB];
	_ =	sdelay $0x3  }
0x98: {  	_ =	strace s17  }
0x99: {  	s3 =	sld [smem:$0x3FFC];
	_ =	sdelay $0x3  }
0x9a: {  	_ =	strace s3  }
0x9b: {  	s3 =	sld [smem:$0x3FFD];
	_ =	sdelay $0x3  }
0x9c: {  	_ =	strace s3  }
0x9d: {  	_ =	strace $0x8FFFFFFF  }
0x9e: {  	s18 =	sld [smem:$0x3FDB];
	_ =	sdelay $0x1  }
0x9f: {  	s19 =	simm.s32 $_scs_section_size  }
0xa0: {  	s5 =	simm.s32 $_size__tile_overlayer_lowered;
	s6 =	simm.s32 $_tile_overlayer_lowered  }
0xa1: {  	s22 =	simm.s32 $0x1BFF;
	s21 =	sshll.u32 s6, $0x1;
	s3 =	sadd.s32 s19, s18  }
0xa2: {  	s7 =	simm.s32 $0x0;
	s20 =	sshll.u32 s5, $0x1;
	s5 =	sadd.s32 s21, s3  }
0xa3: {  	[timem:s7], [sflag:s22] =	dma.local [hbm:s5], s20  }
0xa4: {  	_ =	swait.ge [sflag:s22], s20  }
0xa5: {  	s4 =	ssub.s32 $0x0, s20;
	[sflag:s22] =	ssyncset.done $0x0  }
0xa6: {  	[sflag:s22] =	ssyncadd.s32 s4;
	_ =	sdelay $0x1  }
0xa7: {  	s23 =	simm.s32 $0x1B8B  }
0xa8: {  	_ =	swait.ge [sflag:s23], $0x1  }
0xa9: {  	[sflag:s23] =	ssyncset.done $0x0  }
0xaa: {  	s25 =	simm.s32 $0x1B8E;
	s24 =	sld [smem:$0x3FFE];
	[sflag:s23] =	ssyncadd.s32 $0xFFFFFFFF  }
0xab: {  	s26 =	simm.s32 $execute0_lowered;
	[smem:$0x3FD2] =	sst s25  }
0xac: {  	s5 =	sshll.u32 s26, $0x1;
	_ =	strace $0x80000061;
	[dreg:$0x1] =	wrdreg $0xFFFFFFFF  }
0xad: {  	s28 =	simm.s32 $_size_execute0_lowered;
	s3 =	sadd.s32 s3, s5;
	[dreg:$0x0] =	wrdreg $0x0  }
0xae: {  	s5 =	sshll.u32 s28, $0x1;
	[dreg:$0x2] =	wrdreg s3  }
0xaf: {  	[dreg:$0x3] =	wrdreg s5  }
0xb0: {  	[dreg:$0x4] =	wrdreg $0xC0  }
0xb1: {  	_ =	task [dreg:s7], $0x5FFFF  }
0xb2: {  	[dreg:$0x1] =	wrdreg $0xFFFFFFFF  }
0xb3: {  	[dreg:$0x0] =	wrdreg $0x60  }
0xb4: {  	[dreg:$0x2] =	wrdreg s24  }
0xb5: {  	[dreg:$0x3] =	wrdreg s16  }
0xb6: {  	[dreg:$0x4] =	wrdreg $0x9  }
0xb7: {  	_ =	task.clear_ibuf [dreg:s7], $0x5FFFF;
	_ =	strace $0x90000061  }
0xb8: {  	s29 =	simm.s32 $0x9;
	_ =	strace $0x80000063  }
0xb9: {  	_ =	swait.ge [sflag:s29], $0x1  }
0xba: {  	[sflag:s29] =	ssyncadd.s32 $0xFFFFFFFF  }
0xbb: {  	_ =	strace $0x90000063  }
0xbc: {  	_ =	sfence  }
0xbd: {  	s30 =	sld [smem:$0x0];
	_ =	sdelay $0x2  }
0xbe: {  	s31 =	sshll.u32 s1, $0xD;
	s1 =	sshrl.u32 s1, $0x2  }
0xbf: {  	s3 =	sand.u32 $0x4000, s31;
	s1 =	sadd.s32 s1, s30  }
0xc0: {  	s0 =	sor.u32 s3, s0;
	s1 =	sshll.u32 s1, $0x11  }
0xc1: {  	s0 =	sor.u32 s1, s0  }
0xc2: {  	s0 =	sadd.s32 $0x8F2B, s0  }
0xc3: {  	[sflag:s0] =	ssyncadd.remote.s32 $0x1  }
0xc4: {  	_ =	sfence.sel $0xFFFF  }
0xc5: {  	[dreg:$0x0] =	wrdreg $0xFFFFFFFF;
	(pc) =	sbr.abs _section_cstart, $3  }
0xc6: {  	[dreg:$0x1] =	wrdreg $0xFFFFFFFF  }
0xc7: {  	_ =	task.clear_ibuf [dreg:s7], $0x2FFFF;
	_ =	strace $0x9FFFFFFF  }
0xc8: {  	(tm) =	ssettm $0x7FFFFFFF  }
0xc9: {  	_ =	shalt  }
tec
execute0_lowered:
.L_overlay_start_1:
0x0: {  	(tag) =	ssettag $0x1  }
0x1: {  	s1 =	srdreg.scid  }
0x2: {  	s1 =	sand.u32 $0x1, s1  }
0x3: {  	p0 =	seq.s32 s1, $0x1  }
.Ltmp0:
0x4: {  	_ = 	snop;
	(pc) =	sbr.rel @p0 .LBB2_2-.Ltmp0, $4  }
0x5: {  	s5 =	rddreg [dreg:$0x0]  }
0x6: {  	s2 =	rddreg [dreg:$0x1];
	s3 =	simm.s32 $0x0  }
0x7: {  	[smem:$0x7FF] =	sst s3  }
0x8: {  	s0 =	rddreg [dreg:$0x2];
	_ =	strace $0x80000062;
	s1 =	stileid.u32  }
0x9: {  	s4 =	sadd.s32 $0x3E00, s5;
	s6 =	sshll.u32 s1, $0x4  }
0xa: {  	s4 =	sadd.s32 s4, s6  }
0xb: {  	[tilespmem:s3], [sflag:$0x1] =	stream.linear.gather [hbm4b:s4+s3], $0x80, $0x38;
	[tilespmem:$0x10080] =	vst v63  }
0xc: {  	s4 =	simm.s32 $0x1  }
0xd: {  	_ =	swait.ge [sflag:s4], $0x80  }
0xe: {  	s21 =	sadd.s32 $0xAC00, s5;
	s22 =	sshll.u32 s1, $0xD;
	[sflag:s4] =	ssyncset.done $0x0  }
0xf: {  	s23 =	simm.s32 $0x80;
	s5 =	sadd.s32 s21, s22;
	[sflag:s4] =	ssyncadd.s32 $0xFFFFFF80  }
0x10: {  	[tilespmem:s23], [sflag:$0x1] =	stream.linear.gather [hbm4b:s5+s3], $0x10000, $0x38;
	[tilespmem:$0x10080] =	vst v63  }
0x11: {  	_ =	swait.ge [sflag:s4], $0x10000  }
0x12: {  	[sflag:s4] =	ssyncset.done $0x0  }
0x13: {  	[sflag:s4] =	ssyncadd.s32 $0xFFFF0000  }
0x14: {  	v0 =	vld [tilespmem:$0x0];
	_ =	sdelay $0x4  }
0x15: {  	v1 =	vshll.u32 v0, $0x2  }
0x16: {  	v2 =	vlaneseq.u32;
	v0 =	vand.u32 $0x7, v0;
	v1 =	vand.u32 $0xFFFFFFE0, v1  }
0x17: {  	v56 =	vand.u32 $0x7, v2;
	v3 =	vshrl.u32 v2, $0x3;
	v0 =	vor.u32 v0, v1  }
0x18: {  	v3 =	vmul.u32 $0x8, v3;
	v4 =	vperm.xlane v0, v56;
	_ =	sdelay $0x1  }
0x19: {  	v4 =	vadd.s32 v3, v4  }
0x1a: {  	v2 =	vor.u32 $0x8, v2  }
0x1b: {  	v0 =	vperm.xlane v0, v2;
	_ =	sdelay $0x1  }
0x1c: {  	vm0 =	vmmov $0xffff;
	v0 =	vadd.s32 v3, v0  }
0x1d: {  	[hbm4b:s2+s3] =	stream.indirect_vreg.scatter [tilespmem:s23], [sflag:$0x1], $0x80, v4, vm0, $0xb8;
	[tilespmem:$0x10080] =	vst v63  }
0x1e: {  	s24 =	simm.s32 $0x880;
	s5 =	sadd.s32 $0x100, s2  }
0x1f: {  	[hbm4b:s5+s3] =	stream.indirect_vreg.scatter [tilespmem:s24], [sflag:$0x1], $0x80, v4, vm0, $0xb8;
	[tilespmem:$0x10080] =	vst v63  }
0x20: {  	s25 =	simm.s32 $0x1080  }
0x21: {  	[hbm4b:s2+s3] =	stream.indirect_vreg.scatter [tilespmem:s25], [sflag:$0x1], $0x80, v0, vm0, $0xb8;
	[tilespmem:$0x10080] =	vst v63  }
0x22: {  	s26 =	simm.s32 $0x1880  }
0x23: {  	[hbm4b:s5+s3] =	stream.indirect_vreg.scatter [tilespmem:s26], [sflag:$0x1], $0x80, v0, vm0, $0xb8;
	[tilespmem:$0x10080] =	vst v63  }
0x24: {  	v0 =	vld [tilespmem:$0x10];
	_ =	sdelay $0x4  }
0x25: {  	v57 =	vshll.u32 v0, $0x2  }
0x26: {  	v0 =	vand.u32 $0x7, v0;
	v4 =	vand.u32 $0xFFFFFFE0, v57  }
0x27: {  	v0 =	vor.u32 v0, v4  }
0x28: {  	v4 =	vperm.xlane v0, v56;
	_ =	sdelay $0x1  }
0x29: {  	v4 =	vadd.s32 v3, v4;
	_ =	sdelay $0x1  }
0x2a: {  	v0 =	vperm.xlane v0, v2;
	_ =	sdelay $0x1  }
0x2b: {  	s28 =	simm.s32 $0x2080;
	v0 =	vadd.s32 v3, v0  }
0x2c: {  	[hbm4b:s2+s3] =	stream.indirect_vreg.scatter [tilespmem:s28], [sflag:$0x1], $0x80, v4, vm0, $0xb8;
	[tilespmem:$0x10080] =	vst v63  }
0x2d: {  	s29 =	simm.s32 $0x2880  }
0x2e: {  	[hbm4b:s5+s3] =	stream.indirect_vreg.scatter [tilespmem:s29], [sflag:$0x1], $0x80, v4, vm0, $0xb8;
	[tilespmem:$0x10080] =	vst v63  }
0x2f: {  	s30 =	simm.s32 $0x3080  }
0x30: {  	[hbm4b:s2+s3] =	stream.indirect_vreg.scatter [tilespmem:s30], [sflag:$0x1], $0x80, v0, vm0, $0xb8;
	[tilespmem:$0x10080] =	vst v63  }
0x31: {  	s31 =	simm.s32 $0x3880  }
0x32: {  	[hbm4b:s5+s3] =	stream.indirect_vreg.scatter [tilespmem:s31], [sflag:$0x1], $0x80, v0, vm0, $0xb8;
	[tilespmem:$0x10080] =	vst v63  }
0x33: {  	v0 =	vld [tilespmem:$0x20];
	_ =	sdelay $0x4  }
0x34: {  	v58 =	vshll.u32 v0, $0x2  }
0x35: {  	v0 =	vand.u32 $0x7, v0;
	v4 =	vand.u32 $0xFFFFFFE0, v58  }
0x36: {  	v0 =	vor.u32 v0, v4  }
0x37: {  	v4 =	vperm.xlane v0, v56;
	_ =	sdelay $0x1  }
0x38: {  	v4 =	vadd.s32 v3, v4;
	_ =	sdelay $0x1  }
0x39: {  	v0 =	vperm.xlane v0, v2;
	_ =	sdelay $0x1  }
0x3a: {  	s7 =	simm.s32 $0x4080;
	v0 =	vadd.s32 v3, v0  }
0x3b: {  	[hbm4b:s2+s3] =	stream.indirect_vreg.scatter [tilespmem:s7], [sflag:$0x1], $0x80, v4, vm0, $0xb8;
	[tilespmem:$0x10080] =	vst v63  }
0x3c: {  	s8 =	simm.s32 $0x4880  }
0x3d: {  	[hbm4b:s5+s3] =	stream.indirect_vreg.scatter [tilespmem:s8], [sflag:$0x1], $0x80, v4, vm0, $0xb8;
	[tilespmem:$0x10080] =	vst v63  }
0x3e: {  	s9 =	simm.s32 $0x5080  }
0x3f: {  	[hbm4b:s2+s3] =	stream.indirect_vreg.scatter [tilespmem:s9], [sflag:$0x1], $0x80, v0, vm0, $0xb8;
	[tilespmem:$0x10080] =	vst v63  }
0x40: {  	s10 =	simm.s32 $0x5880  }
0x41: {  	[hbm4b:s5+s3] =	stream.indirect_vreg.scatter [tilespmem:s10], [sflag:$0x1], $0x80, v0, vm0, $0xb8;
	[tilespmem:$0x10080] =	vst v63  }
0x42: {  	v0 =	vld [tilespmem:$0x30];
	_ =	sdelay $0x4  }
0x43: {  	v59 =	vshll.u32 v0, $0x2  }
0x44: {  	v0 =	vand.u32 $0x7, v0;
	v4 =	vand.u32 $0xFFFFFFE0, v59  }
0x45: {  	v0 =	vor.u32 v0, v4  }
0x46: {  	v4 =	vperm.xlane v0, v56;
	_ =	sdelay $0x1  }
0x47: {  	v4 =	vadd.s32 v3, v4;
	_ =	sdelay $0x1  }
0x48: {  	v0 =	vperm.xlane v0, v2;
	_ =	sdelay $0x1  }
0x49: {  	s11 =	simm.s32 $0x6080;
	v0 =	vadd.s32 v3, v0  }
0x4a: {  	[hbm4b:s2+s3] =	stream.indirect_vreg.scatter [tilespmem:s11], [sflag:$0x1], $0x80, v4, vm0, $0xb8;
	[tilespmem:$0x10080] =	vst v63  }
0x4b: {  	s12 =	simm.s32 $0x6880  }
0x4c: {  	[hbm4b:s5+s3] =	stream.indirect_vreg.scatter [tilespmem:s12], [sflag:$0x1], $0x80, v4, vm0, $0xb8;
	[tilespmem:$0x10080] =	vst v63  }
0x4d: {  	s13 =	simm.s32 $0x7080  }
0x4e: {  	[hbm4b:s2+s3] =	stream.indirect_vreg.scatter [tilespmem:s13], [sflag:$0x1], $0x80, v0, vm0, $0xb8;
	[tilespmem:$0x10080] =	vst v63  }
0x4f: {  	s14 =	simm.s32 $0x7880  }
0x50: {  	[hbm4b:s5+s3] =	stream.indirect_vreg.scatter [tilespmem:s14], [sflag:$0x1], $0x80, v0, vm0, $0xb8;
	[tilespmem:$0x10080] =	vst v63  }
0x51: {  	v0 =	vld [tilespmem:$0x40];
	_ =	sdelay $0x4  }
0x52: {  	v60 =	vshll.u32 v0, $0x2  }
0x53: {  	v0 =	vand.u32 $0x7, v0;
	v4 =	vand.u32 $0xFFFFFFE0, v60  }
0x54: {  	v0 =	vor.u32 v0, v4  }
0x55: {  	v4 =	vperm.xlane v0, v56;
	_ =	sdelay $0x1  }
0x56: {  	v4 =	vadd.s32 v3, v4;
	_ =	sdelay $0x1  }
0x57: {  	v0 =	vperm.xlane v0, v2;
	_ =	sdelay $0x1  }
0x58: {  	s15 =	simm.s32 $0x8080;
	v0 =	vadd.s32 v3, v0  }
0x59: {  	[hbm4b:s2+s3] =	stream.indirect_vreg.scatter [tilespmem:s15], [sflag:$0x1], $0x80, v4, vm0, $0xb8;
	[tilespmem:$0x10080] =	vst v63  }
0x5a: {  	s16 =	simm.s32 $0x8880  }
0x5b: {  	[hbm4b:s5+s3] =	stream.indirect_vreg.scatter [tilespmem:s16], [sflag:$0x1], $0x80, v4, vm0, $0xb8;
	[tilespmem:$0x10080] =	vst v63  }
0x5c: {  	s17 =	simm.s32 $0x9080  }
0x5d: {  	[hbm4b:s2+s3] =	stream.indirect_vreg.scatter [tilespmem:s17], [sflag:$0x1], $0x80, v0, vm0, $0xb8;
	[tilespmem:$0x10080] =	vst v63  }
0x5e: {  	s18 =	simm.s32 $0x9880  }
0x5f: {  	[hbm4b:s5+s3] =	stream.indirect_vreg.scatter [tilespmem:s18], [sflag:$0x1], $0x80, v0, vm0, $0xb8;
	[tilespmem:$0x10080] =	vst v63  }
0x60: {  	v0 =	vld [tilespmem:$0x50];
	_ =	sdelay $0x4  }
0x61: {  	v61 =	vshll.u32 v0, $0x2  }
0x62: {  	v0 =	vand.u32 $0x7, v0;
	v4 =	vand.u32 $0xFFFFFFE0, v61  }
0x63: {  	v0 =	vor.u32 v0, v4  }
0x64: {  	v4 =	vperm.xlane v0, v56;
	_ =	sdelay $0x1  }
0x65: {  	v4 =	vadd.s32 v3, v4;
	_ =	sdelay $0x1  }
0x66: {  	v0 =	vperm.xlane v0, v2;
	_ =	sdelay $0x1  }
0x67: {  	s19 =	simm.s32 $0xA080;
	v0 =	vadd.s32 v3, v0  }
0x68: {  	[hbm4b:s2+s3] =	stream.indirect_vreg.scatter [tilespmem:s19], [sflag:$0x1], $0x80, v4, vm0, $0xb8;
	[tilespmem:$0x10080] =	vst v63  }
0x69: {  	s20 =	simm.s32 $0xA880  }
0x6a: {  	[hbm4b:s5+s3] =	stream.indirect_vreg.scatter [tilespmem:s20], [sflag:$0x1], $0x80, v4, vm0, $0xb8;
	[tilespmem:$0x10080] =	vst v63  }
0x6b: {  	s21 =	simm.s32 $0xB080  }
0x6c: {  	[hbm4b:s2+s3] =	stream.indirect_vreg.scatter [tilespmem:s21], [sflag:$0x1], $0x80, v0, vm0, $0xb8;
	[tilespmem:$0x10080] =	vst v63  }
0x6d: {  	s22 =	simm.s32 $0xB880  }
0x6e: {  	[hbm4b:s5+s3] =	stream.indirect_vreg.scatter [tilespmem:s22], [sflag:$0x1], $0x80, v0, vm0, $0xb8;
	[tilespmem:$0x10080] =	vst v63  }
0x6f: {  	v0 =	vld [tilespmem:$0x60];
	_ =	sdelay $0x4  }
0x70: {  	v62 =	vshll.u32 v0, $0x2  }
0x71: {  	v0 =	vand.u32 $0x7, v0;
	v4 =	vand.u32 $0xFFFFFFE0, v62  }
0x72: {  	v0 =	vor.u32 v0, v4  }
0x73: {  	v4 =	vperm.xlane v0, v56;
	_ =	sdelay $0x1  }
0x74: {  	v4 =	vadd.s32 v3, v4;
	_ =	sdelay $0x1  }
0x75: {  	v0 =	vperm.xlane v0, v2;
	_ =	sdelay $0x1  }
0x76: {  	s23 =	simm.s32 $0xC080;
	v0 =	vadd.s32 v3, v0  }
0x77: {  	[hbm4b:s2+s3] =	stream.indirect_vreg.scatter [tilespmem:s23], [sflag:$0x1], $0x80, v4, vm0, $0xb8;
	[tilespmem:$0x10080] =	vst v63  }
0x78: {  	s24 =	simm.s32 $0xC880  }
0x79: {  	[hbm4b:s5+s3] =	stream.indirect_vreg.scatter [tilespmem:s24], [sflag:$0x1], $0x80, v4, vm0, $0xb8;
	[tilespmem:$0x10080] =	vst v63  }
0x7a: {  	s25 =	simm.s32 $0xD080  }
0x7b: {  	[hbm4b:s2+s3] =	stream.indirect_vreg.scatter [tilespmem:s25], [sflag:$0x1], $0x80, v0, vm0, $0xb8;
	[tilespmem:$0x10080] =	vst v63  }
0x7c: {  	s26 =	simm.s32 $0xD880  }
0x7d: {  	[hbm4b:s5+s3] =	stream.indirect_vreg.scatter [tilespmem:s26], [sflag:$0x1], $0x80, v0, vm0, $0xb8;
	[tilespmem:$0x10080] =	vst v63  }
0x7e: {  	v0 =	vld [tilespmem:$0x70];
	_ =	sdelay $0x4  }
0x7f: {  	v63 =	vshll.u32 v0, $0x2  }
0x80: {  	v0 =	vand.u32 $0x7, v0;
	v4 =	vand.u32 $0xFFFFFFE0, v63  }
0x81: {  	v0 =	vor.u32 v0, v4  }
0x82: {  	v1 =	vperm.xlane v0, v56;
	_ =	sdelay $0x1  }
0x83: {  	v1 =	vadd.s32 v3, v1;
	_ =	sdelay $0x1  }
0x84: {  	v0 =	vperm.xlane v0, v2;
	_ =	sdelay $0x1  }
0x85: {  	s28 =	simm.s32 $0xE080;
	v0 =	vadd.s32 v3, v0  }
0x86: {  	[hbm4b:s2+s3] =	stream.indirect_vreg.scatter [tilespmem:s28], [sflag:$0x1], $0x80, v1, vm0, $0xb8;
	[tilespmem:$0x10080] =	vst v63  }
0x87: {  	s29 =	simm.s32 $0xE880  }
0x88: {  	[hbm4b:s5+s3] =	stream.indirect_vreg.scatter [tilespmem:s29], [sflag:$0x1], $0x80, v1, vm0, $0xb8;
	[tilespmem:$0x10080] =	vst v63  }
0x89: {  	s30 =	simm.s32 $0xF080  }
0x8a: {  	[hbm4b:s2+s3] =	stream.indirect_vreg.scatter [tilespmem:s30], [sflag:$0x1], $0x80, v0, vm0, $0xb8;
	[tilespmem:$0x10080] =	vst v63  }
0x8b: {  	s31 =	simm.s32 $0xF880  }
0x8c: {  	[hbm4b:s5+s3] =	stream.indirect_vreg.scatter [tilespmem:s31], [sflag:$0x1], $0x80, v0, vm0, $0xb8;
	[tilespmem:$0x10080] =	vst v63  }
0x8d: {  	_ =	swait.ge [sflag:s4], $0x10000  }
0x8e: {  	[sflag:s4] =	ssyncset.done $0x0  }
0x8f: {  	[sflag:s4] =	ssyncadd.s32 $0xFFFF0000  }
.LBB2_2:
0x90: {  	_ =	sfence.sel $0x180000  }
0x91: {  	[bflag:$0x0] =	sbarrier.arrive $0xFFFF  }
0x92: {  	p0 =	sne.s32 s1, $0x0;
	_ =	strace $0x90000062  }
0x93: {  	s0 =	sadd.s32 @!p0 $0x100000, s0;
	[bflag:$0x2] =	sbarrier.arrive $0xFFFF  }
0x94: {  	[sflag:s0] =	ssyncadd.tile.s32 @!p0 $0x1;
	_ =	shalt  }
.Lfunc_end2:
_tile_overlayer_lowered:
.L_overlay_start_2:
0x95: {  	(tag) =	ssettag $0x2  }
0x96: {  	s0 =	rddreg [dreg:$0x0];
	s2 =	stileid.u32  }
0x97: {  	s1 =	rddreg [dreg:$0x1];
	p0 =	sne.s32 s2, $0x0  }
0x98: {  	s3 =	rddreg [dreg:$0x2];
	[bflag:$0x3] =	sbarrier.arrive $0xFFFF;
	s2 =	simm.s32 @!p0 $0x1C02  }
0x99: {  	[timem:s3], [sflag:s2] =	dma.local @!p0 [hbm:s0], s1  }
0x9a: {  	s0 =	simm.s32 @!p0 $0x2  }
0x9b: {  	_ =	swait.ge @!p0 [sflag:s0], s1  }
0x9c: {  	s1 =	ssub.s32 @!p0 $0x0, s1;
	[sflag:s0] =	ssyncset.done @!p0 $0x0  }
0x9d: {  	[sflag:s0] =	ssyncadd.s32 @!p0 s1  }
0x9e: {  	[bflag:$0x3] =	sbarrier.arrive $0xFFFF  }
0x9f: {  	_ =	shalt  }

// kernel: kernel.88.cloned.1.call-start
scs
__scs_entry_jumppad:
0x0: {  	(pc) =	sbr.rel $0x88, $3  }
0x1: {  	(tag) =	ssettag $0x0;
	lr =	simm.s32 $0x1  }
0x2: {  	[smem:$0x3F8E] =	sst lr;
	_ =	strace $0xD0000000  }
0x3: {  	_ = 	snop  }
0x4: {  	_ = 	snop  }
0x5: {  	_ = 	snop  }
0x6: {  	_ = 	snop  }
0x7: {  	_ = 	snop  }
__scs_overlays_trampoline_lowered:
0x8: {  	[smem:$0x3F9D] =	sst s0  }
0x9: {  	[smem:$0x3F9E] =	sst s1  }
0xa: {  	[smem:$0x3F9F] =	sst s2  }
0xb: {  	[smem:$0x3FA0] =	sst s3  }
0xc: {  	[smem:$0x3FA1] =	sst s4  }
0xd: {  	[smem:$0x3FA2] =	sst s5  }
0xe: {  	[smem:$0x3FA3] =	sst s6  }
0xf: {  	[smem:$0x3FA4] =	sst s7  }
0x10: {  	[smem:$0x3FA5] =	sst s8  }
0x11: {  	[smem:$0x3FA6] =	sst s9;
	s0 =	simm.s32 @!p0 $0x0  }
0x12: {  	s1 =	sld [smem:$0x3F8C];
	s0 =	simm.s32 @p0 $0x1  }
0x13: {  	[smem:$0x3FA7] =	sst s0;
	s0 =	simm.s32 @!p1 $0x0  }
0x14: {  	s2 =	sld [smem:$0x3F8B];
	s0 =	simm.s32 @p1 $0x1  }
0x15: {  	[smem:$0x3FA8] =	sst s0;
	s0 =	simm.s32 @!p2 $0x0  }
0x16: {  	s3 =	sld [smem:$0x3FDB];
	s0 =	simm.s32 @p2 $0x1  }
0x17: {  	s4 =	simm.s32 $0x1BF5;
	[smem:$0x3FAA] =	sst s0  }
0x18: {  	s0 =	sld [smem:$0x3F8D];
	_ =	swait.ge [sflag:s4], $0x0  }
0x19: {  	s7 =	sld [smem:$0x3F8E]  }
0x1a: {  	s8 =	sadd.s32 $0xFFFFE003, lr  }
0x1b: {  	s9 =	sadd.s32 $0xFFFFFEF7, lr;
	s5 =	simm.s32 $0xFFFFFFFF;
	p2 =	slt.u32 s8, $0xFFFFF086  }
0x1c: {  	p1 =	slt.u32 s9, $0xF7A;
	s5 =	simm.s32 @!p2 $0x0  }
0x1d: {  	s5 =	simm.s32 @p1 $0x1;
	p0 =	seq.s32 s7, s2  }
0x1e: {  	s7 =	smul.u32 @!p0 $0xF7A, s2;
	p2 =	seq.s32 @!p0 s5, $0x0  }
0x1f: {  	s9 =	smul.u32 $0xF7A, s1;
	s8 =	simm.s32 @!p0 $0x1BF5;
	p2 =	por !p2, p0  }
0x20: {  	[sflag:s8] =	ssyncset.s32 @!p0 $0xFFFFF086;
	s6 =	sadd.s32 @!p0 s3, s7;
	s7 =	simm.s32 @!p0 $0x108  }
0x21: {  	s3 =	sadd.s32 s3, s9;
	s6 =	sadd.s32 @!p0 $0x88, s6;
	s7 =	simm.s32 @p2 $0x1082  }
0x22: {  	[simem:s7], [sflag:s8] =	dma.local @!p0 [hbm:s6], $0xF7A  }
0x23: {  	s9 =	sor.u32 $0xD0000000, s2;
	s6 =	simm.s32 $0x108;
	_ =	swait.ge @!p0 [sflag:s8], $0x0  }
0x24: {  	s3 =	sadd.s32 $0x88, s3;
	s6 =	simm.s32 @!p1 $0x1082;
	[sflag:s4] =	ssyncset.s32 $0xFFFFF086  }
0x25: {  	[simem:s6], [sflag:s4] =	dma.local [hbm:s3], $0xF7A  }
0x26: {  	[smem:$0x3F8E] =	sst s1;
	(tag) =	ssettag s2;
	_ =	strace s9  }
0x27: {  	s1 =	sld [smem:$0x3F9E]  }
0x28: {  	s2 =	sld [smem:$0x3F9F]  }
0x29: {  	s4 =	sld [smem:$0x3FA1]  }
0x2a: {  	p0 =	seq.s32 s5, $0x0;
	s5 =	sld [smem:$0x3FA2]  }
0x2b: {  	s6 =	sld [smem:$0x3FA3]  }
0x2c: {  	s7 =	sld [smem:$0x3FA4]  }
0x2d: {  	s3 =	simm.s32 $0x108;
	s8 =	sld [smem:$0x3FA5]  }
0x2e: {  	s3 =	simm.s32 @!p0 $0x1082;
	s9 =	sld [smem:$0x3FA6]  }
0x2f: {  	lr =	sadd.s32 s0, s3;
	s0 =	sld [smem:$0x3F9D]  }
0x30: {  	s3 =	sld [smem:$0x3FA0]  }
0x31: {  	[smem:$0x3FA9] =	sst s10  }
0x32: {  	s10 =	sld [smem:$0x3FA7];
	_ =	sdelay $0x3  }
0x33: {  	p0 =	seq.s32 s10, $0x1;
	s10 =	sld [smem:$0x3FA9];
	_ =	sdelay $0x3  }
0x34: {  	[smem:$0x3FA9] =	sst s10  }
0x35: {  	s10 =	sld [smem:$0x3FA8];
	_ =	sdelay $0x3  }
0x36: {  	p1 =	seq.s32 s10, $0x1;
	s10 =	sld [smem:$0x3FA9];
	_ =	sdelay $0x3  }
0x37: {  	[smem:$0x3FA9] =	sst s10  }
0x38: {  	s10 =	sld [smem:$0x3FAA]  }
0x39: {  	_ = 	snop;
	(pc) =	sbr.ind lr, $3  }
0x3a: {  	_ = 	snop  }
0x3b: {  	_ = 	snop  }
0x3c: {  	p2 =	seq.s32 s10, $0x1;
	s10 =	sld [smem:$0x3FA9]  }
0x3d: {  	_ =	shalt  }
0x3e: {  	_ =	shalt  }
0x3f: {  	_ =	shalt  }
0x40: {  	_ =	shalt  }
0x41: {  	_ =	shalt  }
0x42: {  	_ =	shalt  }
0x43: {  	_ =	shalt  }
0x44: {  	_ =	shalt  }
0x45: {  	_ =	shalt  }
0x46: {  	_ =	shalt  }
0x47: {  	_ =	shalt  }
0x48: {  	_ =	shalt  }
0x49: {  	_ =	shalt  }
0x4a: {  	_ =	shalt  }
0x4b: {  	_ =	shalt  }
0x4c: {  	_ =	shalt  }
0x4d: {  	_ =	shalt  }
0x4e: {  	_ =	shalt  }
0x4f: {  	_ =	shalt  }
0x50: {  	_ =	shalt  }
0x51: {  	_ =	shalt  }
0x52: {  	_ =	shalt  }
0x53: {  	_ =	shalt  }
0x54: {  	_ =	shalt  }
0x55: {  	_ =	shalt  }
0x56: {  	_ =	shalt  }
0x57: {  	_ =	shalt  }
0x58: {  	_ =	shalt  }
0x59: {  	_ =	shalt  }
0x5a: {  	_ =	shalt  }
0x5b: {  	_ =	shalt  }
0x5c: {  	_ =	shalt  }
0x5d: {  	_ =	shalt  }
0x5e: {  	_ =	shalt  }
0x5f: {  	_ =	shalt  }
0x60: {  	_ =	shalt  }
0x61: {  	_ =	shalt  }
0x62: {  	_ =	shalt  }
0x63: {  	_ =	shalt  }
0x64: {  	_ =	shalt  }
0x65: {  	_ =	shalt  }
0x66: {  	_ =	shalt  }
0x67: {  	_ =	shalt  }
0x68: {  	_ =	shalt  }
0x69: {  	_ =	shalt  }
0x6a: {  	_ =	shalt  }
0x6b: {  	_ =	shalt  }
0x6c: {  	_ =	shalt  }
0x6d: {  	_ =	shalt  }
0x6e: {  	_ =	shalt  }
0x6f: {  	_ =	shalt  }
0x70: {  	_ =	shalt  }
0x71: {  	_ =	shalt  }
0x72: {  	_ =	shalt  }
0x73: {  	_ =	shalt  }
0x74: {  	_ =	shalt  }
0x75: {  	_ =	shalt  }
0x76: {  	_ =	shalt  }
0x77: {  	_ =	shalt  }
0x78: {  	_ =	shalt  }
0x79: {  	_ =	shalt  }
0x7a: {  	_ =	shalt  }
0x7b: {  	_ =	shalt  }
0x7c: {  	_ =	shalt  }
0x7d: {  	_ =	shalt  }
0x7e: {  	_ =	shalt  }
0x7f: {  	_ =	shalt  }
0x80: {  	_ =	shalt  }
0x81: {  	_ =	shalt  }
0x82: {  	_ =	shalt  }
0x83: {  	_ =	shalt  }
0x84: {  	_ =	shalt  }
0x85: {  	_ =	shalt  }
0x86: {  	_ =	shalt  }
0x87: {  	_ =	shalt  }
.Lfunc_end0:
.L_simem_size_0:
called_computation.10_lowered:
.L_overlay_start_0:
0x88: {  	s2 =	sld [smem:$0x3FD9]  }
0x89: {  	s3 =	sld [smem:$0x3FFE];
	_ =	sdelay $0x1  }
0x8a: {  	s1 =	srdreg.scid  }
0x8b: {  	s0 =	sand.u32 $0x1, s1  }
0x8c: {  	s14 =	sshll.u32 s0, $0xA;
	s2 =	sadd.s32 s3, s2  }
0x8d: {  	s2 =	sadd.s32 s2, s14  }
0x8e: {  	[smem:$0x3FB5] =	sst s2  }
0x8f: {  	_ = 	snop  }
0x90: {  	s2 =	sld [smem:$0x3FD0];
	_ =	sdelay $0x2  }
0x91: {  	s15 =	simm.s32 $0xA;
	s4 =	simm.s32 $0x10  }
0x92: {  	[smem:s4], [sflag:s15] =	dma.local [hbm:s2], $0x1  }
0x93: {  	_ =	swait.eq [sflag:s15], $0x1  }
0x94: {  	[sflag:s15] =	ssyncset.done $0x0  }
0x95: {  	[sflag:s15] =	ssyncadd.s32 $0xFFFFFFFF  }
0x96: {  	s16 =	sld [smem:$0x10];
	(tm) =	ssettm $0x1  }
0x97: {  	s17 =	sld [smem:$0x3FFB];
	_ =	sdelay $0x3  }
0x98: {  	_ =	strace s17  }
0x99: {  	s3 =	sld [smem:$0x3FFC];
	_ =	sdelay $0x3  }
0x9a: {  	_ =	strace s3  }
0x9b: {  	s3 =	sld [smem:$0x3FFD];
	_ =	sdelay $0x3  }
0x9c: {  	_ =	strace s3  }
0x9d: {  	_ =	strace $0x8FFFFFFF  }
0x9e: {  	s18 =	sld [smem:$0x3FDB];
	_ =	sdelay $0x1  }
0x9f: {  	s19 =	simm.s32 $_scs_section_size  }
0xa0: {  	s5 =	simm.s32 $_size__tile_overlayer_lowered;
	s6 =	simm.s32 $_tile_overlayer_lowered  }
0xa1: {  	s22 =	simm.s32 $0x1BFF;
	s21 =	sshll.u32 s6, $0x1;
	s3 =	sadd.s32 s19, s18  }
0xa2: {  	s7 =	simm.s32 $0x0;
	s20 =	sshll.u32 s5, $0x1;
	s5 =	sadd.s32 s21, s3  }
0xa3: {  	[timem:s7], [sflag:s22] =	dma.local [hbm:s5], s20  }
0xa4: {  	_ =	swait.ge [sflag:s22], s20  }
0xa5: {  	s4 =	ssub.s32 $0x0, s20;
	[sflag:s22] =	ssyncset.done $0x0  }
0xa6: {  	[sflag:s22] =	ssyncadd.s32 s4;
	_ =	sdelay $0x1  }
0xa7: {  	s23 =	simm.s32 $0x1B8B  }
0xa8: {  	_ =	swait.ge [sflag:s23], $0x1  }
0xa9: {  	[sflag:s23] =	ssyncset.done $0x0  }
0xaa: {  	s25 =	simm.s32 $0x1B8E;
	s24 =	sld [smem:$0x3FFE];
	[sflag:s23] =	ssyncadd.s32 $0xFFFFFFFF  }
0xab: {  	s26 =	simm.s32 $execute0_lowered;
	[smem:$0x3FD2] =	sst s25  }
0xac: {  	s5 =	sshll.u32 s26, $0x1;
	_ =	strace $0x80000064;
	[dreg:$0x1] =	wrdreg $0xFFFFFFFF  }
0xad: {  	s28 =	simm.s32 $_size_execute0_lowered;
	s3 =	sadd.s32 s3, s5;
	[dreg:$0x0] =	wrdreg $0x0  }
0xae: {  	s5 =	sshll.u32 s28, $0x1;
	[dreg:$0x2] =	wrdreg s3  }
0xaf: {  	[dreg:$0x3] =	wrdreg s5  }
0xb0: {  	[dreg:$0x4] =	wrdreg $0xC0  }
0xb1: {  	_ =	task [dreg:s7], $0x5FFFF  }
0xb2: {  	[dreg:$0x1] =	wrdreg $0xFFFFFFFF  }
0xb3: {  	[dreg:$0x0] =	wrdreg $0x60  }
0xb4: {  	[dreg:$0x2] =	wrdreg s16  }
0xb5: {  	[dreg:$0x3] =	wrdreg s24  }
0xb6: {  	[dreg:$0x4] =	wrdreg $0x9  }
0xb7: {  	_ =	task.clear_ibuf [dreg:s7], $0x5FFFF;
	_ =	strace $0x90000064  }
0xb8: {  	s29 =	simm.s32 $0x9;
	_ =	strace $0x80000066  }
0xb9: {  	_ =	swait.ge [sflag:s29], $0x1  }
0xba: {  	[sflag:s29] =	ssyncadd.s32 $0xFFFFFFFF  }
0xbb: {  	_ =	strace $0x90000066  }
0xbc: {  	_ =	sfence  }
0xbd: {  	s30 =	sld [smem:$0x0];
	_ =	sdelay $0x2  }
0xbe: {  	s31 =	sshll.u32 s1, $0xD;
	s1 =	sshrl.u32 s1, $0x2  }
0xbf: {  	s3 =	sand.u32 $0x4000, s31;
	s1 =	sadd.s32 s1, s30  }
0xc0: {  	s0 =	sor.u32 s3, s0;
	s1 =	sshll.u32 s1, $0x11  }
0xc1: {  	s0 =	sor.u32 s1, s0  }
0xc2: {  	s0 =	sadd.s32 $0x8F2B, s0  }
0xc3: {  	[sflag:s0] =	ssyncadd.remote.s32 $0x1  }
0xc4: {  	_ =	sfence.sel $0xFFFF  }
0xc5: {  	[dreg:$0x0] =	wrdreg $0xFFFFFFFF;
	(pc) =	sbr.abs _section_cstart, $3  }
0xc6: {  	[dreg:$0x1] =	wrdreg $0xFFFFFFFF  }
0xc7: {  	_ =	task.clear_ibuf [dreg:s7], $0x2FFFF;
	_ =	strace $0x9FFFFFFF  }
0xc8: {  	(tm) =	ssettm $0x7FFFFFFF  }
0xc9: {  	_ =	shalt  }
tec
execute0_lowered:
.L_overlay_start_1:
0x0: {  	(tag) =	ssettag $0x1  }
0x1: {  	s1 =	srdreg.scid  }
0x2: {  	s1 =	sand.u32 $0x1, s1  }
0x3: {  	p0 =	seq.s32 s1, $0x1  }
.Ltmp0:
0x4: {  	_ = 	snop;
	(pc) =	sbr.rel @p0 .LBB2_2-.Ltmp0, $4  }
0x5: {  	s4 =	rddreg [dreg:$0x0]  }
0x6: {  	s3 =	rddreg [dreg:$0x1];
	s2 =	simm.s32 $0x0  }
0x7: {  	[smem:$0x7FF] =	sst s2  }
0x8: {  	s0 =	rddreg [dreg:$0x2];
	_ =	strace $0x80000065;
	s1 =	stileid.u32  }
0x9: {  	s5 =	sadd.s32 $0x3E00, s3;
	s6 =	sshll.u32 s1, $0x4  }
0xa: {  	s5 =	sadd.s32 s5, s6  }
0xb: {  	[tilespmem:s2], [sflag:$0x1] =	stream.linear.gather [hbm4b:s5+s2], $0x80, $0x38;
	[tilespmem:$0x10080] =	vst v63  }
0xc: {  	s5 =	simm.s32 $0x1  }
0xd: {  	_ =	swait.ge [sflag:s5], $0x80  }
0xe: {  	[sflag:s5] =	ssyncset.done $0x0  }
0xf: {  	[sflag:s5] =	ssyncadd.s32 $0xFFFFFF80  }
0x10: {  	v0 =	vld [tilespmem:$0x0];
	_ =	sdelay $0x4  }
0x11: {  	v1 =	vshll.u32 v0, $0x2  }
0x12: {  	v2 =	vlaneseq.u32;
	v0 =	vand.u32 $0x7, v0;
	v1 =	vand.u32 $0xFFFFFFE0, v1  }
0x13: {  	v56 =	vand.u32 $0x7, v2;
	v3 =	vshrl.u32 v2, $0x3;
	v0 =	vor.u32 v0, v1  }
0x14: {  	v3 =	vmul.u32 $0x8, v3;
	v4 =	vperm.xlane v0, v56;
	_ =	sdelay $0x1  }
0x15: {  	v4 =	vadd.s32 v3, v4  }
0x16: {  	v2 =	vor.u32 $0x8, v2  }
0x17: {  	v0 =	vperm.xlane v0, v2;
	_ =	sdelay $0x1  }
0x18: {  	vm0 =	vmmov $0xffff;
	s6 =	simm.s32 $0x80;
	v0 =	vadd.s32 v3, v0  }
0x19: {  	[tilespmem:s6], [sflag:$0x1] =	stream.indirect_vreg.gather [hbm4b:s4+s2], $0x80, v4, vm0, $0xb8;
	[tilespmem:$0x10080] =	vst v63  }
0x1a: {  	s7 =	sadd.s32 $0x100, s4;
	s8 =	simm.s32 $0x880  }
0x1b: {  	[tilespmem:s8], [sflag:$0x1] =	stream.indirect_vreg.gather [hbm4b:s7+s2], $0x80, v4, vm0, $0xb8;
	[tilespmem:$0x10080] =	vst v63  }
0x1c: {  	s21 =	simm.s32 $0x1080  }
0x1d: {  	[tilespmem:s21], [sflag:$0x1] =	stream.indirect_vreg.gather [hbm4b:s4+s2], $0x80, v0, vm0, $0xb8;
	[tilespmem:$0x10080] =	vst v63  }
0x1e: {  	s22 =	simm.s32 $0x1880  }
0x1f: {  	[tilespmem:s22], [sflag:$0x1] =	stream.indirect_vreg.gather [hbm4b:s7+s2], $0x80, v0, vm0, $0xb8;
	[tilespmem:$0x10080] =	vst v63  }
0x20: {  	v0 =	vld [tilespmem:$0x10];
	_ =	sdelay $0x4  }
0x21: {  	v57 =	vshll.u32 v0, $0x2  }
0x22: {  	v0 =	vand.u32 $0x7, v0;
	v4 =	vand.u32 $0xFFFFFFE0, v57  }
0x23: {  	v0 =	vor.u32 v0, v4  }
0x24: {  	v4 =	vperm.xlane v0, v56;
	_ =	sdelay $0x1  }
0x25: {  	v4 =	vadd.s32 v3, v4;
	_ =	sdelay $0x1  }
0x26: {  	v0 =	vperm.xlane v0, v2;
	_ =	sdelay $0x1  }
0x27: {  	s23 =	simm.s32 $0x2080;
	v0 =	vadd.s32 v3, v0  }
0x28: {  	[tilespmem:s23], [sflag:$0x1] =	stream.indirect_vreg.gather [hbm4b:s4+s2], $0x80, v4, vm0, $0xb8;
	[tilespmem:$0x10080] =	vst v63  }
0x29: {  	s24 =	simm.s32 $0x2880  }
0x2a: {  	[tilespmem:s24], [sflag:$0x1] =	stream.indirect_vreg.gather [hbm4b:s7+s2], $0x80, v4, vm0, $0xb8;
	[tilespmem:$0x10080] =	vst v63  }
0x2b: {  	s25 =	simm.s32 $0x3080  }
0x2c: {  	[tilespmem:s25], [sflag:$0x1] =	stream.indirect_vreg.gather [hbm4b:s4+s2], $0x80, v0, vm0, $0xb8;
	[tilespmem:$0x10080] =	vst v63  }
0x2d: {  	s26 =	simm.s32 $0x3880  }
0x2e: {  	[tilespmem:s26], [sflag:$0x1] =	stream.indirect_vreg.gather [hbm4b:s7+s2], $0x80, v0, vm0, $0xb8;
	[tilespmem:$0x10080] =	vst v63  }
0x2f: {  	v0 =	vld [tilespmem:$0x20];
	_ =	sdelay $0x4  }
0x30: {  	v58 =	vshll.u32 v0, $0x2  }
0x31: {  	v0 =	vand.u32 $0x7, v0;
	v4 =	vand.u32 $0xFFFFFFE0, v58  }
0x32: {  	v0 =	vor.u32 v0, v4  }
0x33: {  	v4 =	vperm.xlane v0, v56;
	_ =	sdelay $0x1  }
0x34: {  	v4 =	vadd.s32 v3, v4;
	_ =	sdelay $0x1  }
0x35: {  	v0 =	vperm.xlane v0, v2;
	_ =	sdelay $0x1  }
0x36: {  	s28 =	simm.s32 $0x4080;
	v0 =	vadd.s32 v3, v0  }
0x37: {  	[tilespmem:s28], [sflag:$0x1] =	stream.indirect_vreg.gather [hbm4b:s4+s2], $0x80, v4, vm0, $0xb8;
	[tilespmem:$0x10080] =	vst v63  }
0x38: {  	s29 =	simm.s32 $0x4880  }
0x39: {  	[tilespmem:s29], [sflag:$0x1] =	stream.indirect_vreg.gather [hbm4b:s7+s2], $0x80, v4, vm0, $0xb8;
	[tilespmem:$0x10080] =	vst v63  }
0x3a: {  	s30 =	simm.s32 $0x5080  }
0x3b: {  	[tilespmem:s30], [sflag:$0x1] =	stream.indirect_vreg.gather [hbm4b:s4+s2], $0x80, v0, vm0, $0xb8;
	[tilespmem:$0x10080] =	vst v63  }
0x3c: {  	s31 =	simm.s32 $0x5880  }
0x3d: {  	[tilespmem:s31], [sflag:$0x1] =	stream.indirect_vreg.gather [hbm4b:s7+s2], $0x80, v0, vm0, $0xb8;
	[tilespmem:$0x10080] =	vst v63  }
0x3e: {  	v0 =	vld [tilespmem:$0x30];
	_ =	sdelay $0x4  }
0x3f: {  	v59 =	vshll.u32 v0, $0x2  }
0x40: {  	v0 =	vand.u32 $0x7, v0;
	v4 =	vand.u32 $0xFFFFFFE0, v59  }
0x41: {  	v0 =	vor.u32 v0, v4  }
0x42: {  	v4 =	vperm.xlane v0, v56;
	_ =	sdelay $0x1  }
0x43: {  	v4 =	vadd.s32 v3, v4;
	_ =	sdelay $0x1  }
0x44: {  	v0 =	vperm.xlane v0, v2;
	_ =	sdelay $0x1  }
0x45: {  	s9 =	simm.s32 $0x6080;
	v0 =	vadd.s32 v3, v0  }
0x46: {  	[tilespmem:s9], [sflag:$0x1] =	stream.indirect_vreg.gather [hbm4b:s4+s2], $0x80, v4, vm0, $0xb8;
	[tilespmem:$0x10080] =	vst v63  }
0x47: {  	s10 =	simm.s32 $0x6880  }
0x48: {  	[tilespmem:s10], [sflag:$0x1] =	stream.indirect_vreg.gather [hbm4b:s7+s2], $0x80, v4, vm0, $0xb8;
	[tilespmem:$0x10080] =	vst v63  }
0x49: {  	s11 =	simm.s32 $0x7080  }
0x4a: {  	[tilespmem:s11], [sflag:$0x1] =	stream.indirect_vreg.gather [hbm4b:s4+s2], $0x80, v0, vm0, $0xb8;
	[tilespmem:$0x10080] =	vst v63  }
0x4b: {  	s12 =	simm.s32 $0x7880  }
0x4c: {  	[tilespmem:s12], [sflag:$0x1] =	stream.indirect_vreg.gather [hbm4b:s7+s2], $0x80, v0, vm0, $0xb8;
	[tilespmem:$0x10080] =	vst v63  }
0x4d: {  	v0 =	vld [tilespmem:$0x40];
	_ =	sdelay $0x4  }
0x4e: {  	v60 =	vshll.u32 v0, $0x2  }
0x4f: {  	v0 =	vand.u32 $0x7, v0;
	v4 =	vand.u32 $0xFFFFFFE0, v60  }
0x50: {  	v0 =	vor.u32 v0, v4  }
0x51: {  	v4 =	vperm.xlane v0, v56;
	_ =	sdelay $0x1  }
0x52: {  	v4 =	vadd.s32 v3, v4;
	_ =	sdelay $0x1  }
0x53: {  	v0 =	vperm.xlane v0, v2;
	_ =	sdelay $0x1  }
0x54: {  	s13 =	simm.s32 $0x8080;
	v0 =	vadd.s32 v3, v0  }
0x55: {  	[tilespmem:s13], [sflag:$0x1] =	stream.indirect_vreg.gather [hbm4b:s4+s2], $0x80, v4, vm0, $0xb8;
	[tilespmem:$0x10080] =	vst v63  }
0x56: {  	s14 =	simm.s32 $0x8880  }
0x57: {  	[tilespmem:s14], [sflag:$0x1] =	stream.indirect_vreg.gather [hbm4b:s7+s2], $0x80, v4, vm0, $0xb8;
	[tilespmem:$0x10080] =	vst v63  }
0x58: {  	s15 =	simm.s32 $0x9080  }
0x59: {  	[tilespmem:s15], [sflag:$0x1] =	stream.indirect_vreg.gather [hbm4b:s4+s2], $0x80, v0, vm0, $0xb8;
	[tilespmem:$0x10080] =	vst v63  }
0x5a: {  	s16 =	simm.s32 $0x9880  }
0x5b: {  	[tilespmem:s16], [sflag:$0x1] =	stream.indirect_vreg.gather [hbm4b:s7+s2], $0x80, v0, vm0, $0xb8;
	[tilespmem:$0x10080] =	vst v63  }
0x5c: {  	v0 =	vld [tilespmem:$0x50];
	_ =	sdelay $0x4  }
0x5d: {  	v61 =	vshll.u32 v0, $0x2  }
0x5e: {  	v0 =	vand.u32 $0x7, v0;
	v4 =	vand.u32 $0xFFFFFFE0, v61  }
0x5f: {  	v0 =	vor.u32 v0, v4  }
0x60: {  	v4 =	vperm.xlane v0, v56;
	_ =	sdelay $0x1  }
0x61: {  	v4 =	vadd.s32 v3, v4;
	_ =	sdelay $0x1  }
0x62: {  	v0 =	vperm.xlane v0, v2;
	_ =	sdelay $0x1  }
0x63: {  	s17 =	simm.s32 $0xA080;
	v0 =	vadd.s32 v3, v0  }
0x64: {  	[tilespmem:s17], [sflag:$0x1] =	stream.indirect_vreg.gather [hbm4b:s4+s2], $0x80, v4, vm0, $0xb8;
	[tilespmem:$0x10080] =	vst v63  }
0x65: {  	s18 =	simm.s32 $0xA880  }
0x66: {  	[tilespmem:s18], [sflag:$0x1] =	stream.indirect_vreg.gather [hbm4b:s7+s2], $0x80, v4, vm0, $0xb8;
	[tilespmem:$0x10080] =	vst v63  }
0x67: {  	s19 =	simm.s32 $0xB080  }
0x68: {  	[tilespmem:s19], [sflag:$0x1] =	stream.indirect_vreg.gather [hbm4b:s4+s2], $0x80, v0, vm0, $0xb8;
	[tilespmem:$0x10080] =	vst v63  }
0x69: {  	s20 =	simm.s32 $0xB880  }
0x6a: {  	[tilespmem:s20], [sflag:$0x1] =	stream.indirect_vreg.gather [hbm4b:s7+s2], $0x80, v0, vm0, $0xb8;
	[tilespmem:$0x10080] =	vst v63  }
0x6b: {  	v0 =	vld [tilespmem:$0x60];
	_ =	sdelay $0x4  }
0x6c: {  	v62 =	vshll.u32 v0, $0x2  }
0x6d: {  	v0 =	vand.u32 $0x7, v0;
	v4 =	vand.u32 $0xFFFFFFE0, v62  }
0x6e: {  	v0 =	vor.u32 v0, v4  }
0x6f: {  	v4 =	vperm.xlane v0, v56;
	_ =	sdelay $0x1  }
0x70: {  	v4 =	vadd.s32 v3, v4;
	_ =	sdelay $0x1  }
0x71: {  	v0 =	vperm.xlane v0, v2;
	_ =	sdelay $0x1  }
0x72: {  	s21 =	simm.s32 $0xC080;
	v0 =	vadd.s32 v3, v0  }
0x73: {  	[tilespmem:s21], [sflag:$0x1] =	stream.indirect_vreg.gather [hbm4b:s4+s2], $0x80, v4, vm0, $0xb8;
	[tilespmem:$0x10080] =	vst v63  }
0x74: {  	s22 =	simm.s32 $0xC880  }
0x75: {  	[tilespmem:s22], [sflag:$0x1] =	stream.indirect_vreg.gather [hbm4b:s7+s2], $0x80, v4, vm0, $0xb8;
	[tilespmem:$0x10080] =	vst v63  }
0x76: {  	s23 =	simm.s32 $0xD080  }
0x77: {  	[tilespmem:s23], [sflag:$0x1] =	stream.indirect_vreg.gather [hbm4b:s4+s2], $0x80, v0, vm0, $0xb8;
	[tilespmem:$0x10080] =	vst v63  }
0x78: {  	s24 =	simm.s32 $0xD880  }
0x79: {  	[tilespmem:s24], [sflag:$0x1] =	stream.indirect_vreg.gather [hbm4b:s7+s2], $0x80, v0, vm0, $0xb8;
	[tilespmem:$0x10080] =	vst v63  }
0x7a: {  	v0 =	vld [tilespmem:$0x70];
	_ =	sdelay $0x4  }
0x7b: {  	v63 =	vshll.u32 v0, $0x2  }
0x7c: {  	v0 =	vand.u32 $0x7, v0;
	v4 =	vand.u32 $0xFFFFFFE0, v63  }
0x7d: {  	v0 =	vor.u32 v0, v4  }
0x7e: {  	v1 =	vperm.xlane v0, v56;
	_ =	sdelay $0x1  }
0x7f: {  	v1 =	vadd.s32 v3, v1;
	_ =	sdelay $0x1  }
0x80: {  	v0 =	vperm.xlane v0, v2;
	_ =	sdelay $0x1  }
0x81: {  	s25 =	simm.s32 $0xE080;
	v0 =	vadd.s32 v3, v0  }
0x82: {  	[tilespmem:s25], [sflag:$0x1] =	stream.indirect_vreg.gather [hbm4b:s4+s2], $0x80, v1, vm0, $0xb8;
	[tilespmem:$0x10080] =	vst v63  }
0x83: {  	s26 =	simm.s32 $0xE880  }
0x84: {  	[tilespmem:s26], [sflag:$0x1] =	stream.indirect_vreg.gather [hbm4b:s7+s2], $0x80, v1, vm0, $0xb8;
	[tilespmem:$0x10080] =	vst v63  }
0x85: {  	s28 =	simm.s32 $0xF080  }
0x86: {  	[tilespmem:s28], [sflag:$0x1] =	stream.indirect_vreg.gather [hbm4b:s4+s2], $0x80, v0, vm0, $0xb8;
	[tilespmem:$0x10080] =	vst v63  }
0x87: {  	s29 =	simm.s32 $0xF880  }
0x88: {  	[tilespmem:s29], [sflag:$0x1] =	stream.indirect_vreg.gather [hbm4b:s7+s2], $0x80, v0, vm0, $0xb8;
	[tilespmem:$0x10080] =	vst v63  }
0x89: {  	_ =	swait.ge [sflag:s5], $0x10000  }
0x8a: {  	s30 =	sadd.s32 $0xAC00, s3;
	s31 =	sshll.u32 s1, $0xD;
	[sflag:s5] =	ssyncset.done $0x0  }
0x8b: {  	s3 =	sadd.s32 s30, s31;
	[sflag:s5] =	ssyncadd.s32 $0xFFFF0000  }
0x8c: {  	[hbm4b:s3+s2] =	stream.linear.scatter [tilespmem:s6], [sflag:$0x1], $0x10000, $0x38;
	[tilespmem:$0x10080] =	vst v63  }
0x8d: {  	_ =	swait.ge [sflag:s5], $0x10000  }
0x8e: {  	[sflag:s5] =	ssyncset.done $0x0  }
0x8f: {  	[sflag:s5] =	ssyncadd.s32 $0xFFFF0000  }
.LBB2_2:
0x90: {  	_ =	sfence.sel $0x180000  }
0x91: {  	[bflag:$0x0] =	sbarrier.arrive $0xFFFF  }
0x92: {  	p0 =	sne.s32 s1, $0x0;
	_ =	strace $0x90000065  }
0x93: {  	s0 =	sadd.s32 @!p0 $0x100000, s0;
	[bflag:$0x2] =	sbarrier.arrive $0xFFFF  }
0x94: {  	[sflag:s0] =	ssyncadd.tile.s32 @!p0 $0x1;
	_ =	shalt  }
.Lfunc_end2:
_tile_overlayer_lowered:
.L_overlay_start_2:
0x95: {  	(tag) =	ssettag $0x2  }
0x96: {  	s0 =	rddreg [dreg:$0x0];
	s2 =	stileid.u32  }
0x97: {  	s1 =	rddreg [dreg:$0x1];
	p0 =	sne.s32 s2, $0x0  }
0x98: {  	s3 =	rddreg [dreg:$0x2];
	[bflag:$0x3] =	sbarrier.arrive $0xFFFF;
	s2 =	simm.s32 @!p0 $0x1C02  }
0x99: {  	[timem:s3], [sflag:s2] =	dma.local @!p0 [hbm:s0], s1  }
0x9a: {  	s0 =	simm.s32 @!p0 $0x2  }
0x9b: {  	_ =	swait.ge @!p0 [sflag:s0], s1  }
0x9c: {  	s1 =	ssub.s32 @!p0 $0x0, s1;
	[sflag:s0] =	ssyncset.done @!p0 $0x0  }
0x9d: {  	[sflag:s0] =	ssyncadd.s32 @!p0 s1  }
0x9e: {  	[bflag:$0x3] =	sbarrier.arrive $0xFFFF  }
0x9f: {  	_ =	shalt  }

// kernel: kernel.91.cloned.1.call-start
scs
__scs_entry_jumppad:
0x0: {  	(pc) =	sbr.rel $0x88, $3  }
0x1: {  	(tag) =	ssettag $0x0;
	lr =	simm.s32 $0x1  }
0x2: {  	[smem:$0x3F8E] =	sst lr;
	_ =	strace $0xD0000000  }
0x3: {  	_ = 	snop  }
0x4: {  	_ = 	snop  }
0x5: {  	_ = 	snop  }
0x6: {  	_ = 	snop  }
0x7: {  	_ = 	snop  }
__scs_overlays_trampoline_lowered:
0x8: {  	[smem:$0x3F9D] =	sst s0  }
0x9: {  	[smem:$0x3F9E] =	sst s1  }
0xa: {  	[smem:$0x3F9F] =	sst s2  }
0xb: {  	[smem:$0x3FA0] =	sst s3  }
0xc: {  	[smem:$0x3FA1] =	sst s4  }
0xd: {  	[smem:$0x3FA2] =	sst s5  }
0xe: {  	[smem:$0x3FA3] =	sst s6  }
0xf: {  	[smem:$0x3FA4] =	sst s7  }
0x10: {  	[smem:$0x3FA5] =	sst s8  }
0x11: {  	[smem:$0x3FA6] =	sst s9;
	s0 =	simm.s32 @!p0 $0x0  }
0x12: {  	s1 =	sld [smem:$0x3F8C];
	s0 =	simm.s32 @p0 $0x1  }
0x13: {  	[smem:$0x3FA7] =	sst s0;
	s0 =	simm.s32 @!p1 $0x0  }
0x14: {  	s2 =	sld [smem:$0x3F8B];
	s0 =	simm.s32 @p1 $0x1  }
0x15: {  	[smem:$0x3FA8] =	sst s0;
	s0 =	simm.s32 @!p2 $0x0  }
0x16: {  	s3 =	sld [smem:$0x3FDB];
	s0 =	simm.s32 @p2 $0x1  }
0x17: {  	s4 =	simm.s32 $0x1BF5;
	[smem:$0x3FAA] =	sst s0  }
0x18: {  	s0 =	sld [smem:$0x3F8D];
	_ =	swait.ge [sflag:s4], $0x0  }
0x19: {  	s7 =	sld [smem:$0x3F8E]  }
0x1a: {  	s8 =	sadd.s32 $0xFFFFE003, lr  }
0x1b: {  	s9 =	sadd.s32 $0xFFFFFEF7, lr;
	s5 =	simm.s32 $0xFFFFFFFF;
	p2 =	slt.u32 s8, $0xFFFFF086  }
0x1c: {  	p1 =	slt.u32 s9, $0xF7A;
	s5 =	simm.s32 @!p2 $0x0  }
0x1d: {  	s5 =	simm.s32 @p1 $0x1;
	p0 =	seq.s32 s7, s2  }
0x1e: {  	s7 =	smul.u32 @!p0 $0xF7A, s2;
	p2 =	seq.s32 @!p0 s5, $0x0  }
0x1f: {  	s9 =	smul.u32 $0xF7A, s1;
	s8 =	simm.s32 @!p0 $0x1BF5;
	p2 =	por !p2, p0  }
0x20: {  	[sflag:s8] =	ssyncset.s32 @!p0 $0xFFFFF086;
	s6 =	sadd.s32 @!p0 s3, s7;
	s7 =	simm.s32 @!p0 $0x108  }
0x21: {  	s3 =	sadd.s32 s3, s9;
	s6 =	sadd.s32 @!p0 $0x88, s6;
	s7 =	simm.s32 @p2 $0x1082  }
0x22: {  	[simem:s7], [sflag:s8] =	dma.local @!p0 [hbm:s6], $0xF7A  }
0x23: {  	s9 =	sor.u32 $0xD0000000, s2;
	s6 =	simm.s32 $0x108;
	_ =	swait.ge @!p0 [sflag:s8], $0x0  }
0x24: {  	s3 =	sadd.s32 $0x88, s3;
	s6 =	simm.s32 @!p1 $0x1082;
	[sflag:s4] =	ssyncset.s32 $0xFFFFF086  }
0x25: {  	[simem:s6], [sflag:s4] =	dma.local [hbm:s3], $0xF7A  }
0x26: {  	[smem:$0x3F8E] =	sst s1;
	(tag) =	ssettag s2;
	_ =	strace s9  }
0x27: {  	s1 =	sld [smem:$0x3F9E]  }
0x28: {  	s2 =	sld [smem:$0x3F9F]  }
0x29: {  	s4 =	sld [smem:$0x3FA1]  }
0x2a: {  	p0 =	seq.s32 s5, $0x0;
	s5 =	sld [smem:$0x3FA2]  }
0x2b: {  	s6 =	sld [smem:$0x3FA3]  }
0x2c: {  	s7 =	sld [smem:$0x3FA4]  }
0x2d: {  	s3 =	simm.s32 $0x108;
	s8 =	sld [smem:$0x3FA5]  }
0x2e: {  	s3 =	simm.s32 @!p0 $0x1082;
	s9 =	sld [smem:$0x3FA6]  }
0x2f: {  	lr =	sadd.s32 s0, s3;
	s0 =	sld [smem:$0x3F9D]  }
0x30: {  	s3 =	sld [smem:$0x3FA0]  }
0x31: {  	[smem:$0x3FA9] =	sst s10  }
0x32: {  	s10 =	sld [smem:$0x3FA7];
	_ =	sdelay $0x3  }
0x33: {  	p0 =	seq.s32 s10, $0x1;
	s10 =	sld [smem:$0x3FA9];
	_ =	sdelay $0x3  }
0x34: {  	[smem:$0x3FA9] =	sst s10  }
0x35: {  	s10 =	sld [smem:$0x3FA8];
	_ =	sdelay $0x3  }
0x36: {  	p1 =	seq.s32 s10, $0x1;
	s10 =	sld [smem:$0x3FA9];
	_ =	sdelay $0x3  }
0x37: {  	[smem:$0x3FA9] =	sst s10  }
0x38: {  	s10 =	sld [smem:$0x3FAA]  }
0x39: {  	_ = 	snop;
	(pc) =	sbr.ind lr, $3  }
0x3a: {  	_ = 	snop  }
0x3b: {  	_ = 	snop  }
0x3c: {  	p2 =	seq.s32 s10, $0x1;
	s10 =	sld [smem:$0x3FA9]  }
0x3d: {  	_ =	shalt  }
0x3e: {  	_ =	shalt  }
0x3f: {  	_ =	shalt  }
0x40: {  	_ =	shalt  }
0x41: {  	_ =	shalt  }
0x42: {  	_ =	shalt  }
0x43: {  	_ =	shalt  }
0x44: {  	_ =	shalt  }
0x45: {  	_ =	shalt  }
0x46: {  	_ =	shalt  }
0x47: {  	_ =	shalt  }
0x48: {  	_ =	shalt  }
0x49: {  	_ =	shalt  }
0x4a: {  	_ =	shalt  }
0x4b: {  	_ =	shalt  }
0x4c: {  	_ =	shalt  }
0x4d: {  	_ =	shalt  }
0x4e: {  	_ =	shalt  }
0x4f: {  	_ =	shalt  }
0x50: {  	_ =	shalt  }
0x51: {  	_ =	shalt  }
0x52: {  	_ =	shalt  }
0x53: {  	_ =	shalt  }
0x54: {  	_ =	shalt  }
0x55: {  	_ =	shalt  }
0x56: {  	_ =	shalt  }
0x57: {  	_ =	shalt  }
0x58: {  	_ =	shalt  }
0x59: {  	_ =	shalt  }
0x5a: {  	_ =	shalt  }
0x5b: {  	_ =	shalt  }
0x5c: {  	_ =	shalt  }
0x5d: {  	_ =	shalt  }
0x5e: {  	_ =	shalt  }
0x5f: {  	_ =	shalt  }
0x60: {  	_ =	shalt  }
0x61: {  	_ =	shalt  }
0x62: {  	_ =	shalt  }
0x63: {  	_ =	shalt  }
0x64: {  	_ =	shalt  }
0x65: {  	_ =	shalt  }
0x66: {  	_ =	shalt  }
0x67: {  	_ =	shalt  }
0x68: {  	_ =	shalt  }
0x69: {  	_ =	shalt  }
0x6a: {  	_ =	shalt  }
0x6b: {  	_ =	shalt  }
0x6c: {  	_ =	shalt  }
0x6d: {  	_ =	shalt  }
0x6e: {  	_ =	shalt  }
0x6f: {  	_ =	shalt  }
0x70: {  	_ =	shalt  }
0x71: {  	_ =	shalt  }
0x72: {  	_ =	shalt  }
0x73: {  	_ =	shalt  }
0x74: {  	_ =	shalt  }
0x75: {  	_ =	shalt  }
0x76: {  	_ =	shalt  }
0x77: {  	_ =	shalt  }
0x78: {  	_ =	shalt  }
0x79: {  	_ =	shalt  }
0x7a: {  	_ =	shalt  }
0x7b: {  	_ =	shalt  }
0x7c: {  	_ =	shalt  }
0x7d: {  	_ =	shalt  }
0x7e: {  	_ =	shalt  }
0x7f: {  	_ =	shalt  }
0x80: {  	_ =	shalt  }
0x81: {  	_ =	shalt  }
0x82: {  	_ =	shalt  }
0x83: {  	_ =	shalt  }
0x84: {  	_ =	shalt  }
0x85: {  	_ =	shalt  }
0x86: {  	_ =	shalt  }
0x87: {  	_ =	shalt  }
.Lfunc_end0:
.L_simem_size_0:
called_computation.11_lowered:
.L_overlay_start_0:
0x88: {  	s2 =	sld [smem:$0x3FD9]  }
0x89: {  	s3 =	sld [smem:$0x3FFE];
	_ =	sdelay $0x1  }
0x8a: {  	s1 =	srdreg.scid  }
0x8b: {  	s0 =	sand.u32 $0x1, s1  }
0x8c: {  	s14 =	sshll.u32 s0, $0xA;
	s2 =	sadd.s32 s3, s2  }
0x8d: {  	s2 =	sadd.s32 s2, s14  }
0x8e: {  	[smem:$0x3FB5] =	sst s2  }
0x8f: {  	_ = 	snop  }
0x90: {  	s2 =	sld [smem:$0x3FD0];
	_ =	sdelay $0x2  }
0x91: {  	s15 =	simm.s32 $0xA;
	s4 =	simm.s32 $0x10  }
0x92: {  	[smem:s4], [sflag:s15] =	dma.local [hbm:s2], $0x1  }
0x93: {  	_ =	swait.eq [sflag:s15], $0x1  }
0x94: {  	[sflag:s15] =	ssyncset.done $0x0  }
0x95: {  	[sflag:s15] =	ssyncadd.s32 $0xFFFFFFFF  }
0x96: {  	s16 =	sld [smem:$0x10];
	(tm) =	ssettm $0x1  }
0x97: {  	s17 =	sld [smem:$0x3FFB];
	_ =	sdelay $0x3  }
0x98: {  	_ =	strace s17  }
0x99: {  	s3 =	sld [smem:$0x3FFC];
	_ =	sdelay $0x3  }
0x9a: {  	_ =	strace s3  }
0x9b: {  	s3 =	sld [smem:$0x3FFD];
	_ =	sdelay $0x3  }
0x9c: {  	_ =	strace s3  }
0x9d: {  	_ =	strace $0x8FFFFFFF  }
0x9e: {  	s18 =	sld [smem:$0x3FDB];
	_ =	sdelay $0x1  }
0x9f: {  	s19 =	simm.s32 $_scs_section_size  }
0xa0: {  	s5 =	simm.s32 $_size__tile_overlayer_lowered;
	s6 =	simm.s32 $_tile_overlayer_lowered  }
0xa1: {  	s22 =	simm.s32 $0x1BFF;
	s21 =	sshll.u32 s6, $0x1;
	s3 =	sadd.s32 s19, s18  }
0xa2: {  	s7 =	simm.s32 $0x0;
	s20 =	sshll.u32 s5, $0x1;
	s5 =	sadd.s32 s21, s3  }
0xa3: {  	[timem:s7], [sflag:s22] =	dma.local [hbm:s5], s20  }
0xa4: {  	_ =	swait.ge [sflag:s22], s20  }
0xa5: {  	s4 =	ssub.s32 $0x0, s20;
	[sflag:s22] =	ssyncset.done $0x0  }
0xa6: {  	[sflag:s22] =	ssyncadd.s32 s4;
	_ =	sdelay $0x1  }
0xa7: {  	s23 =	simm.s32 $0x1B8B  }
0xa8: {  	_ =	swait.ge [sflag:s23], $0x1  }
0xa9: {  	[sflag:s23] =	ssyncset.done $0x0  }
0xaa: {  	s25 =	simm.s32 $0x1B8E;
	s24 =	sld [smem:$0x3FFE];
	[sflag:s23] =	ssyncadd.s32 $0xFFFFFFFF  }
0xab: {  	s26 =	simm.s32 $execute0_lowered;
	[smem:$0x3FD2] =	sst s25  }
0xac: {  	s5 =	sshll.u32 s26, $0x1;
	_ =	strace $0x80000067;
	[dreg:$0x1] =	wrdreg $0xFFFFFFFF  }
0xad: {  	s28 =	simm.s32 $_size_execute0_lowered;
	s3 =	sadd.s32 s3, s5;
	[dreg:$0x0] =	wrdreg $0x0  }
0xae: {  	s5 =	sshll.u32 s28, $0x1;
	[dreg:$0x2] =	wrdreg s3  }
0xaf: {  	[dreg:$0x3] =	wrdreg s5  }
0xb0: {  	[dreg:$0x4] =	wrdreg $0xC0  }
0xb1: {  	_ =	task [dreg:s7], $0x5FFFF  }
0xb2: {  	[dreg:$0x1] =	wrdreg $0xFFFFFFFF  }
0xb3: {  	[dreg:$0x0] =	wrdreg $0x60  }
0xb4: {  	[dreg:$0x2] =	wrdreg s24  }
0xb5: {  	[dreg:$0x3] =	wrdreg s16  }
0xb6: {  	[dreg:$0x4] =	wrdreg $0x9  }
0xb7: {  	_ =	task.clear_ibuf [dreg:s7], $0x5FFFF;
	_ =	strace $0x90000067  }
0xb8: {  	s29 =	simm.s32 $0x9;
	_ =	strace $0x80000069  }
0xb9: {  	_ =	swait.ge [sflag:s29], $0x1  }
0xba: {  	[sflag:s29] =	ssyncadd.s32 $0xFFFFFFFF  }
0xbb: {  	_ =	strace $0x90000069  }
0xbc: {  	_ =	sfence  }
0xbd: {  	s30 =	sld [smem:$0x0];
	_ =	sdelay $0x2  }
0xbe: {  	s31 =	sshll.u32 s1, $0xD;
	s1 =	sshrl.u32 s1, $0x2  }
0xbf: {  	s3 =	sand.u32 $0x4000, s31;
	s1 =	sadd.s32 s1, s30  }
0xc0: {  	s0 =	sor.u32 s3, s0;
	s1 =	sshll.u32 s1, $0x11  }
0xc1: {  	s0 =	sor.u32 s1, s0  }
0xc2: {  	s0 =	sadd.s32 $0x8F2B, s0  }
0xc3: {  	[sflag:s0] =	ssyncadd.remote.s32 $0x1  }
0xc4: {  	_ =	sfence.sel $0xFFFF  }
0xc5: {  	[dreg:$0x0] =	wrdreg $0xFFFFFFFF;
	(pc) =	sbr.abs _section_cstart, $3  }
0xc6: {  	[dreg:$0x1] =	wrdreg $0xFFFFFFFF  }
0xc7: {  	_ =	task.clear_ibuf [dreg:s7], $0x2FFFF;
	_ =	strace $0x9FFFFFFF  }
0xc8: {  	(tm) =	ssettm $0x7FFFFFFF  }
0xc9: {  	_ =	shalt  }
tec
execute0_lowered:
.L_overlay_start_1:
0x0: {  	(tag) =	ssettag $0x1  }
0x1: {  	s1 =	srdreg.scid  }
0x2: {  	s1 =	sand.u32 $0x1, s1  }
0x3: {  	p0 =	seq.s32 s1, $0x1  }
.Ltmp0:
0x4: {  	_ = 	snop;
	(pc) =	sbr.rel @p0 .LBB2_2-.Ltmp0, $4  }
0x5: {  	s5 =	rddreg [dreg:$0x0]  }
0x6: {  	s2 =	rddreg [dreg:$0x1];
	s3 =	simm.s32 $0x0  }
0x7: {  	[smem:$0x7FF] =	sst s3  }
0x8: {  	s0 =	rddreg [dreg:$0x2];
	_ =	strace $0x80000068;
	s1 =	stileid.u32  }
0x9: {  	s4 =	sadd.s32 $0x3E00, s5;
	s6 =	sshll.u32 s1, $0x4  }
0xa: {  	s4 =	sadd.s32 s4, s6  }
0xb: {  	[tilespmem:s3], [sflag:$0x1] =	stream.linear.gather [hbm4b:s4+s3], $0x80, $0x38;
	[tilespmem:$0x10080] =	vst v63  }
0xc: {  	s4 =	simm.s32 $0x1  }
0xd: {  	_ =	swait.ge [sflag:s4], $0x80  }
0xe: {  	s21 =	sadd.s32 $0x736A00, s5;
	s22 =	sshll.u32 s1, $0xD;
	[sflag:s4] =	ssyncset.done $0x0  }
0xf: {  	s23 =	simm.s32 $0x80;
	s5 =	sadd.s32 s21, s22;
	[sflag:s4] =	ssyncadd.s32 $0xFFFFFF80  }
0x10: {  	[tilespmem:s23], [sflag:$0x1] =	stream.linear.gather [hbm4b:s5+s3], $0x10000, $0x38;
	[tilespmem:$0x10080] =	vst v63  }
0x11: {  	_ =	swait.ge [sflag:s4], $0x10000  }
0x12: {  	[sflag:s4] =	ssyncset.done $0x0  }
0x13: {  	[sflag:s4] =	ssyncadd.s32 $0xFFFF0000  }
0x14: {  	v0 =	vld [tilespmem:$0x0];
	_ =	sdelay $0x4  }
0x15: {  	v1 =	vshll.u32 v0, $0x2  }
0x16: {  	v2 =	vlaneseq.u32;
	v0 =	vand.u32 $0x7, v0;
	v1 =	vand.u32 $0xFFFFFFE0, v1  }
0x17: {  	v56 =	vand.u32 $0x7, v2;
	v3 =	vshrl.u32 v2, $0x3;
	v0 =	vor.u32 v0, v1  }
0x18: {  	v3 =	vmul.u32 $0x8, v3;
	v4 =	vperm.xlane v0, v56;
	_ =	sdelay $0x1  }
0x19: {  	v4 =	vadd.s32 v3, v4  }
0x1a: {  	v2 =	vor.u32 $0x8, v2  }
0x1b: {  	v0 =	vperm.xlane v0, v2;
	_ =	sdelay $0x1  }
0x1c: {  	vm0 =	vmmov $0xffff;
	v0 =	vadd.s32 v3, v0  }
0x1d: {  	[hbm4b:s2+s3] =	stream.indirect_vreg.scatter [tilespmem:s23], [sflag:$0x1], $0x80, v4, vm0, $0xb8;
	[tilespmem:$0x10080] =	vst v63  }
0x1e: {  	s24 =	simm.s32 $0x880;
	s5 =	sadd.s32 $0x100, s2  }
0x1f: {  	[hbm4b:s5+s3] =	stream.indirect_vreg.scatter [tilespmem:s24], [sflag:$0x1], $0x80, v4, vm0, $0xb8;
	[tilespmem:$0x10080] =	vst v63  }
0x20: {  	s25 =	simm.s32 $0x1080  }
0x21: {  	[hbm4b:s2+s3] =	stream.indirect_vreg.scatter [tilespmem:s25], [sflag:$0x1], $0x80, v0, vm0, $0xb8;
	[tilespmem:$0x10080] =	vst v63  }
0x22: {  	s26 =	simm.s32 $0x1880  }
0x23: {  	[hbm4b:s5+s3] =	stream.indirect_vreg.scatter [tilespmem:s26], [sflag:$0x1], $0x80, v0, vm0, $0xb8;
	[tilespmem:$0x10080] =	vst v63  }
0x24: {  	v0 =	vld [tilespmem:$0x10];
	_ =	sdelay $0x4  }
0x25: {  	v57 =	vshll.u32 v0, $0x2  }
0x26: {  	v0 =	vand.u32 $0x7, v0;
	v4 =	vand.u32 $0xFFFFFFE0, v57  }
0x27: {  	v0 =	vor.u32 v0, v4  }
0x28: {  	v4 =	vperm.xlane v0, v56;
	_ =	sdelay $0x1  }
0x29: {  	v4 =	vadd.s32 v3, v4;
	_ =	sdelay $0x1  }
0x2a: {  	v0 =	vperm.xlane v0, v2;
	_ =	sdelay $0x1  }
0x2b: {  	s28 =	simm.s32 $0x2080;
	v0 =	vadd.s32 v3, v0  }
0x2c: {  	[hbm4b:s2+s3] =	stream.indirect_vreg.scatter [tilespmem:s28], [sflag:$0x1], $0x80, v4, vm0, $0xb8;
	[tilespmem:$0x10080] =	vst v63  }
0x2d: {  	s29 =	simm.s32 $0x2880  }
0x2e: {  	[hbm4b:s5+s3] =	stream.indirect_vreg.scatter [tilespmem:s29], [sflag:$0x1], $0x80, v4, vm0, $0xb8;
	[tilespmem:$0x10080] =	vst v63  }
0x2f: {  	s30 =	simm.s32 $0x3080  }
0x30: {  	[hbm4b:s2+s3] =	stream.indirect_vreg.scatter [tilespmem:s30], [sflag:$0x1], $0x80, v0, vm0, $0xb8;
	[tilespmem:$0x10080] =	vst v63  }
0x31: {  	s31 =	simm.s32 $0x3880  }
0x32: {  	[hbm4b:s5+s3] =	stream.indirect_vreg.scatter [tilespmem:s31], [sflag:$0x1], $0x80, v0, vm0, $0xb8;
	[tilespmem:$0x10080] =	vst v63  }
0x33: {  	v0 =	vld [tilespmem:$0x20];
	_ =	sdelay $0x4  }
0x34: {  	v58 =	vshll.u32 v0, $0x2  }
0x35: {  	v0 =	vand.u32 $0x7, v0;
	v4 =	vand.u32 $0xFFFFFFE0, v58  }
0x36: {  	v0 =	vor.u32 v0, v4  }
0x37: {  	v4 =	vperm.xlane v0, v56;
	_ =	sdelay $0x1  }
0x38: {  	v4 =	vadd.s32 v3, v4;
	_ =	sdelay $0x1  }
0x39: {  	v0 =	vperm.xlane v0, v2;
	_ =	sdelay $0x1  }
0x3a: {  	s7 =	simm.s32 $0x4080;
	v0 =	vadd.s32 v3, v0  }
0x3b: {  	[hbm4b:s2+s3] =	stream.indirect_vreg.scatter [tilespmem:s7], [sflag:$0x1], $0x80, v4, vm0, $0xb8;
	[tilespmem:$0x10080] =	vst v63  }
0x3c: {  	s8 =	simm.s32 $0x4880  }
0x3d: {  	[hbm4b:s5+s3] =	stream.indirect_vreg.scatter [tilespmem:s8], [sflag:$0x1], $0x80, v4, vm0, $0xb8;
	[tilespmem:$0x10080] =	vst v63  }
0x3e: {  	s9 =	simm.s32 $0x5080  }
0x3f: {  	[hbm4b:s2+s3] =	stream.indirect_vreg.scatter [tilespmem:s9], [sflag:$0x1], $0x80, v0, vm0, $0xb8;
	[tilespmem:$0x10080] =	vst v63  }
0x40: {  	s10 =	simm.s32 $0x5880  }
0x41: {  	[hbm4b:s5+s3] =	stream.indirect_vreg.scatter [tilespmem:s10], [sflag:$0x1], $0x80, v0, vm0, $0xb8;
	[tilespmem:$0x10080] =	vst v63  }
0x42: {  	v0 =	vld [tilespmem:$0x30];
	_ =	sdelay $0x4  }
0x43: {  	v59 =	vshll.u32 v0, $0x2  }
0x44: {  	v0 =	vand.u32 $0x7, v0;
	v4 =	vand.u32 $0xFFFFFFE0, v59  }
0x45: {  	v0 =	vor.u32 v0, v4  }
0x46: {  	v4 =	vperm.xlane v0, v56;
	_ =	sdelay $0x1  }
0x47: {  	v4 =	vadd.s32 v3, v4;
	_ =	sdelay $0x1  }
0x48: {  	v0 =	vperm.xlane v0, v2;
	_ =	sdelay $0x1  }
0x49: {  	s11 =	simm.s32 $0x6080;
	v0 =	vadd.s32 v3, v0  }
0x4a: {  	[hbm4b:s2+s3] =	stream.indirect_vreg.scatter [tilespmem:s11], [sflag:$0x1], $0x80, v4, vm0, $0xb8;
	[tilespmem:$0x10080] =	vst v63  }
0x4b: {  	s12 =	simm.s32 $0x6880  }
0x4c: {  	[hbm4b:s5+s3] =	stream.indirect_vreg.scatter [tilespmem:s12], [sflag:$0x1], $0x80, v4, vm0, $0xb8;
	[tilespmem:$0x10080] =	vst v63  }
0x4d: {  	s13 =	simm.s32 $0x7080  }
0x4e: {  	[hbm4b:s2+s3] =	stream.indirect_vreg.scatter [tilespmem:s13], [sflag:$0x1], $0x80, v0, vm0, $0xb8;
	[tilespmem:$0x10080] =	vst v63  }
0x4f: {  	s14 =	simm.s32 $0x7880  }
0x50: {  	[hbm4b:s5+s3] =	stream.indirect_vreg.scatter [tilespmem:s14], [sflag:$0x1], $0x80, v0, vm0, $0xb8;
	[tilespmem:$0x10080] =	vst v63  }
0x51: {  	v0 =	vld [tilespmem:$0x40];
	_ =	sdelay $0x4  }
0x52: {  	v60 =	vshll.u32 v0, $0x2  }
0x53: {  	v0 =	vand.u32 $0x7, v0;
	v4 =	vand.u32 $0xFFFFFFE0, v60  }
0x54: {  	v0 =	vor.u32 v0, v4  }
0x55: {  	v4 =	vperm.xlane v0, v56;
	_ =	sdelay $0x1  }
0x56: {  	v4 =	vadd.s32 v3, v4;
	_ =	sdelay $0x1  }
0x57: {  	v0 =	vperm.xlane v0, v2;
	_ =	sdelay $0x1  }
0x58: {  	s15 =	simm.s32 $0x8080;
	v0 =	vadd.s32 v3, v0  }
0x59: {  	[hbm4b:s2+s3] =	stream.indirect_vreg.scatter [tilespmem:s15], [sflag:$0x1], $0x80, v4, vm0, $0xb8;
	[tilespmem:$0x10080] =	vst v63  }
0x5a: {  	s16 =	simm.s32 $0x8880  }
0x5b: {  	[hbm4b:s5+s3] =	stream.indirect_vreg.scatter [tilespmem:s16], [sflag:$0x1], $0x80, v4, vm0, $0xb8;
	[tilespmem:$0x10080] =	vst v63  }
0x5c: {  	s17 =	simm.s32 $0x9080  }
0x5d: {  	[hbm4b:s2+s3] =	stream.indirect_vreg.scatter [tilespmem:s17], [sflag:$0x1], $0x80, v0, vm0, $0xb8;
	[tilespmem:$0x10080] =	vst v63  }
0x5e: {  	s18 =	simm.s32 $0x9880  }
0x5f: {  	[hbm4b:s5+s3] =	stream.indirect_vreg.scatter [tilespmem:s18], [sflag:$0x1], $0x80, v0, vm0, $0xb8;
	[tilespmem:$0x10080] =	vst v63  }
0x60: {  	v0 =	vld [tilespmem:$0x50];
	_ =	sdelay $0x4  }
0x61: {  	v61 =	vshll.u32 v0, $0x2  }
0x62: {  	v0 =	vand.u32 $0x7, v0;
	v4 =	vand.u32 $0xFFFFFFE0, v61  }
0x63: {  	v0 =	vor.u32 v0, v4  }
0x64: {  	v4 =	vperm.xlane v0, v56;
	_ =	sdelay $0x1  }
0x65: {  	v4 =	vadd.s32 v3, v4;
	_ =	sdelay $0x1  }
0x66: {  	v0 =	vperm.xlane v0, v2;
	_ =	sdelay $0x1  }
0x67: {  	s19 =	simm.s32 $0xA080;
	v0 =	vadd.s32 v3, v0  }
0x68: {  	[hbm4b:s2+s3] =	stream.indirect_vreg.scatter [tilespmem:s19], [sflag:$0x1], $0x80, v4, vm0, $0xb8;
	[tilespmem:$0x10080] =	vst v63  }
0x69: {  	s20 =	simm.s32 $0xA880  }
0x6a: {  	[hbm4b:s5+s3] =	stream.indirect_vreg.scatter [tilespmem:s20], [sflag:$0x1], $0x80, v4, vm0, $0xb8;
	[tilespmem:$0x10080] =	vst v63  }
0x6b: {  	s21 =	simm.s32 $0xB080  }
0x6c: {  	[hbm4b:s2+s3] =	stream.indirect_vreg.scatter [tilespmem:s21], [sflag:$0x1], $0x80, v0, vm0, $0xb8;
	[tilespmem:$0x10080] =	vst v63  }
0x6d: {  	s22 =	simm.s32 $0xB880  }
0x6e: {  	[hbm4b:s5+s3] =	stream.indirect_vreg.scatter [tilespmem:s22], [sflag:$0x1], $0x80, v0, vm0, $0xb8;
	[tilespmem:$0x10080] =	vst v63  }
0x6f: {  	v0 =	vld [tilespmem:$0x60];
	_ =	sdelay $0x4  }
0x70: {  	v62 =	vshll.u32 v0, $0x2  }
0x71: {  	v0 =	vand.u32 $0x7, v0;
	v4 =	vand.u32 $0xFFFFFFE0, v62  }
0x72: {  	v0 =	vor.u32 v0, v4  }
0x73: {  	v4 =	vperm.xlane v0, v56;
	_ =	sdelay $0x1  }
0x74: {  	v4 =	vadd.s32 v3, v4;
	_ =	sdelay $0x1  }
0x75: {  	v0 =	vperm.xlane v0, v2;
	_ =	sdelay $0x1  }
0x76: {  	s23 =	simm.s32 $0xC080;
	v0 =	vadd.s32 v3, v0  }
0x77: {  	[hbm4b:s2+s3] =	stream.indirect_vreg.scatter [tilespmem:s23], [sflag:$0x1], $0x80, v4, vm0, $0xb8;
	[tilespmem:$0x10080] =	vst v63  }
0x78: {  	s24 =	simm.s32 $0xC880  }
0x79: {  	[hbm4b:s5+s3] =	stream.indirect_vreg.scatter [tilespmem:s24], [sflag:$0x1], $0x80, v4, vm0, $0xb8;
	[tilespmem:$0x10080] =	vst v63  }
0x7a: {  	s25 =	simm.s32 $0xD080  }
0x7b: {  	[hbm4b:s2+s3] =	stream.indirect_vreg.scatter [tilespmem:s25], [sflag:$0x1], $0x80, v0, vm0, $0xb8;
	[tilespmem:$0x10080] =	vst v63  }
0x7c: {  	s26 =	simm.s32 $0xD880  }
0x7d: {  	[hbm4b:s5+s3] =	stream.indirect_vreg.scatter [tilespmem:s26], [sflag:$0x1], $0x80, v0, vm0, $0xb8;
	[tilespmem:$0x10080] =	vst v63  }
0x7e: {  	v0 =	vld [tilespmem:$0x70];
	_ =	sdelay $0x4  }
0x7f: {  	v63 =	vshll.u32 v0, $0x2  }
0x80: {  	v0 =	vand.u32 $0x7, v0;
	v4 =	vand.u32 $0xFFFFFFE0, v63  }
0x81: {  	v0 =	vor.u32 v0, v4  }
0x82: {  	v1 =	vperm.xlane v0, v56;
	_ =	sdelay $0x1  }
0x83: {  	v1 =	vadd.s32 v3, v1;
	_ =	sdelay $0x1  }
0x84: {  	v0 =	vperm.xlane v0, v2;
	_ =	sdelay $0x1  }
0x85: {  	s28 =	simm.s32 $0xE080;
	v0 =	vadd.s32 v3, v0  }
0x86: {  	[hbm4b:s2+s3] =	stream.indirect_vreg.scatter [tilespmem:s28], [sflag:$0x1], $0x80, v1, vm0, $0xb8;
	[tilespmem:$0x10080] =	vst v63  }
0x87: {  	s29 =	simm.s32 $0xE880  }
0x88: {  	[hbm4b:s5+s3] =	stream.indirect_vreg.scatter [tilespmem:s29], [sflag:$0x1], $0x80, v1, vm0, $0xb8;
	[tilespmem:$0x10080] =	vst v63  }
0x89: {  	s30 =	simm.s32 $0xF080  }
0x8a: {  	[hbm4b:s2+s3] =	stream.indirect_vreg.scatter [tilespmem:s30], [sflag:$0x1], $0x80, v0, vm0, $0xb8;
	[tilespmem:$0x10080] =	vst v63  }
0x8b: {  	s31 =	simm.s32 $0xF880  }
0x8c: {  	[hbm4b:s5+s3] =	stream.indirect_vreg.scatter [tilespmem:s31], [sflag:$0x1], $0x80, v0, vm0, $0xb8;
	[tilespmem:$0x10080] =	vst v63  }
0x8d: {  	_ =	swait.ge [sflag:s4], $0x10000  }
0x8e: {  	[sflag:s4] =	ssyncset.done $0x0  }
0x8f: {  	[sflag:s4] =	ssyncadd.s32 $0xFFFF0000  }
.LBB2_2:
0x90: {  	_ =	sfence.sel $0x180000  }
0x91: {  	[bflag:$0x0] =	sbarrier.arrive $0xFFFF  }
0x92: {  	p0 =	sne.s32 s1, $0x0;
	_ =	strace $0x90000068  }
0x93: {  	s0 =	sadd.s32 @!p0 $0x100000, s0;
	[bflag:$0x2] =	sbarrier.arrive $0xFFFF  }
0x94: {  	[sflag:s0] =	ssyncadd.tile.s32 @!p0 $0x1;
	_ =	shalt  }
.Lfunc_end2:
_tile_overlayer_lowered:
.L_overlay_start_2:
0x95: {  	(tag) =	ssettag $0x2  }
0x96: {  	s0 =	rddreg [dreg:$0x0];
	s2 =	stileid.u32  }
0x97: {  	s1 =	rddreg [dreg:$0x1];
	p0 =	sne.s32 s2, $0x0  }
0x98: {  	s3 =	rddreg [dreg:$0x2];
	[bflag:$0x3] =	sbarrier.arrive $0xFFFF;
	s2 =	simm.s32 @!p0 $0x1C02  }
0x99: {  	[timem:s3], [sflag:s2] =	dma.local @!p0 [hbm:s0], s1  }
0x9a: {  	s0 =	simm.s32 @!p0 $0x2  }
0x9b: {  	_ =	swait.ge @!p0 [sflag:s0], s1  }
0x9c: {  	s1 =	ssub.s32 @!p0 $0x0, s1;
	[sflag:s0] =	ssyncset.done @!p0 $0x0  }
0x9d: {  	[sflag:s0] =	ssyncadd.s32 @!p0 s1  }
0x9e: {  	[bflag:$0x3] =	sbarrier.arrive $0xFFFF  }
0x9f: {  	_ =	shalt  }

// kernel: kernel.94.cloned.1.call-start
scs
__scs_entry_jumppad:
0x0: {  	(pc) =	sbr.rel $0x88, $3  }
0x1: {  	(tag) =	ssettag $0x0;
	lr =	simm.s32 $0x1  }
0x2: {  	[smem:$0x3F8E] =	sst lr;
	_ =	strace $0xD0000000  }
0x3: {  	_ = 	snop  }
0x4: {  	_ = 	snop  }
0x5: {  	_ = 	snop  }
0x6: {  	_ = 	snop  }
0x7: {  	_ = 	snop  }
__scs_overlays_trampoline_lowered:
0x8: {  	[smem:$0x3F9D] =	sst s0  }
0x9: {  	[smem:$0x3F9E] =	sst s1  }
0xa: {  	[smem:$0x3F9F] =	sst s2  }
0xb: {  	[smem:$0x3FA0] =	sst s3  }
0xc: {  	[smem:$0x3FA1] =	sst s4  }
0xd: {  	[smem:$0x3FA2] =	sst s5  }
0xe: {  	[smem:$0x3FA3] =	sst s6  }
0xf: {  	[smem:$0x3FA4] =	sst s7  }
0x10: {  	[smem:$0x3FA5] =	sst s8  }
0x11: {  	[smem:$0x3FA6] =	sst s9;
	s0 =	simm.s32 @!p0 $0x0  }
0x12: {  	s1 =	sld [smem:$0x3F8C];
	s0 =	simm.s32 @p0 $0x1  }
0x13: {  	[smem:$0x3FA7] =	sst s0;
	s0 =	simm.s32 @!p1 $0x0  }
0x14: {  	s2 =	sld [smem:$0x3F8B];
	s0 =	simm.s32 @p1 $0x1  }
0x15: {  	[smem:$0x3FA8] =	sst s0;
	s0 =	simm.s32 @!p2 $0x0  }
0x16: {  	s3 =	sld [smem:$0x3FDB];
	s0 =	simm.s32 @p2 $0x1  }
0x17: {  	s4 =	simm.s32 $0x1BF5;
	[smem:$0x3FAA] =	sst s0  }
0x18: {  	s0 =	sld [smem:$0x3F8D];
	_ =	swait.ge [sflag:s4], $0x0  }
0x19: {  	s7 =	sld [smem:$0x3F8E]  }
0x1a: {  	s8 =	sadd.s32 $0xFFFFE003, lr  }
0x1b: {  	s9 =	sadd.s32 $0xFFFFFEF7, lr;
	s5 =	simm.s32 $0xFFFFFFFF;
	p2 =	slt.u32 s8, $0xFFFFF086  }
0x1c: {  	p1 =	slt.u32 s9, $0xF7A;
	s5 =	simm.s32 @!p2 $0x0  }
0x1d: {  	s5 =	simm.s32 @p1 $0x1;
	p0 =	seq.s32 s7, s2  }
0x1e: {  	s7 =	smul.u32 @!p0 $0xF7A, s2;
	p2 =	seq.s32 @!p0 s5, $0x0  }
0x1f: {  	s9 =	smul.u32 $0xF7A, s1;
	s8 =	simm.s32 @!p0 $0x1BF5;
	p2 =	por !p2, p0  }
0x20: {  	[sflag:s8] =	ssyncset.s32 @!p0 $0xFFFFF086;
	s6 =	sadd.s32 @!p0 s3, s7;
	s7 =	simm.s32 @!p0 $0x108  }
0x21: {  	s3 =	sadd.s32 s3, s9;
	s6 =	sadd.s32 @!p0 $0x88, s6;
	s7 =	simm.s32 @p2 $0x1082  }
0x22: {  	[simem:s7], [sflag:s8] =	dma.local @!p0 [hbm:s6], $0xF7A  }
0x23: {  	s9 =	sor.u32 $0xD0000000, s2;
	s6 =	simm.s32 $0x108;
	_ =	swait.ge @!p0 [sflag:s8], $0x0  }
0x24: {  	s3 =	sadd.s32 $0x88, s3;
	s6 =	simm.s32 @!p1 $0x1082;
	[sflag:s4] =	ssyncset.s32 $0xFFFFF086  }
0x25: {  	[simem:s6], [sflag:s4] =	dma.local [hbm:s3], $0xF7A  }
0x26: {  	[smem:$0x3F8E] =	sst s1;
	(tag) =	ssettag s2;
	_ =	strace s9  }
0x27: {  	s1 =	sld [smem:$0x3F9E]  }
0x28: {  	s2 =	sld [smem:$0x3F9F]  }
0x29: {  	s4 =	sld [smem:$0x3FA1]  }
0x2a: {  	p0 =	seq.s32 s5, $0x0;
	s5 =	sld [smem:$0x3FA2]  }
0x2b: {  	s6 =	sld [smem:$0x3FA3]  }
0x2c: {  	s7 =	sld [smem:$0x3FA4]  }
0x2d: {  	s3 =	simm.s32 $0x108;
	s8 =	sld [smem:$0x3FA5]  }
0x2e: {  	s3 =	simm.s32 @!p0 $0x1082;
	s9 =	sld [smem:$0x3FA6]  }
0x2f: {  	lr =	sadd.s32 s0, s3;
	s0 =	sld [smem:$0x3F9D]  }
0x30: {  	s3 =	sld [smem:$0x3FA0]  }
0x31: {  	[smem:$0x3FA9] =	sst s10  }
0x32: {  	s10 =	sld [smem:$0x3FA7];
	_ =	sdelay $0x3  }
0x33: {  	p0 =	seq.s32 s10, $0x1;
	s10 =	sld [smem:$0x3FA9];
	_ =	sdelay $0x3  }
0x34: {  	[smem:$0x3FA9] =	sst s10  }
0x35: {  	s10 =	sld [smem:$0x3FA8];
	_ =	sdelay $0x3  }
0x36: {  	p1 =	seq.s32 s10, $0x1;
	s10 =	sld [smem:$0x3FA9];
	_ =	sdelay $0x3  }
0x37: {  	[smem:$0x3FA9] =	sst s10  }
0x38: {  	s10 =	sld [smem:$0x3FAA]  }
0x39: {  	_ = 	snop;
	(pc) =	sbr.ind lr, $3  }
0x3a: {  	_ = 	snop  }
0x3b: {  	_ = 	snop  }
0x3c: {  	p2 =	seq.s32 s10, $0x1;
	s10 =	sld [smem:$0x3FA9]  }
0x3d: {  	_ =	shalt  }
0x3e: {  	_ =	shalt  }
0x3f: {  	_ =	shalt  }
0x40: {  	_ =	shalt  }
0x41: {  	_ =	shalt  }
0x42: {  	_ =	shalt  }
0x43: {  	_ =	shalt  }
0x44: {  	_ =	shalt  }
0x45: {  	_ =	shalt  }
0x46: {  	_ =	shalt  }
0x47: {  	_ =	shalt  }
0x48: {  	_ =	shalt  }
0x49: {  	_ =	shalt  }
0x4a: {  	_ =	shalt  }
0x4b: {  	_ =	shalt  }
0x4c: {  	_ =	shalt  }
0x4d: {  	_ =	shalt  }
0x4e: {  	_ =	shalt  }
0x4f: {  	_ =	shalt  }
0x50: {  	_ =	shalt  }
0x51: {  	_ =	shalt  }
0x52: {  	_ =	shalt  }
0x53: {  	_ =	shalt  }
0x54: {  	_ =	shalt  }
0x55: {  	_ =	shalt  }
0x56: {  	_ =	shalt  }
0x57: {  	_ =	shalt  }
0x58: {  	_ =	shalt  }
0x59: {  	_ =	shalt  }
0x5a: {  	_ =	shalt  }
0x5b: {  	_ =	shalt  }
0x5c: {  	_ =	shalt  }
0x5d: {  	_ =	shalt  }
0x5e: {  	_ =	shalt  }
0x5f: {  	_ =	shalt  }
0x60: {  	_ =	shalt  }
0x61: {  	_ =	shalt  }
0x62: {  	_ =	shalt  }
0x63: {  	_ =	shalt  }
0x64: {  	_ =	shalt  }
0x65: {  	_ =	shalt  }
0x66: {  	_ =	shalt  }
0x67: {  	_ =	shalt  }
0x68: {  	_ =	shalt  }
0x69: {  	_ =	shalt  }
0x6a: {  	_ =	shalt  }
0x6b: {  	_ =	shalt  }
0x6c: {  	_ =	shalt  }
0x6d: {  	_ =	shalt  }
0x6e: {  	_ =	shalt  }
0x6f: {  	_ =	shalt  }
0x70: {  	_ =	shalt  }
0x71: {  	_ =	shalt  }
0x72: {  	_ =	shalt  }
0x73: {  	_ =	shalt  }
0x74: {  	_ =	shalt  }
0x75: {  	_ =	shalt  }
0x76: {  	_ =	shalt  }
0x77: {  	_ =	shalt  }
0x78: {  	_ =	shalt  }
0x79: {  	_ =	shalt  }
0x7a: {  	_ =	shalt  }
0x7b: {  	_ =	shalt  }
0x7c: {  	_ =	shalt  }
0x7d: {  	_ =	shalt  }
0x7e: {  	_ =	shalt  }
0x7f: {  	_ =	shalt  }
0x80: {  	_ =	shalt  }
0x81: {  	_ =	shalt  }
0x82: {  	_ =	shalt  }
0x83: {  	_ =	shalt  }
0x84: {  	_ =	shalt  }
0x85: {  	_ =	shalt  }
0x86: {  	_ =	shalt  }
0x87: {  	_ =	shalt  }
.Lfunc_end0:
.L_simem_size_0:
called_computation.12_lowered:
.L_overlay_start_0:
0x88: {  	s2 =	sld [smem:$0x3FD9]  }
0x89: {  	s3 =	sld [smem:$0x3FFE];
	_ =	sdelay $0x1  }
0x8a: {  	s1 =	srdreg.scid  }
0x8b: {  	s0 =	sand.u32 $0x1, s1  }
0x8c: {  	s14 =	sshll.u32 s0, $0xA;
	s2 =	sadd.s32 s3, s2  }
0x8d: {  	s2 =	sadd.s32 s2, s14  }
0x8e: {  	[smem:$0x3FB5] =	sst s2  }
0x8f: {  	_ = 	snop  }
0x90: {  	s2 =	sld [smem:$0x3FD0];
	_ =	sdelay $0x2  }
0x91: {  	s15 =	simm.s32 $0xA;
	s4 =	simm.s32 $0x10  }
0x92: {  	[smem:s4], [sflag:s15] =	dma.local [hbm:s2], $0x1  }
0x93: {  	_ =	swait.eq [sflag:s15], $0x1  }
0x94: {  	[sflag:s15] =	ssyncset.done $0x0  }
0x95: {  	[sflag:s15] =	ssyncadd.s32 $0xFFFFFFFF  }
0x96: {  	s16 =	sld [smem:$0x10];
	(tm) =	ssettm $0x1  }
0x97: {  	s17 =	sld [smem:$0x3FFB];
	_ =	sdelay $0x3  }
0x98: {  	_ =	strace s17  }
0x99: {  	s3 =	sld [smem:$0x3FFC];
	_ =	sdelay $0x3  }
0x9a: {  	_ =	strace s3  }
0x9b: {  	s3 =	sld [smem:$0x3FFD];
	_ =	sdelay $0x3  }
0x9c: {  	_ =	strace s3  }
0x9d: {  	_ =	strace $0x8FFFFFFF  }
0x9e: {  	s18 =	sld [smem:$0x3FDB];
	_ =	sdelay $0x1  }
0x9f: {  	s19 =	simm.s32 $_scs_section_size  }
0xa0: {  	s5 =	simm.s32 $_size__tile_overlayer_lowered;
	s6 =	simm.s32 $_tile_overlayer_lowered  }
0xa1: {  	s22 =	simm.s32 $0x1BFF;
	s21 =	sshll.u32 s6, $0x1;
	s3 =	sadd.s32 s19, s18  }
0xa2: {  	s7 =	simm.s32 $0x0;
	s20 =	sshll.u32 s5, $0x1;
	s5 =	sadd.s32 s21, s3  }
0xa3: {  	[timem:s7], [sflag:s22] =	dma.local [hbm:s5], s20  }
0xa4: {  	_ =	swait.ge [sflag:s22], s20  }
0xa5: {  	s4 =	ssub.s32 $0x0, s20;
	[sflag:s22] =	ssyncset.done $0x0  }
0xa6: {  	[sflag:s22] =	ssyncadd.s32 s4;
	_ =	sdelay $0x1  }
0xa7: {  	s23 =	simm.s32 $0x1B8B  }
0xa8: {  	_ =	swait.ge [sflag:s23], $0x1  }
0xa9: {  	[sflag:s23] =	ssyncset.done $0x0  }
0xaa: {  	s25 =	simm.s32 $0x1B8E;
	s24 =	sld [smem:$0x3FFE];
	[sflag:s23] =	ssyncadd.s32 $0xFFFFFFFF  }
0xab: {  	s26 =	simm.s32 $execute0_lowered;
	[smem:$0x3FD2] =	sst s25  }
0xac: {  	s5 =	sshll.u32 s26, $0x1;
	_ =	strace $0x8000006A;
	[dreg:$0x1] =	wrdreg $0xFFFFFFFF  }
0xad: {  	s28 =	simm.s32 $_size_execute0_lowered;
	s3 =	sadd.s32 s3, s5;
	[dreg:$0x0] =	wrdreg $0x0  }
0xae: {  	s5 =	sshll.u32 s28, $0x1;
	[dreg:$0x2] =	wrdreg s3  }
0xaf: {  	[dreg:$0x3] =	wrdreg s5  }
0xb0: {  	[dreg:$0x4] =	wrdreg $0xC0  }
0xb1: {  	_ =	task [dreg:s7], $0x5FFFF  }
0xb2: {  	[dreg:$0x1] =	wrdreg $0xFFFFFFFF  }
0xb3: {  	[dreg:$0x0] =	wrdreg $0x60  }
0xb4: {  	[dreg:$0x2] =	wrdreg s16  }
0xb5: {  	[dreg:$0x3] =	wrdreg s24  }
0xb6: {  	[dreg:$0x4] =	wrdreg $0x9  }
0xb7: {  	_ =	task.clear_ibuf [dreg:s7], $0x5FFFF;
	_ =	strace $0x9000006A  }
0xb8: {  	s29 =	simm.s32 $0x9;
	_ =	strace $0x8000006C  }
0xb9: {  	_ =	swait.ge [sflag:s29], $0x1  }
0xba: {  	[sflag:s29] =	ssyncadd.s32 $0xFFFFFFFF  }
0xbb: {  	_ =	strace $0x9000006C  }
0xbc: {  	_ =	sfence  }
0xbd: {  	s30 =	sld [smem:$0x0];
	_ =	sdelay $0x2  }
0xbe: {  	s31 =	sshll.u32 s1, $0xD;
	s1 =	sshrl.u32 s1, $0x2  }
0xbf: {  	s3 =	sand.u32 $0x4000, s31;
	s1 =	sadd.s32 s1, s30  }
0xc0: {  	s0 =	sor.u32 s3, s0;
	s1 =	sshll.u32 s1, $0x11  }
0xc1: {  	s0 =	sor.u32 s1, s0  }
0xc2: {  	s0 =	sadd.s32 $0x8F2B, s0  }
0xc3: {  	[sflag:s0] =	ssyncadd.remote.s32 $0x1  }
0xc4: {  	_ =	sfence.sel $0xFFFF  }
0xc5: {  	[dreg:$0x0] =	wrdreg $0xFFFFFFFF;
	(pc) =	sbr.abs _section_cstart, $3  }
0xc6: {  	[dreg:$0x1] =	wrdreg $0xFFFFFFFF  }
0xc7: {  	_ =	task.clear_ibuf [dreg:s7], $0x2FFFF;
	_ =	strace $0x9FFFFFFF  }
0xc8: {  	(tm) =	ssettm $0x7FFFFFFF  }
0xc9: {  	_ =	shalt  }
tec
execute0_lowered:
.L_overlay_start_1:
0x0: {  	(tag) =	ssettag $0x1  }
0x1: {  	s1 =	srdreg.scid  }
0x2: {  	s1 =	sand.u32 $0x1, s1  }
0x3: {  	p0 =	seq.s32 s1, $0x1  }
.Ltmp0:
0x4: {  	_ = 	snop;
	(pc) =	sbr.rel @p0 .LBB2_2-.Ltmp0, $4  }
0x5: {  	s4 =	rddreg [dreg:$0x0]  }
0x6: {  	s3 =	rddreg [dreg:$0x1];
	s2 =	simm.s32 $0x0  }
0x7: {  	[smem:$0x7FF] =	sst s2  }
0x8: {  	s0 =	rddreg [dreg:$0x2];
	_ =	strace $0x8000006B;
	s1 =	stileid.u32  }
0x9: {  	s5 =	sadd.s32 $0x3E00, s3;
	s6 =	sshll.u32 s1, $0x4  }
0xa: {  	s5 =	sadd.s32 s5, s6  }
0xb: {  	[tilespmem:s2], [sflag:$0x1] =	stream.linear.gather [hbm4b:s5+s2], $0x80, $0x38;
	[tilespmem:$0x10080] =	vst v63  }
0xc: {  	s5 =	simm.s32 $0x1  }
0xd: {  	_ =	swait.ge [sflag:s5], $0x80  }
0xe: {  	[sflag:s5] =	ssyncset.done $0x0  }
0xf: {  	[sflag:s5] =	ssyncadd.s32 $0xFFFFFF80  }
0x10: {  	v0 =	vld [tilespmem:$0x0];
	_ =	sdelay $0x4  }
0x11: {  	v1 =	vshll.u32 v0, $0x2  }
0x12: {  	v2 =	vlaneseq.u32;
	v0 =	vand.u32 $0x7, v0;
	v1 =	vand.u32 $0xFFFFFFE0, v1  }
0x13: {  	v56 =	vand.u32 $0x7, v2;
	v3 =	vshrl.u32 v2, $0x3;
	v0 =	vor.u32 v0, v1  }
0x14: {  	v3 =	vmul.u32 $0x8, v3;
	v4 =	vperm.xlane v0, v56;
	_ =	sdelay $0x1  }
0x15: {  	v4 =	vadd.s32 v3, v4  }
0x16: {  	v2 =	vor.u32 $0x8, v2  }
0x17: {  	v0 =	vperm.xlane v0, v2;
	_ =	sdelay $0x1  }
0x18: {  	vm0 =	vmmov $0xffff;
	s6 =	simm.s32 $0x80;
	v0 =	vadd.s32 v3, v0  }
0x19: {  	[tilespmem:s6], [sflag:$0x1] =	stream.indirect_vreg.gather [hbm4b:s4+s2], $0x80, v4, vm0, $0xb8;
	[tilespmem:$0x10080] =	vst v63  }
0x1a: {  	s7 =	sadd.s32 $0x100, s4;
	s8 =	simm.s32 $0x880  }
0x1b: {  	[tilespmem:s8], [sflag:$0x1] =	stream.indirect_vreg.gather [hbm4b:s7+s2], $0x80, v4, vm0, $0xb8;
	[tilespmem:$0x10080] =	vst v63  }
0x1c: {  	s21 =	simm.s32 $0x1080  }
0x1d: {  	[tilespmem:s21], [sflag:$0x1] =	stream.indirect_vreg.gather [hbm4b:s4+s2], $0x80, v0, vm0, $0xb8;
	[tilespmem:$0x10080] =	vst v63  }
0x1e: {  	s22 =	simm.s32 $0x1880  }
0x1f: {  	[tilespmem:s22], [sflag:$0x1] =	stream.indirect_vreg.gather [hbm4b:s7+s2], $0x80, v0, vm0, $0xb8;
	[tilespmem:$0x10080] =	vst v63  }
0x20: {  	v0 =	vld [tilespmem:$0x10];
	_ =	sdelay $0x4  }
0x21: {  	v57 =	vshll.u32 v0, $0x2  }
0x22: {  	v0 =	vand.u32 $0x7, v0;
	v4 =	vand.u32 $0xFFFFFFE0, v57  }
0x23: {  	v0 =	vor.u32 v0, v4  }
0x24: {  	v4 =	vperm.xlane v0, v56;
	_ =	sdelay $0x1  }
0x25: {  	v4 =	vadd.s32 v3, v4;
	_ =	sdelay $0x1  }
0x26: {  	v0 =	vperm.xlane v0, v2;
	_ =	sdelay $0x1  }
0x27: {  	s23 =	simm.s32 $0x2080;
	v0 =	vadd.s32 v3, v0  }
0x28: {  	[tilespmem:s23], [sflag:$0x1] =	stream.indirect_vreg.gather [hbm4b:s4+s2], $0x80, v4, vm0, $0xb8;
	[tilespmem:$0x10080] =	vst v63  }
0x29: {  	s24 =	simm.s32 $0x2880  }
0x2a: {  	[tilespmem:s24], [sflag:$0x1] =	stream.indirect_vreg.gather [hbm4b:s7+s2], $0x80, v4, vm0, $0xb8;
	[tilespmem:$0x10080] =	vst v63  }
0x2b: {  	s25 =	simm.s32 $0x3080  }
0x2c: {  	[tilespmem:s25], [sflag:$0x1] =	stream.indirect_vreg.gather [hbm4b:s4+s2], $0x80, v0, vm0, $0xb8;
	[tilespmem:$0x10080] =	vst v63  }
0x2d: {  	s26 =	simm.s32 $0x3880  }
0x2e: {  	[tilespmem:s26], [sflag:$0x1] =	stream.indirect_vreg.gather [hbm4b:s7+s2], $0x80, v0, vm0, $0xb8;
	[tilespmem:$0x10080] =	vst v63  }
0x2f: {  	v0 =	vld [tilespmem:$0x20];
	_ =	sdelay $0x4  }
0x30: {  	v58 =	vshll.u32 v0, $0x2  }
0x31: {  	v0 =	vand.u32 $0x7, v0;
	v4 =	vand.u32 $0xFFFFFFE0, v58  }
0x32: {  	v0 =	vor.u32 v0, v4  }
0x33: {  	v4 =	vperm.xlane v0, v56;
	_ =	sdelay $0x1  }
0x34: {  	v4 =	vadd.s32 v3, v4;
	_ =	sdelay $0x1  }
0x35: {  	v0 =	vperm.xlane v0, v2;
	_ =	sdelay $0x1  }
0x36: {  	s28 =	simm.s32 $0x4080;
	v0 =	vadd.s32 v3, v0  }
0x37: {  	[tilespmem:s28], [sflag:$0x1] =	stream.indirect_vreg.gather [hbm4b:s4+s2], $0x80, v4, vm0, $0xb8;
	[tilespmem:$0x10080] =	vst v63  }
0x38: {  	s29 =	simm.s32 $0x4880  }
0x39: {  	[tilespmem:s29], [sflag:$0x1] =	stream.indirect_vreg.gather [hbm4b:s7+s2], $0x80, v4, vm0, $0xb8;
	[tilespmem:$0x10080] =	vst v63  }
0x3a: {  	s30 =	simm.s32 $0x5080  }
0x3b: {  	[tilespmem:s30], [sflag:$0x1] =	stream.indirect_vreg.gather [hbm4b:s4+s2], $0x80, v0, vm0, $0xb8;
	[tilespmem:$0x10080] =	vst v63  }
0x3c: {  	s31 =	simm.s32 $0x5880  }
0x3d: {  	[tilespmem:s31], [sflag:$0x1] =	stream.indirect_vreg.gather [hbm4b:s7+s2], $0x80, v0, vm0, $0xb8;
	[tilespmem:$0x10080] =	vst v63  }
0x3e: {  	v0 =	vld [tilespmem:$0x30];
	_ =	sdelay $0x4  }
0x3f: {  	v59 =	vshll.u32 v0, $0x2  }
0x40: {  	v0 =	vand.u32 $0x7, v0;
	v4 =	vand.u32 $0xFFFFFFE0, v59  }
0x41: {  	v0 =	vor.u32 v0, v4  }
0x42: {  	v4 =	vperm.xlane v0, v56;
	_ =	sdelay $0x1  }
0x43: {  	v4 =	vadd.s32 v3, v4;
	_ =	sdelay $0x1  }
0x44: {  	v0 =	vperm.xlane v0, v2;
	_ =	sdelay $0x1  }
0x45: {  	s9 =	simm.s32 $0x6080;
	v0 =	vadd.s32 v3, v0  }
0x46: {  	[tilespmem:s9], [sflag:$0x1] =	stream.indirect_vreg.gather [hbm4b:s4+s2], $0x80, v4, vm0, $0xb8;
	[tilespmem:$0x10080] =	vst v63  }
0x47: {  	s10 =	simm.s32 $0x6880  }
0x48: {  	[tilespmem:s10], [sflag:$0x1] =	stream.indirect_vreg.gather [hbm4b:s7+s2], $0x80, v4, vm0, $0xb8;
	[tilespmem:$0x10080] =	vst v63  }
0x49: {  	s11 =	simm.s32 $0x7080  }
0x4a: {  	[tilespmem:s11], [sflag:$0x1] =	stream.indirect_vreg.gather [hbm4b:s4+s2], $0x80, v0, vm0, $0xb8;
	[tilespmem:$0x10080] =	vst v63  }
0x4b: {  	s12 =	simm.s32 $0x7880  }
0x4c: {  	[tilespmem:s12], [sflag:$0x1] =	stream.indirect_vreg.gather [hbm4b:s7+s2], $0x80, v0, vm0, $0xb8;
	[tilespmem:$0x10080] =	vst v63  }
0x4d: {  	v0 =	vld [tilespmem:$0x40];
	_ =	sdelay $0x4  }
0x4e: {  	v60 =	vshll.u32 v0, $0x2  }
0x4f: {  	v0 =	vand.u32 $0x7, v0;
	v4 =	vand.u32 $0xFFFFFFE0, v60  }
0x50: {  	v0 =	vor.u32 v0, v4  }
0x51: {  	v4 =	vperm.xlane v0, v56;
	_ =	sdelay $0x1  }
0x52: {  	v4 =	vadd.s32 v3, v4;
	_ =	sdelay $0x1  }
0x53: {  	v0 =	vperm.xlane v0, v2;
	_ =	sdelay $0x1  }
0x54: {  	s13 =	simm.s32 $0x8080;
	v0 =	vadd.s32 v3, v0  }
0x55: {  	[tilespmem:s13], [sflag:$0x1] =	stream.indirect_vreg.gather [hbm4b:s4+s2], $0x80, v4, vm0, $0xb8;
	[tilespmem:$0x10080] =	vst v63  }
0x56: {  	s14 =	simm.s32 $0x8880  }
0x57: {  	[tilespmem:s14], [sflag:$0x1] =	stream.indirect_vreg.gather [hbm4b:s7+s2], $0x80, v4, vm0, $0xb8;
	[tilespmem:$0x10080] =	vst v63  }
0x58: {  	s15 =	simm.s32 $0x9080  }
0x59: {  	[tilespmem:s15], [sflag:$0x1] =	stream.indirect_vreg.gather [hbm4b:s4+s2], $0x80, v0, vm0, $0xb8;
	[tilespmem:$0x10080] =	vst v63  }
0x5a: {  	s16 =	simm.s32 $0x9880  }
0x5b: {  	[tilespmem:s16], [sflag:$0x1] =	stream.indirect_vreg.gather [hbm4b:s7+s2], $0x80, v0, vm0, $0xb8;
	[tilespmem:$0x10080] =	vst v63  }
0x5c: {  	v0 =	vld [tilespmem:$0x50];
	_ =	sdelay $0x4  }
0x5d: {  	v61 =	vshll.u32 v0, $0x2  }
0x5e: {  	v0 =	vand.u32 $0x7, v0;
	v4 =	vand.u32 $0xFFFFFFE0, v61  }
0x5f: {  	v0 =	vor.u32 v0, v4  }
0x60: {  	v4 =	vperm.xlane v0, v56;
	_ =	sdelay $0x1  }
0x61: {  	v4 =	vadd.s32 v3, v4;
	_ =	sdelay $0x1  }
0x62: {  	v0 =	vperm.xlane v0, v2;
	_ =	sdelay $0x1  }
0x63: {  	s17 =	simm.s32 $0xA080;
	v0 =	vadd.s32 v3, v0  }
0x64: {  	[tilespmem:s17], [sflag:$0x1] =	stream.indirect_vreg.gather [hbm4b:s4+s2], $0x80, v4, vm0, $0xb8;
	[tilespmem:$0x10080] =	vst v63  }
0x65: {  	s18 =	simm.s32 $0xA880  }
0x66: {  	[tilespmem:s18], [sflag:$0x1] =	stream.indirect_vreg.gather [hbm4b:s7+s2], $0x80, v4, vm0, $0xb8;
	[tilespmem:$0x10080] =	vst v63  }
0x67: {  	s19 =	simm.s32 $0xB080  }
0x68: {  	[tilespmem:s19], [sflag:$0x1] =	stream.indirect_vreg.gather [hbm4b:s4+s2], $0x80, v0, vm0, $0xb8;
	[tilespmem:$0x10080] =	vst v63  }
0x69: {  	s20 =	simm.s32 $0xB880  }
0x6a: {  	[tilespmem:s20], [sflag:$0x1] =	stream.indirect_vreg.gather [hbm4b:s7+s2], $0x80, v0, vm0, $0xb8;
	[tilespmem:$0x10080] =	vst v63  }
0x6b: {  	v0 =	vld [tilespmem:$0x60];
	_ =	sdelay $0x4  }
0x6c: {  	v62 =	vshll.u32 v0, $0x2  }
0x6d: {  	v0 =	vand.u32 $0x7, v0;
	v4 =	vand.u32 $0xFFFFFFE0, v62  }
0x6e: {  	v0 =	vor.u32 v0, v4  }
0x6f: {  	v4 =	vperm.xlane v0, v56;
	_ =	sdelay $0x1  }
0x70: {  	v4 =	vadd.s32 v3, v4;
	_ =	sdelay $0x1  }
0x71: {  	v0 =	vperm.xlane v0, v2;
	_ =	sdelay $0x1  }
0x72: {  	s21 =	simm.s32 $0xC080;
	v0 =	vadd.s32 v3, v0  }
0x73: {  	[tilespmem:s21], [sflag:$0x1] =	stream.indirect_vreg.gather [hbm4b:s4+s2], $0x80, v4, vm0, $0xb8;
	[tilespmem:$0x10080] =	vst v63  }
0x74: {  	s22 =	simm.s32 $0xC880  }
0x75: {  	[tilespmem:s22], [sflag:$0x1] =	stream.indirect_vreg.gather [hbm4b:s7+s2], $0x80, v4, vm0, $0xb8;
	[tilespmem:$0x10080] =	vst v63  }
0x76: {  	s23 =	simm.s32 $0xD080  }
0x77: {  	[tilespmem:s23], [sflag:$0x1] =	stream.indirect_vreg.gather [hbm4b:s4+s2], $0x80, v0, vm0, $0xb8;
	[tilespmem:$0x10080] =	vst v63  }
0x78: {  	s24 =	simm.s32 $0xD880  }
0x79: {  	[tilespmem:s24], [sflag:$0x1] =	stream.indirect_vreg.gather [hbm4b:s7+s2], $0x80, v0, vm0, $0xb8;
	[tilespmem:$0x10080] =	vst v63  }
0x7a: {  	v0 =	vld [tilespmem:$0x70];
	_ =	sdelay $0x4  }
0x7b: {  	v63 =	vshll.u32 v0, $0x2  }
0x7c: {  	v0 =	vand.u32 $0x7, v0;
	v4 =	vand.u32 $0xFFFFFFE0, v63  }
0x7d: {  	v0 =	vor.u32 v0, v4  }
0x7e: {  	v1 =	vperm.xlane v0, v56;
	_ =	sdelay $0x1  }
0x7f: {  	v1 =	vadd.s32 v3, v1;
	_ =	sdelay $0x1  }
0x80: {  	v0 =	vperm.xlane v0, v2;
	_ =	sdelay $0x1  }
0x81: {  	s25 =	simm.s32 $0xE080;
	v0 =	vadd.s32 v3, v0  }
0x82: {  	[tilespmem:s25], [sflag:$0x1] =	stream.indirect_vreg.gather [hbm4b:s4+s2], $0x80, v1, vm0, $0xb8;
	[tilespmem:$0x10080] =	vst v63  }
0x83: {  	s26 =	simm.s32 $0xE880  }
0x84: {  	[tilespmem:s26], [sflag:$0x1] =	stream.indirect_vreg.gather [hbm4b:s7+s2], $0x80, v1, vm0, $0xb8;
	[tilespmem:$0x10080] =	vst v63  }
0x85: {  	s28 =	simm.s32 $0xF080  }
0x86: {  	[tilespmem:s28], [sflag:$0x1] =	stream.indirect_vreg.gather [hbm4b:s4+s2], $0x80, v0, vm0, $0xb8;
	[tilespmem:$0x10080] =	vst v63  }
0x87: {  	s29 =	simm.s32 $0xF880  }
0x88: {  	[tilespmem:s29], [sflag:$0x1] =	stream.indirect_vreg.gather [hbm4b:s7+s2], $0x80, v0, vm0, $0xb8;
	[tilespmem:$0x10080] =	vst v63  }
0x89: {  	_ =	swait.ge [sflag:s5], $0x10000  }
0x8a: {  	s30 =	sadd.s32 $0xAC00, s3;
	s31 =	sshll.u32 s1, $0xD;
	[sflag:s5] =	ssyncset.done $0x0  }
0x8b: {  	s3 =	sadd.s32 s30, s31;
	[sflag:s5] =	ssyncadd.s32 $0xFFFF0000  }
0x8c: {  	[hbm4b:s3+s2] =	stream.linear.scatter [tilespmem:s6], [sflag:$0x1], $0x10000, $0x38;
	[tilespmem:$0x10080] =	vst v63  }
0x8d: {  	_ =	swait.ge [sflag:s5], $0x10000  }
0x8e: {  	[sflag:s5] =	ssyncset.done $0x0  }
0x8f: {  	[sflag:s5] =	ssyncadd.s32 $0xFFFF0000  }
.LBB2_2:
0x90: {  	_ =	sfence.sel $0x180000  }
0x91: {  	[bflag:$0x0] =	sbarrier.arrive $0xFFFF  }
0x92: {  	p0 =	sne.s32 s1, $0x0;
	_ =	strace $0x9000006B  }
0x93: {  	s0 =	sadd.s32 @!p0 $0x100000, s0;
	[bflag:$0x2] =	sbarrier.arrive $0xFFFF  }
0x94: {  	[sflag:s0] =	ssyncadd.tile.s32 @!p0 $0x1;
	_ =	shalt  }
.Lfunc_end2:
_tile_overlayer_lowered:
.L_overlay_start_2:
0x95: {  	(tag) =	ssettag $0x2  }
0x96: {  	s0 =	rddreg [dreg:$0x0];
	s2 =	stileid.u32  }
0x97: {  	s1 =	rddreg [dreg:$0x1];
	p0 =	sne.s32 s2, $0x0  }
0x98: {  	s3 =	rddreg [dreg:$0x2];
	[bflag:$0x3] =	sbarrier.arrive $0xFFFF;
	s2 =	simm.s32 @!p0 $0x1C02  }
0x99: {  	[timem:s3], [sflag:s2] =	dma.local @!p0 [hbm:s0], s1  }
0x9a: {  	s0 =	simm.s32 @!p0 $0x2  }
0x9b: {  	_ =	swait.ge @!p0 [sflag:s0], s1  }
0x9c: {  	s1 =	ssub.s32 @!p0 $0x0, s1;
	[sflag:s0] =	ssyncset.done @!p0 $0x0  }
0x9d: {  	[sflag:s0] =	ssyncadd.s32 @!p0 s1  }
0x9e: {  	[bflag:$0x3] =	sbarrier.arrive $0xFFFF  }
0x9f: {  	_ =	shalt  }

</sc_bundles>
